<compile_context>
chip_gen: v7x
topology: tpu7x:2x2x1
jax: 0.10.2.dev20260603
libtpu: 0.0.44.dev20260713+nightly
codegen_flags: <defaults>
</compile_context>

<pallas_src>
import functools

import jax
import jax.numpy as jnp
from jax import lax
from jax.experimental import pallas as pl
from jax.experimental.pallas import tpu as pltpu
from jax.experimental.pallas import tpu_sc as plsc

NC = 2
NS = 16
K = 112
NB = 3


def _mesh():
    return plsc.VectorSubcoreMesh(core_axis_name="c", subcore_axis_name="s")



def _make_hist(N, NP, ept, F=128):
    nch = ept // K
    rpt = NP // NS
    assert nch % NB == 0 and nch >= 2 * NB

    @functools.partial(
        pl.kernel,
        out_type=jax.ShapeDtypeStruct((NC, NP, F), jnp.float32),
        mesh=_mesh(),
        scratch_types=[
            pltpu.VMEM((NB, K), jnp.int32),
            pltpu.VMEM((K, F), jnp.float32),
            pltpu.VMEM_SHARED((NP, F), jnp.float32),
        ] + [pltpu.SemaphoreType.DMA] * (2 * NB),
    )
    def hist(dst_hbm, ones_hbm, zeros_hbm, out_hbm, dstc, ones_v, acc, *sems):
        si = sems[:NB]
        ss = sems[NB:]
        cid = lax.axis_index("c")
        sid = lax.axis_index("s")
        base = (cid * NS + sid) * ept
        pltpu.sync_copy(zeros_hbm.at[pl.ds(sid * rpt, rpt)],
                        acc.at[pl.ds(sid * rpt, rpt)])
        pltpu.sync_copy(ones_hbm, ones_v)
        plsc.subcore_barrier()

        def idx_cp(j, b):
            return pltpu.make_async_copy(
                dst_hbm.at[pl.ds(base + j * K, K)], dstc.at[b], si[b])

        def sc_cp(b):
            return pltpu.make_async_copy(ones_v, acc.at[dstc.at[b]], ss[b])

        def step(j, b, issue):
            nb = (b + 1) % NB
            idx_cp(j, b).wait()
            pltpu.async_copy(ones_v, acc.at[dstc.at[b]], ss[b], add=True)
            if issue:
                sc_cp(nb).wait()
                idx_cp(j + 1, nb).start()

        for b in range(NB):
            idx_cp(b, b).start()
        for b in range(NB):
            step(b, b, b == NB - 1)

        def body(jj, carry):
            j = NB * jj
            for b in range(NB):
                step(j + b, b, True)
            return carry

        lax.fori_loop(1, nch // NB - 1, body, 0)
        for b in range(NB):
            step(nch - NB + b, b, b < NB - 1)
        for b in range(NB):
            sc_cp(b).wait()
        plsc.subcore_barrier()
        pltpu.sync_copy(acc.at[pl.ds(sid * rpt, rpt)],
                        out_hbm.at[cid].at[pl.ds(sid * rpt, rpt)])

    return hist


def _make_prop(N, NP, src_stride, dst_stride, ept, F=128):
    nch = ept // K
    rpt = NP // NS
    assert nch % NB == 0 and nch >= 2 * NB

    @functools.partial(
        pl.kernel,
        out_type=jax.ShapeDtypeStruct((NC, NP, F), jnp.float32),
        mesh=_mesh(),
        scratch_types=[
            pltpu.VMEM((NB, K), jnp.int32),
            pltpu.VMEM((NB, K), jnp.int32),
            pltpu.VMEM((NB, K, F), jnp.float32),
            pltpu.VMEM_SHARED((NP, F), jnp.float32),
        ] + [pltpu.SemaphoreType.DMA] * (3 * NB),
    )
    def prop(table_hbm, src_hbm, dst_hbm, zeros_hbm, out_hbm,
             srcc, dstc, rows, acc, *sems):
        si = sems[:NB]
        sg = sems[NB:2 * NB]
        ss = sems[2 * NB:]
        cid = lax.axis_index("c")
        sid = lax.axis_index("s")
        base_src = cid * src_stride + sid * ept
        base_dst = cid * dst_stride + sid * ept
        pltpu.sync_copy(zeros_hbm.at[pl.ds(sid * rpt, rpt)],
                        acc.at[pl.ds(sid * rpt, rpt)])
        plsc.subcore_barrier()

        def idx_cp(j, b):
            return (
                pltpu.make_async_copy(
                    src_hbm.at[pl.ds(base_src + j * K, K)], srcc.at[b], si[b]),
                pltpu.make_async_copy(
                    dst_hbm.at[pl.ds(base_dst + j * K, K)], dstc.at[b], si[b]))

        def g_cp(b):
            return pltpu.make_async_copy(table_hbm.at[srcc.at[b]],
                                         rows.at[b], sg[b])

        def sc_cp(b):
            return pltpu.make_async_copy(rows.at[b], acc.at[dstc.at[b]], ss[b])

        def step(j, b, scatter, issue):
            p2 = (b - 2) % NB
            nb = (b + 1) % NB
            for c in idx_cp(j, b):
                c.wait()
            g_cp(b).start()
            if scatter:
                g_cp(p2).wait()
                pltpu.async_copy(rows.at[p2], acc.at[dstc.at[p2]], ss[p2],
                                 add=True)
            if issue:
                sc_cp(nb).wait()
                for c in idx_cp(j + 1, nb):
                    c.start()

        for b in range(NB):
            for c in idx_cp(b, b):
                c.start()
        for b in range(NB):
            step(b, b, b >= 2, b == NB - 1)

        def body(jj, carry):
            j = NB * jj
            for b in range(NB):
                step(j + b, b, True, True)
            return carry

        lax.fori_loop(1, nch // NB - 1, body, 0)
        for b in range(NB):
            step(nch - NB + b, b, True, b < NB - 1)
        for off in (2, 1):
            b = (nch - off) % NB
            g_cp(b).wait()
            pltpu.async_copy(rows.at[b], acc.at[dstc.at[b]], ss[b], add=True)
        for b in range(NB):
            sc_cp(b).wait()
        plsc.subcore_barrier()
        pltpu.sync_copy(acc.at[pl.ds(sid * rpt, rpt)],
                        out_hbm.at[cid].at[pl.ds(sid * rpt, rpt)])

    return prop



def _stage_a(omega_r, w0_r, b0_r, m0_r, w1_r, hist_r, g1_r, dinv_r):
    h0 = jnp.dot(omega_r[...], w0_r[...], preferred_element_type=jnp.float32)
    h0 = jnp.maximum(h0 + b0_r[...], 0.0)
    h0 = jnp.where(m0_r[...], h0 * 2.0, 0.0)
    t1 = jnp.dot(h0, w1_r[...], preferred_element_type=jnp.float32)
    h = hist_r[...]
    deg = h[0, :, 0:1] + h[1, :, 0:1] + 1.0
    dinv = lax.rsqrt(jnp.maximum(deg, 1.0))
    g1 = t1 * dinv
    F = t1.shape[1] // 2
    g1_r[0, :, :] = g1[:, :F]
    g1_r[1, :, :] = g1[:, F:]
    dinv_r[...] = dinv


def _stage_b(agg_r, g1_r, dinv_r, b1_r, m1_r, w2_r, g2_r):
    pre = agg_r[...] + g1_r[...]
    h1 = jnp.concatenate([pre[0], pre[1]], axis=1)
    dinv = dinv_r[...]
    h1 = h1 * dinv + b1_r[...]
    h1 = jnp.where(m1_r[...], jnp.maximum(h1, 0.0) * 2.0, 0.0)
    t2 = jnp.dot(h1, w2_r[...], preferred_element_type=jnp.float32)
    g2 = t2 * dinv
    g2_r[0, :, :] = g2
    g2_r[1, :, :] = g2


def _stage_c(agg_r, g2_r, dinv_r, b2_r, z_r, out_r):
    agg = agg_r[...]
    h2 = agg[0] + agg[1] + g2_r[0]
    out_r[...] = z_r[...] * (h2 * dinv_r[...] + b2_r[...])



def kernel(z, omega, edge_index, W0, b0, W1, b1, W2, b2):
    N, D_out = z.shape
    D_hid = W0.shape[1]
    E = edge_index.shape[1]
    R = 400
    grid = N // R
    NP = -(-N // (8 * NS)) * 8 * NS

    src = edge_index[0]
    dst = edge_index[1]

    dk = jax.random.key(42)
    m0 = jax.random.bernoulli(jax.random.fold_in(dk, 0), 0.5, (N, D_hid))
    m1 = jax.random.bernoulli(jax.random.fold_in(dk, 1), 0.5, (N, D_hid))

    zeros128 = jnp.zeros((NP, D_out), jnp.float32)
    ones128 = jnp.ones((K, D_out), jnp.float32)

    ept1 = -(-(E // NS) // (NB * K)) * NB * K
    s1 = jnp.pad(src.reshape(NS, E // NS), ((0, 0), (0, ept1 - E // NS)))
    src1 = jnp.stack([s1, s1 + N]).reshape(-1)
    dst1 = jnp.pad(dst.reshape(NS, E // NS), ((0, 0), (0, ept1 - E // NS)),
                   constant_values=N).reshape(-1)
    epw = E // (NC * NS)
    ept2 = -(-epw // (NB * K)) * NB * K
    src2 = jnp.pad(src.reshape(NC * NS, epw),
                   ((0, 0), (0, ept2 - epw))).reshape(-1)
    dst2 = jnp.pad(dst.reshape(NC * NS, epw), ((0, 0), (0, ept2 - epw)),
                   constant_values=N).reshape(-1)

    src2 = (src2.reshape(NC, NS * ept2)
            + jnp.array([[0], [N]], jnp.int32)).reshape(-1)

    hist = _make_hist(N, NP, ept2)(dst2, ones128, zeros128)

    g1, dinv = pl.pallas_call(
        _stage_a,
        grid=(grid,),
        in_specs=[
            pl.BlockSpec((R, omega.shape[1]), lambda i: (i, 0)),
            pl.BlockSpec(W0.shape, lambda i: (0, 0)),
            pl.BlockSpec((1, D_hid), lambda i: (0, 0)),
            pl.BlockSpec((R, D_hid), lambda i: (i, 0)),
            pl.BlockSpec(W1.shape, lambda i: (0, 0)),
            pl.BlockSpec((NC, R, D_out), lambda i: (0, i, 0)),
        ],
        out_specs=[
            pl.BlockSpec((NC, R, D_hid // 2), lambda i: (0, i, 0)),
            pl.BlockSpec((R, 1), lambda i: (i, 0)),
        ],
        out_shape=[
            jax.ShapeDtypeStruct((NC, N, D_hid // 2), jnp.float32),
            jax.ShapeDtypeStruct((N, 1), jnp.float32),
        ],
    )(omega, W0, b0.reshape(1, -1), m0, W1, hist)

    agg1 = _make_prop(N, NP, src_stride=NS * ept1, dst_stride=0, ept=ept1)(
        g1.reshape(NC * N, D_hid // 2), src1, dst1, zeros128)

    g2 = pl.pallas_call(
        _stage_b,
        grid=(grid,),
        in_specs=[
            pl.BlockSpec((NC, R, D_hid // 2), lambda i: (0, i, 0)),
            pl.BlockSpec((NC, R, D_hid // 2), lambda i: (0, i, 0)),
            pl.BlockSpec((R, 1), lambda i: (i, 0)),
            pl.BlockSpec((1, D_hid), lambda i: (0, 0)),
            pl.BlockSpec((R, D_hid), lambda i: (i, 0)),
            pl.BlockSpec(W2.shape, lambda i: (0, 0)),
        ],
        out_specs=pl.BlockSpec((NC, R, D_out), lambda i: (0, i, 0)),
        out_shape=jax.ShapeDtypeStruct((NC, N, D_out), jnp.float32),
    )(agg1, g1, dinv, b1.reshape(1, -1), m1, W2)

    agg2 = _make_prop(N, NP, src_stride=NS * ept2, dst_stride=NS * ept2,
                      ept=ept2)(g2.reshape(NC * N, D_out), src2, dst2, zeros128)

    out = pl.pallas_call(
        _stage_c,
        grid=(grid,),
        in_specs=[
            pl.BlockSpec((NC, R, D_out), lambda i: (0, i, 0)),
            pl.BlockSpec((NC, R, D_out), lambda i: (0, i, 0)),
            pl.BlockSpec((R, 1), lambda i: (i, 0)),
            pl.BlockSpec((1, D_out), lambda i: (0, 0)),
            pl.BlockSpec((R, D_out), lambda i: (i, 0)),
        ],
        out_specs=pl.BlockSpec((R, D_out), lambda i: (i, 0)),
        out_shape=jax.ShapeDtypeStruct((N, D_out), jnp.float32),
    )(agg2, g2, dinv, b2.reshape(1, -1), z)

    return out

# --- scband reference (transcript-rebuilt; emitter-appended) ---
"""Pipeline reference for scband-compensation-20220706029991 (READ-ONLY COPY).

The authoritative reference and input builder live on the scoring server;
editing this copy changes nothing except your own understanding.
"""

import jax, jax.numpy as jnp
import numpy as np

N = 10000
E = 320000
D_IN = 128
D_HID = 256
D_OUT = 128


def setup_inputs(seed: int = 0):
    key = jax.random.key(seed)
    ks = jax.random.split(key, 9)
    z = jax.random.normal(ks[0], (N, D_OUT), dtype=jnp.float32)
    omega = jax.random.normal(ks[1], (N, D_IN), dtype=jnp.float32)
    edge_index = jax.random.randint(ks[2], (2, E), 0, N, dtype=jnp.int32)
    W0 = jax.random.normal(ks[3], (D_IN, D_HID), dtype=jnp.float32) * (1.0 / np.sqrt(D_IN))
    b0 = jnp.zeros((D_HID,), dtype=jnp.float32)
    W1 = jax.random.normal(ks[4], (D_HID, D_HID), dtype=jnp.float32) * (1.0 / np.sqrt(D_HID))
    b1 = jnp.zeros((D_HID,), dtype=jnp.float32)
    W2 = jax.random.normal(ks[5], (D_HID, D_OUT), dtype=jnp.float32) * (1.0 / np.sqrt(D_HID))
    b2 = jnp.zeros((D_OUT,), dtype=jnp.float32)
    return {"z": z, "omega": omega, "edge_index": edge_index, "W0": W0, "b0": b0, "W1": W1, "b1": b1, "W2": W2, "b2": b2}


def _gcn_conv(x, W, b, src, dst):
    # PyG GCNConv: add self loops, symmetric normalization D^-1/2 A D^-1/2, then W and bias
    loop = jnp.arange(N, dtype=src.dtype)
    s = jnp.concatenate([src, loop])
    d = jnp.concatenate([dst, loop])
    deg = jax.ops.segment_sum(jnp.ones(s.shape[0], dtype=x.dtype), d, num_segments=N)
    dinv = jax.lax.rsqrt(jnp.maximum(deg, 1.0))
    norm = dinv[s] * dinv[d]
    h = x @ W
    out = jax.ops.segment_sum(h[s] * norm[:, None], d, num_segments=N)
    return out + b


def _dropout(x, k):
    keep = jax.random.bernoulli(k, 0.5, x.shape)
    return jnp.where(keep, x / 0.5, jnp.zeros_like(x))


def reference(z, omega, edge_index, W0, b0, W1, b1, W2, b2):
    src = edge_index[0]
    dst = edge_index[1]
    dk = jax.random.key(42)
    # convs[0]: Linear(in->hidden) + relu + dropout
    h = jnp.maximum(omega @ W0 + b0, 0.0)
    h = _dropout(h, jax.random.fold_in(dk, 0))
    # convs[1]: GCNConv(hidden->hidden) + relu + dropout
    h = jnp.maximum(_gcn_conv(h, W1, b1, src, dst), 0.0)
    h = _dropout(h, jax.random.fold_in(dk, 1))
    # convs[-1]: GCNConv(hidden->out)
    h = _gcn_conv(h, W2, b2, src, dst)
    return z * h

if __name__ == "__main__":
    import jax
    _d = setup_inputs()
    print(jax.jit(kernel)(*tuple(_d.values())))

</pallas_src>

<mosaic_0001>
#map = affine_map<(d0, d1) -> (0, 0)>
#map1 = affine_map<(d0, d1) -> (0)>
#map2 = affine_map<(d0, d1) -> (0, 0, 0)>
module attributes {stable_mosaic.version = 14 : i64} {
  func.func @prop(%arg0: i32, %arg1: i32, %arg2: memref<20000x128xf32, #tpu.memory_space<hbm>>, %arg3: memref<322560xi32, #tpu.memory_space<hbm>>, %arg4: memref<322560xi32, #tpu.memory_space<hbm>>, %arg5: memref<10112x128xf32, #tpu.memory_space<hbm>>, %arg6: memref<2x10112x128xf32, #tpu.memory_space<hbm>>, %arg7: memref<3x112xi32, #tpu.memory_space<vmem>>, %arg8: memref<3x112xi32, #tpu.memory_space<vmem>>, %arg9: memref<3x112x128xf32, #tpu.memory_space<vmem>>, %arg10: memref<10112x128xf32, #tpu.memory_space<vmem_shared>>, %arg11: memref<!tpu.dma_semaphore, #tpu.memory_space<semaphore_mem>>, %arg12: memref<!tpu.dma_semaphore, #tpu.memory_space<semaphore_mem>>, %arg13: memref<!tpu.dma_semaphore, #tpu.memory_space<semaphore_mem>>, %arg14: memref<!tpu.dma_semaphore, #tpu.memory_space<semaphore_mem>>, %arg15: memref<!tpu.dma_semaphore, #tpu.memory_space<semaphore_mem>>, %arg16: memref<!tpu.dma_semaphore, #tpu.memory_space<semaphore_mem>>, %arg17: memref<!tpu.dma_semaphore, #tpu.memory_space<semaphore_mem>>, %arg18: memref<!tpu.dma_semaphore, #tpu.memory_space<semaphore_mem>>, %arg19: memref<!tpu.dma_semaphore, #tpu.memory_space<semaphore_mem>>) attributes {dimension_semantics = [#tpu.dimension_semantics<core_parallel>, #tpu.dimension_semantics<subcore_parallel>], iteration_bounds = array<i64: 2, 16>, scalar_prefetch = 0 : i64, scratch_operands = 13 : i64, tpu.core_type = #tpu.core_type<sc_vector_subcore>, window_params = [{transform_indices = #map}, {transform_indices = #map1}, {transform_indices = #map1}, {transform_indices = #map}, {transform_indices = #map2}]} {
    %mul3A = arith.constant 161280 : i32
    %mul3A_0 = arith.muli %arg0, %mul3A : i32
    %mul3A_1 = arith.constant 10080 : i32
    %mul3A_2 = arith.muli %arg1, %mul3A_1 : i32
    %add3A = arith.addi %mul3A_0, %mul3A_2 : i32
    %mul3A_3 = arith.constant 161280 : i32
    %mul3A_4 = arith.muli %arg0, %mul3A_3 : i32
    %mul3A_5 = arith.constant 10080 : i32
    %mul3A_6 = arith.muli %arg1, %mul3A_5 : i32
    %add3A_7 = arith.addi %mul3A_4, %mul3A_6 : i32
    %mul3A_8 = arith.constant 632 : i32
    %mul3A_9 = arith.muli %arg1, %mul3A_8 : i32
    %mul3A_10 = arith.constant 632 : i32
    %mul3A_11 = arith.muli %arg1, %mul3A_10 : i32
    "tpu.region"() ({
      %run_scoped3A = tpu.sem_alloc : memref<!tpu.dma_semaphore, #tpu.memory_space<semaphore_mem>>
      %dma_start3A_572 = arith.constant 0 : i32
      %dma_start3A_573 = tpu.memref_slice %arg10[%mul3A_11, %dma_start3A_572] : memref<10112x128xf32, #tpu.memory_space<vmem_shared>> -> memref<632x128xf32, #tpu.memory_space<vmem_shared>>
      %dma_start3A_574 = arith.constant 0 : i32
      %dma_start3A_575 = tpu.memref_slice %arg5[%mul3A_9, %dma_start3A_574] : memref<10112x128xf32, #tpu.memory_space<hbm>> -> memref<632x128xf32, #tpu.memory_space<hbm>>
      tpu.enqueue_dma source(%dma_start3A_575 : memref<632x128xf32, #tpu.memory_space<hbm>>) target(%dma_start3A_573 : memref<632x128xf32, #tpu.memory_space<vmem_shared>>) target_semaphore(%run_scoped3A : memref<!tpu.dma_semaphore, #tpu.memory_space<semaphore_mem>>)
      %dma_wait3A_576 = arith.constant 0 : i32
      %dma_wait3A_577 = tpu.memref_slice %arg10[%mul3A_11, %dma_wait3A_576] : memref<10112x128xf32, #tpu.memory_space<vmem_shared>> -> memref<632x128xf32, #tpu.memory_space<vmem_shared>>
      %dma_wait3A_578 = arith.constant 0 : i32
      %dma_wait3A_579 = tpu.memref_slice %arg5[%mul3A_9, %dma_wait3A_578] : memref<10112x128xf32, #tpu.memory_space<hbm>> -> memref<632x128xf32, #tpu.memory_space<hbm>>
      tpu.wait_dma2 semaphore(%run_scoped3A : memref<!tpu.dma_semaphore, #tpu.memory_space<semaphore_mem>>) src(%dma_wait3A_579 : memref<632x128xf32, #tpu.memory_space<hbm>>) dst(%dma_wait3A_577 : memref<632x128xf32, #tpu.memory_space<vmem_shared>>)
      tpu.yield
    }) : () -> ()
    %barrier3A = arith.constant 0 : index
    tpu.barrier barrier_id(%barrier3A)
    %add3A_12 = arith.constant 0 : i32
    %add3A_13 = arith.addi %add3A, %add3A_12 : i32
    %add3A_14 = arith.constant 0 : i32
    %add3A_15 = arith.addi %add3A_7, %add3A_14 : i32
    %dma_start3A = arith.constant 0 : i32
    %dma_start3A_16 = arith.constant 0 : i32
    %dma_start3A_17 = tpu.memref_slice %arg7[%dma_start3A, %dma_start3A_16] : memref<3x112xi32, #tpu.memory_space<vmem>> -> memref<1x112xi32, #tpu.memory_space<vmem>>
    %dma_start3A_18 = tpu.memref_squeeze %dma_start3A_17 : memref<1x112xi32, #tpu.memory_space<vmem>> -> memref<112xi32, #tpu.memory_space<vmem>>
    %dma_start3A_19 = tpu.memref_slice %arg3[%add3A_13] : memref<322560xi32, #tpu.memory_space<hbm>> -> memref<112xi32, #tpu.memory_space<hbm>>
    %dma_start3A_20 = arith.constant 0 : i32
    %dma_start3A_21 = tpu.memref_slice %arg7[%dma_start3A, %dma_start3A_20] : memref<3x112xi32, #tpu.memory_space<vmem>> -> memref<1x112xi32, #tpu.memory_space<vmem>>
    %dma_start3A_22 = tpu.memref_squeeze %dma_start3A_21 : memref<1x112xi32, #tpu.memory_space<vmem>> -> memref<112xi32, #tpu.memory_space<vmem>>
    %dma_start3A_23 = tpu.memref_slice %arg3[%add3A_13] : memref<322560xi32, #tpu.memory_space<hbm>> -> memref<112xi32, #tpu.memory_space<hbm>>
    tpu.enqueue_dma source(%dma_start3A_23 : memref<112xi32, #tpu.memory_space<hbm>>) target(%dma_start3A_22 : memref<112xi32, #tpu.memory_space<vmem>>) target_semaphore(%arg11 : memref<!tpu.dma_semaphore, #tpu.memory_space<semaphore_mem>>)
    %dma_start3A_24 = arith.constant 0 : i32
    %dma_start3A_25 = arith.constant 0 : i32
    %dma_start3A_26 = tpu.memref_slice %arg8[%dma_start3A_24, %dma_start3A_25] : memref<3x112xi32, #tpu.memory_space<vmem>> -> memref<1x112xi32, #tpu.memory_space<vmem>>
    %dma_start3A_27 = tpu.memref_squeeze %dma_start3A_26 : memref<1x112xi32, #tpu.memory_space<vmem>> -> memref<112xi32, #tpu.memory_space<vmem>>
    %dma_start3A_28 = tpu.memref_slice %arg4[%add3A_15] : memref<322560xi32, #tpu.memory_space<hbm>> -> memref<112xi32, #tpu.memory_space<hbm>>
    %dma_start3A_29 = arith.constant 0 : i32
    %dma_start3A_30 = tpu.memref_slice %arg8[%dma_start3A_24, %dma_start3A_29] : memref<3x112xi32, #tpu.memory_space<vmem>> -> memref<1x112xi32, #tpu.memory_space<vmem>>
    %dma_start3A_31 = tpu.memref_squeeze %dma_start3A_30 : memref<1x112xi32, #tpu.memory_space<vmem>> -> memref<112xi32, #tpu.memory_space<vmem>>
    %dma_start3A_32 = tpu.memref_slice %arg4[%add3A_15] : memref<322560xi32, #tpu.memory_space<hbm>> -> memref<112xi32, #tpu.memory_space<hbm>>
    tpu.enqueue_dma source(%dma_start3A_32 : memref<112xi32, #tpu.memory_space<hbm>>) target(%dma_start3A_31 : memref<112xi32, #tpu.memory_space<vmem>>) target_semaphore(%arg11 : memref<!tpu.dma_semaphore, #tpu.memory_space<semaphore_mem>>)
    %add3A_33 = arith.constant 112 : i32
    %add3A_34 = arith.addi %add3A, %add3A_33 : i32
    %add3A_35 = arith.constant 112 : i32
    %add3A_36 = arith.addi %add3A_7, %add3A_35 : i32
    %dma_start3A_37 = arith.constant 1 : i32
    %dma_start3A_38 = arith.constant 0 : i32
    %dma_start3A_39 = tpu.memref_slice %arg7[%dma_start3A_37, %dma_start3A_38] : memref<3x112xi32, #tpu.memory_space<vmem>> -> memref<1x112xi32, #tpu.memory_space<vmem>>
    %dma_start3A_40 = tpu.memref_squeeze %dma_start3A_39 : memref<1x112xi32, #tpu.memory_space<vmem>> -> memref<112xi32, #tpu.memory_space<vmem>>
    %dma_start3A_41 = tpu.memref_slice %arg3[%add3A_34] : memref<322560xi32, #tpu.memory_space<hbm>> -> memref<112xi32, #tpu.memory_space<hbm>>
    %dma_start3A_42 = arith.constant 0 : i32
    %dma_start3A_43 = tpu.memref_slice %arg7[%dma_start3A_37, %dma_start3A_42] : memref<3x112xi32, #tpu.memory_space<vmem>> -> memref<1x112xi32, #tpu.memory_space<vmem>>
    %dma_start3A_44 = tpu.memref_squeeze %dma_start3A_43 : memref<1x112xi32, #tpu.memory_space<vmem>> -> memref<112xi32, #tpu.memory_space<vmem>>
    %dma_start3A_45 = tpu.memref_slice %arg3[%add3A_34] : memref<322560xi32, #tpu.memory_space<hbm>> -> memref<112xi32, #tpu.memory_space<hbm>>
    tpu.enqueue_dma source(%dma_start3A_45 : memref<112xi32, #tpu.memory_space<hbm>>) target(%dma_start3A_44 : memref<112xi32, #tpu.memory_space<vmem>>) target_semaphore(%arg12 : memref<!tpu.dma_semaphore, #tpu.memory_space<semaphore_mem>>)
    %dma_start3A_46 = arith.constant 1 : i32
    %dma_start3A_47 = arith.constant 0 : i32
    %dma_start3A_48 = tpu.memref_slice %arg8[%dma_start3A_46, %dma_start3A_47] : memref<3x112xi32, #tpu.memory_space<vmem>> -> memref<1x112xi32, #tpu.memory_space<vmem>>
    %dma_start3A_49 = tpu.memref_squeeze %dma_start3A_48 : memref<1x112xi32, #tpu.memory_space<vmem>> -> memref<112xi32, #tpu.memory_space<vmem>>
    %dma_start3A_50 = tpu.memref_slice %arg4[%add3A_36] : memref<322560xi32, #tpu.memory_space<hbm>> -> memref<112xi32, #tpu.memory_space<hbm>>
    %dma_start3A_51 = arith.constant 0 : i32
    %dma_start3A_52 = tpu.memref_slice %arg8[%dma_start3A_46, %dma_start3A_51] : memref<3x112xi32, #tpu.memory_space<vmem>> -> memref<1x112xi32, #tpu.memory_space<vmem>>
    %dma_start3A_53 = tpu.memref_squeeze %dma_start3A_52 : memref<1x112xi32, #tpu.memory_space<vmem>> -> memref<112xi32, #tpu.memory_space<vmem>>
    %dma_start3A_54 = tpu.memref_slice %arg4[%add3A_36] : memref<322560xi32, #tpu.memory_space<hbm>> -> memref<112xi32, #tpu.memory_space<hbm>>
    tpu.enqueue_dma source(%dma_start3A_54 : memref<112xi32, #tpu.memory_space<hbm>>) target(%dma_start3A_53 : memref<112xi32, #tpu.memory_space<vmem>>) target_semaphore(%arg12 : memref<!tpu.dma_semaphore, #tpu.memory_space<semaphore_mem>>)
    %add3A_55 = arith.constant 224 : i32
    %add3A_56 = arith.addi %add3A, %add3A_55 : i32
    %add3A_57 = arith.constant 224 : i32
    %add3A_58 = arith.addi %add3A_7, %add3A_57 : i32
    %dma_start3A_59 = arith.constant 2 : i32
    %dma_start3A_60 = arith.constant 0 : i32
    %dma_start3A_61 = tpu.memref_slice %arg7[%dma_start3A_59, %dma_start3A_60] : memref<3x112xi32, #tpu.memory_space<vmem>> -> memref<1x112xi32, #tpu.memory_space<vmem>>
    %dma_start3A_62 = tpu.memref_squeeze %dma_start3A_61 : memref<1x112xi32, #tpu.memory_space<vmem>> -> memref<112xi32, #tpu.memory_space<vmem>>
    %dma_start3A_63 = tpu.memref_slice %arg3[%add3A_56] : memref<322560xi32, #tpu.memory_space<hbm>> -> memref<112xi32, #tpu.memory_space<hbm>>
    %dma_start3A_64 = arith.constant 0 : i32
    %dma_start3A_65 = tpu.memref_slice %arg7[%dma_start3A_59, %dma_start3A_64] : memref<3x112xi32, #tpu.memory_space<vmem>> -> memref<1x112xi32, #tpu.memory_space<vmem>>
    %dma_start3A_66 = tpu.memref_squeeze %dma_start3A_65 : memref<1x112xi32, #tpu.memory_space<vmem>> -> memref<112xi32, #tpu.memory_space<vmem>>
    %dma_start3A_67 = tpu.memref_slice %arg3[%add3A_56] : memref<322560xi32, #tpu.memory_space<hbm>> -> memref<112xi32, #tpu.memory_space<hbm>>
    tpu.enqueue_dma source(%dma_start3A_67 : memref<112xi32, #tpu.memory_space<hbm>>) target(%dma_start3A_66 : memref<112xi32, #tpu.memory_space<vmem>>) target_semaphore(%arg13 : memref<!tpu.dma_semaphore, #tpu.memory_space<semaphore_mem>>)
    %dma_start3A_68 = arith.constant 2 : i32
    %dma_start3A_69 = arith.constant 0 : i32
    %dma_start3A_70 = tpu.memref_slice %arg8[%dma_start3A_68, %dma_start3A_69] : memref<3x112xi32, #tpu.memory_space<vmem>> -> memref<1x112xi32, #tpu.memory_space<vmem>>
    %dma_start3A_71 = tpu.memref_squeeze %dma_start3A_70 : memref<1x112xi32, #tpu.memory_space<vmem>> -> memref<112xi32, #tpu.memory_space<vmem>>
    %dma_start3A_72 = tpu.memref_slice %arg4[%add3A_58] : memref<322560xi32, #tpu.memory_space<hbm>> -> memref<112xi32, #tpu.memory_space<hbm>>
    %dma_start3A_73 = arith.constant 0 : i32
    %dma_start3A_74 = tpu.memref_slice %arg8[%dma_start3A_68, %dma_start3A_73] : memref<3x112xi32, #tpu.memory_space<vmem>> -> memref<1x112xi32, #tpu.memory_space<vmem>>
    %dma_start3A_75 = tpu.memref_squeeze %dma_start3A_74 : memref<1x112xi32, #tpu.memory_space<vmem>> -> memref<112xi32, #tpu.memory_space<vmem>>
    %dma_start3A_76 = tpu.memref_slice %arg4[%add3A_58] : memref<322560xi32, #tpu.memory_space<hbm>> -> memref<112xi32, #tpu.memory_space<hbm>>
    tpu.enqueue_dma source(%dma_start3A_76 : memref<112xi32, #tpu.memory_space<hbm>>) target(%dma_start3A_75 : memref<112xi32, #tpu.memory_space<vmem>>) target_semaphore(%arg13 : memref<!tpu.dma_semaphore, #tpu.memory_space<semaphore_mem>>)
    %add3A_77 = arith.constant 0 : i32
    %add3A_78 = arith.addi %add3A, %add3A_77 : i32
    %add3A_79 = arith.constant 0 : i32
    %add3A_80 = arith.addi %add3A_7, %add3A_79 : i32
    %dma_wait3A = arith.constant 0 : i32
    %dma_wait3A_81 = arith.constant 0 : i32
    %dma_wait3A_82 = tpu.memref_slice %arg7[%dma_wait3A, %dma_wait3A_81] : memref<3x112xi32, #tpu.memory_space<vmem>> -> memref<1x112xi32, #tpu.memory_space<vmem>>
    %dma_wait3A_83 = tpu.memref_squeeze %dma_wait3A_82 : memref<1x112xi32, #tpu.memory_space<vmem>> -> memref<112xi32, #tpu.memory_space<vmem>>
    %dma_wait3A_84 = tpu.memref_slice %arg3[%add3A_78] : memref<322560xi32, #tpu.memory_space<hbm>> -> memref<112xi32, #tpu.memory_space<hbm>>
    %dma_wait3A_85 = arith.constant 0 : i32
    %dma_wait3A_86 = tpu.memref_slice %arg7[%dma_wait3A, %dma_wait3A_85] : memref<3x112xi32, #tpu.memory_space<vmem>> -> memref<1x112xi32, #tpu.memory_space<vmem>>
    %dma_wait3A_87 = tpu.memref_squeeze %dma_wait3A_86 : memref<1x112xi32, #tpu.memory_space<vmem>> -> memref<112xi32, #tpu.memory_space<vmem>>
    %dma_wait3A_88 = tpu.memref_slice %arg3[%add3A_78] : memref<322560xi32, #tpu.memory_space<hbm>> -> memref<112xi32, #tpu.memory_space<hbm>>
    tpu.wait_dma2 semaphore(%arg11 : memref<!tpu.dma_semaphore, #tpu.memory_space<semaphore_mem>>) src(%dma_wait3A_88 : memref<112xi32, #tpu.memory_space<hbm>>) dst(%dma_wait3A_87 : memref<112xi32, #tpu.memory_space<vmem>>)
    %dma_wait3A_89 = arith.constant 0 : i32
    %dma_wait3A_90 = arith.constant 0 : i32
    %dma_wait3A_91 = tpu.memref_slice %arg8[%dma_wait3A_89, %dma_wait3A_90] : memref<3x112xi32, #tpu.memory_space<vmem>> -> memref<1x112xi32, #tpu.memory_space<vmem>>
    %dma_wait3A_92 = tpu.memref_squeeze %dma_wait3A_91 : memref<1x112xi32, #tpu.memory_space<vmem>> -> memref<112xi32, #tpu.memory_space<vmem>>
    %dma_wait3A_93 = tpu.memref_slice %arg4[%add3A_80] : memref<322560xi32, #tpu.memory_space<hbm>> -> memref<112xi32, #tpu.memory_space<hbm>>
    %dma_wait3A_94 = arith.constant 0 : i32
    %dma_wait3A_95 = tpu.memref_slice %arg8[%dma_wait3A_89, %dma_wait3A_94] : memref<3x112xi32, #tpu.memory_space<vmem>> -> memref<1x112xi32, #tpu.memory_space<vmem>>
    %dma_wait3A_96 = tpu.memref_squeeze %dma_wait3A_95 : memref<1x112xi32, #tpu.memory_space<vmem>> -> memref<112xi32, #tpu.memory_space<vmem>>
    %dma_wait3A_97 = tpu.memref_slice %arg4[%add3A_80] : memref<322560xi32, #tpu.memory_space<hbm>> -> memref<112xi32, #tpu.memory_space<hbm>>
    tpu.wait_dma2 semaphore(%arg11 : memref<!tpu.dma_semaphore, #tpu.memory_space<semaphore_mem>>) src(%dma_wait3A_97 : memref<112xi32, #tpu.memory_space<hbm>>) dst(%dma_wait3A_96 : memref<112xi32, #tpu.memory_space<vmem>>)
    %dma_start3A_98 = arith.constant 0 : i32
    %dma_start3A_99 = arith.constant 0 : i32
    %dma_start3A_100 = arith.constant 0 : i32
    %dma_start3A_101 = arith.constant 0 : i32
    %dma_start3A_102 = tpu.memref_slice %arg9[%dma_start3A_99, %dma_start3A_100, %dma_start3A_101] : memref<3x112x128xf32, #tpu.memory_space<vmem>> -> memref<1x112x128xf32, #tpu.memory_space<vmem>>
    %dma_start3A_103 = tpu.memref_squeeze %dma_start3A_102 : memref<1x112x128xf32, #tpu.memory_space<vmem>> -> memref<112x128xf32, #tpu.memory_space<vmem>>
    %dma_start3A_104 = arith.constant 0 : i32
    %dma_start3A_105 = tpu.memref_slice %arg7[%dma_start3A_98, %dma_start3A_104] : memref<3x112xi32, #tpu.memory_space<vmem>> -> memref<1x112xi32, #tpu.memory_space<vmem>>
    %dma_start3A_106 = tpu.memref_squeeze %dma_start3A_105 : memref<1x112xi32, #tpu.memory_space<vmem>> -> memref<112xi32, #tpu.memory_space<vmem>>
    %dma_start3A_107 = arith.constant 0 : i32
    %dma_start3A_108 = arith.constant 0 : i32
    %dma_start3A_109 = tpu.memref_slice %arg2[%dma_start3A_107, %dma_start3A_108] : memref<20000x128xf32, #tpu.memory_space<hbm>> -> memref<20000x128xf32, #tpu.memory_space<hbm>>
    tpu.enqueue_indirect_dma source(%dma_start3A_109 : memref<20000x128xf32, #tpu.memory_space<hbm>>) target(%dma_start3A_103 : memref<112x128xf32, #tpu.memory_space<vmem>>) offsets(%dma_start3A_106 : memref<112xi32, #tpu.memory_space<vmem>>) semaphore(%arg14 : memref<!tpu.dma_semaphore, #tpu.memory_space<semaphore_mem>>)
    %add3A_110 = arith.constant 112 : i32
    %add3A_111 = arith.addi %add3A, %add3A_110 : i32
    %add3A_112 = arith.constant 112 : i32
    %add3A_113 = arith.addi %add3A_7, %add3A_112 : i32
    %dma_wait3A_114 = arith.constant 1 : i32
    %dma_wait3A_115 = arith.constant 0 : i32
    %dma_wait3A_116 = tpu.memref_slice %arg7[%dma_wait3A_114, %dma_wait3A_115] : memref<3x112xi32, #tpu.memory_space<vmem>> -> memref<1x112xi32, #tpu.memory_space<vmem>>
    %dma_wait3A_117 = tpu.memref_squeeze %dma_wait3A_116 : memref<1x112xi32, #tpu.memory_space<vmem>> -> memref<112xi32, #tpu.memory_space<vmem>>
    %dma_wait3A_118 = tpu.memref_slice %arg3[%add3A_111] : memref<322560xi32, #tpu.memory_space<hbm>> -> memref<112xi32, #tpu.memory_space<hbm>>
    %dma_wait3A_119 = arith.constant 0 : i32
    %dma_wait3A_120 = tpu.memref_slice %arg7[%dma_wait3A_114, %dma_wait3A_119] : memref<3x112xi32, #tpu.memory_space<vmem>> -> memref<1x112xi32, #tpu.memory_space<vmem>>
    %dma_wait3A_121 = tpu.memref_squeeze %dma_wait3A_120 : memref<1x112xi32, #tpu.memory_space<vmem>> -> memref<112xi32, #tpu.memory_space<vmem>>
    %dma_wait3A_122 = tpu.memref_slice %arg3[%add3A_111] : memref<322560xi32, #tpu.memory_space<hbm>> -> memref<112xi32, #tpu.memory_space<hbm>>
    tpu.wait_dma2 semaphore(%arg12 : memref<!tpu.dma_semaphore, #tpu.memory_space<semaphore_mem>>) src(%dma_wait3A_122 : memref<112xi32, #tpu.memory_space<hbm>>) dst(%dma_wait3A_121 : memref<112xi32, #tpu.memory_space<vmem>>)
    %dma_wait3A_123 = arith.constant 1 : i32
    %dma_wait3A_124 = arith.constant 0 : i32
    %dma_wait3A_125 = tpu.memref_slice %arg8[%dma_wait3A_123, %dma_wait3A_124] : memref<3x112xi32, #tpu.memory_space<vmem>> -> memref<1x112xi32, #tpu.memory_space<vmem>>
    %dma_wait3A_126 = tpu.memref_squeeze %dma_wait3A_125 : memref<1x112xi32, #tpu.memory_space<vmem>> -> memref<112xi32, #tpu.memory_space<vmem>>
    %dma_wait3A_127 = tpu.memref_slice %arg4[%add3A_113] : memref<322560xi32, #tpu.memory_space<hbm>> -> memref<112xi32, #tpu.memory_space<hbm>>
    %dma_wait3A_128 = arith.constant 0 : i32
    %dma_wait3A_129 = tpu.memref_slice %arg8[%dma_wait3A_123, %dma_wait3A_128] : memref<3x112xi32, #tpu.memory_space<vmem>> -> memref<1x112xi32, #tpu.memory_space<vmem>>
    %dma_wait3A_130 = tpu.memref_squeeze %dma_wait3A_129 : memref<1x112xi32, #tpu.memory_space<vmem>> -> memref<112xi32, #tpu.memory_space<vmem>>
    %dma_wait3A_131 = tpu.memref_slice %arg4[%add3A_113] : memref<322560xi32, #tpu.memory_space<hbm>> -> memref<112xi32, #tpu.memory_space<hbm>>
    tpu.wait_dma2 semaphore(%arg12 : memref<!tpu.dma_semaphore, #tpu.memory_space<semaphore_mem>>) src(%dma_wait3A_131 : memref<112xi32, #tpu.memory_space<hbm>>) dst(%dma_wait3A_130 : memref<112xi32, #tpu.memory_space<vmem>>)
    %dma_start3A_132 = arith.constant 1 : i32
    %dma_start3A_133 = arith.constant 1 : i32
    %dma_start3A_134 = arith.constant 0 : i32
    %dma_start3A_135 = arith.constant 0 : i32
    %dma_start3A_136 = tpu.memref_slice %arg9[%dma_start3A_133, %dma_start3A_134, %dma_start3A_135] : memref<3x112x128xf32, #tpu.memory_space<vmem>> -> memref<1x112x128xf32, #tpu.memory_space<vmem>>
    %dma_start3A_137 = tpu.memref_squeeze %dma_start3A_136 : memref<1x112x128xf32, #tpu.memory_space<vmem>> -> memref<112x128xf32, #tpu.memory_space<vmem>>
    %dma_start3A_138 = arith.constant 0 : i32
    %dma_start3A_139 = tpu.memref_slice %arg7[%dma_start3A_132, %dma_start3A_138] : memref<3x112xi32, #tpu.memory_space<vmem>> -> memref<1x112xi32, #tpu.memory_space<vmem>>
    %dma_start3A_140 = tpu.memref_squeeze %dma_start3A_139 : memref<1x112xi32, #tpu.memory_space<vmem>> -> memref<112xi32, #tpu.memory_space<vmem>>
    %dma_start3A_141 = arith.constant 0 : i32
    %dma_start3A_142 = arith.constant 0 : i32
    %dma_start3A_143 = tpu.memref_slice %arg2[%dma_start3A_141, %dma_start3A_142] : memref<20000x128xf32, #tpu.memory_space<hbm>> -> memref<20000x128xf32, #tpu.memory_space<hbm>>
    tpu.enqueue_indirect_dma source(%dma_start3A_143 : memref<20000x128xf32, #tpu.memory_space<hbm>>) target(%dma_start3A_137 : memref<112x128xf32, #tpu.memory_space<vmem>>) offsets(%dma_start3A_140 : memref<112xi32, #tpu.memory_space<vmem>>) semaphore(%arg15 : memref<!tpu.dma_semaphore, #tpu.memory_space<semaphore_mem>>)
    %add3A_144 = arith.constant 224 : i32
    %add3A_145 = arith.addi %add3A, %add3A_144 : i32
    %add3A_146 = arith.constant 224 : i32
    %add3A_147 = arith.addi %add3A_7, %add3A_146 : i32
    %dma_wait3A_148 = arith.constant 2 : i32
    %dma_wait3A_149 = arith.constant 0 : i32
    %dma_wait3A_150 = tpu.memref_slice %arg7[%dma_wait3A_148, %dma_wait3A_149] : memref<3x112xi32, #tpu.memory_space<vmem>> -> memref<1x112xi32, #tpu.memory_space<vmem>>
    %dma_wait3A_151 = tpu.memref_squeeze %dma_wait3A_150 : memref<1x112xi32, #tpu.memory_space<vmem>> -> memref<112xi32, #tpu.memory_space<vmem>>
    %dma_wait3A_152 = tpu.memref_slice %arg3[%add3A_145] : memref<322560xi32, #tpu.memory_space<hbm>> -> memref<112xi32, #tpu.memory_space<hbm>>
    %dma_wait3A_153 = arith.constant 0 : i32
    %dma_wait3A_154 = tpu.memref_slice %arg7[%dma_wait3A_148, %dma_wait3A_153] : memref<3x112xi32, #tpu.memory_space<vmem>> -> memref<1x112xi32, #tpu.memory_space<vmem>>
    %dma_wait3A_155 = tpu.memref_squeeze %dma_wait3A_154 : memref<1x112xi32, #tpu.memory_space<vmem>> -> memref<112xi32, #tpu.memory_space<vmem>>
    %dma_wait3A_156 = tpu.memref_slice %arg3[%add3A_145] : memref<322560xi32, #tpu.memory_space<hbm>> -> memref<112xi32, #tpu.memory_space<hbm>>
    tpu.wait_dma2 semaphore(%arg13 : memref<!tpu.dma_semaphore, #tpu.memory_space<semaphore_mem>>) src(%dma_wait3A_156 : memref<112xi32, #tpu.memory_space<hbm>>) dst(%dma_wait3A_155 : memref<112xi32, #tpu.memory_space<vmem>>)
    %dma_wait3A_157 = arith.constant 2 : i32
    %dma_wait3A_158 = arith.constant 0 : i32
    %dma_wait3A_159 = tpu.memref_slice %arg8[%dma_wait3A_157, %dma_wait3A_158] : memref<3x112xi32, #tpu.memory_space<vmem>> -> memref<1x112xi32, #tpu.memory_space<vmem>>
    %dma_wait3A_160 = tpu.memref_squeeze %dma_wait3A_159 : memref<1x112xi32, #tpu.memory_space<vmem>> -> memref<112xi32, #tpu.memory_space<vmem>>
    %dma_wait3A_161 = tpu.memref_slice %arg4[%add3A_147] : memref<322560xi32, #tpu.memory_space<hbm>> -> memref<112xi32, #tpu.memory_space<hbm>>
    %dma_wait3A_162 = arith.constant 0 : i32
    %dma_wait3A_163 = tpu.memref_slice %arg8[%dma_wait3A_157, %dma_wait3A_162] : memref<3x112xi32, #tpu.memory_space<vmem>> -> memref<1x112xi32, #tpu.memory_space<vmem>>
    %dma_wait3A_164 = tpu.memref_squeeze %dma_wait3A_163 : memref<1x112xi32, #tpu.memory_space<vmem>> -> memref<112xi32, #tpu.memory_space<vmem>>
    %dma_wait3A_165 = tpu.memref_slice %arg4[%add3A_147] : memref<322560xi32, #tpu.memory_space<hbm>> -> memref<112xi32, #tpu.memory_space<hbm>>
    tpu.wait_dma2 semaphore(%arg13 : memref<!tpu.dma_semaphore, #tpu.memory_space<semaphore_mem>>) src(%dma_wait3A_165 : memref<112xi32, #tpu.memory_space<hbm>>) dst(%dma_wait3A_164 : memref<112xi32, #tpu.memory_space<vmem>>)
    %dma_start3A_166 = arith.constant 2 : i32
    %dma_start3A_167 = arith.constant 2 : i32
    %dma_start3A_168 = arith.constant 0 : i32
    %dma_start3A_169 = arith.constant 0 : i32
    %dma_start3A_170 = tpu.memref_slice %arg9[%dma_start3A_167, %dma_start3A_168, %dma_start3A_169] : memref<3x112x128xf32, #tpu.memory_space<vmem>> -> memref<1x112x128xf32, #tpu.memory_space<vmem>>
    %dma_start3A_171 = tpu.memref_squeeze %dma_start3A_170 : memref<1x112x128xf32, #tpu.memory_space<vmem>> -> memref<112x128xf32, #tpu.memory_space<vmem>>
    %dma_start3A_172 = arith.constant 0 : i32
    %dma_start3A_173 = tpu.memref_slice %arg7[%dma_start3A_166, %dma_start3A_172] : memref<3x112xi32, #tpu.memory_space<vmem>> -> memref<1x112xi32, #tpu.memory_space<vmem>>
    %dma_start3A_174 = tpu.memref_squeeze %dma_start3A_173 : memref<1x112xi32, #tpu.memory_space<vmem>> -> memref<112xi32, #tpu.memory_space<vmem>>
    %dma_start3A_175 = arith.constant 0 : i32
    %dma_start3A_176 = arith.constant 0 : i32
    %dma_start3A_177 = tpu.memref_slice %arg2[%dma_start3A_175, %dma_start3A_176] : memref<20000x128xf32, #tpu.memory_space<hbm>> -> memref<20000x128xf32, #tpu.memory_space<hbm>>
    tpu.enqueue_indirect_dma source(%dma_start3A_177 : memref<20000x128xf32, #tpu.memory_space<hbm>>) target(%dma_start3A_171 : memref<112x128xf32, #tpu.memory_space<vmem>>) offsets(%dma_start3A_174 : memref<112xi32, #tpu.memory_space<vmem>>) semaphore(%arg16 : memref<!tpu.dma_semaphore, #tpu.memory_space<semaphore_mem>>)
    %dma_wait3A_178 = arith.constant 0 : i32
    %dma_wait3A_179 = arith.constant 0 : i32
    %dma_wait3A_180 = arith.constant 0 : i32
    %dma_wait3A_181 = arith.constant 0 : i32
    %dma_wait3A_182 = tpu.memref_slice %arg9[%dma_wait3A_179, %dma_wait3A_180, %dma_wait3A_181] : memref<3x112x128xf32, #tpu.memory_space<vmem>> -> memref<1x112x128xf32, #tpu.memory_space<vmem>>
    %dma_wait3A_183 = tpu.memref_squeeze %dma_wait3A_182 : memref<1x112x128xf32, #tpu.memory_space<vmem>> -> memref<112x128xf32, #tpu.memory_space<vmem>>
    %dma_wait3A_184 = arith.constant 0 : i32
    %dma_wait3A_185 = tpu.memref_slice %arg7[%dma_wait3A_178, %dma_wait3A_184] : memref<3x112xi32, #tpu.memory_space<vmem>> -> memref<1x112xi32, #tpu.memory_space<vmem>>
    %dma_wait3A_186 = tpu.memref_squeeze %dma_wait3A_185 : memref<1x112xi32, #tpu.memory_space<vmem>> -> memref<112xi32, #tpu.memory_space<vmem>>
    %dma_wait3A_187 = arith.constant 0 : i32
    %dma_wait3A_188 = arith.constant 0 : i32
    %dma_wait3A_189 = tpu.memref_slice %arg2[%dma_wait3A_187, %dma_wait3A_188] : memref<20000x128xf32, #tpu.memory_space<hbm>> -> memref<20000x128xf32, #tpu.memory_space<hbm>>
    tpu.wait_indirect_dma semaphore(%arg14 : memref<!tpu.dma_semaphore, #tpu.memory_space<semaphore_mem>>) src(%dma_wait3A_189 : memref<20000x128xf32, #tpu.memory_space<hbm>>) dst(%dma_wait3A_183 : memref<112x128xf32, #tpu.memory_space<vmem>>)
    %dma_start3A_190 = arith.constant 0 : i32
    %dma_start3A_191 = arith.constant 0 : i32
    %dma_start3A_192 = arith.constant 0 : i32
    %dma_start3A_193 = arith.constant 0 : i32
    %dma_start3A_194 = tpu.memref_slice %arg9[%dma_start3A_190, %dma_start3A_192, %dma_start3A_193] : memref<3x112x128xf32, #tpu.memory_space<vmem>> -> memref<1x112x128xf32, #tpu.memory_space<vmem>>
    %dma_start3A_195 = tpu.memref_squeeze %dma_start3A_194 : memref<1x112x128xf32, #tpu.memory_space<vmem>> -> memref<112x128xf32, #tpu.memory_space<vmem>>
    %dma_start3A_196 = arith.constant 0 : i32
    %dma_start3A_197 = tpu.memref_slice %arg8[%dma_start3A_191, %dma_start3A_196] : memref<3x112xi32, #tpu.memory_space<vmem>> -> memref<1x112xi32, #tpu.memory_space<vmem>>
    %dma_start3A_198 = tpu.memref_squeeze %dma_start3A_197 : memref<1x112xi32, #tpu.memory_space<vmem>> -> memref<112xi32, #tpu.memory_space<vmem>>
    %dma_start3A_199 = arith.constant 0 : i32
    %dma_start3A_200 = arith.constant 0 : i32
    %dma_start3A_201 = tpu.memref_slice %arg10[%dma_start3A_199, %dma_start3A_200] : memref<10112x128xf32, #tpu.memory_space<vmem_shared>> -> memref<10112x128xf32, #tpu.memory_space<vmem_shared>>
    tpu.enqueue_indirect_dma source(%dma_start3A_195 : memref<112x128xf32, #tpu.memory_space<vmem>>) target(%dma_start3A_201 : memref<10112x128xf32, #tpu.memory_space<vmem_shared>>) offsets(%dma_start3A_198 : memref<112xi32, #tpu.memory_space<vmem>>) semaphore(%arg17 : memref<!tpu.dma_semaphore, #tpu.memory_space<semaphore_mem>>) {add = true}
    %dma_wait3A_202 = arith.constant 0 : i32
    %dma_wait3A_203 = arith.constant 0 : i32
    %dma_wait3A_204 = arith.constant 0 : i32
    %dma_wait3A_205 = arith.constant 0 : i32
    %dma_wait3A_206 = tpu.memref_slice %arg9[%dma_wait3A_202, %dma_wait3A_204, %dma_wait3A_205] : memref<3x112x128xf32, #tpu.memory_space<vmem>> -> memref<1x112x128xf32, #tpu.memory_space<vmem>>
    %dma_wait3A_207 = tpu.memref_squeeze %dma_wait3A_206 : memref<1x112x128xf32, #tpu.memory_space<vmem>> -> memref<112x128xf32, #tpu.memory_space<vmem>>
    %dma_wait3A_208 = arith.constant 0 : i32
    %dma_wait3A_209 = tpu.memref_slice %arg8[%dma_wait3A_203, %dma_wait3A_208] : memref<3x112xi32, #tpu.memory_space<vmem>> -> memref<1x112xi32, #tpu.memory_space<vmem>>
    %dma_wait3A_210 = tpu.memref_squeeze %dma_wait3A_209 : memref<1x112xi32, #tpu.memory_space<vmem>> -> memref<112xi32, #tpu.memory_space<vmem>>
    %dma_wait3A_211 = arith.constant 0 : i32
    %dma_wait3A_212 = arith.constant 0 : i32
    %dma_wait3A_213 = tpu.memref_slice %arg10[%dma_wait3A_211, %dma_wait3A_212] : memref<10112x128xf32, #tpu.memory_space<vmem_shared>> -> memref<10112x128xf32, #tpu.memory_space<vmem_shared>>
    tpu.wait_indirect_dma semaphore(%arg17 : memref<!tpu.dma_semaphore, #tpu.memory_space<semaphore_mem>>) src(%dma_wait3A_207 : memref<112x128xf32, #tpu.memory_space<vmem>>) dst(%dma_wait3A_213 : memref<10112x128xf32, #tpu.memory_space<vmem_shared>>)
    %add3A_214 = arith.constant 336 : i32
    %add3A_215 = arith.addi %add3A, %add3A_214 : i32
    %add3A_216 = arith.constant 336 : i32
    %add3A_217 = arith.addi %add3A_7, %add3A_216 : i32
    %dma_start3A_218 = arith.constant 0 : i32
    %dma_start3A_219 = arith.constant 0 : i32
    %dma_start3A_220 = tpu.memref_slice %arg7[%dma_start3A_218, %dma_start3A_219] : memref<3x112xi32, #tpu.memory_space<vmem>> -> memref<1x112xi32, #tpu.memory_space<vmem>>
    %dma_start3A_221 = tpu.memref_squeeze %dma_start3A_220 : memref<1x112xi32, #tpu.memory_space<vmem>> -> memref<112xi32, #tpu.memory_space<vmem>>
    %dma_start3A_222 = tpu.memref_slice %arg3[%add3A_215] : memref<322560xi32, #tpu.memory_space<hbm>> -> memref<112xi32, #tpu.memory_space<hbm>>
    %dma_start3A_223 = arith.constant 0 : i32
    %dma_start3A_224 = tpu.memref_slice %arg7[%dma_start3A_218, %dma_start3A_223] : memref<3x112xi32, #tpu.memory_space<vmem>> -> memref<1x112xi32, #tpu.memory_space<vmem>>
    %dma_start3A_225 = tpu.memref_squeeze %dma_start3A_224 : memref<1x112xi32, #tpu.memory_space<vmem>> -> memref<112xi32, #tpu.memory_space<vmem>>
    %dma_start3A_226 = tpu.memref_slice %arg3[%add3A_215] : memref<322560xi32, #tpu.memory_space<hbm>> -> memref<112xi32, #tpu.memory_space<hbm>>
    tpu.enqueue_dma source(%dma_start3A_226 : memref<112xi32, #tpu.memory_space<hbm>>) target(%dma_start3A_225 : memref<112xi32, #tpu.memory_space<vmem>>) target_semaphore(%arg11 : memref<!tpu.dma_semaphore, #tpu.memory_space<semaphore_mem>>)
    %dma_start3A_227 = arith.constant 0 : i32
    %dma_start3A_228 = arith.constant 0 : i32
    %dma_start3A_229 = tpu.memref_slice %arg8[%dma_start3A_227, %dma_start3A_228] : memref<3x112xi32, #tpu.memory_space<vmem>> -> memref<1x112xi32, #tpu.memory_space<vmem>>
    %dma_start3A_230 = tpu.memref_squeeze %dma_start3A_229 : memref<1x112xi32, #tpu.memory_space<vmem>> -> memref<112xi32, #tpu.memory_space<vmem>>
    %dma_start3A_231 = tpu.memref_slice %arg4[%add3A_217] : memref<322560xi32, #tpu.memory_space<hbm>> -> memref<112xi32, #tpu.memory_space<hbm>>
    %dma_start3A_232 = arith.constant 0 : i32
    %dma_start3A_233 = tpu.memref_slice %arg8[%dma_start3A_227, %dma_start3A_232] : memref<3x112xi32, #tpu.memory_space<vmem>> -> memref<1x112xi32, #tpu.memory_space<vmem>>
    %dma_start3A_234 = tpu.memref_squeeze %dma_start3A_233 : memref<1x112xi32, #tpu.memory_space<vmem>> -> memref<112xi32, #tpu.memory_space<vmem>>
    %dma_start3A_235 = tpu.memref_slice %arg4[%add3A_217] : memref<322560xi32, #tpu.memory_space<hbm>> -> memref<112xi32, #tpu.memory_space<hbm>>
    tpu.enqueue_dma source(%dma_start3A_235 : memref<112xi32, #tpu.memory_space<hbm>>) target(%dma_start3A_234 : memref<112xi32, #tpu.memory_space<vmem>>) target_semaphore(%arg11 : memref<!tpu.dma_semaphore, #tpu.memory_space<semaphore_mem>>)
    %scan3A = arith.constant 0 : i32
    %scan3A_236 = arith.constant 1 : i32
    %scan3A_237 = arith.constant 28 : i32
    %scan3A_238 = arith.addi %scan3A_236, %scan3A_237 : i32
    %scan3A_239 = arith.constant 1 : i32
    scf.for %scan3A_572 = %scan3A_236 to %scan3A_238 step %scan3A_239  : i32 {
      %mul3A_573 = arith.constant 3 : i32
      %mul3A_574 = arith.muli %mul3A_573, %scan3A_572 : i32
      %add3A_575 = arith.constant 0 : i32
      %add3A_576 = arith.addi %mul3A_574, %add3A_575 : i32
      %mul3A_577 = arith.constant 112 : i32
      %mul3A_578 = arith.muli %add3A_576, %mul3A_577 : i32
      %add3A_579 = arith.addi %add3A, %mul3A_578 : i32
      %mul3A_580 = arith.constant 112 : i32
      %mul3A_581 = arith.muli %add3A_576, %mul3A_580 : i32
      %add3A_582 = arith.addi %add3A_7, %mul3A_581 : i32
      %dma_wait3A_583 = arith.constant 0 : i32
      %dma_wait3A_584 = arith.constant 0 : i32
      %dma_wait3A_585 = tpu.memref_slice %arg7[%dma_wait3A_583, %dma_wait3A_584] : memref<3x112xi32, #tpu.memory_space<vmem>> -> memref<1x112xi32, #tpu.memory_space<vmem>>
      %dma_wait3A_586 = tpu.memref_squeeze %dma_wait3A_585 : memref<1x112xi32, #tpu.memory_space<vmem>> -> memref<112xi32, #tpu.memory_space<vmem>>
      %dma_wait3A_587 = tpu.memref_slice %arg3[%add3A_579] : memref<322560xi32, #tpu.memory_space<hbm>> -> memref<112xi32, #tpu.memory_space<hbm>>
      %dma_wait3A_588 = arith.constant 0 : i32
      %dma_wait3A_589 = tpu.memref_slice %arg7[%dma_wait3A_583, %dma_wait3A_588] : memref<3x112xi32, #tpu.memory_space<vmem>> -> memref<1x112xi32, #tpu.memory_space<vmem>>
      %dma_wait3A_590 = tpu.memref_squeeze %dma_wait3A_589 : memref<1x112xi32, #tpu.memory_space<vmem>> -> memref<112xi32, #tpu.memory_space<vmem>>
      %dma_wait3A_591 = tpu.memref_slice %arg3[%add3A_579] : memref<322560xi32, #tpu.memory_space<hbm>> -> memref<112xi32, #tpu.memory_space<hbm>>
      tpu.wait_dma2 semaphore(%arg11 : memref<!tpu.dma_semaphore, #tpu.memory_space<semaphore_mem>>) src(%dma_wait3A_591 : memref<112xi32, #tpu.memory_space<hbm>>) dst(%dma_wait3A_590 : memref<112xi32, #tpu.memory_space<vmem>>)
      %dma_wait3A_592 = arith.constant 0 : i32
      %dma_wait3A_593 = arith.constant 0 : i32
      %dma_wait3A_594 = tpu.memref_slice %arg8[%dma_wait3A_592, %dma_wait3A_593] : memref<3x112xi32, #tpu.memory_space<vmem>> -> memref<1x112xi32, #tpu.memory_space<vmem>>
      %dma_wait3A_595 = tpu.memref_squeeze %dma_wait3A_594 : memref<1x112xi32, #tpu.memory_space<vmem>> -> memref<112xi32, #tpu.memory_space<vmem>>
      %dma_wait3A_596 = tpu.memref_slice %arg4[%add3A_582] : memref<322560xi32, #tpu.memory_space<hbm>> -> memref<112xi32, #tpu.memory_space<hbm>>
      %dma_wait3A_597 = arith.constant 0 : i32
      %dma_wait3A_598 = tpu.memref_slice %arg8[%dma_wait3A_592, %dma_wait3A_597] : memref<3x112xi32, #tpu.memory_space<vmem>> -> memref<1x112xi32, #tpu.memory_space<vmem>>
      %dma_wait3A_599 = tpu.memref_squeeze %dma_wait3A_598 : memref<1x112xi32, #tpu.memory_space<vmem>> -> memref<112xi32, #tpu.memory_space<vmem>>
      %dma_wait3A_600 = tpu.memref_slice %arg4[%add3A_582] : memref<322560xi32, #tpu.memory_space<hbm>> -> memref<112xi32, #tpu.memory_space<hbm>>
      tpu.wait_dma2 semaphore(%arg11 : memref<!tpu.dma_semaphore, #tpu.memory_space<semaphore_mem>>) src(%dma_wait3A_600 : memref<112xi32, #tpu.memory_space<hbm>>) dst(%dma_wait3A_599 : memref<112xi32, #tpu.memory_space<vmem>>)
      %dma_start3A_601 = arith.constant 0 : i32
      %dma_start3A_602 = arith.constant 0 : i32
      %dma_start3A_603 = arith.constant 0 : i32
      %dma_start3A_604 = arith.constant 0 : i32
      %dma_start3A_605 = tpu.memref_slice %arg9[%dma_start3A_602, %dma_start3A_603, %dma_start3A_604] : memref<3x112x128xf32, #tpu.memory_space<vmem>> -> memref<1x112x128xf32, #tpu.memory_space<vmem>>
      %dma_start3A_606 = tpu.memref_squeeze %dma_start3A_605 : memref<1x112x128xf32, #tpu.memory_space<vmem>> -> memref<112x128xf32, #tpu.memory_space<vmem>>
      %dma_start3A_607 = arith.constant 0 : i32
      %dma_start3A_608 = tpu.memref_slice %arg7[%dma_start3A_601, %dma_start3A_607] : memref<3x112xi32, #tpu.memory_space<vmem>> -> memref<1x112xi32, #tpu.memory_space<vmem>>
      %dma_start3A_609 = tpu.memref_squeeze %dma_start3A_608 : memref<1x112xi32, #tpu.memory_space<vmem>> -> memref<112xi32, #tpu.memory_space<vmem>>
      %dma_start3A_610 = arith.constant 0 : i32
      %dma_start3A_611 = arith.constant 0 : i32
      %dma_start3A_612 = tpu.memref_slice %arg2[%dma_start3A_610, %dma_start3A_611] : memref<20000x128xf32, #tpu.memory_space<hbm>> -> memref<20000x128xf32, #tpu.memory_space<hbm>>
      tpu.enqueue_indirect_dma source(%dma_start3A_612 : memref<20000x128xf32, #tpu.memory_space<hbm>>) target(%dma_start3A_606 : memref<112x128xf32, #tpu.memory_space<vmem>>) offsets(%dma_start3A_609 : memref<112xi32, #tpu.memory_space<vmem>>) semaphore(%arg14 : memref<!tpu.dma_semaphore, #tpu.memory_space<semaphore_mem>>)
      %dma_wait3A_613 = arith.constant 1 : i32
      %dma_wait3A_614 = arith.constant 1 : i32
      %dma_wait3A_615 = arith.constant 0 : i32
      %dma_wait3A_616 = arith.constant 0 : i32
      %dma_wait3A_617 = tpu.memref_slice %arg9[%dma_wait3A_614, %dma_wait3A_615, %dma_wait3A_616] : memref<3x112x128xf32, #tpu.memory_space<vmem>> -> memref<1x112x128xf32, #tpu.memory_space<vmem>>
      %dma_wait3A_618 = tpu.memref_squeeze %dma_wait3A_617 : memref<1x112x128xf32, #tpu.memory_space<vmem>> -> memref<112x128xf32, #tpu.memory_space<vmem>>
      %dma_wait3A_619 = arith.constant 0 : i32
      %dma_wait3A_620 = tpu.memref_slice %arg7[%dma_wait3A_613, %dma_wait3A_619] : memref<3x112xi32, #tpu.memory_space<vmem>> -> memref<1x112xi32, #tpu.memory_space<vmem>>
      %dma_wait3A_621 = tpu.memref_squeeze %dma_wait3A_620 : memref<1x112xi32, #tpu.memory_space<vmem>> -> memref<112xi32, #tpu.memory_space<vmem>>
      %dma_wait3A_622 = arith.constant 0 : i32
      %dma_wait3A_623 = arith.constant 0 : i32
      %dma_wait3A_624 = tpu.memref_slice %arg2[%dma_wait3A_622, %dma_wait3A_623] : memref<20000x128xf32, #tpu.memory_space<hbm>> -> memref<20000x128xf32, #tpu.memory_space<hbm>>
      tpu.wait_indirect_dma semaphore(%arg15 : memref<!tpu.dma_semaphore, #tpu.memory_space<semaphore_mem>>) src(%dma_wait3A_624 : memref<20000x128xf32, #tpu.memory_space<hbm>>) dst(%dma_wait3A_618 : memref<112x128xf32, #tpu.memory_space<vmem>>)
      %dma_start3A_625 = arith.constant 1 : i32
      %dma_start3A_626 = arith.constant 1 : i32
      %dma_start3A_627 = arith.constant 0 : i32
      %dma_start3A_628 = arith.constant 0 : i32
      %dma_start3A_629 = tpu.memref_slice %arg9[%dma_start3A_625, %dma_start3A_627, %dma_start3A_628] : memref<3x112x128xf32, #tpu.memory_space<vmem>> -> memref<1x112x128xf32, #tpu.memory_space<vmem>>
      %dma_start3A_630 = tpu.memref_squeeze %dma_start3A_629 : memref<1x112x128xf32, #tpu.memory_space<vmem>> -> memref<112x128xf32, #tpu.memory_space<vmem>>
      %dma_start3A_631 = arith.constant 0 : i32
      %dma_start3A_632 = tpu.memref_slice %arg8[%dma_start3A_626, %dma_start3A_631] : memref<3x112xi32, #tpu.memory_space<vmem>> -> memref<1x112xi32, #tpu.memory_space<vmem>>
      %dma_start3A_633 = tpu.memref_squeeze %dma_start3A_632 : memref<1x112xi32, #tpu.memory_space<vmem>> -> memref<112xi32, #tpu.memory_space<vmem>>
      %dma_start3A_634 = arith.constant 0 : i32
      %dma_start3A_635 = arith.constant 0 : i32
      %dma_start3A_636 = tpu.memref_slice %arg10[%dma_start3A_634, %dma_start3A_635] : memref<10112x128xf32, #tpu.memory_space<vmem_shared>> -> memref<10112x128xf32, #tpu.memory_space<vmem_shared>>
      tpu.enqueue_indirect_dma source(%dma_start3A_630 : memref<112x128xf32, #tpu.memory_space<vmem>>) target(%dma_start3A_636 : memref<10112x128xf32, #tpu.memory_space<vmem_shared>>) offsets(%dma_start3A_633 : memref<112xi32, #tpu.memory_space<vmem>>) semaphore(%arg18 : memref<!tpu.dma_semaphore, #tpu.memory_space<semaphore_mem>>) {add = true}
      %dma_wait3A_637 = arith.constant 1 : i32
      %dma_wait3A_638 = arith.constant 1 : i32
      %dma_wait3A_639 = arith.constant 0 : i32
      %dma_wait3A_640 = arith.constant 0 : i32
      %dma_wait3A_641 = tpu.memref_slice %arg9[%dma_wait3A_637, %dma_wait3A_639, %dma_wait3A_640] : memref<3x112x128xf32, #tpu.memory_space<vmem>> -> memref<1x112x128xf32, #tpu.memory_space<vmem>>
      %dma_wait3A_642 = tpu.memref_squeeze %dma_wait3A_641 : memref<1x112x128xf32, #tpu.memory_space<vmem>> -> memref<112x128xf32, #tpu.memory_space<vmem>>
      %dma_wait3A_643 = arith.constant 0 : i32
      %dma_wait3A_644 = tpu.memref_slice %arg8[%dma_wait3A_638, %dma_wait3A_643] : memref<3x112xi32, #tpu.memory_space<vmem>> -> memref<1x112xi32, #tpu.memory_space<vmem>>
      %dma_wait3A_645 = tpu.memref_squeeze %dma_wait3A_644 : memref<1x112xi32, #tpu.memory_space<vmem>> -> memref<112xi32, #tpu.memory_space<vmem>>
      %dma_wait3A_646 = arith.constant 0 : i32
      %dma_wait3A_647 = arith.constant 0 : i32
      %dma_wait3A_648 = tpu.memref_slice %arg10[%dma_wait3A_646, %dma_wait3A_647] : memref<10112x128xf32, #tpu.memory_space<vmem_shared>> -> memref<10112x128xf32, #tpu.memory_space<vmem_shared>>
      tpu.wait_indirect_dma semaphore(%arg18 : memref<!tpu.dma_semaphore, #tpu.memory_space<semaphore_mem>>) src(%dma_wait3A_642 : memref<112x128xf32, #tpu.memory_space<vmem>>) dst(%dma_wait3A_648 : memref<10112x128xf32, #tpu.memory_space<vmem_shared>>)
      %add3A_649 = arith.constant 1 : i32
      %add3A_650 = arith.addi %add3A_576, %add3A_649 : i32
      %mul3A_651 = arith.constant 112 : i32
      %mul3A_652 = arith.muli %add3A_650, %mul3A_651 : i32
      %add3A_653 = arith.addi %add3A, %mul3A_652 : i32
      %mul3A_654 = arith.constant 112 : i32
      %mul3A_655 = arith.muli %add3A_650, %mul3A_654 : i32
      %add3A_656 = arith.addi %add3A_7, %mul3A_655 : i32
      %dma_start3A_657 = arith.constant 1 : i32
      %dma_start3A_658 = arith.constant 0 : i32
      %dma_start3A_659 = tpu.memref_slice %arg7[%dma_start3A_657, %dma_start3A_658] : memref<3x112xi32, #tpu.memory_space<vmem>> -> memref<1x112xi32, #tpu.memory_space<vmem>>
      %dma_start3A_660 = tpu.memref_squeeze %dma_start3A_659 : memref<1x112xi32, #tpu.memory_space<vmem>> -> memref<112xi32, #tpu.memory_space<vmem>>
      %dma_start3A_661 = tpu.memref_slice %arg3[%add3A_653] : memref<322560xi32, #tpu.memory_space<hbm>> -> memref<112xi32, #tpu.memory_space<hbm>>
      %dma_start3A_662 = arith.constant 0 : i32
      %dma_start3A_663 = tpu.memref_slice %arg7[%dma_start3A_657, %dma_start3A_662] : memref<3x112xi32, #tpu.memory_space<vmem>> -> memref<1x112xi32, #tpu.memory_space<vmem>>
      %dma_start3A_664 = tpu.memref_squeeze %dma_start3A_663 : memref<1x112xi32, #tpu.memory_space<vmem>> -> memref<112xi32, #tpu.memory_space<vmem>>
      %dma_start3A_665 = tpu.memref_slice %arg3[%add3A_653] : memref<322560xi32, #tpu.memory_space<hbm>> -> memref<112xi32, #tpu.memory_space<hbm>>
      tpu.enqueue_dma source(%dma_start3A_665 : memref<112xi32, #tpu.memory_space<hbm>>) target(%dma_start3A_664 : memref<112xi32, #tpu.memory_space<vmem>>) target_semaphore(%arg12 : memref<!tpu.dma_semaphore, #tpu.memory_space<semaphore_mem>>)
      %dma_start3A_666 = arith.constant 1 : i32
      %dma_start3A_667 = arith.constant 0 : i32
      %dma_start3A_668 = tpu.memref_slice %arg8[%dma_start3A_666, %dma_start3A_667] : memref<3x112xi32, #tpu.memory_space<vmem>> -> memref<1x112xi32, #tpu.memory_space<vmem>>
      %dma_start3A_669 = tpu.memref_squeeze %dma_start3A_668 : memref<1x112xi32, #tpu.memory_space<vmem>> -> memref<112xi32, #tpu.memory_space<vmem>>
      %dma_start3A_670 = tpu.memref_slice %arg4[%add3A_656] : memref<322560xi32, #tpu.memory_space<hbm>> -> memref<112xi32, #tpu.memory_space<hbm>>
      %dma_start3A_671 = arith.constant 0 : i32
      %dma_start3A_672 = tpu.memref_slice %arg8[%dma_start3A_666, %dma_start3A_671] : memref<3x112xi32, #tpu.memory_space<vmem>> -> memref<1x112xi32, #tpu.memory_space<vmem>>
      %dma_start3A_673 = tpu.memref_squeeze %dma_start3A_672 : memref<1x112xi32, #tpu.memory_space<vmem>> -> memref<112xi32, #tpu.memory_space<vmem>>
      %dma_start3A_674 = tpu.memref_slice %arg4[%add3A_656] : memref<322560xi32, #tpu.memory_space<hbm>> -> memref<112xi32, #tpu.memory_space<hbm>>
      tpu.enqueue_dma source(%dma_start3A_674 : memref<112xi32, #tpu.memory_space<hbm>>) target(%dma_start3A_673 : memref<112xi32, #tpu.memory_space<vmem>>) target_semaphore(%arg12 : memref<!tpu.dma_semaphore, #tpu.memory_space<semaphore_mem>>)
      %add3A_675 = arith.constant 1 : i32
      %add3A_676 = arith.addi %mul3A_574, %add3A_675 : i32
      %mul3A_677 = arith.constant 112 : i32
      %mul3A_678 = arith.muli %add3A_676, %mul3A_677 : i32
      %add3A_679 = arith.addi %add3A, %mul3A_678 : i32
      %mul3A_680 = arith.constant 112 : i32
      %mul3A_681 = arith.muli %add3A_676, %mul3A_680 : i32
      %add3A_682 = arith.addi %add3A_7, %mul3A_681 : i32
      %dma_wait3A_683 = arith.constant 1 : i32
      %dma_wait3A_684 = arith.constant 0 : i32
      %dma_wait3A_685 = tpu.memref_slice %arg7[%dma_wait3A_683, %dma_wait3A_684] : memref<3x112xi32, #tpu.memory_space<vmem>> -> memref<1x112xi32, #tpu.memory_space<vmem>>
      %dma_wait3A_686 = tpu.memref_squeeze %dma_wait3A_685 : memref<1x112xi32, #tpu.memory_space<vmem>> -> memref<112xi32, #tpu.memory_space<vmem>>
      %dma_wait3A_687 = tpu.memref_slice %arg3[%add3A_679] : memref<322560xi32, #tpu.memory_space<hbm>> -> memref<112xi32, #tpu.memory_space<hbm>>
      %dma_wait3A_688 = arith.constant 0 : i32
      %dma_wait3A_689 = tpu.memref_slice %arg7[%dma_wait3A_683, %dma_wait3A_688] : memref<3x112xi32, #tpu.memory_space<vmem>> -> memref<1x112xi32, #tpu.memory_space<vmem>>
      %dma_wait3A_690 = tpu.memref_squeeze %dma_wait3A_689 : memref<1x112xi32, #tpu.memory_space<vmem>> -> memref<112xi32, #tpu.memory_space<vmem>>
      %dma_wait3A_691 = tpu.memref_slice %arg3[%add3A_679] : memref<322560xi32, #tpu.memory_space<hbm>> -> memref<112xi32, #tpu.memory_space<hbm>>
      tpu.wait_dma2 semaphore(%arg12 : memref<!tpu.dma_semaphore, #tpu.memory_space<semaphore_mem>>) src(%dma_wait3A_691 : memref<112xi32, #tpu.memory_space<hbm>>) dst(%dma_wait3A_690 : memref<112xi32, #tpu.memory_space<vmem>>)
      %dma_wait3A_692 = arith.constant 1 : i32
      %dma_wait3A_693 = arith.constant 0 : i32
      %dma_wait3A_694 = tpu.memref_slice %arg8[%dma_wait3A_692, %dma_wait3A_693] : memref<3x112xi32, #tpu.memory_space<vmem>> -> memref<1x112xi32, #tpu.memory_space<vmem>>
      %dma_wait3A_695 = tpu.memref_squeeze %dma_wait3A_694 : memref<1x112xi32, #tpu.memory_space<vmem>> -> memref<112xi32, #tpu.memory_space<vmem>>
      %dma_wait3A_696 = tpu.memref_slice %arg4[%add3A_682] : memref<322560xi32, #tpu.memory_space<hbm>> -> memref<112xi32, #tpu.memory_space<hbm>>
      %dma_wait3A_697 = arith.constant 0 : i32
      %dma_wait3A_698 = tpu.memref_slice %arg8[%dma_wait3A_692, %dma_wait3A_697] : memref<3x112xi32, #tpu.memory_space<vmem>> -> memref<1x112xi32, #tpu.memory_space<vmem>>
      %dma_wait3A_699 = tpu.memref_squeeze %dma_wait3A_698 : memref<1x112xi32, #tpu.memory_space<vmem>> -> memref<112xi32, #tpu.memory_space<vmem>>
      %dma_wait3A_700 = tpu.memref_slice %arg4[%add3A_682] : memref<322560xi32, #tpu.memory_space<hbm>> -> memref<112xi32, #tpu.memory_space<hbm>>
      tpu.wait_dma2 semaphore(%arg12 : memref<!tpu.dma_semaphore, #tpu.memory_space<semaphore_mem>>) src(%dma_wait3A_700 : memref<112xi32, #tpu.memory_space<hbm>>) dst(%dma_wait3A_699 : memref<112xi32, #tpu.memory_space<vmem>>)
      %dma_start3A_701 = arith.constant 1 : i32
      %dma_start3A_702 = arith.constant 1 : i32
      %dma_start3A_703 = arith.constant 0 : i32
      %dma_start3A_704 = arith.constant 0 : i32
      %dma_start3A_705 = tpu.memref_slice %arg9[%dma_start3A_702, %dma_start3A_703, %dma_start3A_704] : memref<3x112x128xf32, #tpu.memory_space<vmem>> -> memref<1x112x128xf32, #tpu.memory_space<vmem>>
      %dma_start3A_706 = tpu.memref_squeeze %dma_start3A_705 : memref<1x112x128xf32, #tpu.memory_space<vmem>> -> memref<112x128xf32, #tpu.memory_space<vmem>>
      %dma_start3A_707 = arith.constant 0 : i32
      %dma_start3A_708 = tpu.memref_slice %arg7[%dma_start3A_701, %dma_start3A_707] : memref<3x112xi32, #tpu.memory_space<vmem>> -> memref<1x112xi32, #tpu.memory_space<vmem>>
      %dma_start3A_709 = tpu.memref_squeeze %dma_start3A_708 : memref<1x112xi32, #tpu.memory_space<vmem>> -> memref<112xi32, #tpu.memory_space<vmem>>
      %dma_start3A_710 = arith.constant 0 : i32
      %dma_start3A_711 = arith.constant 0 : i32
      %dma_start3A_712 = tpu.memref_slice %arg2[%dma_start3A_710, %dma_start3A_711] : memref<20000x128xf32, #tpu.memory_space<hbm>> -> memref<20000x128xf32, #tpu.memory_space<hbm>>
      tpu.enqueue_indirect_dma source(%dma_start3A_712 : memref<20000x128xf32, #tpu.memory_space<hbm>>) target(%dma_start3A_706 : memref<112x128xf32, #tpu.memory_space<vmem>>) offsets(%dma_start3A_709 : memref<112xi32, #tpu.memory_space<vmem>>) semaphore(%arg15 : memref<!tpu.dma_semaphore, #tpu.memory_space<semaphore_mem>>)
      %dma_wait3A_713 = arith.constant 2 : i32
      %dma_wait3A_714 = arith.constant 2 : i32
      %dma_wait3A_715 = arith.constant 0 : i32
      %dma_wait3A_716 = arith.constant 0 : i32
      %dma_wait3A_717 = tpu.memref_slice %arg9[%dma_wait3A_714, %dma_wait3A_715, %dma_wait3A_716] : memref<3x112x128xf32, #tpu.memory_space<vmem>> -> memref<1x112x128xf32, #tpu.memory_space<vmem>>
      %dma_wait3A_718 = tpu.memref_squeeze %dma_wait3A_717 : memref<1x112x128xf32, #tpu.memory_space<vmem>> -> memref<112x128xf32, #tpu.memory_space<vmem>>
      %dma_wait3A_719 = arith.constant 0 : i32
      %dma_wait3A_720 = tpu.memref_slice %arg7[%dma_wait3A_713, %dma_wait3A_719] : memref<3x112xi32, #tpu.memory_space<vmem>> -> memref<1x112xi32, #tpu.memory_space<vmem>>
      %dma_wait3A_721 = tpu.memref_squeeze %dma_wait3A_720 : memref<1x112xi32, #tpu.memory_space<vmem>> -> memref<112xi32, #tpu.memory_space<vmem>>
      %dma_wait3A_722 = arith.constant 0 : i32
      %dma_wait3A_723 = arith.constant 0 : i32
      %dma_wait3A_724 = tpu.memref_slice %arg2[%dma_wait3A_722, %dma_wait3A_723] : memref<20000x128xf32, #tpu.memory_space<hbm>> -> memref<20000x128xf32, #tpu.memory_space<hbm>>
      tpu.wait_indirect_dma semaphore(%arg16 : memref<!tpu.dma_semaphore, #tpu.memory_space<semaphore_mem>>) src(%dma_wait3A_724 : memref<20000x128xf32, #tpu.memory_space<hbm>>) dst(%dma_wait3A_718 : memref<112x128xf32, #tpu.memory_space<vmem>>)
      %dma_start3A_725 = arith.constant 2 : i32
      %dma_start3A_726 = arith.constant 2 : i32
      %dma_start3A_727 = arith.constant 0 : i32
      %dma_start3A_728 = arith.constant 0 : i32
      %dma_start3A_729 = tpu.memref_slice %arg9[%dma_start3A_725, %dma_start3A_727, %dma_start3A_728] : memref<3x112x128xf32, #tpu.memory_space<vmem>> -> memref<1x112x128xf32, #tpu.memory_space<vmem>>
      %dma_start3A_730 = tpu.memref_squeeze %dma_start3A_729 : memref<1x112x128xf32, #tpu.memory_space<vmem>> -> memref<112x128xf32, #tpu.memory_space<vmem>>
      %dma_start3A_731 = arith.constant 0 : i32
      %dma_start3A_732 = tpu.memref_slice %arg8[%dma_start3A_726, %dma_start3A_731] : memref<3x112xi32, #tpu.memory_space<vmem>> -> memref<1x112xi32, #tpu.memory_space<vmem>>
      %dma_start3A_733 = tpu.memref_squeeze %dma_start3A_732 : memref<1x112xi32, #tpu.memory_space<vmem>> -> memref<112xi32, #tpu.memory_space<vmem>>
      %dma_start3A_734 = arith.constant 0 : i32
      %dma_start3A_735 = arith.constant 0 : i32
      %dma_start3A_736 = tpu.memref_slice %arg10[%dma_start3A_734, %dma_start3A_735] : memref<10112x128xf32, #tpu.memory_space<vmem_shared>> -> memref<10112x128xf32, #tpu.memory_space<vmem_shared>>
      tpu.enqueue_indirect_dma source(%dma_start3A_730 : memref<112x128xf32, #tpu.memory_space<vmem>>) target(%dma_start3A_736 : memref<10112x128xf32, #tpu.memory_space<vmem_shared>>) offsets(%dma_start3A_733 : memref<112xi32, #tpu.memory_space<vmem>>) semaphore(%arg19 : memref<!tpu.dma_semaphore, #tpu.memory_space<semaphore_mem>>) {add = true}
      %dma_wait3A_737 = arith.constant 2 : i32
      %dma_wait3A_738 = arith.constant 2 : i32
      %dma_wait3A_739 = arith.constant 0 : i32
      %dma_wait3A_740 = arith.constant 0 : i32
      %dma_wait3A_741 = tpu.memref_slice %arg9[%dma_wait3A_737, %dma_wait3A_739, %dma_wait3A_740] : memref<3x112x128xf32, #tpu.memory_space<vmem>> -> memref<1x112x128xf32, #tpu.memory_space<vmem>>
      %dma_wait3A_742 = tpu.memref_squeeze %dma_wait3A_741 : memref<1x112x128xf32, #tpu.memory_space<vmem>> -> memref<112x128xf32, #tpu.memory_space<vmem>>
      %dma_wait3A_743 = arith.constant 0 : i32
      %dma_wait3A_744 = tpu.memref_slice %arg8[%dma_wait3A_738, %dma_wait3A_743] : memref<3x112xi32, #tpu.memory_space<vmem>> -> memref<1x112xi32, #tpu.memory_space<vmem>>
      %dma_wait3A_745 = tpu.memref_squeeze %dma_wait3A_744 : memref<1x112xi32, #tpu.memory_space<vmem>> -> memref<112xi32, #tpu.memory_space<vmem>>
      %dma_wait3A_746 = arith.constant 0 : i32
      %dma_wait3A_747 = arith.constant 0 : i32
      %dma_wait3A_748 = tpu.memref_slice %arg10[%dma_wait3A_746, %dma_wait3A_747] : memref<10112x128xf32, #tpu.memory_space<vmem_shared>> -> memref<10112x128xf32, #tpu.memory_space<vmem_shared>>
      tpu.wait_indirect_dma semaphore(%arg19 : memref<!tpu.dma_semaphore, #tpu.memory_space<semaphore_mem>>) src(%dma_wait3A_742 : memref<112x128xf32, #tpu.memory_space<vmem>>) dst(%dma_wait3A_748 : memref<10112x128xf32, #tpu.memory_space<vmem_shared>>)
      %add3A_749 = arith.constant 1 : i32
      %add3A_750 = arith.addi %add3A_676, %add3A_749 : i32
      %mul3A_751 = arith.constant 112 : i32
      %mul3A_752 = arith.muli %add3A_750, %mul3A_751 : i32
      %add3A_753 = arith.addi %add3A, %mul3A_752 : i32
      %mul3A_754 = arith.constant 112 : i32
      %mul3A_755 = arith.muli %add3A_750, %mul3A_754 : i32
      %add3A_756 = arith.addi %add3A_7, %mul3A_755 : i32
      %dma_start3A_757 = arith.constant 2 : i32
      %dma_start3A_758 = arith.constant 0 : i32
      %dma_start3A_759 = tpu.memref_slice %arg7[%dma_start3A_757, %dma_start3A_758] : memref<3x112xi32, #tpu.memory_space<vmem>> -> memref<1x112xi32, #tpu.memory_space<vmem>>
      %dma_start3A_760 = tpu.memref_squeeze %dma_start3A_759 : memref<1x112xi32, #tpu.memory_space<vmem>> -> memref<112xi32, #tpu.memory_space<vmem>>
      %dma_start3A_761 = tpu.memref_slice %arg3[%add3A_753] : memref<322560xi32, #tpu.memory_space<hbm>> -> memref<112xi32, #tpu.memory_space<hbm>>
      %dma_start3A_762 = arith.constant 0 : i32
      %dma_start3A_763 = tpu.memref_slice %arg7[%dma_start3A_757, %dma_start3A_762] : memref<3x112xi32, #tpu.memory_space<vmem>> -> memref<1x112xi32, #tpu.memory_space<vmem>>
      %dma_start3A_764 = tpu.memref_squeeze %dma_start3A_763 : memref<1x112xi32, #tpu.memory_space<vmem>> -> memref<112xi32, #tpu.memory_space<vmem>>
      %dma_start3A_765 = tpu.memref_slice %arg3[%add3A_753] : memref<322560xi32, #tpu.memory_space<hbm>> -> memref<112xi32, #tpu.memory_space<hbm>>
      tpu.enqueue_dma source(%dma_start3A_765 : memref<112xi32, #tpu.memory_space<hbm>>) target(%dma_start3A_764 : memref<112xi32, #tpu.memory_space<vmem>>) target_semaphore(%arg13 : memref<!tpu.dma_semaphore, #tpu.memory_space<semaphore_mem>>)
      %dma_start3A_766 = arith.constant 2 : i32
      %dma_start3A_767 = arith.constant 0 : i32
      %dma_start3A_768 = tpu.memref_slice %arg8[%dma_start3A_766, %dma_start3A_767] : memref<3x112xi32, #tpu.memory_space<vmem>> -> memref<1x112xi32, #tpu.memory_space<vmem>>
      %dma_start3A_769 = tpu.memref_squeeze %dma_start3A_768 : memref<1x112xi32, #tpu.memory_space<vmem>> -> memref<112xi32, #tpu.memory_space<vmem>>
      %dma_start3A_770 = tpu.memref_slice %arg4[%add3A_756] : memref<322560xi32, #tpu.memory_space<hbm>> -> memref<112xi32, #tpu.memory_space<hbm>>
      %dma_start3A_771 = arith.constant 0 : i32
      %dma_start3A_772 = tpu.memref_slice %arg8[%dma_start3A_766, %dma_start3A_771] : memref<3x112xi32, #tpu.memory_space<vmem>> -> memref<1x112xi32, #tpu.memory_space<vmem>>
      %dma_start3A_773 = tpu.memref_squeeze %dma_start3A_772 : memref<1x112xi32, #tpu.memory_space<vmem>> -> memref<112xi32, #tpu.memory_space<vmem>>
      %dma_start3A_774 = tpu.memref_slice %arg4[%add3A_756] : memref<322560xi32, #tpu.memory_space<hbm>> -> memref<112xi32, #tpu.memory_space<hbm>>
      tpu.enqueue_dma source(%dma_start3A_774 : memref<112xi32, #tpu.memory_space<hbm>>) target(%dma_start3A_773 : memref<112xi32, #tpu.memory_space<vmem>>) target_semaphore(%arg13 : memref<!tpu.dma_semaphore, #tpu.memory_space<semaphore_mem>>)
      %add3A_775 = arith.constant 2 : i32
      %add3A_776 = arith.addi %mul3A_574, %add3A_775 : i32
      %mul3A_777 = arith.constant 112 : i32
      %mul3A_778 = arith.muli %add3A_776, %mul3A_777 : i32
      %add3A_779 = arith.addi %add3A, %mul3A_778 : i32
      %mul3A_780 = arith.constant 112 : i32
      %mul3A_781 = arith.muli %add3A_776, %mul3A_780 : i32
      %add3A_782 = arith.addi %add3A_7, %mul3A_781 : i32
      %dma_wait3A_783 = arith.constant 2 : i32
      %dma_wait3A_784 = arith.constant 0 : i32
      %dma_wait3A_785 = tpu.memref_slice %arg7[%dma_wait3A_783, %dma_wait3A_784] : memref<3x112xi32, #tpu.memory_space<vmem>> -> memref<1x112xi32, #tpu.memory_space<vmem>>
      %dma_wait3A_786 = tpu.memref_squeeze %dma_wait3A_785 : memref<1x112xi32, #tpu.memory_space<vmem>> -> memref<112xi32, #tpu.memory_space<vmem>>
      %dma_wait3A_787 = tpu.memref_slice %arg3[%add3A_779] : memref<322560xi32, #tpu.memory_space<hbm>> -> memref<112xi32, #tpu.memory_space<hbm>>
      %dma_wait3A_788 = arith.constant 0 : i32
      %dma_wait3A_789 = tpu.memref_slice %arg7[%dma_wait3A_783, %dma_wait3A_788] : memref<3x112xi32, #tpu.memory_space<vmem>> -> memref<1x112xi32, #tpu.memory_space<vmem>>
      %dma_wait3A_790 = tpu.memref_squeeze %dma_wait3A_789 : memref<1x112xi32, #tpu.memory_space<vmem>> -> memref<112xi32, #tpu.memory_space<vmem>>
      %dma_wait3A_791 = tpu.memref_slice %arg3[%add3A_779] : memref<322560xi32, #tpu.memory_space<hbm>> -> memref<112xi32, #tpu.memory_space<hbm>>
      tpu.wait_dma2 semaphore(%arg13 : memref<!tpu.dma_semaphore, #tpu.memory_space<semaphore_mem>>) src(%dma_wait3A_791 : memref<112xi32, #tpu.memory_space<hbm>>) dst(%dma_wait3A_790 : memref<112xi32, #tpu.memory_space<vmem>>)
      %dma_wait3A_792 = arith.constant 2 : i32
      %dma_wait3A_793 = arith.constant 0 : i32
      %dma_wait3A_794 = tpu.memref_slice %arg8[%dma_wait3A_792, %dma_wait3A_793] : memref<3x112xi32, #tpu.memory_space<vmem>> -> memref<1x112xi32, #tpu.memory_space<vmem>>
      %dma_wait3A_795 = tpu.memref_squeeze %dma_wait3A_794 : memref<1x112xi32, #tpu.memory_space<vmem>> -> memref<112xi32, #tpu.memory_space<vmem>>
      %dma_wait3A_796 = tpu.memref_slice %arg4[%add3A_782] : memref<322560xi32, #tpu.memory_space<hbm>> -> memref<112xi32, #tpu.memory_space<hbm>>
      %dma_wait3A_797 = arith.constant 0 : i32
      %dma_wait3A_798 = tpu.memref_slice %arg8[%dma_wait3A_792, %dma_wait3A_797] : memref<3x112xi32, #tpu.memory_space<vmem>> -> memref<1x112xi32, #tpu.memory_space<vmem>>
      %dma_wait3A_799 = tpu.memref_squeeze %dma_wait3A_798 : memref<1x112xi32, #tpu.memory_space<vmem>> -> memref<112xi32, #tpu.memory_space<vmem>>
      %dma_wait3A_800 = tpu.memref_slice %arg4[%add3A_782] : memref<322560xi32, #tpu.memory_space<hbm>> -> memref<112xi32, #tpu.memory_space<hbm>>
      tpu.wait_dma2 semaphore(%arg13 : memref<!tpu.dma_semaphore, #tpu.memory_space<semaphore_mem>>) src(%dma_wait3A_800 : memref<112xi32, #tpu.memory_space<hbm>>) dst(%dma_wait3A_799 : memref<112xi32, #tpu.memory_space<vmem>>)
      %dma_start3A_801 = arith.constant 2 : i32
      %dma_start3A_802 = arith.constant 2 : i32
      %dma_start3A_803 = arith.constant 0 : i32
      %dma_start3A_804 = arith.constant 0 : i32
      %dma_start3A_805 = tpu.memref_slice %arg9[%dma_start3A_802, %dma_start3A_803, %dma_start3A_804] : memref<3x112x128xf32, #tpu.memory_space<vmem>> -> memref<1x112x128xf32, #tpu.memory_space<vmem>>
      %dma_start3A_806 = tpu.memref_squeeze %dma_start3A_805 : memref<1x112x128xf32, #tpu.memory_space<vmem>> -> memref<112x128xf32, #tpu.memory_space<vmem>>
      %dma_start3A_807 = arith.constant 0 : i32
      %dma_start3A_808 = tpu.memref_slice %arg7[%dma_start3A_801, %dma_start3A_807] : memref<3x112xi32, #tpu.memory_space<vmem>> -> memref<1x112xi32, #tpu.memory_space<vmem>>
      %dma_start3A_809 = tpu.memref_squeeze %dma_start3A_808 : memref<1x112xi32, #tpu.memory_space<vmem>> -> memref<112xi32, #tpu.memory_space<vmem>>
      %dma_start3A_810 = arith.constant 0 : i32
      %dma_start3A_811 = arith.constant 0 : i32
      %dma_start3A_812 = tpu.memref_slice %arg2[%dma_start3A_810, %dma_start3A_811] : memref<20000x128xf32, #tpu.memory_space<hbm>> -> memref<20000x128xf32, #tpu.memory_space<hbm>>
      tpu.enqueue_indirect_dma source(%dma_start3A_812 : memref<20000x128xf32, #tpu.memory_space<hbm>>) target(%dma_start3A_806 : memref<112x128xf32, #tpu.memory_space<vmem>>) offsets(%dma_start3A_809 : memref<112xi32, #tpu.memory_space<vmem>>) semaphore(%arg16 : memref<!tpu.dma_semaphore, #tpu.memory_space<semaphore_mem>>)
      %dma_wait3A_813 = arith.constant 0 : i32
      %dma_wait3A_814 = arith.constant 0 : i32
      %dma_wait3A_815 = arith.constant 0 : i32
      %dma_wait3A_816 = arith.constant 0 : i32
      %dma_wait3A_817 = tpu.memref_slice %arg9[%dma_wait3A_814, %dma_wait3A_815, %dma_wait3A_816] : memref<3x112x128xf32, #tpu.memory_space<vmem>> -> memref<1x112x128xf32, #tpu.memory_space<vmem>>
      %dma_wait3A_818 = tpu.memref_squeeze %dma_wait3A_817 : memref<1x112x128xf32, #tpu.memory_space<vmem>> -> memref<112x128xf32, #tpu.memory_space<vmem>>
      %dma_wait3A_819 = arith.constant 0 : i32
      %dma_wait3A_820 = tpu.memref_slice %arg7[%dma_wait3A_813, %dma_wait3A_819] : memref<3x112xi32, #tpu.memory_space<vmem>> -> memref<1x112xi32, #tpu.memory_space<vmem>>
      %dma_wait3A_821 = tpu.memref_squeeze %dma_wait3A_820 : memref<1x112xi32, #tpu.memory_space<vmem>> -> memref<112xi32, #tpu.memory_space<vmem>>
      %dma_wait3A_822 = arith.constant 0 : i32
      %dma_wait3A_823 = arith.constant 0 : i32
      %dma_wait3A_824 = tpu.memref_slice %arg2[%dma_wait3A_822, %dma_wait3A_823] : memref<20000x128xf32, #tpu.memory_space<hbm>> -> memref<20000x128xf32, #tpu.memory_space<hbm>>
      tpu.wait_indirect_dma semaphore(%arg14 : memref<!tpu.dma_semaphore, #tpu.memory_space<semaphore_mem>>) src(%dma_wait3A_824 : memref<20000x128xf32, #tpu.memory_space<hbm>>) dst(%dma_wait3A_818 : memref<112x128xf32, #tpu.memory_space<vmem>>)
      %dma_start3A_825 = arith.constant 0 : i32
      %dma_start3A_826 = arith.constant 0 : i32
      %dma_start3A_827 = arith.constant 0 : i32
      %dma_start3A_828 = arith.constant 0 : i32
      %dma_start3A_829 = tpu.memref_slice %arg9[%dma_start3A_825, %dma_start3A_827, %dma_start3A_828] : memref<3x112x128xf32, #tpu.memory_space<vmem>> -> memref<1x112x128xf32, #tpu.memory_space<vmem>>
      %dma_start3A_830 = tpu.memref_squeeze %dma_start3A_829 : memref<1x112x128xf32, #tpu.memory_space<vmem>> -> memref<112x128xf32, #tpu.memory_space<vmem>>
      %dma_start3A_831 = arith.constant 0 : i32
      %dma_start3A_832 = tpu.memref_slice %arg8[%dma_start3A_826, %dma_start3A_831] : memref<3x112xi32, #tpu.memory_space<vmem>> -> memref<1x112xi32, #tpu.memory_space<vmem>>
      %dma_start3A_833 = tpu.memref_squeeze %dma_start3A_832 : memref<1x112xi32, #tpu.memory_space<vmem>> -> memref<112xi32, #tpu.memory_space<vmem>>
      %dma_start3A_834 = arith.constant 0 : i32
      %dma_start3A_835 = arith.constant 0 : i32
      %dma_start3A_836 = tpu.memref_slice %arg10[%dma_start3A_834, %dma_start3A_835] : memref<10112x128xf32, #tpu.memory_space<vmem_shared>> -> memref<10112x128xf32, #tpu.memory_space<vmem_shared>>
      tpu.enqueue_indirect_dma source(%dma_start3A_830 : memref<112x128xf32, #tpu.memory_space<vmem>>) target(%dma_start3A_836 : memref<10112x128xf32, #tpu.memory_space<vmem_shared>>) offsets(%dma_start3A_833 : memref<112xi32, #tpu.memory_space<vmem>>) semaphore(%arg17 : memref<!tpu.dma_semaphore, #tpu.memory_space<semaphore_mem>>) {add = true}
      %dma_wait3A_837 = arith.constant 0 : i32
      %dma_wait3A_838 = arith.constant 0 : i32
      %dma_wait3A_839 = arith.constant 0 : i32
      %dma_wait3A_840 = arith.constant 0 : i32
      %dma_wait3A_841 = tpu.memref_slice %arg9[%dma_wait3A_837, %dma_wait3A_839, %dma_wait3A_840] : memref<3x112x128xf32, #tpu.memory_space<vmem>> -> memref<1x112x128xf32, #tpu.memory_space<vmem>>
      %dma_wait3A_842 = tpu.memref_squeeze %dma_wait3A_841 : memref<1x112x128xf32, #tpu.memory_space<vmem>> -> memref<112x128xf32, #tpu.memory_space<vmem>>
      %dma_wait3A_843 = arith.constant 0 : i32
      %dma_wait3A_844 = tpu.memref_slice %arg8[%dma_wait3A_838, %dma_wait3A_843] : memref<3x112xi32, #tpu.memory_space<vmem>> -> memref<1x112xi32, #tpu.memory_space<vmem>>
      %dma_wait3A_845 = tpu.memref_squeeze %dma_wait3A_844 : memref<1x112xi32, #tpu.memory_space<vmem>> -> memref<112xi32, #tpu.memory_space<vmem>>
      %dma_wait3A_846 = arith.constant 0 : i32
      %dma_wait3A_847 = arith.constant 0 : i32
      %dma_wait3A_848 = tpu.memref_slice %arg10[%dma_wait3A_846, %dma_wait3A_847] : memref<10112x128xf32, #tpu.memory_space<vmem_shared>> -> memref<10112x128xf32, #tpu.memory_space<vmem_shared>>
      tpu.wait_indirect_dma semaphore(%arg17 : memref<!tpu.dma_semaphore, #tpu.memory_space<semaphore_mem>>) src(%dma_wait3A_842 : memref<112x128xf32, #tpu.memory_space<vmem>>) dst(%dma_wait3A_848 : memref<10112x128xf32, #tpu.memory_space<vmem_shared>>)
      %add3A_849 = arith.constant 1 : i32
      %add3A_850 = arith.addi %add3A_776, %add3A_849 : i32
      %mul3A_851 = arith.constant 112 : i32
      %mul3A_852 = arith.muli %add3A_850, %mul3A_851 : i32
      %add3A_853 = arith.addi %add3A, %mul3A_852 : i32
      %mul3A_854 = arith.constant 112 : i32
      %mul3A_855 = arith.muli %add3A_850, %mul3A_854 : i32
      %add3A_856 = arith.addi %add3A_7, %mul3A_855 : i32
      %dma_start3A_857 = arith.constant 0 : i32
      %dma_start3A_858 = arith.constant 0 : i32
      %dma_start3A_859 = tpu.memref_slice %arg7[%dma_start3A_857, %dma_start3A_858] : memref<3x112xi32, #tpu.memory_space<vmem>> -> memref<1x112xi32, #tpu.memory_space<vmem>>
      %dma_start3A_860 = tpu.memref_squeeze %dma_start3A_859 : memref<1x112xi32, #tpu.memory_space<vmem>> -> memref<112xi32, #tpu.memory_space<vmem>>
      %dma_start3A_861 = tpu.memref_slice %arg3[%add3A_853] : memref<322560xi32, #tpu.memory_space<hbm>> -> memref<112xi32, #tpu.memory_space<hbm>>
      %dma_start3A_862 = arith.constant 0 : i32
      %dma_start3A_863 = tpu.memref_slice %arg7[%dma_start3A_857, %dma_start3A_862] : memref<3x112xi32, #tpu.memory_space<vmem>> -> memref<1x112xi32, #tpu.memory_space<vmem>>
      %dma_start3A_864 = tpu.memref_squeeze %dma_start3A_863 : memref<1x112xi32, #tpu.memory_space<vmem>> -> memref<112xi32, #tpu.memory_space<vmem>>
      %dma_start3A_865 = tpu.memref_slice %arg3[%add3A_853] : memref<322560xi32, #tpu.memory_space<hbm>> -> memref<112xi32, #tpu.memory_space<hbm>>
      tpu.enqueue_dma source(%dma_start3A_865 : memref<112xi32, #tpu.memory_space<hbm>>) target(%dma_start3A_864 : memref<112xi32, #tpu.memory_space<vmem>>) target_semaphore(%arg11 : memref<!tpu.dma_semaphore, #tpu.memory_space<semaphore_mem>>)
      %dma_start3A_866 = arith.constant 0 : i32
      %dma_start3A_867 = arith.constant 0 : i32
      %dma_start3A_868 = tpu.memref_slice %arg8[%dma_start3A_866, %dma_start3A_867] : memref<3x112xi32, #tpu.memory_space<vmem>> -> memref<1x112xi32, #tpu.memory_space<vmem>>
      %dma_start3A_869 = tpu.memref_squeeze %dma_start3A_868 : memref<1x112xi32, #tpu.memory_space<vmem>> -> memref<112xi32, #tpu.memory_space<vmem>>
      %dma_start3A_870 = tpu.memref_slice %arg4[%add3A_856] : memref<322560xi32, #tpu.memory_space<hbm>> -> memref<112xi32, #tpu.memory_space<hbm>>
      %dma_start3A_871 = arith.constant 0 : i32
      %dma_start3A_872 = tpu.memref_slice %arg8[%dma_start3A_866, %dma_start3A_871] : memref<3x112xi32, #tpu.memory_space<vmem>> -> memref<1x112xi32, #tpu.memory_space<vmem>>
      %dma_start3A_873 = tpu.memref_squeeze %dma_start3A_872 : memref<1x112xi32, #tpu.memory_space<vmem>> -> memref<112xi32, #tpu.memory_space<vmem>>
      %dma_start3A_874 = tpu.memref_slice %arg4[%add3A_856] : memref<322560xi32, #tpu.memory_space<hbm>> -> memref<112xi32, #tpu.memory_space<hbm>>
      tpu.enqueue_dma source(%dma_start3A_874 : memref<112xi32, #tpu.memory_space<hbm>>) target(%dma_start3A_873 : memref<112xi32, #tpu.memory_space<vmem>>) target_semaphore(%arg11 : memref<!tpu.dma_semaphore, #tpu.memory_space<semaphore_mem>>)
    }
    %scan3A_240 = arith.constant 28 : i32
    %add3A_241 = arith.constant 9744 : i32
    %add3A_242 = arith.addi %add3A, %add3A_241 : i32
    %add3A_243 = arith.constant 9744 : i32
    %add3A_244 = arith.addi %add3A_7, %add3A_243 : i32
    %dma_wait3A_245 = arith.constant 0 : i32
    %dma_wait3A_246 = arith.constant 0 : i32
    %dma_wait3A_247 = tpu.memref_slice %arg7[%dma_wait3A_245, %dma_wait3A_246] : memref<3x112xi32, #tpu.memory_space<vmem>> -> memref<1x112xi32, #tpu.memory_space<vmem>>
    %dma_wait3A_248 = tpu.memref_squeeze %dma_wait3A_247 : memref<1x112xi32, #tpu.memory_space<vmem>> -> memref<112xi32, #tpu.memory_space<vmem>>
    %dma_wait3A_249 = tpu.memref_slice %arg3[%add3A_242] : memref<322560xi32, #tpu.memory_space<hbm>> -> memref<112xi32, #tpu.memory_space<hbm>>
    %dma_wait3A_250 = arith.constant 0 : i32
    %dma_wait3A_251 = tpu.memref_slice %arg7[%dma_wait3A_245, %dma_wait3A_250] : memref<3x112xi32, #tpu.memory_space<vmem>> -> memref<1x112xi32, #tpu.memory_space<vmem>>
    %dma_wait3A_252 = tpu.memref_squeeze %dma_wait3A_251 : memref<1x112xi32, #tpu.memory_space<vmem>> -> memref<112xi32, #tpu.memory_space<vmem>>
    %dma_wait3A_253 = tpu.memref_slice %arg3[%add3A_242] : memref<322560xi32, #tpu.memory_space<hbm>> -> memref<112xi32, #tpu.memory_space<hbm>>
    tpu.wait_dma2 semaphore(%arg11 : memref<!tpu.dma_semaphore, #tpu.memory_space<semaphore_mem>>) src(%dma_wait3A_253 : memref<112xi32, #tpu.memory_space<hbm>>) dst(%dma_wait3A_252 : memref<112xi32, #tpu.memory_space<vmem>>)
    %dma_wait3A_254 = arith.constant 0 : i32
    %dma_wait3A_255 = arith.constant 0 : i32
    %dma_wait3A_256 = tpu.memref_slice %arg8[%dma_wait3A_254, %dma_wait3A_255] : memref<3x112xi32, #tpu.memory_space<vmem>> -> memref<1x112xi32, #tpu.memory_space<vmem>>
    %dma_wait3A_257 = tpu.memref_squeeze %dma_wait3A_256 : memref<1x112xi32, #tpu.memory_space<vmem>> -> memref<112xi32, #tpu.memory_space<vmem>>
    %dma_wait3A_258 = tpu.memref_slice %arg4[%add3A_244] : memref<322560xi32, #tpu.memory_space<hbm>> -> memref<112xi32, #tpu.memory_space<hbm>>
    %dma_wait3A_259 = arith.constant 0 : i32
    %dma_wait3A_260 = tpu.memref_slice %arg8[%dma_wait3A_254, %dma_wait3A_259] : memref<3x112xi32, #tpu.memory_space<vmem>> -> memref<1x112xi32, #tpu.memory_space<vmem>>
    %dma_wait3A_261 = tpu.memref_squeeze %dma_wait3A_260 : memref<1x112xi32, #tpu.memory_space<vmem>> -> memref<112xi32, #tpu.memory_space<vmem>>
    %dma_wait3A_262 = tpu.memref_slice %arg4[%add3A_244] : memref<322560xi32, #tpu.memory_space<hbm>> -> memref<112xi32, #tpu.memory_space<hbm>>
    tpu.wait_dma2 semaphore(%arg11 : memref<!tpu.dma_semaphore, #tpu.memory_space<semaphore_mem>>) src(%dma_wait3A_262 : memref<112xi32, #tpu.memory_space<hbm>>) dst(%dma_wait3A_261 : memref<112xi32, #tpu.memory_space<vmem>>)
    %dma_start3A_263 = arith.constant 0 : i32
    %dma_start3A_264 = arith.constant 0 : i32
    %dma_start3A_265 = arith.constant 0 : i32
    %dma_start3A_266 = arith.constant 0 : i32
    %dma_start3A_267 = tpu.memref_slice %arg9[%dma_start3A_264, %dma_start3A_265, %dma_start3A_266] : memref<3x112x128xf32, #tpu.memory_space<vmem>> -> memref<1x112x128xf32, #tpu.memory_space<vmem>>
    %dma_start3A_268 = tpu.memref_squeeze %dma_start3A_267 : memref<1x112x128xf32, #tpu.memory_space<vmem>> -> memref<112x128xf32, #tpu.memory_space<vmem>>
    %dma_start3A_269 = arith.constant 0 : i32
    %dma_start3A_270 = tpu.memref_slice %arg7[%dma_start3A_263, %dma_start3A_269] : memref<3x112xi32, #tpu.memory_space<vmem>> -> memref<1x112xi32, #tpu.memory_space<vmem>>
    %dma_start3A_271 = tpu.memref_squeeze %dma_start3A_270 : memref<1x112xi32, #tpu.memory_space<vmem>> -> memref<112xi32, #tpu.memory_space<vmem>>
    %dma_start3A_272 = arith.constant 0 : i32
    %dma_start3A_273 = arith.constant 0 : i32
    %dma_start3A_274 = tpu.memref_slice %arg2[%dma_start3A_272, %dma_start3A_273] : memref<20000x128xf32, #tpu.memory_space<hbm>> -> memref<20000x128xf32, #tpu.memory_space<hbm>>
    tpu.enqueue_indirect_dma source(%dma_start3A_274 : memref<20000x128xf32, #tpu.memory_space<hbm>>) target(%dma_start3A_268 : memref<112x128xf32, #tpu.memory_space<vmem>>) offsets(%dma_start3A_271 : memref<112xi32, #tpu.memory_space<vmem>>) semaphore(%arg14 : memref<!tpu.dma_semaphore, #tpu.memory_space<semaphore_mem>>)
    %dma_wait3A_275 = arith.constant 1 : i32
    %dma_wait3A_276 = arith.constant 1 : i32
    %dma_wait3A_277 = arith.constant 0 : i32
    %dma_wait3A_278 = arith.constant 0 : i32
    %dma_wait3A_279 = tpu.memref_slice %arg9[%dma_wait3A_276, %dma_wait3A_277, %dma_wait3A_278] : memref<3x112x128xf32, #tpu.memory_space<vmem>> -> memref<1x112x128xf32, #tpu.memory_space<vmem>>
    %dma_wait3A_280 = tpu.memref_squeeze %dma_wait3A_279 : memref<1x112x128xf32, #tpu.memory_space<vmem>> -> memref<112x128xf32, #tpu.memory_space<vmem>>
    %dma_wait3A_281 = arith.constant 0 : i32
    %dma_wait3A_282 = tpu.memref_slice %arg7[%dma_wait3A_275, %dma_wait3A_281] : memref<3x112xi32, #tpu.memory_space<vmem>> -> memref<1x112xi32, #tpu.memory_space<vmem>>
    %dma_wait3A_283 = tpu.memref_squeeze %dma_wait3A_282 : memref<1x112xi32, #tpu.memory_space<vmem>> -> memref<112xi32, #tpu.memory_space<vmem>>
    %dma_wait3A_284 = arith.constant 0 : i32
    %dma_wait3A_285 = arith.constant 0 : i32
    %dma_wait3A_286 = tpu.memref_slice %arg2[%dma_wait3A_284, %dma_wait3A_285] : memref<20000x128xf32, #tpu.memory_space<hbm>> -> memref<20000x128xf32, #tpu.memory_space<hbm>>
    tpu.wait_indirect_dma semaphore(%arg15 : memref<!tpu.dma_semaphore, #tpu.memory_space<semaphore_mem>>) src(%dma_wait3A_286 : memref<20000x128xf32, #tpu.memory_space<hbm>>) dst(%dma_wait3A_280 : memref<112x128xf32, #tpu.memory_space<vmem>>)
    %dma_start3A_287 = arith.constant 1 : i32
    %dma_start3A_288 = arith.constant 1 : i32
    %dma_start3A_289 = arith.constant 0 : i32
    %dma_start3A_290 = arith.constant 0 : i32
    %dma_start3A_291 = tpu.memref_slice %arg9[%dma_start3A_287, %dma_start3A_289, %dma_start3A_290] : memref<3x112x128xf32, #tpu.memory_space<vmem>> -> memref<1x112x128xf32, #tpu.memory_space<vmem>>
    %dma_start3A_292 = tpu.memref_squeeze %dma_start3A_291 : memref<1x112x128xf32, #tpu.memory_space<vmem>> -> memref<112x128xf32, #tpu.memory_space<vmem>>
    %dma_start3A_293 = arith.constant 0 : i32
    %dma_start3A_294 = tpu.memref_slice %arg8[%dma_start3A_288, %dma_start3A_293] : memref<3x112xi32, #tpu.memory_space<vmem>> -> memref<1x112xi32, #tpu.memory_space<vmem>>
    %dma_start3A_295 = tpu.memref_squeeze %dma_start3A_294 : memref<1x112xi32, #tpu.memory_space<vmem>> -> memref<112xi32, #tpu.memory_space<vmem>>
    %dma_start3A_296 = arith.constant 0 : i32
    %dma_start3A_297 = arith.constant 0 : i32
    %dma_start3A_298 = tpu.memref_slice %arg10[%dma_start3A_296, %dma_start3A_297] : memref<10112x128xf32, #tpu.memory_space<vmem_shared>> -> memref<10112x128xf32, #tpu.memory_space<vmem_shared>>
    tpu.enqueue_indirect_dma source(%dma_start3A_292 : memref<112x128xf32, #tpu.memory_space<vmem>>) target(%dma_start3A_298 : memref<10112x128xf32, #tpu.memory_space<vmem_shared>>) offsets(%dma_start3A_295 : memref<112xi32, #tpu.memory_space<vmem>>) semaphore(%arg18 : memref<!tpu.dma_semaphore, #tpu.memory_space<semaphore_mem>>) {add = true}
    %dma_wait3A_299 = arith.constant 1 : i32
    %dma_wait3A_300 = arith.constant 1 : i32
    %dma_wait3A_301 = arith.constant 0 : i32
    %dma_wait3A_302 = arith.constant 0 : i32
    %dma_wait3A_303 = tpu.memref_slice %arg9[%dma_wait3A_299, %dma_wait3A_301, %dma_wait3A_302] : memref<3x112x128xf32, #tpu.memory_space<vmem>> -> memref<1x112x128xf32, #tpu.memory_space<vmem>>
    %dma_wait3A_304 = tpu.memref_squeeze %dma_wait3A_303 : memref<1x112x128xf32, #tpu.memory_space<vmem>> -> memref<112x128xf32, #tpu.memory_space<vmem>>
    %dma_wait3A_305 = arith.constant 0 : i32
    %dma_wait3A_306 = tpu.memref_slice %arg8[%dma_wait3A_300, %dma_wait3A_305] : memref<3x112xi32, #tpu.memory_space<vmem>> -> memref<1x112xi32, #tpu.memory_space<vmem>>
    %dma_wait3A_307 = tpu.memref_squeeze %dma_wait3A_306 : memref<1x112xi32, #tpu.memory_space<vmem>> -> memref<112xi32, #tpu.memory_space<vmem>>
    %dma_wait3A_308 = arith.constant 0 : i32
    %dma_wait3A_309 = arith.constant 0 : i32
    %dma_wait3A_310 = tpu.memref_slice %arg10[%dma_wait3A_308, %dma_wait3A_309] : memref<10112x128xf32, #tpu.memory_space<vmem_shared>> -> memref<10112x128xf32, #tpu.memory_space<vmem_shared>>
    tpu.wait_indirect_dma semaphore(%arg18 : memref<!tpu.dma_semaphore, #tpu.memory_space<semaphore_mem>>) src(%dma_wait3A_304 : memref<112x128xf32, #tpu.memory_space<vmem>>) dst(%dma_wait3A_310 : memref<10112x128xf32, #tpu.memory_space<vmem_shared>>)
    %add3A_311 = arith.constant 9856 : i32
    %add3A_312 = arith.addi %add3A, %add3A_311 : i32
    %add3A_313 = arith.constant 9856 : i32
    %add3A_314 = arith.addi %add3A_7, %add3A_313 : i32
    %dma_start3A_315 = arith.constant 1 : i32
    %dma_start3A_316 = arith.constant 0 : i32
    %dma_start3A_317 = tpu.memref_slice %arg7[%dma_start3A_315, %dma_start3A_316] : memref<3x112xi32, #tpu.memory_space<vmem>> -> memref<1x112xi32, #tpu.memory_space<vmem>>
    %dma_start3A_318 = tpu.memref_squeeze %dma_start3A_317 : memref<1x112xi32, #tpu.memory_space<vmem>> -> memref<112xi32, #tpu.memory_space<vmem>>
    %dma_start3A_319 = tpu.memref_slice %arg3[%add3A_312] : memref<322560xi32, #tpu.memory_space<hbm>> -> memref<112xi32, #tpu.memory_space<hbm>>
    %dma_start3A_320 = arith.constant 0 : i32
    %dma_start3A_321 = tpu.memref_slice %arg7[%dma_start3A_315, %dma_start3A_320] : memref<3x112xi32, #tpu.memory_space<vmem>> -> memref<1x112xi32, #tpu.memory_space<vmem>>
    %dma_start3A_322 = tpu.memref_squeeze %dma_start3A_321 : memref<1x112xi32, #tpu.memory_space<vmem>> -> memref<112xi32, #tpu.memory_space<vmem>>
    %dma_start3A_323 = tpu.memref_slice %arg3[%add3A_312] : memref<322560xi32, #tpu.memory_space<hbm>> -> memref<112xi32, #tpu.memory_space<hbm>>
    tpu.enqueue_dma source(%dma_start3A_323 : memref<112xi32, #tpu.memory_space<hbm>>) target(%dma_start3A_322 : memref<112xi32, #tpu.memory_space<vmem>>) target_semaphore(%arg12 : memref<!tpu.dma_semaphore, #tpu.memory_space<semaphore_mem>>)
    %dma_start3A_324 = arith.constant 1 : i32
    %dma_start3A_325 = arith.constant 0 : i32
    %dma_start3A_326 = tpu.memref_slice %arg8[%dma_start3A_324, %dma_start3A_325] : memref<3x112xi32, #tpu.memory_space<vmem>> -> memref<1x112xi32, #tpu.memory_space<vmem>>
    %dma_start3A_327 = tpu.memref_squeeze %dma_start3A_326 : memref<1x112xi32, #tpu.memory_space<vmem>> -> memref<112xi32, #tpu.memory_space<vmem>>
    %dma_start3A_328 = tpu.memref_slice %arg4[%add3A_314] : memref<322560xi32, #tpu.memory_space<hbm>> -> memref<112xi32, #tpu.memory_space<hbm>>
    %dma_start3A_329 = arith.constant 0 : i32
    %dma_start3A_330 = tpu.memref_slice %arg8[%dma_start3A_324, %dma_start3A_329] : memref<3x112xi32, #tpu.memory_space<vmem>> -> memref<1x112xi32, #tpu.memory_space<vmem>>
    %dma_start3A_331 = tpu.memref_squeeze %dma_start3A_330 : memref<1x112xi32, #tpu.memory_space<vmem>> -> memref<112xi32, #tpu.memory_space<vmem>>
    %dma_start3A_332 = tpu.memref_slice %arg4[%add3A_314] : memref<322560xi32, #tpu.memory_space<hbm>> -> memref<112xi32, #tpu.memory_space<hbm>>
    tpu.enqueue_dma source(%dma_start3A_332 : memref<112xi32, #tpu.memory_space<hbm>>) target(%dma_start3A_331 : memref<112xi32, #tpu.memory_space<vmem>>) target_semaphore(%arg12 : memref<!tpu.dma_semaphore, #tpu.memory_space<semaphore_mem>>)
    %add3A_333 = arith.constant 9856 : i32
    %add3A_334 = arith.addi %add3A, %add3A_333 : i32
    %add3A_335 = arith.constant 9856 : i32
    %add3A_336 = arith.addi %add3A_7, %add3A_335 : i32
    %dma_wait3A_337 = arith.constant 1 : i32
    %dma_wait3A_338 = arith.constant 0 : i32
    %dma_wait3A_339 = tpu.memref_slice %arg7[%dma_wait3A_337, %dma_wait3A_338] : memref<3x112xi32, #tpu.memory_space<vmem>> -> memref<1x112xi32, #tpu.memory_space<vmem>>
    %dma_wait3A_340 = tpu.memref_squeeze %dma_wait3A_339 : memref<1x112xi32, #tpu.memory_space<vmem>> -> memref<112xi32, #tpu.memory_space<vmem>>
    %dma_wait3A_341 = tpu.memref_slice %arg3[%add3A_334] : memref<322560xi32, #tpu.memory_space<hbm>> -> memref<112xi32, #tpu.memory_space<hbm>>
    %dma_wait3A_342 = arith.constant 0 : i32
    %dma_wait3A_343 = tpu.memref_slice %arg7[%dma_wait3A_337, %dma_wait3A_342] : memref<3x112xi32, #tpu.memory_space<vmem>> -> memref<1x112xi32, #tpu.memory_space<vmem>>
    %dma_wait3A_344 = tpu.memref_squeeze %dma_wait3A_343 : memref<1x112xi32, #tpu.memory_space<vmem>> -> memref<112xi32, #tpu.memory_space<vmem>>
    %dma_wait3A_345 = tpu.memref_slice %arg3[%add3A_334] : memref<322560xi32, #tpu.memory_space<hbm>> -> memref<112xi32, #tpu.memory_space<hbm>>
    tpu.wait_dma2 semaphore(%arg12 : memref<!tpu.dma_semaphore, #tpu.memory_space<semaphore_mem>>) src(%dma_wait3A_345 : memref<112xi32, #tpu.memory_space<hbm>>) dst(%dma_wait3A_344 : memref<112xi32, #tpu.memory_space<vmem>>)
    %dma_wait3A_346 = arith.constant 1 : i32
    %dma_wait3A_347 = arith.constant 0 : i32
    %dma_wait3A_348 = tpu.memref_slice %arg8[%dma_wait3A_346, %dma_wait3A_347] : memref<3x112xi32, #tpu.memory_space<vmem>> -> memref<1x112xi32, #tpu.memory_space<vmem>>
    %dma_wait3A_349 = tpu.memref_squeeze %dma_wait3A_348 : memref<1x112xi32, #tpu.memory_space<vmem>> -> memref<112xi32, #tpu.memory_space<vmem>>
    %dma_wait3A_350 = tpu.memref_slice %arg4[%add3A_336] : memref<322560xi32, #tpu.memory_space<hbm>> -> memref<112xi32, #tpu.memory_space<hbm>>
    %dma_wait3A_351 = arith.constant 0 : i32
    %dma_wait3A_352 = tpu.memref_slice %arg8[%dma_wait3A_346, %dma_wait3A_351] : memref<3x112xi32, #tpu.memory_space<vmem>> -> memref<1x112xi32, #tpu.memory_space<vmem>>
    %dma_wait3A_353 = tpu.memref_squeeze %dma_wait3A_352 : memref<1x112xi32, #tpu.memory_space<vmem>> -> memref<112xi32, #tpu.memory_space<vmem>>
    %dma_wait3A_354 = tpu.memref_slice %arg4[%add3A_336] : memref<322560xi32, #tpu.memory_space<hbm>> -> memref<112xi32, #tpu.memory_space<hbm>>
    tpu.wait_dma2 semaphore(%arg12 : memref<!tpu.dma_semaphore, #tpu.memory_space<semaphore_mem>>) src(%dma_wait3A_354 : memref<112xi32, #tpu.memory_space<hbm>>) dst(%dma_wait3A_353 : memref<112xi32, #tpu.memory_space<vmem>>)
    %dma_start3A_355 = arith.constant 1 : i32
    %dma_start3A_356 = arith.constant 1 : i32
    %dma_start3A_357 = arith.constant 0 : i32
    %dma_start3A_358 = arith.constant 0 : i32
    %dma_start3A_359 = tpu.memref_slice %arg9[%dma_start3A_356, %dma_start3A_357, %dma_start3A_358] : memref<3x112x128xf32, #tpu.memory_space<vmem>> -> memref<1x112x128xf32, #tpu.memory_space<vmem>>
    %dma_start3A_360 = tpu.memref_squeeze %dma_start3A_359 : memref<1x112x128xf32, #tpu.memory_space<vmem>> -> memref<112x128xf32, #tpu.memory_space<vmem>>
    %dma_start3A_361 = arith.constant 0 : i32
    %dma_start3A_362 = tpu.memref_slice %arg7[%dma_start3A_355, %dma_start3A_361] : memref<3x112xi32, #tpu.memory_space<vmem>> -> memref<1x112xi32, #tpu.memory_space<vmem>>
    %dma_start3A_363 = tpu.memref_squeeze %dma_start3A_362 : memref<1x112xi32, #tpu.memory_space<vmem>> -> memref<112xi32, #tpu.memory_space<vmem>>
    %dma_start3A_364 = arith.constant 0 : i32
    %dma_start3A_365 = arith.constant 0 : i32
    %dma_start3A_366 = tpu.memref_slice %arg2[%dma_start3A_364, %dma_start3A_365] : memref<20000x128xf32, #tpu.memory_space<hbm>> -> memref<20000x128xf32, #tpu.memory_space<hbm>>
    tpu.enqueue_indirect_dma source(%dma_start3A_366 : memref<20000x128xf32, #tpu.memory_space<hbm>>) target(%dma_start3A_360 : memref<112x128xf32, #tpu.memory_space<vmem>>) offsets(%dma_start3A_363 : memref<112xi32, #tpu.memory_space<vmem>>) semaphore(%arg15 : memref<!tpu.dma_semaphore, #tpu.memory_space<semaphore_mem>>)
    %dma_wait3A_367 = arith.constant 2 : i32
    %dma_wait3A_368 = arith.constant 2 : i32
    %dma_wait3A_369 = arith.constant 0 : i32
    %dma_wait3A_370 = arith.constant 0 : i32
    %dma_wait3A_371 = tpu.memref_slice %arg9[%dma_wait3A_368, %dma_wait3A_369, %dma_wait3A_370] : memref<3x112x128xf32, #tpu.memory_space<vmem>> -> memref<1x112x128xf32, #tpu.memory_space<vmem>>
    %dma_wait3A_372 = tpu.memref_squeeze %dma_wait3A_371 : memref<1x112x128xf32, #tpu.memory_space<vmem>> -> memref<112x128xf32, #tpu.memory_space<vmem>>
    %dma_wait3A_373 = arith.constant 0 : i32
    %dma_wait3A_374 = tpu.memref_slice %arg7[%dma_wait3A_367, %dma_wait3A_373] : memref<3x112xi32, #tpu.memory_space<vmem>> -> memref<1x112xi32, #tpu.memory_space<vmem>>
    %dma_wait3A_375 = tpu.memref_squeeze %dma_wait3A_374 : memref<1x112xi32, #tpu.memory_space<vmem>> -> memref<112xi32, #tpu.memory_space<vmem>>
    %dma_wait3A_376 = arith.constant 0 : i32
    %dma_wait3A_377 = arith.constant 0 : i32
    %dma_wait3A_378 = tpu.memref_slice %arg2[%dma_wait3A_376, %dma_wait3A_377] : memref<20000x128xf32, #tpu.memory_space<hbm>> -> memref<20000x128xf32, #tpu.memory_space<hbm>>
    tpu.wait_indirect_dma semaphore(%arg16 : memref<!tpu.dma_semaphore, #tpu.memory_space<semaphore_mem>>) src(%dma_wait3A_378 : memref<20000x128xf32, #tpu.memory_space<hbm>>) dst(%dma_wait3A_372 : memref<112x128xf32, #tpu.memory_space<vmem>>)
    %dma_start3A_379 = arith.constant 2 : i32
    %dma_start3A_380 = arith.constant 2 : i32
    %dma_start3A_381 = arith.constant 0 : i32
    %dma_start3A_382 = arith.constant 0 : i32
    %dma_start3A_383 = tpu.memref_slice %arg9[%dma_start3A_379, %dma_start3A_381, %dma_start3A_382] : memref<3x112x128xf32, #tpu.memory_space<vmem>> -> memref<1x112x128xf32, #tpu.memory_space<vmem>>
    %dma_start3A_384 = tpu.memref_squeeze %dma_start3A_383 : memref<1x112x128xf32, #tpu.memory_space<vmem>> -> memref<112x128xf32, #tpu.memory_space<vmem>>
    %dma_start3A_385 = arith.constant 0 : i32
    %dma_start3A_386 = tpu.memref_slice %arg8[%dma_start3A_380, %dma_start3A_385] : memref<3x112xi32, #tpu.memory_space<vmem>> -> memref<1x112xi32, #tpu.memory_space<vmem>>
    %dma_start3A_387 = tpu.memref_squeeze %dma_start3A_386 : memref<1x112xi32, #tpu.memory_space<vmem>> -> memref<112xi32, #tpu.memory_space<vmem>>
    %dma_start3A_388 = arith.constant 0 : i32
    %dma_start3A_389 = arith.constant 0 : i32
    %dma_start3A_390 = tpu.memref_slice %arg10[%dma_start3A_388, %dma_start3A_389] : memref<10112x128xf32, #tpu.memory_space<vmem_shared>> -> memref<10112x128xf32, #tpu.memory_space<vmem_shared>>
    tpu.enqueue_indirect_dma source(%dma_start3A_384 : memref<112x128xf32, #tpu.memory_space<vmem>>) target(%dma_start3A_390 : memref<10112x128xf32, #tpu.memory_space<vmem_shared>>) offsets(%dma_start3A_387 : memref<112xi32, #tpu.memory_space<vmem>>) semaphore(%arg19 : memref<!tpu.dma_semaphore, #tpu.memory_space<semaphore_mem>>) {add = true}
    %dma_wait3A_391 = arith.constant 2 : i32
    %dma_wait3A_392 = arith.constant 2 : i32
    %dma_wait3A_393 = arith.constant 0 : i32
    %dma_wait3A_394 = arith.constant 0 : i32
    %dma_wait3A_395 = tpu.memref_slice %arg9[%dma_wait3A_391, %dma_wait3A_393, %dma_wait3A_394] : memref<3x112x128xf32, #tpu.memory_space<vmem>> -> memref<1x112x128xf32, #tpu.memory_space<vmem>>
    %dma_wait3A_396 = tpu.memref_squeeze %dma_wait3A_395 : memref<1x112x128xf32, #tpu.memory_space<vmem>> -> memref<112x128xf32, #tpu.memory_space<vmem>>
    %dma_wait3A_397 = arith.constant 0 : i32
    %dma_wait3A_398 = tpu.memref_slice %arg8[%dma_wait3A_392, %dma_wait3A_397] : memref<3x112xi32, #tpu.memory_space<vmem>> -> memref<1x112xi32, #tpu.memory_space<vmem>>
    %dma_wait3A_399 = tpu.memref_squeeze %dma_wait3A_398 : memref<1x112xi32, #tpu.memory_space<vmem>> -> memref<112xi32, #tpu.memory_space<vmem>>
    %dma_wait3A_400 = arith.constant 0 : i32
    %dma_wait3A_401 = arith.constant 0 : i32
    %dma_wait3A_402 = tpu.memref_slice %arg10[%dma_wait3A_400, %dma_wait3A_401] : memref<10112x128xf32, #tpu.memory_space<vmem_shared>> -> memref<10112x128xf32, #tpu.memory_space<vmem_shared>>
    tpu.wait_indirect_dma semaphore(%arg19 : memref<!tpu.dma_semaphore, #tpu.memory_space<semaphore_mem>>) src(%dma_wait3A_396 : memref<112x128xf32, #tpu.memory_space<vmem>>) dst(%dma_wait3A_402 : memref<10112x128xf32, #tpu.memory_space<vmem_shared>>)
    %add3A_403 = arith.constant 9968 : i32
    %add3A_404 = arith.addi %add3A, %add3A_403 : i32
    %add3A_405 = arith.constant 9968 : i32
    %add3A_406 = arith.addi %add3A_7, %add3A_405 : i32
    %dma_start3A_407 = arith.constant 2 : i32
    %dma_start3A_408 = arith.constant 0 : i32
    %dma_start3A_409 = tpu.memref_slice %arg7[%dma_start3A_407, %dma_start3A_408] : memref<3x112xi32, #tpu.memory_space<vmem>> -> memref<1x112xi32, #tpu.memory_space<vmem>>
    %dma_start3A_410 = tpu.memref_squeeze %dma_start3A_409 : memref<1x112xi32, #tpu.memory_space<vmem>> -> memref<112xi32, #tpu.memory_space<vmem>>
    %dma_start3A_411 = tpu.memref_slice %arg3[%add3A_404] : memref<322560xi32, #tpu.memory_space<hbm>> -> memref<112xi32, #tpu.memory_space<hbm>>
    %dma_start3A_412 = arith.constant 0 : i32
    %dma_start3A_413 = tpu.memref_slice %arg7[%dma_start3A_407, %dma_start3A_412] : memref<3x112xi32, #tpu.memory_space<vmem>> -> memref<1x112xi32, #tpu.memory_space<vmem>>
    %dma_start3A_414 = tpu.memref_squeeze %dma_start3A_413 : memref<1x112xi32, #tpu.memory_space<vmem>> -> memref<112xi32, #tpu.memory_space<vmem>>
    %dma_start3A_415 = tpu.memref_slice %arg3[%add3A_404] : memref<322560xi32, #tpu.memory_space<hbm>> -> memref<112xi32, #tpu.memory_space<hbm>>
    tpu.enqueue_dma source(%dma_start3A_415 : memref<112xi32, #tpu.memory_space<hbm>>) target(%dma_start3A_414 : memref<112xi32, #tpu.memory_space<vmem>>) target_semaphore(%arg13 : memref<!tpu.dma_semaphore, #tpu.memory_space<semaphore_mem>>)
    %dma_start3A_416 = arith.constant 2 : i32
    %dma_start3A_417 = arith.constant 0 : i32
    %dma_start3A_418 = tpu.memref_slice %arg8[%dma_start3A_416, %dma_start3A_417] : memref<3x112xi32, #tpu.memory_space<vmem>> -> memref<1x112xi32, #tpu.memory_space<vmem>>
    %dma_start3A_419 = tpu.memref_squeeze %dma_start3A_418 : memref<1x112xi32, #tpu.memory_space<vmem>> -> memref<112xi32, #tpu.memory_space<vmem>>
    %dma_start3A_420 = tpu.memref_slice %arg4[%add3A_406] : memref<322560xi32, #tpu.memory_space<hbm>> -> memref<112xi32, #tpu.memory_space<hbm>>
    %dma_start3A_421 = arith.constant 0 : i32
    %dma_start3A_422 = tpu.memref_slice %arg8[%dma_start3A_416, %dma_start3A_421] : memref<3x112xi32, #tpu.memory_space<vmem>> -> memref<1x112xi32, #tpu.memory_space<vmem>>
    %dma_start3A_423 = tpu.memref_squeeze %dma_start3A_422 : memref<1x112xi32, #tpu.memory_space<vmem>> -> memref<112xi32, #tpu.memory_space<vmem>>
    %dma_start3A_424 = tpu.memref_slice %arg4[%add3A_406] : memref<322560xi32, #tpu.memory_space<hbm>> -> memref<112xi32, #tpu.memory_space<hbm>>
    tpu.enqueue_dma source(%dma_start3A_424 : memref<112xi32, #tpu.memory_space<hbm>>) target(%dma_start3A_423 : memref<112xi32, #tpu.memory_space<vmem>>) target_semaphore(%arg13 : memref<!tpu.dma_semaphore, #tpu.memory_space<semaphore_mem>>)
    %add3A_425 = arith.constant 9968 : i32
    %add3A_426 = arith.addi %add3A, %add3A_425 : i32
    %add3A_427 = arith.constant 9968 : i32
    %add3A_428 = arith.addi %add3A_7, %add3A_427 : i32
    %dma_wait3A_429 = arith.constant 2 : i32
    %dma_wait3A_430 = arith.constant 0 : i32
    %dma_wait3A_431 = tpu.memref_slice %arg7[%dma_wait3A_429, %dma_wait3A_430] : memref<3x112xi32, #tpu.memory_space<vmem>> -> memref<1x112xi32, #tpu.memory_space<vmem>>
    %dma_wait3A_432 = tpu.memref_squeeze %dma_wait3A_431 : memref<1x112xi32, #tpu.memory_space<vmem>> -> memref<112xi32, #tpu.memory_space<vmem>>
    %dma_wait3A_433 = tpu.memref_slice %arg3[%add3A_426] : memref<322560xi32, #tpu.memory_space<hbm>> -> memref<112xi32, #tpu.memory_space<hbm>>
    %dma_wait3A_434 = arith.constant 0 : i32
    %dma_wait3A_435 = tpu.memref_slice %arg7[%dma_wait3A_429, %dma_wait3A_434] : memref<3x112xi32, #tpu.memory_space<vmem>> -> memref<1x112xi32, #tpu.memory_space<vmem>>
    %dma_wait3A_436 = tpu.memref_squeeze %dma_wait3A_435 : memref<1x112xi32, #tpu.memory_space<vmem>> -> memref<112xi32, #tpu.memory_space<vmem>>
    %dma_wait3A_437 = tpu.memref_slice %arg3[%add3A_426] : memref<322560xi32, #tpu.memory_space<hbm>> -> memref<112xi32, #tpu.memory_space<hbm>>
    tpu.wait_dma2 semaphore(%arg13 : memref<!tpu.dma_semaphore, #tpu.memory_space<semaphore_mem>>) src(%dma_wait3A_437 : memref<112xi32, #tpu.memory_space<hbm>>) dst(%dma_wait3A_436 : memref<112xi32, #tpu.memory_space<vmem>>)
    %dma_wait3A_438 = arith.constant 2 : i32
    %dma_wait3A_439 = arith.constant 0 : i32
    %dma_wait3A_440 = tpu.memref_slice %arg8[%dma_wait3A_438, %dma_wait3A_439] : memref<3x112xi32, #tpu.memory_space<vmem>> -> memref<1x112xi32, #tpu.memory_space<vmem>>
    %dma_wait3A_441 = tpu.memref_squeeze %dma_wait3A_440 : memref<1x112xi32, #tpu.memory_space<vmem>> -> memref<112xi32, #tpu.memory_space<vmem>>
    %dma_wait3A_442 = tpu.memref_slice %arg4[%add3A_428] : memref<322560xi32, #tpu.memory_space<hbm>> -> memref<112xi32, #tpu.memory_space<hbm>>
    %dma_wait3A_443 = arith.constant 0 : i32
    %dma_wait3A_444 = tpu.memref_slice %arg8[%dma_wait3A_438, %dma_wait3A_443] : memref<3x112xi32, #tpu.memory_space<vmem>> -> memref<1x112xi32, #tpu.memory_space<vmem>>
    %dma_wait3A_445 = tpu.memref_squeeze %dma_wait3A_444 : memref<1x112xi32, #tpu.memory_space<vmem>> -> memref<112xi32, #tpu.memory_space<vmem>>
    %dma_wait3A_446 = tpu.memref_slice %arg4[%add3A_428] : memref<322560xi32, #tpu.memory_space<hbm>> -> memref<112xi32, #tpu.memory_space<hbm>>
    tpu.wait_dma2 semaphore(%arg13 : memref<!tpu.dma_semaphore, #tpu.memory_space<semaphore_mem>>) src(%dma_wait3A_446 : memref<112xi32, #tpu.memory_space<hbm>>) dst(%dma_wait3A_445 : memref<112xi32, #tpu.memory_space<vmem>>)
    %dma_start3A_447 = arith.constant 2 : i32
    %dma_start3A_448 = arith.constant 2 : i32
    %dma_start3A_449 = arith.constant 0 : i32
    %dma_start3A_450 = arith.constant 0 : i32
    %dma_start3A_451 = tpu.memref_slice %arg9[%dma_start3A_448, %dma_start3A_449, %dma_start3A_450] : memref<3x112x128xf32, #tpu.memory_space<vmem>> -> memref<1x112x128xf32, #tpu.memory_space<vmem>>
    %dma_start3A_452 = tpu.memref_squeeze %dma_start3A_451 : memref<1x112x128xf32, #tpu.memory_space<vmem>> -> memref<112x128xf32, #tpu.memory_space<vmem>>
    %dma_start3A_453 = arith.constant 0 : i32
    %dma_start3A_454 = tpu.memref_slice %arg7[%dma_start3A_447, %dma_start3A_453] : memref<3x112xi32, #tpu.memory_space<vmem>> -> memref<1x112xi32, #tpu.memory_space<vmem>>
    %dma_start3A_455 = tpu.memref_squeeze %dma_start3A_454 : memref<1x112xi32, #tpu.memory_space<vmem>> -> memref<112xi32, #tpu.memory_space<vmem>>
    %dma_start3A_456 = arith.constant 0 : i32
    %dma_start3A_457 = arith.constant 0 : i32
    %dma_start3A_458 = tpu.memref_slice %arg2[%dma_start3A_456, %dma_start3A_457] : memref<20000x128xf32, #tpu.memory_space<hbm>> -> memref<20000x128xf32, #tpu.memory_space<hbm>>
    tpu.enqueue_indirect_dma source(%dma_start3A_458 : memref<20000x128xf32, #tpu.memory_space<hbm>>) target(%dma_start3A_452 : memref<112x128xf32, #tpu.memory_space<vmem>>) offsets(%dma_start3A_455 : memref<112xi32, #tpu.memory_space<vmem>>) semaphore(%arg16 : memref<!tpu.dma_semaphore, #tpu.memory_space<semaphore_mem>>)
    %dma_wait3A_459 = arith.constant 0 : i32
    %dma_wait3A_460 = arith.constant 0 : i32
    %dma_wait3A_461 = arith.constant 0 : i32
    %dma_wait3A_462 = arith.constant 0 : i32
    %dma_wait3A_463 = tpu.memref_slice %arg9[%dma_wait3A_460, %dma_wait3A_461, %dma_wait3A_462] : memref<3x112x128xf32, #tpu.memory_space<vmem>> -> memref<1x112x128xf32, #tpu.memory_space<vmem>>
    %dma_wait3A_464 = tpu.memref_squeeze %dma_wait3A_463 : memref<1x112x128xf32, #tpu.memory_space<vmem>> -> memref<112x128xf32, #tpu.memory_space<vmem>>
    %dma_wait3A_465 = arith.constant 0 : i32
    %dma_wait3A_466 = tpu.memref_slice %arg7[%dma_wait3A_459, %dma_wait3A_465] : memref<3x112xi32, #tpu.memory_space<vmem>> -> memref<1x112xi32, #tpu.memory_space<vmem>>
    %dma_wait3A_467 = tpu.memref_squeeze %dma_wait3A_466 : memref<1x112xi32, #tpu.memory_space<vmem>> -> memref<112xi32, #tpu.memory_space<vmem>>
    %dma_wait3A_468 = arith.constant 0 : i32
    %dma_wait3A_469 = arith.constant 0 : i32
    %dma_wait3A_470 = tpu.memref_slice %arg2[%dma_wait3A_468, %dma_wait3A_469] : memref<20000x128xf32, #tpu.memory_space<hbm>> -> memref<20000x128xf32, #tpu.memory_space<hbm>>
    tpu.wait_indirect_dma semaphore(%arg14 : memref<!tpu.dma_semaphore, #tpu.memory_space<semaphore_mem>>) src(%dma_wait3A_470 : memref<20000x128xf32, #tpu.memory_space<hbm>>) dst(%dma_wait3A_464 : memref<112x128xf32, #tpu.memory_space<vmem>>)
    %dma_start3A_471 = arith.constant 0 : i32
    %dma_start3A_472 = arith.constant 0 : i32
    %dma_start3A_473 = arith.constant 0 : i32
    %dma_start3A_474 = arith.constant 0 : i32
    %dma_start3A_475 = tpu.memref_slice %arg9[%dma_start3A_471, %dma_start3A_473, %dma_start3A_474] : memref<3x112x128xf32, #tpu.memory_space<vmem>> -> memref<1x112x128xf32, #tpu.memory_space<vmem>>
    %dma_start3A_476 = tpu.memref_squeeze %dma_start3A_475 : memref<1x112x128xf32, #tpu.memory_space<vmem>> -> memref<112x128xf32, #tpu.memory_space<vmem>>
    %dma_start3A_477 = arith.constant 0 : i32
    %dma_start3A_478 = tpu.memref_slice %arg8[%dma_start3A_472, %dma_start3A_477] : memref<3x112xi32, #tpu.memory_space<vmem>> -> memref<1x112xi32, #tpu.memory_space<vmem>>
    %dma_start3A_479 = tpu.memref_squeeze %dma_start3A_478 : memref<1x112xi32, #tpu.memory_space<vmem>> -> memref<112xi32, #tpu.memory_space<vmem>>
    %dma_start3A_480 = arith.constant 0 : i32
    %dma_start3A_481 = arith.constant 0 : i32
    %dma_start3A_482 = tpu.memref_slice %arg10[%dma_start3A_480, %dma_start3A_481] : memref<10112x128xf32, #tpu.memory_space<vmem_shared>> -> memref<10112x128xf32, #tpu.memory_space<vmem_shared>>
    tpu.enqueue_indirect_dma source(%dma_start3A_476 : memref<112x128xf32, #tpu.memory_space<vmem>>) target(%dma_start3A_482 : memref<10112x128xf32, #tpu.memory_space<vmem_shared>>) offsets(%dma_start3A_479 : memref<112xi32, #tpu.memory_space<vmem>>) semaphore(%arg17 : memref<!tpu.dma_semaphore, #tpu.memory_space<semaphore_mem>>) {add = true}
    %dma_wait3A_483 = arith.constant 1 : i32
    %dma_wait3A_484 = arith.constant 1 : i32
    %dma_wait3A_485 = arith.constant 0 : i32
    %dma_wait3A_486 = arith.constant 0 : i32
    %dma_wait3A_487 = tpu.memref_slice %arg9[%dma_wait3A_484, %dma_wait3A_485, %dma_wait3A_486] : memref<3x112x128xf32, #tpu.memory_space<vmem>> -> memref<1x112x128xf32, #tpu.memory_space<vmem>>
    %dma_wait3A_488 = tpu.memref_squeeze %dma_wait3A_487 : memref<1x112x128xf32, #tpu.memory_space<vmem>> -> memref<112x128xf32, #tpu.memory_space<vmem>>
    %dma_wait3A_489 = arith.constant 0 : i32
    %dma_wait3A_490 = tpu.memref_slice %arg7[%dma_wait3A_483, %dma_wait3A_489] : memref<3x112xi32, #tpu.memory_space<vmem>> -> memref<1x112xi32, #tpu.memory_space<vmem>>
    %dma_wait3A_491 = tpu.memref_squeeze %dma_wait3A_490 : memref<1x112xi32, #tpu.memory_space<vmem>> -> memref<112xi32, #tpu.memory_space<vmem>>
    %dma_wait3A_492 = arith.constant 0 : i32
    %dma_wait3A_493 = arith.constant 0 : i32
    %dma_wait3A_494 = tpu.memref_slice %arg2[%dma_wait3A_492, %dma_wait3A_493] : memref<20000x128xf32, #tpu.memory_space<hbm>> -> memref<20000x128xf32, #tpu.memory_space<hbm>>
    tpu.wait_indirect_dma semaphore(%arg15 : memref<!tpu.dma_semaphore, #tpu.memory_space<semaphore_mem>>) src(%dma_wait3A_494 : memref<20000x128xf32, #tpu.memory_space<hbm>>) dst(%dma_wait3A_488 : memref<112x128xf32, #tpu.memory_space<vmem>>)
    %dma_start3A_495 = arith.constant 1 : i32
    %dma_start3A_496 = arith.constant 1 : i32
    %dma_start3A_497 = arith.constant 0 : i32
    %dma_start3A_498 = arith.constant 0 : i32
    %dma_start3A_499 = tpu.memref_slice %arg9[%dma_start3A_495, %dma_start3A_497, %dma_start3A_498] : memref<3x112x128xf32, #tpu.memory_space<vmem>> -> memref<1x112x128xf32, #tpu.memory_space<vmem>>
    %dma_start3A_500 = tpu.memref_squeeze %dma_start3A_499 : memref<1x112x128xf32, #tpu.memory_space<vmem>> -> memref<112x128xf32, #tpu.memory_space<vmem>>
    %dma_start3A_501 = arith.constant 0 : i32
    %dma_start3A_502 = tpu.memref_slice %arg8[%dma_start3A_496, %dma_start3A_501] : memref<3x112xi32, #tpu.memory_space<vmem>> -> memref<1x112xi32, #tpu.memory_space<vmem>>
    %dma_start3A_503 = tpu.memref_squeeze %dma_start3A_502 : memref<1x112xi32, #tpu.memory_space<vmem>> -> memref<112xi32, #tpu.memory_space<vmem>>
    %dma_start3A_504 = arith.constant 0 : i32
    %dma_start3A_505 = arith.constant 0 : i32
    %dma_start3A_506 = tpu.memref_slice %arg10[%dma_start3A_504, %dma_start3A_505] : memref<10112x128xf32, #tpu.memory_space<vmem_shared>> -> memref<10112x128xf32, #tpu.memory_space<vmem_shared>>
    tpu.enqueue_indirect_dma source(%dma_start3A_500 : memref<112x128xf32, #tpu.memory_space<vmem>>) target(%dma_start3A_506 : memref<10112x128xf32, #tpu.memory_space<vmem_shared>>) offsets(%dma_start3A_503 : memref<112xi32, #tpu.memory_space<vmem>>) semaphore(%arg18 : memref<!tpu.dma_semaphore, #tpu.memory_space<semaphore_mem>>) {add = true}
    %dma_wait3A_507 = arith.constant 2 : i32
    %dma_wait3A_508 = arith.constant 2 : i32
    %dma_wait3A_509 = arith.constant 0 : i32
    %dma_wait3A_510 = arith.constant 0 : i32
    %dma_wait3A_511 = tpu.memref_slice %arg9[%dma_wait3A_508, %dma_wait3A_509, %dma_wait3A_510] : memref<3x112x128xf32, #tpu.memory_space<vmem>> -> memref<1x112x128xf32, #tpu.memory_space<vmem>>
    %dma_wait3A_512 = tpu.memref_squeeze %dma_wait3A_511 : memref<1x112x128xf32, #tpu.memory_space<vmem>> -> memref<112x128xf32, #tpu.memory_space<vmem>>
    %dma_wait3A_513 = arith.constant 0 : i32
    %dma_wait3A_514 = tpu.memref_slice %arg7[%dma_wait3A_507, %dma_wait3A_513] : memref<3x112xi32, #tpu.memory_space<vmem>> -> memref<1x112xi32, #tpu.memory_space<vmem>>
    %dma_wait3A_515 = tpu.memref_squeeze %dma_wait3A_514 : memref<1x112xi32, #tpu.memory_space<vmem>> -> memref<112xi32, #tpu.memory_space<vmem>>
    %dma_wait3A_516 = arith.constant 0 : i32
    %dma_wait3A_517 = arith.constant 0 : i32
    %dma_wait3A_518 = tpu.memref_slice %arg2[%dma_wait3A_516, %dma_wait3A_517] : memref<20000x128xf32, #tpu.memory_space<hbm>> -> memref<20000x128xf32, #tpu.memory_space<hbm>>
    tpu.wait_indirect_dma semaphore(%arg16 : memref<!tpu.dma_semaphore, #tpu.memory_space<semaphore_mem>>) src(%dma_wait3A_518 : memref<20000x128xf32, #tpu.memory_space<hbm>>) dst(%dma_wait3A_512 : memref<112x128xf32, #tpu.memory_space<vmem>>)
    %dma_start3A_519 = arith.constant 2 : i32
    %dma_start3A_520 = arith.constant 2 : i32
    %dma_start3A_521 = arith.constant 0 : i32
    %dma_start3A_522 = arith.constant 0 : i32
    %dma_start3A_523 = tpu.memref_slice %arg9[%dma_start3A_519, %dma_start3A_521, %dma_start3A_522] : memref<3x112x128xf32, #tpu.memory_space<vmem>> -> memref<1x112x128xf32, #tpu.memory_space<vmem>>
    %dma_start3A_524 = tpu.memref_squeeze %dma_start3A_523 : memref<1x112x128xf32, #tpu.memory_space<vmem>> -> memref<112x128xf32, #tpu.memory_space<vmem>>
    %dma_start3A_525 = arith.constant 0 : i32
    %dma_start3A_526 = tpu.memref_slice %arg8[%dma_start3A_520, %dma_start3A_525] : memref<3x112xi32, #tpu.memory_space<vmem>> -> memref<1x112xi32, #tpu.memory_space<vmem>>
    %dma_start3A_527 = tpu.memref_squeeze %dma_start3A_526 : memref<1x112xi32, #tpu.memory_space<vmem>> -> memref<112xi32, #tpu.memory_space<vmem>>
    %dma_start3A_528 = arith.constant 0 : i32
    %dma_start3A_529 = arith.constant 0 : i32
    %dma_start3A_530 = tpu.memref_slice %arg10[%dma_start3A_528, %dma_start3A_529] : memref<10112x128xf32, #tpu.memory_space<vmem_shared>> -> memref<10112x128xf32, #tpu.memory_space<vmem_shared>>
    tpu.enqueue_indirect_dma source(%dma_start3A_524 : memref<112x128xf32, #tpu.memory_space<vmem>>) target(%dma_start3A_530 : memref<10112x128xf32, #tpu.memory_space<vmem_shared>>) offsets(%dma_start3A_527 : memref<112xi32, #tpu.memory_space<vmem>>) semaphore(%arg19 : memref<!tpu.dma_semaphore, #tpu.memory_space<semaphore_mem>>) {add = true}
    %dma_wait3A_531 = arith.constant 0 : i32
    %dma_wait3A_532 = arith.constant 0 : i32
    %dma_wait3A_533 = arith.constant 0 : i32
    %dma_wait3A_534 = arith.constant 0 : i32
    %dma_wait3A_535 = tpu.memref_slice %arg9[%dma_wait3A_531, %dma_wait3A_533, %dma_wait3A_534] : memref<3x112x128xf32, #tpu.memory_space<vmem>> -> memref<1x112x128xf32, #tpu.memory_space<vmem>>
    %dma_wait3A_536 = tpu.memref_squeeze %dma_wait3A_535 : memref<1x112x128xf32, #tpu.memory_space<vmem>> -> memref<112x128xf32, #tpu.memory_space<vmem>>
    %dma_wait3A_537 = arith.constant 0 : i32
    %dma_wait3A_538 = tpu.memref_slice %arg8[%dma_wait3A_532, %dma_wait3A_537] : memref<3x112xi32, #tpu.memory_space<vmem>> -> memref<1x112xi32, #tpu.memory_space<vmem>>
    %dma_wait3A_539 = tpu.memref_squeeze %dma_wait3A_538 : memref<1x112xi32, #tpu.memory_space<vmem>> -> memref<112xi32, #tpu.memory_space<vmem>>
    %dma_wait3A_540 = arith.constant 0 : i32
    %dma_wait3A_541 = arith.constant 0 : i32
    %dma_wait3A_542 = tpu.memref_slice %arg10[%dma_wait3A_540, %dma_wait3A_541] : memref<10112x128xf32, #tpu.memory_space<vmem_shared>> -> memref<10112x128xf32, #tpu.memory_space<vmem_shared>>
    tpu.wait_indirect_dma semaphore(%arg17 : memref<!tpu.dma_semaphore, #tpu.memory_space<semaphore_mem>>) src(%dma_wait3A_536 : memref<112x128xf32, #tpu.memory_space<vmem>>) dst(%dma_wait3A_542 : memref<10112x128xf32, #tpu.memory_space<vmem_shared>>)
    %dma_wait3A_543 = arith.constant 1 : i32
    %dma_wait3A_544 = arith.constant 1 : i32
    %dma_wait3A_545 = arith.constant 0 : i32
    %dma_wait3A_546 = arith.constant 0 : i32
    %dma_wait3A_547 = tpu.memref_slice %arg9[%dma_wait3A_543, %dma_wait3A_545, %dma_wait3A_546] : memref<3x112x128xf32, #tpu.memory_space<vmem>> -> memref<1x112x128xf32, #tpu.memory_space<vmem>>
    %dma_wait3A_548 = tpu.memref_squeeze %dma_wait3A_547 : memref<1x112x128xf32, #tpu.memory_space<vmem>> -> memref<112x128xf32, #tpu.memory_space<vmem>>
    %dma_wait3A_549 = arith.constant 0 : i32
    %dma_wait3A_550 = tpu.memref_slice %arg8[%dma_wait3A_544, %dma_wait3A_549] : memref<3x112xi32, #tpu.memory_space<vmem>> -> memref<1x112xi32, #tpu.memory_space<vmem>>
    %dma_wait3A_551 = tpu.memref_squeeze %dma_wait3A_550 : memref<1x112xi32, #tpu.memory_space<vmem>> -> memref<112xi32, #tpu.memory_space<vmem>>
    %dma_wait3A_552 = arith.constant 0 : i32
    %dma_wait3A_553 = arith.constant 0 : i32
    %dma_wait3A_554 = tpu.memref_slice %arg10[%dma_wait3A_552, %dma_wait3A_553] : memref<10112x128xf32, #tpu.memory_space<vmem_shared>> -> memref<10112x128xf32, #tpu.memory_space<vmem_shared>>
    tpu.wait_indirect_dma semaphore(%arg18 : memref<!tpu.dma_semaphore, #tpu.memory_space<semaphore_mem>>) src(%dma_wait3A_548 : memref<112x128xf32, #tpu.memory_space<vmem>>) dst(%dma_wait3A_554 : memref<10112x128xf32, #tpu.memory_space<vmem_shared>>)
    %dma_wait3A_555 = arith.constant 2 : i32
    %dma_wait3A_556 = arith.constant 2 : i32
    %dma_wait3A_557 = arith.constant 0 : i32
    %dma_wait3A_558 = arith.constant 0 : i32
    %dma_wait3A_559 = tpu.memref_slice %arg9[%dma_wait3A_555, %dma_wait3A_557, %dma_wait3A_558] : memref<3x112x128xf32, #tpu.memory_space<vmem>> -> memref<1x112x128xf32, #tpu.memory_space<vmem>>
    %dma_wait3A_560 = tpu.memref_squeeze %dma_wait3A_559 : memref<1x112x128xf32, #tpu.memory_space<vmem>> -> memref<112x128xf32, #tpu.memory_space<vmem>>
    %dma_wait3A_561 = arith.constant 0 : i32
    %dma_wait3A_562 = tpu.memref_slice %arg8[%dma_wait3A_556, %dma_wait3A_561] : memref<3x112xi32, #tpu.memory_space<vmem>> -> memref<1x112xi32, #tpu.memory_space<vmem>>
    %dma_wait3A_563 = tpu.memref_squeeze %dma_wait3A_562 : memref<1x112xi32, #tpu.memory_space<vmem>> -> memref<112xi32, #tpu.memory_space<vmem>>
    %dma_wait3A_564 = arith.constant 0 : i32
    %dma_wait3A_565 = arith.constant 0 : i32
    %dma_wait3A_566 = tpu.memref_slice %arg10[%dma_wait3A_564, %dma_wait3A_565] : memref<10112x128xf32, #tpu.memory_space<vmem_shared>> -> memref<10112x128xf32, #tpu.memory_space<vmem_shared>>
    tpu.wait_indirect_dma semaphore(%arg19 : memref<!tpu.dma_semaphore, #tpu.memory_space<semaphore_mem>>) src(%dma_wait3A_560 : memref<112x128xf32, #tpu.memory_space<vmem>>) dst(%dma_wait3A_566 : memref<10112x128xf32, #tpu.memory_space<vmem_shared>>)
    %barrier3A_567 = arith.constant 0 : index
    tpu.barrier barrier_id(%barrier3A_567)
    %mul3A_568 = arith.constant 632 : i32
    %mul3A_569 = arith.muli %arg1, %mul3A_568 : i32
    %mul3A_570 = arith.constant 632 : i32
    %mul3A_571 = arith.muli %arg1, %mul3A_570 : i32
    "tpu.region"() ({
      %run_scoped3A = tpu.sem_alloc : memref<!tpu.dma_semaphore, #tpu.memory_space<semaphore_mem>>
      %dma_start3A_572 = arith.constant 0 : i32
      %dma_start3A_573 = arith.constant 0 : i32
      %dma_start3A_574 = tpu.memref_slice %arg6[%arg0, %dma_start3A_572, %dma_start3A_573] : memref<2x10112x128xf32, #tpu.memory_space<hbm>> -> memref<1x10112x128xf32, #tpu.memory_space<hbm>>
      %dma_start3A_575 = tpu.memref_squeeze %dma_start3A_574 : memref<1x10112x128xf32, #tpu.memory_space<hbm>> -> memref<10112x128xf32, #tpu.memory_space<hbm>>
      %dma_start3A_576 = arith.constant 0 : i32
      %dma_start3A_577 = tpu.memref_slice %dma_start3A_575[%mul3A_571, %dma_start3A_576] : memref<10112x128xf32, #tpu.memory_space<hbm>> -> memref<632x128xf32, #tpu.memory_space<hbm>>
      %dma_start3A_578 = arith.constant 0 : i32
      %dma_start3A_579 = tpu.memref_slice %arg10[%mul3A_569, %dma_start3A_578] : memref<10112x128xf32, #tpu.memory_space<vmem_shared>> -> memref<632x128xf32, #tpu.memory_space<vmem_shared>>
      tpu.enqueue_dma source(%dma_start3A_579 : memref<632x128xf32, #tpu.memory_space<vmem_shared>>) target(%dma_start3A_577 : memref<632x128xf32, #tpu.memory_space<hbm>>) target_semaphore(%run_scoped3A : memref<!tpu.dma_semaphore, #tpu.memory_space<semaphore_mem>>)
      %dma_wait3A_580 = arith.constant 0 : i32
      %dma_wait3A_581 = arith.constant 0 : i32
      %dma_wait3A_582 = tpu.memref_slice %arg6[%arg0, %dma_wait3A_580, %dma_wait3A_581] : memref<2x10112x128xf32, #tpu.memory_space<hbm>> -> memref<1x10112x128xf32, #tpu.memory_space<hbm>>
      %dma_wait3A_583 = tpu.memref_squeeze %dma_wait3A_582 : memref<1x10112x128xf32, #tpu.memory_space<hbm>> -> memref<10112x128xf32, #tpu.memory_space<hbm>>
      %dma_wait3A_584 = arith.constant 0 : i32
      %dma_wait3A_585 = tpu.memref_slice %dma_wait3A_583[%mul3A_571, %dma_wait3A_584] : memref<10112x128xf32, #tpu.memory_space<hbm>> -> memref<632x128xf32, #tpu.memory_space<hbm>>
      %dma_wait3A_586 = arith.constant 0 : i32
      %dma_wait3A_587 = tpu.memref_slice %arg10[%mul3A_569, %dma_wait3A_586] : memref<10112x128xf32, #tpu.memory_space<vmem_shared>> -> memref<632x128xf32, #tpu.memory_space<vmem_shared>>
      tpu.wait_dma2 semaphore(%run_scoped3A : memref<!tpu.dma_semaphore, #tpu.memory_space<semaphore_mem>>) src(%dma_wait3A_587 : memref<632x128xf32, #tpu.memory_space<vmem_shared>>) dst(%dma_wait3A_585 : memref<632x128xf32, #tpu.memory_space<hbm>>)
      tpu.yield
    }) : () -> ()
    return
  }
}

#map = affine_map<(d0, d1) -> (0, 0)>
#map1 = affine_map<(d0, d1) -> (0)>
#map2 = affine_map<(d0, d1) -> (0, 0, 0)>
module attributes {stable_mosaic.version = 14 : i64} {
  func.func @prop(%arg0: i32, %arg1: i32, %arg2: memref<20000x128xf32, #tpu.memory_space<hbm>>, %arg3: memref<645120xi32, #tpu.memory_space<hbm>>, %arg4: memref<322560xi32, #tpu.memory_space<hbm>>, %arg5: memref<10112x128xf32, #tpu.memory_space<hbm>>, %arg6: memref<2x10112x128xf32, #tpu.memory_space<hbm>>, %arg7: memref<3x112xi32, #tpu.memory_space<vmem>>, %arg8: memref<3x112xi32, #tpu.memory_space<vmem>>, %arg9: memref<3x112x128xf32, #tpu.memory_space<vmem>>, %arg10: memref<10112x128xf32, #tpu.memory_space<vmem_shared>>, %arg11: memref<!tpu.dma_semaphore, #tpu.memory_space<semaphore_mem>>, %arg12: memref<!tpu.dma_semaphore, #tpu.memory_space<semaphore_mem>>, %arg13: memref<!tpu.dma_semaphore, #tpu.memory_space<semaphore_mem>>, %arg14: memref<!tpu.dma_semaphore, #tpu.memory_space<semaphore_mem>>, %arg15: memref<!tpu.dma_semaphore, #tpu.memory_space<semaphore_mem>>, %arg16: memref<!tpu.dma_semaphore, #tpu.memory_space<semaphore_mem>>, %arg17: memref<!tpu.dma_semaphore, #tpu.memory_space<semaphore_mem>>, %arg18: memref<!tpu.dma_semaphore, #tpu.memory_space<semaphore_mem>>, %arg19: memref<!tpu.dma_semaphore, #tpu.memory_space<semaphore_mem>>) attributes {dimension_semantics = [#tpu.dimension_semantics<core_parallel>, #tpu.dimension_semantics<subcore_parallel>], iteration_bounds = array<i64: 2, 16>, scalar_prefetch = 0 : i64, scratch_operands = 13 : i64, tpu.core_type = #tpu.core_type<sc_vector_subcore>, window_params = [{transform_indices = #map}, {transform_indices = #map1}, {transform_indices = #map1}, {transform_indices = #map}, {transform_indices = #map2}]} {
    %mul3A = arith.constant 322560 : i32
    %mul3A_0 = arith.muli %arg0, %mul3A : i32
    %mul3A_1 = arith.constant 20160 : i32
    %mul3A_2 = arith.muli %arg1, %mul3A_1 : i32
    %add3A = arith.addi %mul3A_0, %mul3A_2 : i32
    %mul3A_3 = arith.constant 0 : i32
    %mul3A_4 = arith.muli %arg0, %mul3A_3 : i32
    %mul3A_5 = arith.constant 20160 : i32
    %mul3A_6 = arith.muli %arg1, %mul3A_5 : i32
    %add3A_7 = arith.addi %mul3A_4, %mul3A_6 : i32
    %mul3A_8 = arith.constant 632 : i32
    %mul3A_9 = arith.muli %arg1, %mul3A_8 : i32
    %mul3A_10 = arith.constant 632 : i32
    %mul3A_11 = arith.muli %arg1, %mul3A_10 : i32
    "tpu.region"() ({
      %run_scoped3A = tpu.sem_alloc : memref<!tpu.dma_semaphore, #tpu.memory_space<semaphore_mem>>
      %dma_start3A_572 = arith.constant 0 : i32
      %dma_start3A_573 = tpu.memref_slice %arg10[%mul3A_11, %dma_start3A_572] : memref<10112x128xf32, #tpu.memory_space<vmem_shared>> -> memref<632x128xf32, #tpu.memory_space<vmem_shared>>
      %dma_start3A_574 = arith.constant 0 : i32
      %dma_start3A_575 = tpu.memref_slice %arg5[%mul3A_9, %dma_start3A_574] : memref<10112x128xf32, #tpu.memory_space<hbm>> -> memref<632x128xf32, #tpu.memory_space<hbm>>
      tpu.enqueue_dma source(%dma_start3A_575 : memref<632x128xf32, #tpu.memory_space<hbm>>) target(%dma_start3A_573 : memref<632x128xf32, #tpu.memory_space<vmem_shared>>) target_semaphore(%run_scoped3A : memref<!tpu.dma_semaphore, #tpu.memory_space<semaphore_mem>>)
      %dma_wait3A_576 = arith.constant 0 : i32
      %dma_wait3A_577 = tpu.memref_slice %arg10[%mul3A_11, %dma_wait3A_576] : memref<10112x128xf32, #tpu.memory_space<vmem_shared>> -> memref<632x128xf32, #tpu.memory_space<vmem_shared>>
      %dma_wait3A_578 = arith.constant 0 : i32
      %dma_wait3A_579 = tpu.memref_slice %arg5[%mul3A_9, %dma_wait3A_578] : memref<10112x128xf32, #tpu.memory_space<hbm>> -> memref<632x128xf32, #tpu.memory_space<hbm>>
      tpu.wait_dma2 semaphore(%run_scoped3A : memref<!tpu.dma_semaphore, #tpu.memory_space<semaphore_mem>>) src(%dma_wait3A_579 : memref<632x128xf32, #tpu.memory_space<hbm>>) dst(%dma_wait3A_577 : memref<632x128xf32, #tpu.memory_space<vmem_shared>>)
      tpu.yield
    }) : () -> ()
    %barrier3A = arith.constant 0 : index
    tpu.barrier barrier_id(%barrier3A)
    %add3A_12 = arith.constant 0 : i32
    %add3A_13 = arith.addi %add3A, %add3A_12 : i32
    %add3A_14 = arith.constant 0 : i32
    %add3A_15 = arith.addi %add3A_7, %add3A_14 : i32
    %dma_start3A = arith.constant 0 : i32
    %dma_start3A_16 = arith.constant 0 : i32
    %dma_start3A_17 = tpu.memref_slice %arg7[%dma_start3A, %dma_start3A_16] : memref<3x112xi32, #tpu.memory_space<vmem>> -> memref<1x112xi32, #tpu.memory_space<vmem>>
    %dma_start3A_18 = tpu.memref_squeeze %dma_start3A_17 : memref<1x112xi32, #tpu.memory_space<vmem>> -> memref<112xi32, #tpu.memory_space<vmem>>
    %dma_start3A_19 = tpu.memref_slice %arg3[%add3A_13] : memref<645120xi32, #tpu.memory_space<hbm>> -> memref<112xi32, #tpu.memory_space<hbm>>
    %dma_start3A_20 = arith.constant 0 : i32
    %dma_start3A_21 = tpu.memref_slice %arg7[%dma_start3A, %dma_start3A_20] : memref<3x112xi32, #tpu.memory_space<vmem>> -> memref<1x112xi32, #tpu.memory_space<vmem>>
    %dma_start3A_22 = tpu.memref_squeeze %dma_start3A_21 : memref<1x112xi32, #tpu.memory_space<vmem>> -> memref<112xi32, #tpu.memory_space<vmem>>
    %dma_start3A_23 = tpu.memref_slice %arg3[%add3A_13] : memref<645120xi32, #tpu.memory_space<hbm>> -> memref<112xi32, #tpu.memory_space<hbm>>
    tpu.enqueue_dma source(%dma_start3A_23 : memref<112xi32, #tpu.memory_space<hbm>>) target(%dma_start3A_22 : memref<112xi32, #tpu.memory_space<vmem>>) target_semaphore(%arg11 : memref<!tpu.dma_semaphore, #tpu.memory_space<semaphore_mem>>)
    %dma_start3A_24 = arith.constant 0 : i32
    %dma_start3A_25 = arith.constant 0 : i32
    %dma_start3A_26 = tpu.memref_slice %arg8[%dma_start3A_24, %dma_start3A_25] : memref<3x112xi32, #tpu.memory_space<vmem>> -> memref<1x112xi32, #tpu.memory_space<vmem>>
    %dma_start3A_27 = tpu.memref_squeeze %dma_start3A_26 : memref<1x112xi32, #tpu.memory_space<vmem>> -> memref<112xi32, #tpu.memory_space<vmem>>
    %dma_start3A_28 = tpu.memref_slice %arg4[%add3A_15] : memref<322560xi32, #tpu.memory_space<hbm>> -> memref<112xi32, #tpu.memory_space<hbm>>
    %dma_start3A_29 = arith.constant 0 : i32
    %dma_start3A_30 = tpu.memref_slice %arg8[%dma_start3A_24, %dma_start3A_29] : memref<3x112xi32, #tpu.memory_space<vmem>> -> memref<1x112xi32, #tpu.memory_space<vmem>>
    %dma_start3A_31 = tpu.memref_squeeze %dma_start3A_30 : memref<1x112xi32, #tpu.memory_space<vmem>> -> memref<112xi32, #tpu.memory_space<vmem>>
    %dma_start3A_32 = tpu.memref_slice %arg4[%add3A_15] : memref<322560xi32, #tpu.memory_space<hbm>> -> memref<112xi32, #tpu.memory_space<hbm>>
    tpu.enqueue_dma source(%dma_start3A_32 : memref<112xi32, #tpu.memory_space<hbm>>) target(%dma_start3A_31 : memref<112xi32, #tpu.memory_space<vmem>>) target_semaphore(%arg11 : memref<!tpu.dma_semaphore, #tpu.memory_space<semaphore_mem>>)
    %add3A_33 = arith.constant 112 : i32
    %add3A_34 = arith.addi %add3A, %add3A_33 : i32
    %add3A_35 = arith.constant 112 : i32
    %add3A_36 = arith.addi %add3A_7, %add3A_35 : i32
    %dma_start3A_37 = arith.constant 1 : i32
    %dma_start3A_38 = arith.constant 0 : i32
    %dma_start3A_39 = tpu.memref_slice %arg7[%dma_start3A_37, %dma_start3A_38] : memref<3x112xi32, #tpu.memory_space<vmem>> -> memref<1x112xi32, #tpu.memory_space<vmem>>
    %dma_start3A_40 = tpu.memref_squeeze %dma_start3A_39 : memref<1x112xi32, #tpu.memory_space<vmem>> -> memref<112xi32, #tpu.memory_space<vmem>>
    %dma_start3A_41 = tpu.memref_slice %arg3[%add3A_34] : memref<645120xi32, #tpu.memory_space<hbm>> -> memref<112xi32, #tpu.memory_space<hbm>>
    %dma_start3A_42 = arith.constant 0 : i32
    %dma_start3A_43 = tpu.memref_slice %arg7[%dma_start3A_37, %dma_start3A_42] : memref<3x112xi32, #tpu.memory_space<vmem>> -> memref<1x112xi32, #tpu.memory_space<vmem>>
    %dma_start3A_44 = tpu.memref_squeeze %dma_start3A_43 : memref<1x112xi32, #tpu.memory_space<vmem>> -> memref<112xi32, #tpu.memory_space<vmem>>
    %dma_start3A_45 = tpu.memref_slice %arg3[%add3A_34] : memref<645120xi32, #tpu.memory_space<hbm>> -> memref<112xi32, #tpu.memory_space<hbm>>
    tpu.enqueue_dma source(%dma_start3A_45 : memref<112xi32, #tpu.memory_space<hbm>>) target(%dma_start3A_44 : memref<112xi32, #tpu.memory_space<vmem>>) target_semaphore(%arg12 : memref<!tpu.dma_semaphore, #tpu.memory_space<semaphore_mem>>)
    %dma_start3A_46 = arith.constant 1 : i32
    %dma_start3A_47 = arith.constant 0 : i32
    %dma_start3A_48 = tpu.memref_slice %arg8[%dma_start3A_46, %dma_start3A_47] : memref<3x112xi32, #tpu.memory_space<vmem>> -> memref<1x112xi32, #tpu.memory_space<vmem>>
    %dma_start3A_49 = tpu.memref_squeeze %dma_start3A_48 : memref<1x112xi32, #tpu.memory_space<vmem>> -> memref<112xi32, #tpu.memory_space<vmem>>
    %dma_start3A_50 = tpu.memref_slice %arg4[%add3A_36] : memref<322560xi32, #tpu.memory_space<hbm>> -> memref<112xi32, #tpu.memory_space<hbm>>
    %dma_start3A_51 = arith.constant 0 : i32
    %dma_start3A_52 = tpu.memref_slice %arg8[%dma_start3A_46, %dma_start3A_51] : memref<3x112xi32, #tpu.memory_space<vmem>> -> memref<1x112xi32, #tpu.memory_space<vmem>>
    %dma_start3A_53 = tpu.memref_squeeze %dma_start3A_52 : memref<1x112xi32, #tpu.memory_space<vmem>> -> memref<112xi32, #tpu.memory_space<vmem>>
    %dma_start3A_54 = tpu.memref_slice %arg4[%add3A_36] : memref<322560xi32, #tpu.memory_space<hbm>> -> memref<112xi32, #tpu.memory_space<hbm>>
    tpu.enqueue_dma source(%dma_start3A_54 : memref<112xi32, #tpu.memory_space<hbm>>) target(%dma_start3A_53 : memref<112xi32, #tpu.memory_space<vmem>>) target_semaphore(%arg12 : memref<!tpu.dma_semaphore, #tpu.memory_space<semaphore_mem>>)
    %add3A_55 = arith.constant 224 : i32
    %add3A_56 = arith.addi %add3A, %add3A_55 : i32
    %add3A_57 = arith.constant 224 : i32
    %add3A_58 = arith.addi %add3A_7, %add3A_57 : i32
    %dma_start3A_59 = arith.constant 2 : i32
    %dma_start3A_60 = arith.constant 0 : i32
    %dma_start3A_61 = tpu.memref_slice %arg7[%dma_start3A_59, %dma_start3A_60] : memref<3x112xi32, #tpu.memory_space<vmem>> -> memref<1x112xi32, #tpu.memory_space<vmem>>
    %dma_start3A_62 = tpu.memref_squeeze %dma_start3A_61 : memref<1x112xi32, #tpu.memory_space<vmem>> -> memref<112xi32, #tpu.memory_space<vmem>>
    %dma_start3A_63 = tpu.memref_slice %arg3[%add3A_56] : memref<645120xi32, #tpu.memory_space<hbm>> -> memref<112xi32, #tpu.memory_space<hbm>>
    %dma_start3A_64 = arith.constant 0 : i32
    %dma_start3A_65 = tpu.memref_slice %arg7[%dma_start3A_59, %dma_start3A_64] : memref<3x112xi32, #tpu.memory_space<vmem>> -> memref<1x112xi32, #tpu.memory_space<vmem>>
    %dma_start3A_66 = tpu.memref_squeeze %dma_start3A_65 : memref<1x112xi32, #tpu.memory_space<vmem>> -> memref<112xi32, #tpu.memory_space<vmem>>
    %dma_start3A_67 = tpu.memref_slice %arg3[%add3A_56] : memref<645120xi32, #tpu.memory_space<hbm>> -> memref<112xi32, #tpu.memory_space<hbm>>
    tpu.enqueue_dma source(%dma_start3A_67 : memref<112xi32, #tpu.memory_space<hbm>>) target(%dma_start3A_66 : memref<112xi32, #tpu.memory_space<vmem>>) target_semaphore(%arg13 : memref<!tpu.dma_semaphore, #tpu.memory_space<semaphore_mem>>)
    %dma_start3A_68 = arith.constant 2 : i32
    %dma_start3A_69 = arith.constant 0 : i32
    %dma_start3A_70 = tpu.memref_slice %arg8[%dma_start3A_68, %dma_start3A_69] : memref<3x112xi32, #tpu.memory_space<vmem>> -> memref<1x112xi32, #tpu.memory_space<vmem>>
    %dma_start3A_71 = tpu.memref_squeeze %dma_start3A_70 : memref<1x112xi32, #tpu.memory_space<vmem>> -> memref<112xi32, #tpu.memory_space<vmem>>
    %dma_start3A_72 = tpu.memref_slice %arg4[%add3A_58] : memref<322560xi32, #tpu.memory_space<hbm>> -> memref<112xi32, #tpu.memory_space<hbm>>
    %dma_start3A_73 = arith.constant 0 : i32
    %dma_start3A_74 = tpu.memref_slice %arg8[%dma_start3A_68, %dma_start3A_73] : memref<3x112xi32, #tpu.memory_space<vmem>> -> memref<1x112xi32, #tpu.memory_space<vmem>>
    %dma_start3A_75 = tpu.memref_squeeze %dma_start3A_74 : memref<1x112xi32, #tpu.memory_space<vmem>> -> memref<112xi32, #tpu.memory_space<vmem>>
    %dma_start3A_76 = tpu.memref_slice %arg4[%add3A_58] : memref<322560xi32, #tpu.memory_space<hbm>> -> memref<112xi32, #tpu.memory_space<hbm>>
    tpu.enqueue_dma source(%dma_start3A_76 : memref<112xi32, #tpu.memory_space<hbm>>) target(%dma_start3A_75 : memref<112xi32, #tpu.memory_space<vmem>>) target_semaphore(%arg13 : memref<!tpu.dma_semaphore, #tpu.memory_space<semaphore_mem>>)
    %add3A_77 = arith.constant 0 : i32
    %add3A_78 = arith.addi %add3A, %add3A_77 : i32
    %add3A_79 = arith.constant 0 : i32
    %add3A_80 = arith.addi %add3A_7, %add3A_79 : i32
    %dma_wait3A = arith.constant 0 : i32
    %dma_wait3A_81 = arith.constant 0 : i32
    %dma_wait3A_82 = tpu.memref_slice %arg7[%dma_wait3A, %dma_wait3A_81] : memref<3x112xi32, #tpu.memory_space<vmem>> -> memref<1x112xi32, #tpu.memory_space<vmem>>
    %dma_wait3A_83 = tpu.memref_squeeze %dma_wait3A_82 : memref<1x112xi32, #tpu.memory_space<vmem>> -> memref<112xi32, #tpu.memory_space<vmem>>
    %dma_wait3A_84 = tpu.memref_slice %arg3[%add3A_78] : memref<645120xi32, #tpu.memory_space<hbm>> -> memref<112xi32, #tpu.memory_space<hbm>>
    %dma_wait3A_85 = arith.constant 0 : i32
    %dma_wait3A_86 = tpu.memref_slice %arg7[%dma_wait3A, %dma_wait3A_85] : memref<3x112xi32, #tpu.memory_space<vmem>> -> memref<1x112xi32, #tpu.memory_space<vmem>>
    %dma_wait3A_87 = tpu.memref_squeeze %dma_wait3A_86 : memref<1x112xi32, #tpu.memory_space<vmem>> -> memref<112xi32, #tpu.memory_space<vmem>>
    %dma_wait3A_88 = tpu.memref_slice %arg3[%add3A_78] : memref<645120xi32, #tpu.memory_space<hbm>> -> memref<112xi32, #tpu.memory_space<hbm>>
    tpu.wait_dma2 semaphore(%arg11 : memref<!tpu.dma_semaphore, #tpu.memory_space<semaphore_mem>>) src(%dma_wait3A_88 : memref<112xi32, #tpu.memory_space<hbm>>) dst(%dma_wait3A_87 : memref<112xi32, #tpu.memory_space<vmem>>)
    %dma_wait3A_89 = arith.constant 0 : i32
    %dma_wait3A_90 = arith.constant 0 : i32
    %dma_wait3A_91 = tpu.memref_slice %arg8[%dma_wait3A_89, %dma_wait3A_90] : memref<3x112xi32, #tpu.memory_space<vmem>> -> memref<1x112xi32, #tpu.memory_space<vmem>>
    %dma_wait3A_92 = tpu.memref_squeeze %dma_wait3A_91 : memref<1x112xi32, #tpu.memory_space<vmem>> -> memref<112xi32, #tpu.memory_space<vmem>>
    %dma_wait3A_93 = tpu.memref_slice %arg4[%add3A_80] : memref<322560xi32, #tpu.memory_space<hbm>> -> memref<112xi32, #tpu.memory_space<hbm>>
    %dma_wait3A_94 = arith.constant 0 : i32
    %dma_wait3A_95 = tpu.memref_slice %arg8[%dma_wait3A_89, %dma_wait3A_94] : memref<3x112xi32, #tpu.memory_space<vmem>> -> memref<1x112xi32, #tpu.memory_space<vmem>>
    %dma_wait3A_96 = tpu.memref_squeeze %dma_wait3A_95 : memref<1x112xi32, #tpu.memory_space<vmem>> -> memref<112xi32, #tpu.memory_space<vmem>>
    %dma_wait3A_97 = tpu.memref_slice %arg4[%add3A_80] : memref<322560xi32, #tpu.memory_space<hbm>> -> memref<112xi32, #tpu.memory_space<hbm>>
    tpu.wait_dma2 semaphore(%arg11 : memref<!tpu.dma_semaphore, #tpu.memory_space<semaphore_mem>>) src(%dma_wait3A_97 : memref<112xi32, #tpu.memory_space<hbm>>) dst(%dma_wait3A_96 : memref<112xi32, #tpu.memory_space<vmem>>)
    %dma_start3A_98 = arith.constant 0 : i32
    %dma_start3A_99 = arith.constant 0 : i32
    %dma_start3A_100 = arith.constant 0 : i32
    %dma_start3A_101 = arith.constant 0 : i32
    %dma_start3A_102 = tpu.memref_slice %arg9[%dma_start3A_99, %dma_start3A_100, %dma_start3A_101] : memref<3x112x128xf32, #tpu.memory_space<vmem>> -> memref<1x112x128xf32, #tpu.memory_space<vmem>>
    %dma_start3A_103 = tpu.memref_squeeze %dma_start3A_102 : memref<1x112x128xf32, #tpu.memory_space<vmem>> -> memref<112x128xf32, #tpu.memory_space<vmem>>
    %dma_start3A_104 = arith.constant 0 : i32
    %dma_start3A_105 = tpu.memref_slice %arg7[%dma_start3A_98, %dma_start3A_104] : memref<3x112xi32, #tpu.memory_space<vmem>> -> memref<1x112xi32, #tpu.memory_space<vmem>>
    %dma_start3A_106 = tpu.memref_squeeze %dma_start3A_105 : memref<1x112xi32, #tpu.memory_space<vmem>> -> memref<112xi32, #tpu.memory_space<vmem>>
    %dma_start3A_107 = arith.constant 0 : i32
    %dma_start3A_108 = arith.constant 0 : i32
    %dma_start3A_109 = tpu.memref_slice %arg2[%dma_start3A_107, %dma_start3A_108] : memref<20000x128xf32, #tpu.memory_space<hbm>> -> memref<20000x128xf32, #tpu.memory_space<hbm>>
    tpu.enqueue_indirect_dma source(%dma_start3A_109 : memref<20000x128xf32, #tpu.memory_space<hbm>>) target(%dma_start3A_103 : memref<112x128xf32, #tpu.memory_space<vmem>>) offsets(%dma_start3A_106 : memref<112xi32, #tpu.memory_space<vmem>>) semaphore(%arg14 : memref<!tpu.dma_semaphore, #tpu.memory_space<semaphore_mem>>)
    %add3A_110 = arith.constant 112 : i32
    %add3A_111 = arith.addi %add3A, %add3A_110 : i32
    %add3A_112 = arith.constant 112 : i32
    %add3A_113 = arith.addi %add3A_7, %add3A_112 : i32
    %dma_wait3A_114 = arith.constant 1 : i32
    %dma_wait3A_115 = arith.constant 0 : i32
    %dma_wait3A_116 = tpu.memref_slice %arg7[%dma_wait3A_114, %dma_wait3A_115] : memref<3x112xi32, #tpu.memory_space<vmem>> -> memref<1x112xi32, #tpu.memory_space<vmem>>
    %dma_wait3A_117 = tpu.memref_squeeze %dma_wait3A_116 : memref<1x112xi32, #tpu.memory_space<vmem>> -> memref<112xi32, #tpu.memory_space<vmem>>
    %dma_wait3A_118 = tpu.memref_slice %arg3[%add3A_111] : memref<645120xi32, #tpu.memory_space<hbm>> -> memref<112xi32, #tpu.memory_space<hbm>>
    %dma_wait3A_119 = arith.constant 0 : i32
    %dma_wait3A_120 = tpu.memref_slice %arg7[%dma_wait3A_114, %dma_wait3A_119] : memref<3x112xi32, #tpu.memory_space<vmem>> -> memref<1x112xi32, #tpu.memory_space<vmem>>
    %dma_wait3A_121 = tpu.memref_squeeze %dma_wait3A_120 : memref<1x112xi32, #tpu.memory_space<vmem>> -> memref<112xi32, #tpu.memory_space<vmem>>
    %dma_wait3A_122 = tpu.memref_slice %arg3[%add3A_111] : memref<645120xi32, #tpu.memory_space<hbm>> -> memref<112xi32, #tpu.memory_space<hbm>>
    tpu.wait_dma2 semaphore(%arg12 : memref<!tpu.dma_semaphore, #tpu.memory_space<semaphore_mem>>) src(%dma_wait3A_122 : memref<112xi32, #tpu.memory_space<hbm>>) dst(%dma_wait3A_121 : memref<112xi32, #tpu.memory_space<vmem>>)
    %dma_wait3A_123 = arith.constant 1 : i32
    %dma_wait3A_124 = arith.constant 0 : i32
    %dma_wait3A_125 = tpu.memref_slice %arg8[%dma_wait3A_123, %dma_wait3A_124] : memref<3x112xi32, #tpu.memory_space<vmem>> -> memref<1x112xi32, #tpu.memory_space<vmem>>
    %dma_wait3A_126 = tpu.memref_squeeze %dma_wait3A_125 : memref<1x112xi32, #tpu.memory_space<vmem>> -> memref<112xi32, #tpu.memory_space<vmem>>
    %dma_wait3A_127 = tpu.memref_slice %arg4[%add3A_113] : memref<322560xi32, #tpu.memory_space<hbm>> -> memref<112xi32, #tpu.memory_space<hbm>>
    %dma_wait3A_128 = arith.constant 0 : i32
    %dma_wait3A_129 = tpu.memref_slice %arg8[%dma_wait3A_123, %dma_wait3A_128] : memref<3x112xi32, #tpu.memory_space<vmem>> -> memref<1x112xi32, #tpu.memory_space<vmem>>
    %dma_wait3A_130 = tpu.memref_squeeze %dma_wait3A_129 : memref<1x112xi32, #tpu.memory_space<vmem>> -> memref<112xi32, #tpu.memory_space<vmem>>
    %dma_wait3A_131 = tpu.memref_slice %arg4[%add3A_113] : memref<322560xi32, #tpu.memory_space<hbm>> -> memref<112xi32, #tpu.memory_space<hbm>>
    tpu.wait_dma2 semaphore(%arg12 : memref<!tpu.dma_semaphore, #tpu.memory_space<semaphore_mem>>) src(%dma_wait3A_131 : memref<112xi32, #tpu.memory_space<hbm>>) dst(%dma_wait3A_130 : memref<112xi32, #tpu.memory_space<vmem>>)
    %dma_start3A_132 = arith.constant 1 : i32
    %dma_start3A_133 = arith.constant 1 : i32
    %dma_start3A_134 = arith.constant 0 : i32
    %dma_start3A_135 = arith.constant 0 : i32
    %dma_start3A_136 = tpu.memref_slice %arg9[%dma_start3A_133, %dma_start3A_134, %dma_start3A_135] : memref<3x112x128xf32, #tpu.memory_space<vmem>> -> memref<1x112x128xf32, #tpu.memory_space<vmem>>
    %dma_start3A_137 = tpu.memref_squeeze %dma_start3A_136 : memref<1x112x128xf32, #tpu.memory_space<vmem>> -> memref<112x128xf32, #tpu.memory_space<vmem>>
    %dma_start3A_138 = arith.constant 0 : i32
    %dma_start3A_139 = tpu.memref_slice %arg7[%dma_start3A_132, %dma_start3A_138] : memref<3x112xi32, #tpu.memory_space<vmem>> -> memref<1x112xi32, #tpu.memory_space<vmem>>
    %dma_start3A_140 = tpu.memref_squeeze %dma_start3A_139 : memref<1x112xi32, #tpu.memory_space<vmem>> -> memref<112xi32, #tpu.memory_space<vmem>>
    %dma_start3A_141 = arith.constant 0 : i32
    %dma_start3A_142 = arith.constant 0 : i32
    %dma_start3A_143 = tpu.memref_slice %arg2[%dma_start3A_141, %dma_start3A_142] : memref<20000x128xf32, #tpu.memory_space<hbm>> -> memref<20000x128xf32, #tpu.memory_space<hbm>>
    tpu.enqueue_indirect_dma source(%dma_start3A_143 : memref<20000x128xf32, #tpu.memory_space<hbm>>) target(%dma_start3A_137 : memref<112x128xf32, #tpu.memory_space<vmem>>) offsets(%dma_start3A_140 : memref<112xi32, #tpu.memory_space<vmem>>) semaphore(%arg15 : memref<!tpu.dma_semaphore, #tpu.memory_space<semaphore_mem>>)
    %add3A_144 = arith.constant 224 : i32
    %add3A_145 = arith.addi %add3A, %add3A_144 : i32
    %add3A_146 = arith.constant 224 : i32
    %add3A_147 = arith.addi %add3A_7, %add3A_146 : i32
    %dma_wait3A_148 = arith.constant 2 : i32
    %dma_wait3A_149 = arith.constant 0 : i32
    %dma_wait3A_150 = tpu.memref_slice %arg7[%dma_wait3A_148, %dma_wait3A_149] : memref<3x112xi32, #tpu.memory_space<vmem>> -> memref<1x112xi32, #tpu.memory_space<vmem>>
    %dma_wait3A_151 = tpu.memref_squeeze %dma_wait3A_150 : memref<1x112xi32, #tpu.memory_space<vmem>> -> memref<112xi32, #tpu.memory_space<vmem>>
    %dma_wait3A_152 = tpu.memref_slice %arg3[%add3A_145] : memref<645120xi32, #tpu.memory_space<hbm>> -> memref<112xi32, #tpu.memory_space<hbm>>
    %dma_wait3A_153 = arith.constant 0 : i32
    %dma_wait3A_154 = tpu.memref_slice %arg7[%dma_wait3A_148, %dma_wait3A_153] : memref<3x112xi32, #tpu.memory_space<vmem>> -> memref<1x112xi32, #tpu.memory_space<vmem>>
    %dma_wait3A_155 = tpu.memref_squeeze %dma_wait3A_154 : memref<1x112xi32, #tpu.memory_space<vmem>> -> memref<112xi32, #tpu.memory_space<vmem>>
    %dma_wait3A_156 = tpu.memref_slice %arg3[%add3A_145] : memref<645120xi32, #tpu.memory_space<hbm>> -> memref<112xi32, #tpu.memory_space<hbm>>
    tpu.wait_dma2 semaphore(%arg13 : memref<!tpu.dma_semaphore, #tpu.memory_space<semaphore_mem>>) src(%dma_wait3A_156 : memref<112xi32, #tpu.memory_space<hbm>>) dst(%dma_wait3A_155 : memref<112xi32, #tpu.memory_space<vmem>>)
    %dma_wait3A_157 = arith.constant 2 : i32
    %dma_wait3A_158 = arith.constant 0 : i32
    %dma_wait3A_159 = tpu.memref_slice %arg8[%dma_wait3A_157, %dma_wait3A_158] : memref<3x112xi32, #tpu.memory_space<vmem>> -> memref<1x112xi32, #tpu.memory_space<vmem>>
    %dma_wait3A_160 = tpu.memref_squeeze %dma_wait3A_159 : memref<1x112xi32, #tpu.memory_space<vmem>> -> memref<112xi32, #tpu.memory_space<vmem>>
    %dma_wait3A_161 = tpu.memref_slice %arg4[%add3A_147] : memref<322560xi32, #tpu.memory_space<hbm>> -> memref<112xi32, #tpu.memory_space<hbm>>
    %dma_wait3A_162 = arith.constant 0 : i32
    %dma_wait3A_163 = tpu.memref_slice %arg8[%dma_wait3A_157, %dma_wait3A_162] : memref<3x112xi32, #tpu.memory_space<vmem>> -> memref<1x112xi32, #tpu.memory_space<vmem>>
    %dma_wait3A_164 = tpu.memref_squeeze %dma_wait3A_163 : memref<1x112xi32, #tpu.memory_space<vmem>> -> memref<112xi32, #tpu.memory_space<vmem>>
    %dma_wait3A_165 = tpu.memref_slice %arg4[%add3A_147] : memref<322560xi32, #tpu.memory_space<hbm>> -> memref<112xi32, #tpu.memory_space<hbm>>
    tpu.wait_dma2 semaphore(%arg13 : memref<!tpu.dma_semaphore, #tpu.memory_space<semaphore_mem>>) src(%dma_wait3A_165 : memref<112xi32, #tpu.memory_space<hbm>>) dst(%dma_wait3A_164 : memref<112xi32, #tpu.memory_space<vmem>>)
    %dma_start3A_166 = arith.constant 2 : i32
    %dma_start3A_167 = arith.constant 2 : i32
    %dma_start3A_168 = arith.constant 0 : i32
    %dma_start3A_169 = arith.constant 0 : i32
    %dma_start3A_170 = tpu.memref_slice %arg9[%dma_start3A_167, %dma_start3A_168, %dma_start3A_169] : memref<3x112x128xf32, #tpu.memory_space<vmem>> -> memref<1x112x128xf32, #tpu.memory_space<vmem>>
    %dma_start3A_171 = tpu.memref_squeeze %dma_start3A_170 : memref<1x112x128xf32, #tpu.memory_space<vmem>> -> memref<112x128xf32, #tpu.memory_space<vmem>>
    %dma_start3A_172 = arith.constant 0 : i32
    %dma_start3A_173 = tpu.memref_slice %arg7[%dma_start3A_166, %dma_start3A_172] : memref<3x112xi32, #tpu.memory_space<vmem>> -> memref<1x112xi32, #tpu.memory_space<vmem>>
    %dma_start3A_174 = tpu.memref_squeeze %dma_start3A_173 : memref<1x112xi32, #tpu.memory_space<vmem>> -> memref<112xi32, #tpu.memory_space<vmem>>
    %dma_start3A_175 = arith.constant 0 : i32
    %dma_start3A_176 = arith.constant 0 : i32
    %dma_start3A_177 = tpu.memref_slice %arg2[%dma_start3A_175, %dma_start3A_176] : memref<20000x128xf32, #tpu.memory_space<hbm>> -> memref<20000x128xf32, #tpu.memory_space<hbm>>
    tpu.enqueue_indirect_dma source(%dma_start3A_177 : memref<20000x128xf32, #tpu.memory_space<hbm>>) target(%dma_start3A_171 : memref<112x128xf32, #tpu.memory_space<vmem>>) offsets(%dma_start3A_174 : memref<112xi32, #tpu.memory_space<vmem>>) semaphore(%arg16 : memref<!tpu.dma_semaphore, #tpu.memory_space<semaphore_mem>>)
    %dma_wait3A_178 = arith.constant 0 : i32
    %dma_wait3A_179 = arith.constant 0 : i32
    %dma_wait3A_180 = arith.constant 0 : i32
    %dma_wait3A_181 = arith.constant 0 : i32
    %dma_wait3A_182 = tpu.memref_slice %arg9[%dma_wait3A_179, %dma_wait3A_180, %dma_wait3A_181] : memref<3x112x128xf32, #tpu.memory_space<vmem>> -> memref<1x112x128xf32, #tpu.memory_space<vmem>>
    %dma_wait3A_183 = tpu.memref_squeeze %dma_wait3A_182 : memref<1x112x128xf32, #tpu.memory_space<vmem>> -> memref<112x128xf32, #tpu.memory_space<vmem>>
    %dma_wait3A_184 = arith.constant 0 : i32
    %dma_wait3A_185 = tpu.memref_slice %arg7[%dma_wait3A_178, %dma_wait3A_184] : memref<3x112xi32, #tpu.memory_space<vmem>> -> memref<1x112xi32, #tpu.memory_space<vmem>>
    %dma_wait3A_186 = tpu.memref_squeeze %dma_wait3A_185 : memref<1x112xi32, #tpu.memory_space<vmem>> -> memref<112xi32, #tpu.memory_space<vmem>>
    %dma_wait3A_187 = arith.constant 0 : i32
    %dma_wait3A_188 = arith.constant 0 : i32
    %dma_wait3A_189 = tpu.memref_slice %arg2[%dma_wait3A_187, %dma_wait3A_188] : memref<20000x128xf32, #tpu.memory_space<hbm>> -> memref<20000x128xf32, #tpu.memory_space<hbm>>
    tpu.wait_indirect_dma semaphore(%arg14 : memref<!tpu.dma_semaphore, #tpu.memory_space<semaphore_mem>>) src(%dma_wait3A_189 : memref<20000x128xf32, #tpu.memory_space<hbm>>) dst(%dma_wait3A_183 : memref<112x128xf32, #tpu.memory_space<vmem>>)
    %dma_start3A_190 = arith.constant 0 : i32
    %dma_start3A_191 = arith.constant 0 : i32
    %dma_start3A_192 = arith.constant 0 : i32
    %dma_start3A_193 = arith.constant 0 : i32
    %dma_start3A_194 = tpu.memref_slice %arg9[%dma_start3A_190, %dma_start3A_192, %dma_start3A_193] : memref<3x112x128xf32, #tpu.memory_space<vmem>> -> memref<1x112x128xf32, #tpu.memory_space<vmem>>
    %dma_start3A_195 = tpu.memref_squeeze %dma_start3A_194 : memref<1x112x128xf32, #tpu.memory_space<vmem>> -> memref<112x128xf32, #tpu.memory_space<vmem>>
    %dma_start3A_196 = arith.constant 0 : i32
    %dma_start3A_197 = tpu.memref_slice %arg8[%dma_start3A_191, %dma_start3A_196] : memref<3x112xi32, #tpu.memory_space<vmem>> -> memref<1x112xi32, #tpu.memory_space<vmem>>
    %dma_start3A_198 = tpu.memref_squeeze %dma_start3A_197 : memref<1x112xi32, #tpu.memory_space<vmem>> -> memref<112xi32, #tpu.memory_space<vmem>>
    %dma_start3A_199 = arith.constant 0 : i32
    %dma_start3A_200 = arith.constant 0 : i32
    %dma_start3A_201 = tpu.memref_slice %arg10[%dma_start3A_199, %dma_start3A_200] : memref<10112x128xf32, #tpu.memory_space<vmem_shared>> -> memref<10112x128xf32, #tpu.memory_space<vmem_shared>>
    tpu.enqueue_indirect_dma source(%dma_start3A_195 : memref<112x128xf32, #tpu.memory_space<vmem>>) target(%dma_start3A_201 : memref<10112x128xf32, #tpu.memory_space<vmem_shared>>) offsets(%dma_start3A_198 : memref<112xi32, #tpu.memory_space<vmem>>) semaphore(%arg17 : memref<!tpu.dma_semaphore, #tpu.memory_space<semaphore_mem>>) {add = true}
    %dma_wait3A_202 = arith.constant 0 : i32
    %dma_wait3A_203 = arith.constant 0 : i32
    %dma_wait3A_204 = arith.constant 0 : i32
    %dma_wait3A_205 = arith.constant 0 : i32
    %dma_wait3A_206 = tpu.memref_slice %arg9[%dma_wait3A_202, %dma_wait3A_204, %dma_wait3A_205] : memref<3x112x128xf32, #tpu.memory_space<vmem>> -> memref<1x112x128xf32, #tpu.memory_space<vmem>>
    %dma_wait3A_207 = tpu.memref_squeeze %dma_wait3A_206 : memref<1x112x128xf32, #tpu.memory_space<vmem>> -> memref<112x128xf32, #tpu.memory_space<vmem>>
    %dma_wait3A_208 = arith.constant 0 : i32
    %dma_wait3A_209 = tpu.memref_slice %arg8[%dma_wait3A_203, %dma_wait3A_208] : memref<3x112xi32, #tpu.memory_space<vmem>> -> memref<1x112xi32, #tpu.memory_space<vmem>>
    %dma_wait3A_210 = tpu.memref_squeeze %dma_wait3A_209 : memref<1x112xi32, #tpu.memory_space<vmem>> -> memref<112xi32, #tpu.memory_space<vmem>>
    %dma_wait3A_211 = arith.constant 0 : i32
    %dma_wait3A_212 = arith.constant 0 : i32
    %dma_wait3A_213 = tpu.memref_slice %arg10[%dma_wait3A_211, %dma_wait3A_212] : memref<10112x128xf32, #tpu.memory_space<vmem_shared>> -> memref<10112x128xf32, #tpu.memory_space<vmem_shared>>
    tpu.wait_indirect_dma semaphore(%arg17 : memref<!tpu.dma_semaphore, #tpu.memory_space<semaphore_mem>>) src(%dma_wait3A_207 : memref<112x128xf32, #tpu.memory_space<vmem>>) dst(%dma_wait3A_213 : memref<10112x128xf32, #tpu.memory_space<vmem_shared>>)
    %add3A_214 = arith.constant 336 : i32
    %add3A_215 = arith.addi %add3A, %add3A_214 : i32
    %add3A_216 = arith.constant 336 : i32
    %add3A_217 = arith.addi %add3A_7, %add3A_216 : i32
    %dma_start3A_218 = arith.constant 0 : i32
    %dma_start3A_219 = arith.constant 0 : i32
    %dma_start3A_220 = tpu.memref_slice %arg7[%dma_start3A_218, %dma_start3A_219] : memref<3x112xi32, #tpu.memory_space<vmem>> -> memref<1x112xi32, #tpu.memory_space<vmem>>
    %dma_start3A_221 = tpu.memref_squeeze %dma_start3A_220 : memref<1x112xi32, #tpu.memory_space<vmem>> -> memref<112xi32, #tpu.memory_space<vmem>>
    %dma_start3A_222 = tpu.memref_slice %arg3[%add3A_215] : memref<645120xi32, #tpu.memory_space<hbm>> -> memref<112xi32, #tpu.memory_space<hbm>>
    %dma_start3A_223 = arith.constant 0 : i32
    %dma_start3A_224 = tpu.memref_slice %arg7[%dma_start3A_218, %dma_start3A_223] : memref<3x112xi32, #tpu.memory_space<vmem>> -> memref<1x112xi32, #tpu.memory_space<vmem>>
    %dma_start3A_225 = tpu.memref_squeeze %dma_start3A_224 : memref<1x112xi32, #tpu.memory_space<vmem>> -> memref<112xi32, #tpu.memory_space<vmem>>
    %dma_start3A_226 = tpu.memref_slice %arg3[%add3A_215] : memref<645120xi32, #tpu.memory_space<hbm>> -> memref<112xi32, #tpu.memory_space<hbm>>
    tpu.enqueue_dma source(%dma_start3A_226 : memref<112xi32, #tpu.memory_space<hbm>>) target(%dma_start3A_225 : memref<112xi32, #tpu.memory_space<vmem>>) target_semaphore(%arg11 : memref<!tpu.dma_semaphore, #tpu.memory_space<semaphore_mem>>)
    %dma_start3A_227 = arith.constant 0 : i32
    %dma_start3A_228 = arith.constant 0 : i32
    %dma_start3A_229 = tpu.memref_slice %arg8[%dma_start3A_227, %dma_start3A_228] : memref<3x112xi32, #tpu.memory_space<vmem>> -> memref<1x112xi32, #tpu.memory_space<vmem>>
    %dma_start3A_230 = tpu.memref_squeeze %dma_start3A_229 : memref<1x112xi32, #tpu.memory_space<vmem>> -> memref<112xi32, #tpu.memory_space<vmem>>
    %dma_start3A_231 = tpu.memref_slice %arg4[%add3A_217] : memref<322560xi32, #tpu.memory_space<hbm>> -> memref<112xi32, #tpu.memory_space<hbm>>
    %dma_start3A_232 = arith.constant 0 : i32
    %dma_start3A_233 = tpu.memref_slice %arg8[%dma_start3A_227, %dma_start3A_232] : memref<3x112xi32, #tpu.memory_space<vmem>> -> memref<1x112xi32, #tpu.memory_space<vmem>>
    %dma_start3A_234 = tpu.memref_squeeze %dma_start3A_233 : memref<1x112xi32, #tpu.memory_space<vmem>> -> memref<112xi32, #tpu.memory_space<vmem>>
    %dma_start3A_235 = tpu.memref_slice %arg4[%add3A_217] : memref<322560xi32, #tpu.memory_space<hbm>> -> memref<112xi32, #tpu.memory_space<hbm>>
    tpu.enqueue_dma source(%dma_start3A_235 : memref<112xi32, #tpu.memory_space<hbm>>) target(%dma_start3A_234 : memref<112xi32, #tpu.memory_space<vmem>>) target_semaphore(%arg11 : memref<!tpu.dma_semaphore, #tpu.memory_space<semaphore_mem>>)
    %scan3A = arith.constant 0 : i32
    %scan3A_236 = arith.constant 1 : i32
    %scan3A_237 = arith.constant 58 : i32
    %scan3A_238 = arith.addi %scan3A_236, %scan3A_237 : i32
    %scan3A_239 = arith.constant 1 : i32
    scf.for %scan3A_572 = %scan3A_236 to %scan3A_238 step %scan3A_239  : i32 {
      %mul3A_573 = arith.constant 3 : i32
      %mul3A_574 = arith.muli %mul3A_573, %scan3A_572 : i32
      %add3A_575 = arith.constant 0 : i32
      %add3A_576 = arith.addi %mul3A_574, %add3A_575 : i32
      %mul3A_577 = arith.constant 112 : i32
      %mul3A_578 = arith.muli %add3A_576, %mul3A_577 : i32
      %add3A_579 = arith.addi %add3A, %mul3A_578 : i32
      %mul3A_580 = arith.constant 112 : i32
      %mul3A_581 = arith.muli %add3A_576, %mul3A_580 : i32
      %add3A_582 = arith.addi %add3A_7, %mul3A_581 : i32
      %dma_wait3A_583 = arith.constant 0 : i32
      %dma_wait3A_584 = arith.constant 0 : i32
      %dma_wait3A_585 = tpu.memref_slice %arg7[%dma_wait3A_583, %dma_wait3A_584] : memref<3x112xi32, #tpu.memory_space<vmem>> -> memref<1x112xi32, #tpu.memory_space<vmem>>
      %dma_wait3A_586 = tpu.memref_squeeze %dma_wait3A_585 : memref<1x112xi32, #tpu.memory_space<vmem>> -> memref<112xi32, #tpu.memory_space<vmem>>
      %dma_wait3A_587 = tpu.memref_slice %arg3[%add3A_579] : memref<645120xi32, #tpu.memory_space<hbm>> -> memref<112xi32, #tpu.memory_space<hbm>>
      %dma_wait3A_588 = arith.constant 0 : i32
      %dma_wait3A_589 = tpu.memref_slice %arg7[%dma_wait3A_583, %dma_wait3A_588] : memref<3x112xi32, #tpu.memory_space<vmem>> -> memref<1x112xi32, #tpu.memory_space<vmem>>
      %dma_wait3A_590 = tpu.memref_squeeze %dma_wait3A_589 : memref<1x112xi32, #tpu.memory_space<vmem>> -> memref<112xi32, #tpu.memory_space<vmem>>
      %dma_wait3A_591 = tpu.memref_slice %arg3[%add3A_579] : memref<645120xi32, #tpu.memory_space<hbm>> -> memref<112xi32, #tpu.memory_space<hbm>>
      tpu.wait_dma2 semaphore(%arg11 : memref<!tpu.dma_semaphore, #tpu.memory_space<semaphore_mem>>) src(%dma_wait3A_591 : memref<112xi32, #tpu.memory_space<hbm>>) dst(%dma_wait3A_590 : memref<112xi32, #tpu.memory_space<vmem>>)
      %dma_wait3A_592 = arith.constant 0 : i32
      %dma_wait3A_593 = arith.constant 0 : i32
      %dma_wait3A_594 = tpu.memref_slice %arg8[%dma_wait3A_592, %dma_wait3A_593] : memref<3x112xi32, #tpu.memory_space<vmem>> -> memref<1x112xi32, #tpu.memory_space<vmem>>
      %dma_wait3A_595 = tpu.memref_squeeze %dma_wait3A_594 : memref<1x112xi32, #tpu.memory_space<vmem>> -> memref<112xi32, #tpu.memory_space<vmem>>
      %dma_wait3A_596 = tpu.memref_slice %arg4[%add3A_582] : memref<322560xi32, #tpu.memory_space<hbm>> -> memref<112xi32, #tpu.memory_space<hbm>>
      %dma_wait3A_597 = arith.constant 0 : i32
      %dma_wait3A_598 = tpu.memref_slice %arg8[%dma_wait3A_592, %dma_wait3A_597] : memref<3x112xi32, #tpu.memory_space<vmem>> -> memref<1x112xi32, #tpu.memory_space<vmem>>
      %dma_wait3A_599 = tpu.memref_squeeze %dma_wait3A_598 : memref<1x112xi32, #tpu.memory_space<vmem>> -> memref<112xi32, #tpu.memory_space<vmem>>
      %dma_wait3A_600 = tpu.memref_slice %arg4[%add3A_582] : memref<322560xi32, #tpu.memory_space<hbm>> -> memref<112xi32, #tpu.memory_space<hbm>>
      tpu.wait_dma2 semaphore(%arg11 : memref<!tpu.dma_semaphore, #tpu.memory_space<semaphore_mem>>) src(%dma_wait3A_600 : memref<112xi32, #tpu.memory_space<hbm>>) dst(%dma_wait3A_599 : memref<112xi32, #tpu.memory_space<vmem>>)
      %dma_start3A_601 = arith.constant 0 : i32
      %dma_start3A_602 = arith.constant 0 : i32
      %dma_start3A_603 = arith.constant 0 : i32
      %dma_start3A_604 = arith.constant 0 : i32
      %dma_start3A_605 = tpu.memref_slice %arg9[%dma_start3A_602, %dma_start3A_603, %dma_start3A_604] : memref<3x112x128xf32, #tpu.memory_space<vmem>> -> memref<1x112x128xf32, #tpu.memory_space<vmem>>
      %dma_start3A_606 = tpu.memref_squeeze %dma_start3A_605 : memref<1x112x128xf32, #tpu.memory_space<vmem>> -> memref<112x128xf32, #tpu.memory_space<vmem>>
      %dma_start3A_607 = arith.constant 0 : i32
      %dma_start3A_608 = tpu.memref_slice %arg7[%dma_start3A_601, %dma_start3A_607] : memref<3x112xi32, #tpu.memory_space<vmem>> -> memref<1x112xi32, #tpu.memory_space<vmem>>
      %dma_start3A_609 = tpu.memref_squeeze %dma_start3A_608 : memref<1x112xi32, #tpu.memory_space<vmem>> -> memref<112xi32, #tpu.memory_space<vmem>>
      %dma_start3A_610 = arith.constant 0 : i32
      %dma_start3A_611 = arith.constant 0 : i32
      %dma_start3A_612 = tpu.memref_slice %arg2[%dma_start3A_610, %dma_start3A_611] : memref<20000x128xf32, #tpu.memory_space<hbm>> -> memref<20000x128xf32, #tpu.memory_space<hbm>>
      tpu.enqueue_indirect_dma source(%dma_start3A_612 : memref<20000x128xf32, #tpu.memory_space<hbm>>) target(%dma_start3A_606 : memref<112x128xf32, #tpu.memory_space<vmem>>) offsets(%dma_start3A_609 : memref<112xi32, #tpu.memory_space<vmem>>) semaphore(%arg14 : memref<!tpu.dma_semaphore, #tpu.memory_space<semaphore_mem>>)
      %dma_wait3A_613 = arith.constant 1 : i32
      %dma_wait3A_614 = arith.constant 1 : i32
      %dma_wait3A_615 = arith.constant 0 : i32
      %dma_wait3A_616 = arith.constant 0 : i32
      %dma_wait3A_617 = tpu.memref_slice %arg9[%dma_wait3A_614, %dma_wait3A_615, %dma_wait3A_616] : memref<3x112x128xf32, #tpu.memory_space<vmem>> -> memref<1x112x128xf32, #tpu.memory_space<vmem>>
      %dma_wait3A_618 = tpu.memref_squeeze %dma_wait3A_617 : memref<1x112x128xf32, #tpu.memory_space<vmem>> -> memref<112x128xf32, #tpu.memory_space<vmem>>
      %dma_wait3A_619 = arith.constant 0 : i32
      %dma_wait3A_620 = tpu.memref_slice %arg7[%dma_wait3A_613, %dma_wait3A_619] : memref<3x112xi32, #tpu.memory_space<vmem>> -> memref<1x112xi32, #tpu.memory_space<vmem>>
      %dma_wait3A_621 = tpu.memref_squeeze %dma_wait3A_620 : memref<1x112xi32, #tpu.memory_space<vmem>> -> memref<112xi32, #tpu.memory_space<vmem>>
      %dma_wait3A_622 = arith.constant 0 : i32
      %dma_wait3A_623 = arith.constant 0 : i32
      %dma_wait3A_624 = tpu.memref_slice %arg2[%dma_wait3A_622, %dma_wait3A_623] : memref<20000x128xf32, #tpu.memory_space<hbm>> -> memref<20000x128xf32, #tpu.memory_space<hbm>>
      tpu.wait_indirect_dma semaphore(%arg15 : memref<!tpu.dma_semaphore, #tpu.memory_space<semaphore_mem>>) src(%dma_wait3A_624 : memref<20000x128xf32, #tpu.memory_space<hbm>>) dst(%dma_wait3A_618 : memref<112x128xf32, #tpu.memory_space<vmem>>)
      %dma_start3A_625 = arith.constant 1 : i32
      %dma_start3A_626 = arith.constant 1 : i32
      %dma_start3A_627 = arith.constant 0 : i32
      %dma_start3A_628 = arith.constant 0 : i32
      %dma_start3A_629 = tpu.memref_slice %arg9[%dma_start3A_625, %dma_start3A_627, %dma_start3A_628] : memref<3x112x128xf32, #tpu.memory_space<vmem>> -> memref<1x112x128xf32, #tpu.memory_space<vmem>>
      %dma_start3A_630 = tpu.memref_squeeze %dma_start3A_629 : memref<1x112x128xf32, #tpu.memory_space<vmem>> -> memref<112x128xf32, #tpu.memory_space<vmem>>
      %dma_start3A_631 = arith.constant 0 : i32
      %dma_start3A_632 = tpu.memref_slice %arg8[%dma_start3A_626, %dma_start3A_631] : memref<3x112xi32, #tpu.memory_space<vmem>> -> memref<1x112xi32, #tpu.memory_space<vmem>>
      %dma_start3A_633 = tpu.memref_squeeze %dma_start3A_632 : memref<1x112xi32, #tpu.memory_space<vmem>> -> memref<112xi32, #tpu.memory_space<vmem>>
      %dma_start3A_634 = arith.constant 0 : i32
      %dma_start3A_635 = arith.constant 0 : i32
      %dma_start3A_636 = tpu.memref_slice %arg10[%dma_start3A_634, %dma_start3A_635] : memref<10112x128xf32, #tpu.memory_space<vmem_shared>> -> memref<10112x128xf32, #tpu.memory_space<vmem_shared>>
      tpu.enqueue_indirect_dma source(%dma_start3A_630 : memref<112x128xf32, #tpu.memory_space<vmem>>) target(%dma_start3A_636 : memref<10112x128xf32, #tpu.memory_space<vmem_shared>>) offsets(%dma_start3A_633 : memref<112xi32, #tpu.memory_space<vmem>>) semaphore(%arg18 : memref<!tpu.dma_semaphore, #tpu.memory_space<semaphore_mem>>) {add = true}
      %dma_wait3A_637 = arith.constant 1 : i32
      %dma_wait3A_638 = arith.constant 1 : i32
      %dma_wait3A_639 = arith.constant 0 : i32
      %dma_wait3A_640 = arith.constant 0 : i32
      %dma_wait3A_641 = tpu.memref_slice %arg9[%dma_wait3A_637, %dma_wait3A_639, %dma_wait3A_640] : memref<3x112x128xf32, #tpu.memory_space<vmem>> -> memref<1x112x128xf32, #tpu.memory_space<vmem>>
      %dma_wait3A_642 = tpu.memref_squeeze %dma_wait3A_641 : memref<1x112x128xf32, #tpu.memory_space<vmem>> -> memref<112x128xf32, #tpu.memory_space<vmem>>
      %dma_wait3A_643 = arith.constant 0 : i32
      %dma_wait3A_644 = tpu.memref_slice %arg8[%dma_wait3A_638, %dma_wait3A_643] : memref<3x112xi32, #tpu.memory_space<vmem>> -> memref<1x112xi32, #tpu.memory_space<vmem>>
      %dma_wait3A_645 = tpu.memref_squeeze %dma_wait3A_644 : memref<1x112xi32, #tpu.memory_space<vmem>> -> memref<112xi32, #tpu.memory_space<vmem>>
      %dma_wait3A_646 = arith.constant 0 : i32
      %dma_wait3A_647 = arith.constant 0 : i32
      %dma_wait3A_648 = tpu.memref_slice %arg10[%dma_wait3A_646, %dma_wait3A_647] : memref<10112x128xf32, #tpu.memory_space<vmem_shared>> -> memref<10112x128xf32, #tpu.memory_space<vmem_shared>>
      tpu.wait_indirect_dma semaphore(%arg18 : memref<!tpu.dma_semaphore, #tpu.memory_space<semaphore_mem>>) src(%dma_wait3A_642 : memref<112x128xf32, #tpu.memory_space<vmem>>) dst(%dma_wait3A_648 : memref<10112x128xf32, #tpu.memory_space<vmem_shared>>)
      %add3A_649 = arith.constant 1 : i32
      %add3A_650 = arith.addi %add3A_576, %add3A_649 : i32
      %mul3A_651 = arith.constant 112 : i32
      %mul3A_652 = arith.muli %add3A_650, %mul3A_651 : i32
      %add3A_653 = arith.addi %add3A, %mul3A_652 : i32
      %mul3A_654 = arith.constant 112 : i32
      %mul3A_655 = arith.muli %add3A_650, %mul3A_654 : i32
      %add3A_656 = arith.addi %add3A_7, %mul3A_655 : i32
      %dma_start3A_657 = arith.constant 1 : i32
      %dma_start3A_658 = arith.constant 0 : i32
      %dma_start3A_659 = tpu.memref_slice %arg7[%dma_start3A_657, %dma_start3A_658] : memref<3x112xi32, #tpu.memory_space<vmem>> -> memref<1x112xi32, #tpu.memory_space<vmem>>
      %dma_start3A_660 = tpu.memref_squeeze %dma_start3A_659 : memref<1x112xi32, #tpu.memory_space<vmem>> -> memref<112xi32, #tpu.memory_space<vmem>>
      %dma_start3A_661 = tpu.memref_slice %arg3[%add3A_653] : memref<645120xi32, #tpu.memory_space<hbm>> -> memref<112xi32, #tpu.memory_space<hbm>>
      %dma_start3A_662 = arith.constant 0 : i32
      %dma_start3A_663 = tpu.memref_slice %arg7[%dma_start3A_657, %dma_start3A_662] : memref<3x112xi32, #tpu.memory_space<vmem>> -> memref<1x112xi32, #tpu.memory_space<vmem>>
      %dma_start3A_664 = tpu.memref_squeeze %dma_start3A_663 : memref<1x112xi32, #tpu.memory_space<vmem>> -> memref<112xi32, #tpu.memory_space<vmem>>
      %dma_start3A_665 = tpu.memref_slice %arg3[%add3A_653] : memref<645120xi32, #tpu.memory_space<hbm>> -> memref<112xi32, #tpu.memory_space<hbm>>
      tpu.enqueue_dma source(%dma_start3A_665 : memref<112xi32, #tpu.memory_space<hbm>>) target(%dma_start3A_664 : memref<112xi32, #tpu.memory_space<vmem>>) target_semaphore(%arg12 : memref<!tpu.dma_semaphore, #tpu.memory_space<semaphore_mem>>)
      %dma_start3A_666 = arith.constant 1 : i32
      %dma_start3A_667 = arith.constant 0 : i32
      %dma_start3A_668 = tpu.memref_slice %arg8[%dma_start3A_666, %dma_start3A_667] : memref<3x112xi32, #tpu.memory_space<vmem>> -> memref<1x112xi32, #tpu.memory_space<vmem>>
      %dma_start3A_669 = tpu.memref_squeeze %dma_start3A_668 : memref<1x112xi32, #tpu.memory_space<vmem>> -> memref<112xi32, #tpu.memory_space<vmem>>
      %dma_start3A_670 = tpu.memref_slice %arg4[%add3A_656] : memref<322560xi32, #tpu.memory_space<hbm>> -> memref<112xi32, #tpu.memory_space<hbm>>
      %dma_start3A_671 = arith.constant 0 : i32
      %dma_start3A_672 = tpu.memref_slice %arg8[%dma_start3A_666, %dma_start3A_671] : memref<3x112xi32, #tpu.memory_space<vmem>> -> memref<1x112xi32, #tpu.memory_space<vmem>>
      %dma_start3A_673 = tpu.memref_squeeze %dma_start3A_672 : memref<1x112xi32, #tpu.memory_space<vmem>> -> memref<112xi32, #tpu.memory_space<vmem>>
      %dma_start3A_674 = tpu.memref_slice %arg4[%add3A_656] : memref<322560xi32, #tpu.memory_space<hbm>> -> memref<112xi32, #tpu.memory_space<hbm>>
      tpu.enqueue_dma source(%dma_start3A_674 : memref<112xi32, #tpu.memory_space<hbm>>) target(%dma_start3A_673 : memref<112xi32, #tpu.memory_space<vmem>>) target_semaphore(%arg12 : memref<!tpu.dma_semaphore, #tpu.memory_space<semaphore_mem>>)
      %add3A_675 = arith.constant 1 : i32
      %add3A_676 = arith.addi %mul3A_574, %add3A_675 : i32
      %mul3A_677 = arith.constant 112 : i32
      %mul3A_678 = arith.muli %add3A_676, %mul3A_677 : i32
      %add3A_679 = arith.addi %add3A, %mul3A_678 : i32
      %mul3A_680 = arith.constant 112 : i32
      %mul3A_681 = arith.muli %add3A_676, %mul3A_680 : i32
      %add3A_682 = arith.addi %add3A_7, %mul3A_681 : i32
      %dma_wait3A_683 = arith.constant 1 : i32
      %dma_wait3A_684 = arith.constant 0 : i32
      %dma_wait3A_685 = tpu.memref_slice %arg7[%dma_wait3A_683, %dma_wait3A_684] : memref<3x112xi32, #tpu.memory_space<vmem>> -> memref<1x112xi32, #tpu.memory_space<vmem>>
      %dma_wait3A_686 = tpu.memref_squeeze %dma_wait3A_685 : memref<1x112xi32, #tpu.memory_space<vmem>> -> memref<112xi32, #tpu.memory_space<vmem>>
      %dma_wait3A_687 = tpu.memref_slice %arg3[%add3A_679] : memref<645120xi32, #tpu.memory_space<hbm>> -> memref<112xi32, #tpu.memory_space<hbm>>
      %dma_wait3A_688 = arith.constant 0 : i32
      %dma_wait3A_689 = tpu.memref_slice %arg7[%dma_wait3A_683, %dma_wait3A_688] : memref<3x112xi32, #tpu.memory_space<vmem>> -> memref<1x112xi32, #tpu.memory_space<vmem>>
      %dma_wait3A_690 = tpu.memref_squeeze %dma_wait3A_689 : memref<1x112xi32, #tpu.memory_space<vmem>> -> memref<112xi32, #tpu.memory_space<vmem>>
      %dma_wait3A_691 = tpu.memref_slice %arg3[%add3A_679] : memref<645120xi32, #tpu.memory_space<hbm>> -> memref<112xi32, #tpu.memory_space<hbm>>
      tpu.wait_dma2 semaphore(%arg12 : memref<!tpu.dma_semaphore, #tpu.memory_space<semaphore_mem>>) src(%dma_wait3A_691 : memref<112xi32, #tpu.memory_space<hbm>>) dst(%dma_wait3A_690 : memref<112xi32, #tpu.memory_space<vmem>>)
      %dma_wait3A_692 = arith.constant 1 : i32
      %dma_wait3A_693 = arith.constant 0 : i32
      %dma_wait3A_694 = tpu.memref_slice %arg8[%dma_wait3A_692, %dma_wait3A_693] : memref<3x112xi32, #tpu.memory_space<vmem>> -> memref<1x112xi32, #tpu.memory_space<vmem>>
      %dma_wait3A_695 = tpu.memref_squeeze %dma_wait3A_694 : memref<1x112xi32, #tpu.memory_space<vmem>> -> memref<112xi32, #tpu.memory_space<vmem>>
      %dma_wait3A_696 = tpu.memref_slice %arg4[%add3A_682] : memref<322560xi32, #tpu.memory_space<hbm>> -> memref<112xi32, #tpu.memory_space<hbm>>
      %dma_wait3A_697 = arith.constant 0 : i32
      %dma_wait3A_698 = tpu.memref_slice %arg8[%dma_wait3A_692, %dma_wait3A_697] : memref<3x112xi32, #tpu.memory_space<vmem>> -> memref<1x112xi32, #tpu.memory_space<vmem>>
      %dma_wait3A_699 = tpu.memref_squeeze %dma_wait3A_698 : memref<1x112xi32, #tpu.memory_space<vmem>> -> memref<112xi32, #tpu.memory_space<vmem>>
      %dma_wait3A_700 = tpu.memref_slice %arg4[%add3A_682] : memref<322560xi32, #tpu.memory_space<hbm>> -> memref<112xi32, #tpu.memory_space<hbm>>
      tpu.wait_dma2 semaphore(%arg12 : memref<!tpu.dma_semaphore, #tpu.memory_space<semaphore_mem>>) src(%dma_wait3A_700 : memref<112xi32, #tpu.memory_space<hbm>>) dst(%dma_wait3A_699 : memref<112xi32, #tpu.memory_space<vmem>>)
      %dma_start3A_701 = arith.constant 1 : i32
      %dma_start3A_702 = arith.constant 1 : i32
      %dma_start3A_703 = arith.constant 0 : i32
      %dma_start3A_704 = arith.constant 0 : i32
      %dma_start3A_705 = tpu.memref_slice %arg9[%dma_start3A_702, %dma_start3A_703, %dma_start3A_704] : memref<3x112x128xf32, #tpu.memory_space<vmem>> -> memref<1x112x128xf32, #tpu.memory_space<vmem>>
      %dma_start3A_706 = tpu.memref_squeeze %dma_start3A_705 : memref<1x112x128xf32, #tpu.memory_space<vmem>> -> memref<112x128xf32, #tpu.memory_space<vmem>>
      %dma_start3A_707 = arith.constant 0 : i32
      %dma_start3A_708 = tpu.memref_slice %arg7[%dma_start3A_701, %dma_start3A_707] : memref<3x112xi32, #tpu.memory_space<vmem>> -> memref<1x112xi32, #tpu.memory_space<vmem>>
      %dma_start3A_709 = tpu.memref_squeeze %dma_start3A_708 : memref<1x112xi32, #tpu.memory_space<vmem>> -> memref<112xi32, #tpu.memory_space<vmem>>
      %dma_start3A_710 = arith.constant 0 : i32
      %dma_start3A_711 = arith.constant 0 : i32
      %dma_start3A_712 = tpu.memref_slice %arg2[%dma_start3A_710, %dma_start3A_711] : memref<20000x128xf32, #tpu.memory_space<hbm>> -> memref<20000x128xf32, #tpu.memory_space<hbm>>
      tpu.enqueue_indirect_dma source(%dma_start3A_712 : memref<20000x128xf32, #tpu.memory_space<hbm>>) target(%dma_start3A_706 : memref<112x128xf32, #tpu.memory_space<vmem>>) offsets(%dma_start3A_709 : memref<112xi32, #tpu.memory_space<vmem>>) semaphore(%arg15 : memref<!tpu.dma_semaphore, #tpu.memory_space<semaphore_mem>>)
      %dma_wait3A_713 = arith.constant 2 : i32
      %dma_wait3A_714 = arith.constant 2 : i32
      %dma_wait3A_715 = arith.constant 0 : i32
      %dma_wait3A_716 = arith.constant 0 : i32
      %dma_wait3A_717 = tpu.memref_slice %arg9[%dma_wait3A_714, %dma_wait3A_715, %dma_wait3A_716] : memref<3x112x128xf32, #tpu.memory_space<vmem>> -> memref<1x112x128xf32, #tpu.memory_space<vmem>>
      %dma_wait3A_718 = tpu.memref_squeeze %dma_wait3A_717 : memref<1x112x128xf32, #tpu.memory_space<vmem>> -> memref<112x128xf32, #tpu.memory_space<vmem>>
      %dma_wait3A_719 = arith.constant 0 : i32
      %dma_wait3A_720 = tpu.memref_slice %arg7[%dma_wait3A_713, %dma_wait3A_719] : memref<3x112xi32, #tpu.memory_space<vmem>> -> memref<1x112xi32, #tpu.memory_space<vmem>>
      %dma_wait3A_721 = tpu.memref_squeeze %dma_wait3A_720 : memref<1x112xi32, #tpu.memory_space<vmem>> -> memref<112xi32, #tpu.memory_space<vmem>>
      %dma_wait3A_722 = arith.constant 0 : i32
      %dma_wait3A_723 = arith.constant 0 : i32
      %dma_wait3A_724 = tpu.memref_slice %arg2[%dma_wait3A_722, %dma_wait3A_723] : memref<20000x128xf32, #tpu.memory_space<hbm>> -> memref<20000x128xf32, #tpu.memory_space<hbm>>
      tpu.wait_indirect_dma semaphore(%arg16 : memref<!tpu.dma_semaphore, #tpu.memory_space<semaphore_mem>>) src(%dma_wait3A_724 : memref<20000x128xf32, #tpu.memory_space<hbm>>) dst(%dma_wait3A_718 : memref<112x128xf32, #tpu.memory_space<vmem>>)
      %dma_start3A_725 = arith.constant 2 : i32
      %dma_start3A_726 = arith.constant 2 : i32
      %dma_start3A_727 = arith.constant 0 : i32
      %dma_start3A_728 = arith.constant 0 : i32
      %dma_start3A_729 = tpu.memref_slice %arg9[%dma_start3A_725, %dma_start3A_727, %dma_start3A_728] : memref<3x112x128xf32, #tpu.memory_space<vmem>> -> memref<1x112x128xf32, #tpu.memory_space<vmem>>
      %dma_start3A_730 = tpu.memref_squeeze %dma_start3A_729 : memref<1x112x128xf32, #tpu.memory_space<vmem>> -> memref<112x128xf32, #tpu.memory_space<vmem>>
      %dma_start3A_731 = arith.constant 0 : i32
      %dma_start3A_732 = tpu.memref_slice %arg8[%dma_start3A_726, %dma_start3A_731] : memref<3x112xi32, #tpu.memory_space<vmem>> -> memref<1x112xi32, #tpu.memory_space<vmem>>
      %dma_start3A_733 = tpu.memref_squeeze %dma_start3A_732 : memref<1x112xi32, #tpu.memory_space<vmem>> -> memref<112xi32, #tpu.memory_space<vmem>>
      %dma_start3A_734 = arith.constant 0 : i32
      %dma_start3A_735 = arith.constant 0 : i32
      %dma_start3A_736 = tpu.memref_slice %arg10[%dma_start3A_734, %dma_start3A_735] : memref<10112x128xf32, #tpu.memory_space<vmem_shared>> -> memref<10112x128xf32, #tpu.memory_space<vmem_shared>>
      tpu.enqueue_indirect_dma source(%dma_start3A_730 : memref<112x128xf32, #tpu.memory_space<vmem>>) target(%dma_start3A_736 : memref<10112x128xf32, #tpu.memory_space<vmem_shared>>) offsets(%dma_start3A_733 : memref<112xi32, #tpu.memory_space<vmem>>) semaphore(%arg19 : memref<!tpu.dma_semaphore, #tpu.memory_space<semaphore_mem>>) {add = true}
      %dma_wait3A_737 = arith.constant 2 : i32
      %dma_wait3A_738 = arith.constant 2 : i32
      %dma_wait3A_739 = arith.constant 0 : i32
      %dma_wait3A_740 = arith.constant 0 : i32
      %dma_wait3A_741 = tpu.memref_slice %arg9[%dma_wait3A_737, %dma_wait3A_739, %dma_wait3A_740] : memref<3x112x128xf32, #tpu.memory_space<vmem>> -> memref<1x112x128xf32, #tpu.memory_space<vmem>>
      %dma_wait3A_742 = tpu.memref_squeeze %dma_wait3A_741 : memref<1x112x128xf32, #tpu.memory_space<vmem>> -> memref<112x128xf32, #tpu.memory_space<vmem>>
      %dma_wait3A_743 = arith.constant 0 : i32
      %dma_wait3A_744 = tpu.memref_slice %arg8[%dma_wait3A_738, %dma_wait3A_743] : memref<3x112xi32, #tpu.memory_space<vmem>> -> memref<1x112xi32, #tpu.memory_space<vmem>>
      %dma_wait3A_745 = tpu.memref_squeeze %dma_wait3A_744 : memref<1x112xi32, #tpu.memory_space<vmem>> -> memref<112xi32, #tpu.memory_space<vmem>>
      %dma_wait3A_746 = arith.constant 0 : i32
      %dma_wait3A_747 = arith.constant 0 : i32
      %dma_wait3A_748 = tpu.memref_slice %arg10[%dma_wait3A_746, %dma_wait3A_747] : memref<10112x128xf32, #tpu.memory_space<vmem_shared>> -> memref<10112x128xf32, #tpu.memory_space<vmem_shared>>
      tpu.wait_indirect_dma semaphore(%arg19 : memref<!tpu.dma_semaphore, #tpu.memory_space<semaphore_mem>>) src(%dma_wait3A_742 : memref<112x128xf32, #tpu.memory_space<vmem>>) dst(%dma_wait3A_748 : memref<10112x128xf32, #tpu.memory_space<vmem_shared>>)
      %add3A_749 = arith.constant 1 : i32
      %add3A_750 = arith.addi %add3A_676, %add3A_749 : i32
      %mul3A_751 = arith.constant 112 : i32
      %mul3A_752 = arith.muli %add3A_750, %mul3A_751 : i32
      %add3A_753 = arith.addi %add3A, %mul3A_752 : i32
      %mul3A_754 = arith.constant 112 : i32
      %mul3A_755 = arith.muli %add3A_750, %mul3A_754 : i32
      %add3A_756 = arith.addi %add3A_7, %mul3A_755 : i32
      %dma_start3A_757 = arith.constant 2 : i32
      %dma_start3A_758 = arith.constant 0 : i32
      %dma_start3A_759 = tpu.memref_slice %arg7[%dma_start3A_757, %dma_start3A_758] : memref<3x112xi32, #tpu.memory_space<vmem>> -> memref<1x112xi32, #tpu.memory_space<vmem>>
      %dma_start3A_760 = tpu.memref_squeeze %dma_start3A_759 : memref<1x112xi32, #tpu.memory_space<vmem>> -> memref<112xi32, #tpu.memory_space<vmem>>
      %dma_start3A_761 = tpu.memref_slice %arg3[%add3A_753] : memref<645120xi32, #tpu.memory_space<hbm>> -> memref<112xi32, #tpu.memory_space<hbm>>
      %dma_start3A_762 = arith.constant 0 : i32
      %dma_start3A_763 = tpu.memref_slice %arg7[%dma_start3A_757, %dma_start3A_762] : memref<3x112xi32, #tpu.memory_space<vmem>> -> memref<1x112xi32, #tpu.memory_space<vmem>>
      %dma_start3A_764 = tpu.memref_squeeze %dma_start3A_763 : memref<1x112xi32, #tpu.memory_space<vmem>> -> memref<112xi32, #tpu.memory_space<vmem>>
      %dma_start3A_765 = tpu.memref_slice %arg3[%add3A_753] : memref<645120xi32, #tpu.memory_space<hbm>> -> memref<112xi32, #tpu.memory_space<hbm>>
      tpu.enqueue_dma source(%dma_start3A_765 : memref<112xi32, #tpu.memory_space<hbm>>) target(%dma_start3A_764 : memref<112xi32, #tpu.memory_space<vmem>>) target_semaphore(%arg13 : memref<!tpu.dma_semaphore, #tpu.memory_space<semaphore_mem>>)
      %dma_start3A_766 = arith.constant 2 : i32
      %dma_start3A_767 = arith.constant 0 : i32
      %dma_start3A_768 = tpu.memref_slice %arg8[%dma_start3A_766, %dma_start3A_767] : memref<3x112xi32, #tpu.memory_space<vmem>> -> memref<1x112xi32, #tpu.memory_space<vmem>>
      %dma_start3A_769 = tpu.memref_squeeze %dma_start3A_768 : memref<1x112xi32, #tpu.memory_space<vmem>> -> memref<112xi32, #tpu.memory_space<vmem>>
      %dma_start3A_770 = tpu.memref_slice %arg4[%add3A_756] : memref<322560xi32, #tpu.memory_space<hbm>> -> memref<112xi32, #tpu.memory_space<hbm>>
      %dma_start3A_771 = arith.constant 0 : i32
      %dma_start3A_772 = tpu.memref_slice %arg8[%dma_start3A_766, %dma_start3A_771] : memref<3x112xi32, #tpu.memory_space<vmem>> -> memref<1x112xi32, #tpu.memory_space<vmem>>
      %dma_start3A_773 = tpu.memref_squeeze %dma_start3A_772 : memref<1x112xi32, #tpu.memory_space<vmem>> -> memref<112xi32, #tpu.memory_space<vmem>>
      %dma_start3A_774 = tpu.memref_slice %arg4[%add3A_756] : memref<322560xi32, #tpu.memory_space<hbm>> -> memref<112xi32, #tpu.memory_space<hbm>>
      tpu.enqueue_dma source(%dma_start3A_774 : memref<112xi32, #tpu.memory_space<hbm>>) target(%dma_start3A_773 : memref<112xi32, #tpu.memory_space<vmem>>) target_semaphore(%arg13 : memref<!tpu.dma_semaphore, #tpu.memory_space<semaphore_mem>>)
      %add3A_775 = arith.constant 2 : i32
      %add3A_776 = arith.addi %mul3A_574, %add3A_775 : i32
      %mul3A_777 = arith.constant 112 : i32
      %mul3A_778 = arith.muli %add3A_776, %mul3A_777 : i32
      %add3A_779 = arith.addi %add3A, %mul3A_778 : i32
      %mul3A_780 = arith.constant 112 : i32
      %mul3A_781 = arith.muli %add3A_776, %mul3A_780 : i32
      %add3A_782 = arith.addi %add3A_7, %mul3A_781 : i32
      %dma_wait3A_783 = arith.constant 2 : i32
      %dma_wait3A_784 = arith.constant 0 : i32
      %dma_wait3A_785 = tpu.memref_slice %arg7[%dma_wait3A_783, %dma_wait3A_784] : memref<3x112xi32, #tpu.memory_space<vmem>> -> memref<1x112xi32, #tpu.memory_space<vmem>>
      %dma_wait3A_786 = tpu.memref_squeeze %dma_wait3A_785 : memref<1x112xi32, #tpu.memory_space<vmem>> -> memref<112xi32, #tpu.memory_space<vmem>>
      %dma_wait3A_787 = tpu.memref_slice %arg3[%add3A_779] : memref<645120xi32, #tpu.memory_space<hbm>> -> memref<112xi32, #tpu.memory_space<hbm>>
      %dma_wait3A_788 = arith.constant 0 : i32
      %dma_wait3A_789 = tpu.memref_slice %arg7[%dma_wait3A_783, %dma_wait3A_788] : memref<3x112xi32, #tpu.memory_space<vmem>> -> memref<1x112xi32, #tpu.memory_space<vmem>>
      %dma_wait3A_790 = tpu.memref_squeeze %dma_wait3A_789 : memref<1x112xi32, #tpu.memory_space<vmem>> -> memref<112xi32, #tpu.memory_space<vmem>>
      %dma_wait3A_791 = tpu.memref_slice %arg3[%add3A_779] : memref<645120xi32, #tpu.memory_space<hbm>> -> memref<112xi32, #tpu.memory_space<hbm>>
      tpu.wait_dma2 semaphore(%arg13 : memref<!tpu.dma_semaphore, #tpu.memory_space<semaphore_mem>>) src(%dma_wait3A_791 : memref<112xi32, #tpu.memory_space<hbm>>) dst(%dma_wait3A_790 : memref<112xi32, #tpu.memory_space<vmem>>)
      %dma_wait3A_792 = arith.constant 2 : i32
      %dma_wait3A_793 = arith.constant 0 : i32
      %dma_wait3A_794 = tpu.memref_slice %arg8[%dma_wait3A_792, %dma_wait3A_793] : memref<3x112xi32, #tpu.memory_space<vmem>> -> memref<1x112xi32, #tpu.memory_space<vmem>>
      %dma_wait3A_795 = tpu.memref_squeeze %dma_wait3A_794 : memref<1x112xi32, #tpu.memory_space<vmem>> -> memref<112xi32, #tpu.memory_space<vmem>>
      %dma_wait3A_796 = tpu.memref_slice %arg4[%add3A_782] : memref<322560xi32, #tpu.memory_space<hbm>> -> memref<112xi32, #tpu.memory_space<hbm>>
      %dma_wait3A_797 = arith.constant 0 : i32
      %dma_wait3A_798 = tpu.memref_slice %arg8[%dma_wait3A_792, %dma_wait3A_797] : memref<3x112xi32, #tpu.memory_space<vmem>> -> memref<1x112xi32, #tpu.memory_space<vmem>>
      %dma_wait3A_799 = tpu.memref_squeeze %dma_wait3A_798 : memref<1x112xi32, #tpu.memory_space<vmem>> -> memref<112xi32, #tpu.memory_space<vmem>>
      %dma_wait3A_800 = tpu.memref_slice %arg4[%add3A_782] : memref<322560xi32, #tpu.memory_space<hbm>> -> memref<112xi32, #tpu.memory_space<hbm>>
      tpu.wait_dma2 semaphore(%arg13 : memref<!tpu.dma_semaphore, #tpu.memory_space<semaphore_mem>>) src(%dma_wait3A_800 : memref<112xi32, #tpu.memory_space<hbm>>) dst(%dma_wait3A_799 : memref<112xi32, #tpu.memory_space<vmem>>)
      %dma_start3A_801 = arith.constant 2 : i32
      %dma_start3A_802 = arith.constant 2 : i32
      %dma_start3A_803 = arith.constant 0 : i32
      %dma_start3A_804 = arith.constant 0 : i32
      %dma_start3A_805 = tpu.memref_slice %arg9[%dma_start3A_802, %dma_start3A_803, %dma_start3A_804] : memref<3x112x128xf32, #tpu.memory_space<vmem>> -> memref<1x112x128xf32, #tpu.memory_space<vmem>>
      %dma_start3A_806 = tpu.memref_squeeze %dma_start3A_805 : memref<1x112x128xf32, #tpu.memory_space<vmem>> -> memref<112x128xf32, #tpu.memory_space<vmem>>
      %dma_start3A_807 = arith.constant 0 : i32
      %dma_start3A_808 = tpu.memref_slice %arg7[%dma_start3A_801, %dma_start3A_807] : memref<3x112xi32, #tpu.memory_space<vmem>> -> memref<1x112xi32, #tpu.memory_space<vmem>>
      %dma_start3A_809 = tpu.memref_squeeze %dma_start3A_808 : memref<1x112xi32, #tpu.memory_space<vmem>> -> memref<112xi32, #tpu.memory_space<vmem>>
      %dma_start3A_810 = arith.constant 0 : i32
      %dma_start3A_811 = arith.constant 0 : i32
      %dma_start3A_812 = tpu.memref_slice %arg2[%dma_start3A_810, %dma_start3A_811] : memref<20000x128xf32, #tpu.memory_space<hbm>> -> memref<20000x128xf32, #tpu.memory_space<hbm>>
      tpu.enqueue_indirect_dma source(%dma_start3A_812 : memref<20000x128xf32, #tpu.memory_space<hbm>>) target(%dma_start3A_806 : memref<112x128xf32, #tpu.memory_space<vmem>>) offsets(%dma_start3A_809 : memref<112xi32, #tpu.memory_space<vmem>>) semaphore(%arg16 : memref<!tpu.dma_semaphore, #tpu.memory_space<semaphore_mem>>)
      %dma_wait3A_813 = arith.constant 0 : i32
      %dma_wait3A_814 = arith.constant 0 : i32
      %dma_wait3A_815 = arith.constant 0 : i32
      %dma_wait3A_816 = arith.constant 0 : i32
      %dma_wait3A_817 = tpu.memref_slice %arg9[%dma_wait3A_814, %dma_wait3A_815, %dma_wait3A_816] : memref<3x112x128xf32, #tpu.memory_space<vmem>> -> memref<1x112x128xf32, #tpu.memory_space<vmem>>
      %dma_wait3A_818 = tpu.memref_squeeze %dma_wait3A_817 : memref<1x112x128xf32, #tpu.memory_space<vmem>> -> memref<112x128xf32, #tpu.memory_space<vmem>>
      %dma_wait3A_819 = arith.constant 0 : i32
      %dma_wait3A_820 = tpu.memref_slice %arg7[%dma_wait3A_813, %dma_wait3A_819] : memref<3x112xi32, #tpu.memory_space<vmem>> -> memref<1x112xi32, #tpu.memory_space<vmem>>
      %dma_wait3A_821 = tpu.memref_squeeze %dma_wait3A_820 : memref<1x112xi32, #tpu.memory_space<vmem>> -> memref<112xi32, #tpu.memory_space<vmem>>
      %dma_wait3A_822 = arith.constant 0 : i32
      %dma_wait3A_823 = arith.constant 0 : i32
      %dma_wait3A_824 = tpu.memref_slice %arg2[%dma_wait3A_822, %dma_wait3A_823] : memref<20000x128xf32, #tpu.memory_space<hbm>> -> memref<20000x128xf32, #tpu.memory_space<hbm>>
      tpu.wait_indirect_dma semaphore(%arg14 : memref<!tpu.dma_semaphore, #tpu.memory_space<semaphore_mem>>) src(%dma_wait3A_824 : memref<20000x128xf32, #tpu.memory_space<hbm>>) dst(%dma_wait3A_818 : memref<112x128xf32, #tpu.memory_space<vmem>>)
      %dma_start3A_825 = arith.constant 0 : i32
      %dma_start3A_826 = arith.constant 0 : i32
      %dma_start3A_827 = arith.constant 0 : i32
      %dma_start3A_828 = arith.constant 0 : i32
      %dma_start3A_829 = tpu.memref_slice %arg9[%dma_start3A_825, %dma_start3A_827, %dma_start3A_828] : memref<3x112x128xf32, #tpu.memory_space<vmem>> -> memref<1x112x128xf32, #tpu.memory_space<vmem>>
      %dma_start3A_830 = tpu.memref_squeeze %dma_start3A_829 : memref<1x112x128xf32, #tpu.memory_space<vmem>> -> memref<112x128xf32, #tpu.memory_space<vmem>>
      %dma_start3A_831 = arith.constant 0 : i32
      %dma_start3A_832 = tpu.memref_slice %arg8[%dma_start3A_826, %dma_start3A_831] : memref<3x112xi32, #tpu.memory_space<vmem>> -> memref<1x112xi32, #tpu.memory_space<vmem>>
      %dma_start3A_833 = tpu.memref_squeeze %dma_start3A_832 : memref<1x112xi32, #tpu.memory_space<vmem>> -> memref<112xi32, #tpu.memory_space<vmem>>
      %dma_start3A_834 = arith.constant 0 : i32
      %dma_start3A_835 = arith.constant 0 : i32
      %dma_start3A_836 = tpu.memref_slice %arg10[%dma_start3A_834, %dma_start3A_835] : memref<10112x128xf32, #tpu.memory_space<vmem_shared>> -> memref<10112x128xf32, #tpu.memory_space<vmem_shared>>
      tpu.enqueue_indirect_dma source(%dma_start3A_830 : memref<112x128xf32, #tpu.memory_space<vmem>>) target(%dma_start3A_836 : memref<10112x128xf32, #tpu.memory_space<vmem_shared>>) offsets(%dma_start3A_833 : memref<112xi32, #tpu.memory_space<vmem>>) semaphore(%arg17 : memref<!tpu.dma_semaphore, #tpu.memory_space<semaphore_mem>>) {add = true}
      %dma_wait3A_837 = arith.constant 0 : i32
      %dma_wait3A_838 = arith.constant 0 : i32
      %dma_wait3A_839 = arith.constant 0 : i32
      %dma_wait3A_840 = arith.constant 0 : i32
      %dma_wait3A_841 = tpu.memref_slice %arg9[%dma_wait3A_837, %dma_wait3A_839, %dma_wait3A_840] : memref<3x112x128xf32, #tpu.memory_space<vmem>> -> memref<1x112x128xf32, #tpu.memory_space<vmem>>
      %dma_wait3A_842 = tpu.memref_squeeze %dma_wait3A_841 : memref<1x112x128xf32, #tpu.memory_space<vmem>> -> memref<112x128xf32, #tpu.memory_space<vmem>>
      %dma_wait3A_843 = arith.constant 0 : i32
      %dma_wait3A_844 = tpu.memref_slice %arg8[%dma_wait3A_838, %dma_wait3A_843] : memref<3x112xi32, #tpu.memory_space<vmem>> -> memref<1x112xi32, #tpu.memory_space<vmem>>
      %dma_wait3A_845 = tpu.memref_squeeze %dma_wait3A_844 : memref<1x112xi32, #tpu.memory_space<vmem>> -> memref<112xi32, #tpu.memory_space<vmem>>
      %dma_wait3A_846 = arith.constant 0 : i32
      %dma_wait3A_847 = arith.constant 0 : i32
      %dma_wait3A_848 = tpu.memref_slice %arg10[%dma_wait3A_846, %dma_wait3A_847] : memref<10112x128xf32, #tpu.memory_space<vmem_shared>> -> memref<10112x128xf32, #tpu.memory_space<vmem_shared>>
      tpu.wait_indirect_dma semaphore(%arg17 : memref<!tpu.dma_semaphore, #tpu.memory_space<semaphore_mem>>) src(%dma_wait3A_842 : memref<112x128xf32, #tpu.memory_space<vmem>>) dst(%dma_wait3A_848 : memref<10112x128xf32, #tpu.memory_space<vmem_shared>>)
      %add3A_849 = arith.constant 1 : i32
      %add3A_850 = arith.addi %add3A_776, %add3A_849 : i32
      %mul3A_851 = arith.constant 112 : i32
      %mul3A_852 = arith.muli %add3A_850, %mul3A_851 : i32
      %add3A_853 = arith.addi %add3A, %mul3A_852 : i32
      %mul3A_854 = arith.constant 112 : i32
      %mul3A_855 = arith.muli %add3A_850, %mul3A_854 : i32
      %add3A_856 = arith.addi %add3A_7, %mul3A_855 : i32
      %dma_start3A_857 = arith.constant 0 : i32
      %dma_start3A_858 = arith.constant 0 : i32
      %dma_start3A_859 = tpu.memref_slice %arg7[%dma_start3A_857, %dma_start3A_858] : memref<3x112xi32, #tpu.memory_space<vmem>> -> memref<1x112xi32, #tpu.memory_space<vmem>>
      %dma_start3A_860 = tpu.memref_squeeze %dma_start3A_859 : memref<1x112xi32, #tpu.memory_space<vmem>> -> memref<112xi32, #tpu.memory_space<vmem>>
      %dma_start3A_861 = tpu.memref_slice %arg3[%add3A_853] : memref<645120xi32, #tpu.memory_space<hbm>> -> memref<112xi32, #tpu.memory_space<hbm>>
      %dma_start3A_862 = arith.constant 0 : i32
      %dma_start3A_863 = tpu.memref_slice %arg7[%dma_start3A_857, %dma_start3A_862] : memref<3x112xi32, #tpu.memory_space<vmem>> -> memref<1x112xi32, #tpu.memory_space<vmem>>
      %dma_start3A_864 = tpu.memref_squeeze %dma_start3A_863 : memref<1x112xi32, #tpu.memory_space<vmem>> -> memref<112xi32, #tpu.memory_space<vmem>>
      %dma_start3A_865 = tpu.memref_slice %arg3[%add3A_853] : memref<645120xi32, #tpu.memory_space<hbm>> -> memref<112xi32, #tpu.memory_space<hbm>>
      tpu.enqueue_dma source(%dma_start3A_865 : memref<112xi32, #tpu.memory_space<hbm>>) target(%dma_start3A_864 : memref<112xi32, #tpu.memory_space<vmem>>) target_semaphore(%arg11 : memref<!tpu.dma_semaphore, #tpu.memory_space<semaphore_mem>>)
      %dma_start3A_866 = arith.constant 0 : i32
      %dma_start3A_867 = arith.constant 0 : i32
      %dma_start3A_868 = tpu.memref_slice %arg8[%dma_start3A_866, %dma_start3A_867] : memref<3x112xi32, #tpu.memory_space<vmem>> -> memref<1x112xi32, #tpu.memory_space<vmem>>
      %dma_start3A_869 = tpu.memref_squeeze %dma_start3A_868 : memref<1x112xi32, #tpu.memory_space<vmem>> -> memref<112xi32, #tpu.memory_space<vmem>>
      %dma_start3A_870 = tpu.memref_slice %arg4[%add3A_856] : memref<322560xi32, #tpu.memory_space<hbm>> -> memref<112xi32, #tpu.memory_space<hbm>>
      %dma_start3A_871 = arith.constant 0 : i32
      %dma_start3A_872 = tpu.memref_slice %arg8[%dma_start3A_866, %dma_start3A_871] : memref<3x112xi32, #tpu.memory_space<vmem>> -> memref<1x112xi32, #tpu.memory_space<vmem>>
      %dma_start3A_873 = tpu.memref_squeeze %dma_start3A_872 : memref<1x112xi32, #tpu.memory_space<vmem>> -> memref<112xi32, #tpu.memory_space<vmem>>
      %dma_start3A_874 = tpu.memref_slice %arg4[%add3A_856] : memref<322560xi32, #tpu.memory_space<hbm>> -> memref<112xi32, #tpu.memory_space<hbm>>
      tpu.enqueue_dma source(%dma_start3A_874 : memref<112xi32, #tpu.memory_space<hbm>>) target(%dma_start3A_873 : memref<112xi32, #tpu.memory_space<vmem>>) target_semaphore(%arg11 : memref<!tpu.dma_semaphore, #tpu.memory_space<semaphore_mem>>)
    }
    %scan3A_240 = arith.constant 58 : i32
    %add3A_241 = arith.constant 19824 : i32
    %add3A_242 = arith.addi %add3A, %add3A_241 : i32
    %add3A_243 = arith.constant 19824 : i32
    %add3A_244 = arith.addi %add3A_7, %add3A_243 : i32
    %dma_wait3A_245 = arith.constant 0 : i32
    %dma_wait3A_246 = arith.constant 0 : i32
    %dma_wait3A_247 = tpu.memref_slice %arg7[%dma_wait3A_245, %dma_wait3A_246] : memref<3x112xi32, #tpu.memory_space<vmem>> -> memref<1x112xi32, #tpu.memory_space<vmem>>
    %dma_wait3A_248 = tpu.memref_squeeze %dma_wait3A_247 : memref<1x112xi32, #tpu.memory_space<vmem>> -> memref<112xi32, #tpu.memory_space<vmem>>
    %dma_wait3A_249 = tpu.memref_slice %arg3[%add3A_242] : memref<645120xi32, #tpu.memory_space<hbm>> -> memref<112xi32, #tpu.memory_space<hbm>>
    %dma_wait3A_250 = arith.constant 0 : i32
    %dma_wait3A_251 = tpu.memref_slice %arg7[%dma_wait3A_245, %dma_wait3A_250] : memref<3x112xi32, #tpu.memory_space<vmem>> -> memref<1x112xi32, #tpu.memory_space<vmem>>
    %dma_wait3A_252 = tpu.memref_squeeze %dma_wait3A_251 : memref<1x112xi32, #tpu.memory_space<vmem>> -> memref<112xi32, #tpu.memory_space<vmem>>
    %dma_wait3A_253 = tpu.memref_slice %arg3[%add3A_242] : memref<645120xi32, #tpu.memory_space<hbm>> -> memref<112xi32, #tpu.memory_space<hbm>>
    tpu.wait_dma2 semaphore(%arg11 : memref<!tpu.dma_semaphore, #tpu.memory_space<semaphore_mem>>) src(%dma_wait3A_253 : memref<112xi32, #tpu.memory_space<hbm>>) dst(%dma_wait3A_252 : memref<112xi32, #tpu.memory_space<vmem>>)
    %dma_wait3A_254 = arith.constant 0 : i32
    %dma_wait3A_255 = arith.constant 0 : i32
    %dma_wait3A_256 = tpu.memref_slice %arg8[%dma_wait3A_254, %dma_wait3A_255] : memref<3x112xi32, #tpu.memory_space<vmem>> -> memref<1x112xi32, #tpu.memory_space<vmem>>
    %dma_wait3A_257 = tpu.memref_squeeze %dma_wait3A_256 : memref<1x112xi32, #tpu.memory_space<vmem>> -> memref<112xi32, #tpu.memory_space<vmem>>
    %dma_wait3A_258 = tpu.memref_slice %arg4[%add3A_244] : memref<322560xi32, #tpu.memory_space<hbm>> -> memref<112xi32, #tpu.memory_space<hbm>>
    %dma_wait3A_259 = arith.constant 0 : i32
    %dma_wait3A_260 = tpu.memref_slice %arg8[%dma_wait3A_254, %dma_wait3A_259] : memref<3x112xi32, #tpu.memory_space<vmem>> -> memref<1x112xi32, #tpu.memory_space<vmem>>
    %dma_wait3A_261 = tpu.memref_squeeze %dma_wait3A_260 : memref<1x112xi32, #tpu.memory_space<vmem>> -> memref<112xi32, #tpu.memory_space<vmem>>
    %dma_wait3A_262 = tpu.memref_slice %arg4[%add3A_244] : memref<322560xi32, #tpu.memory_space<hbm>> -> memref<112xi32, #tpu.memory_space<hbm>>
    tpu.wait_dma2 semaphore(%arg11 : memref<!tpu.dma_semaphore, #tpu.memory_space<semaphore_mem>>) src(%dma_wait3A_262 : memref<112xi32, #tpu.memory_space<hbm>>) dst(%dma_wait3A_261 : memref<112xi32, #tpu.memory_space<vmem>>)
    %dma_start3A_263 = arith.constant 0 : i32
    %dma_start3A_264 = arith.constant 0 : i32
    %dma_start3A_265 = arith.constant 0 : i32
    %dma_start3A_266 = arith.constant 0 : i32
    %dma_start3A_267 = tpu.memref_slice %arg9[%dma_start3A_264, %dma_start3A_265, %dma_start3A_266] : memref<3x112x128xf32, #tpu.memory_space<vmem>> -> memref<1x112x128xf32, #tpu.memory_space<vmem>>
    %dma_start3A_268 = tpu.memref_squeeze %dma_start3A_267 : memref<1x112x128xf32, #tpu.memory_space<vmem>> -> memref<112x128xf32, #tpu.memory_space<vmem>>
    %dma_start3A_269 = arith.constant 0 : i32
    %dma_start3A_270 = tpu.memref_slice %arg7[%dma_start3A_263, %dma_start3A_269] : memref<3x112xi32, #tpu.memory_space<vmem>> -> memref<1x112xi32, #tpu.memory_space<vmem>>
    %dma_start3A_271 = tpu.memref_squeeze %dma_start3A_270 : memref<1x112xi32, #tpu.memory_space<vmem>> -> memref<112xi32, #tpu.memory_space<vmem>>
    %dma_start3A_272 = arith.constant 0 : i32
    %dma_start3A_273 = arith.constant 0 : i32
    %dma_start3A_274 = tpu.memref_slice %arg2[%dma_start3A_272, %dma_start3A_273] : memref<20000x128xf32, #tpu.memory_space<hbm>> -> memref<20000x128xf32, #tpu.memory_space<hbm>>
    tpu.enqueue_indirect_dma source(%dma_start3A_274 : memref<20000x128xf32, #tpu.memory_space<hbm>>) target(%dma_start3A_268 : memref<112x128xf32, #tpu.memory_space<vmem>>) offsets(%dma_start3A_271 : memref<112xi32, #tpu.memory_space<vmem>>) semaphore(%arg14 : memref<!tpu.dma_semaphore, #tpu.memory_space<semaphore_mem>>)
    %dma_wait3A_275 = arith.constant 1 : i32
    %dma_wait3A_276 = arith.constant 1 : i32
    %dma_wait3A_277 = arith.constant 0 : i32
    %dma_wait3A_278 = arith.constant 0 : i32
    %dma_wait3A_279 = tpu.memref_slice %arg9[%dma_wait3A_276, %dma_wait3A_277, %dma_wait3A_278] : memref<3x112x128xf32, #tpu.memory_space<vmem>> -> memref<1x112x128xf32, #tpu.memory_space<vmem>>
    %dma_wait3A_280 = tpu.memref_squeeze %dma_wait3A_279 : memref<1x112x128xf32, #tpu.memory_space<vmem>> -> memref<112x128xf32, #tpu.memory_space<vmem>>
    %dma_wait3A_281 = arith.constant 0 : i32
    %dma_wait3A_282 = tpu.memref_slice %arg7[%dma_wait3A_275, %dma_wait3A_281] : memref<3x112xi32, #tpu.memory_space<vmem>> -> memref<1x112xi32, #tpu.memory_space<vmem>>
    %dma_wait3A_283 = tpu.memref_squeeze %dma_wait3A_282 : memref<1x112xi32, #tpu.memory_space<vmem>> -> memref<112xi32, #tpu.memory_space<vmem>>
    %dma_wait3A_284 = arith.constant 0 : i32
    %dma_wait3A_285 = arith.constant 0 : i32
    %dma_wait3A_286 = tpu.memref_slice %arg2[%dma_wait3A_284, %dma_wait3A_285] : memref<20000x128xf32, #tpu.memory_space<hbm>> -> memref<20000x128xf32, #tpu.memory_space<hbm>>
    tpu.wait_indirect_dma semaphore(%arg15 : memref<!tpu.dma_semaphore, #tpu.memory_space<semaphore_mem>>) src(%dma_wait3A_286 : memref<20000x128xf32, #tpu.memory_space<hbm>>) dst(%dma_wait3A_280 : memref<112x128xf32, #tpu.memory_space<vmem>>)
    %dma_start3A_287 = arith.constant 1 : i32
    %dma_start3A_288 = arith.constant 1 : i32
    %dma_start3A_289 = arith.constant 0 : i32
    %dma_start3A_290 = arith.constant 0 : i32
    %dma_start3A_291 = tpu.memref_slice %arg9[%dma_start3A_287, %dma_start3A_289, %dma_start3A_290] : memref<3x112x128xf32, #tpu.memory_space<vmem>> -> memref<1x112x128xf32, #tpu.memory_space<vmem>>
    %dma_start3A_292 = tpu.memref_squeeze %dma_start3A_291 : memref<1x112x128xf32, #tpu.memory_space<vmem>> -> memref<112x128xf32, #tpu.memory_space<vmem>>
    %dma_start3A_293 = arith.constant 0 : i32
    %dma_start3A_294 = tpu.memref_slice %arg8[%dma_start3A_288, %dma_start3A_293] : memref<3x112xi32, #tpu.memory_space<vmem>> -> memref<1x112xi32, #tpu.memory_space<vmem>>
    %dma_start3A_295 = tpu.memref_squeeze %dma_start3A_294 : memref<1x112xi32, #tpu.memory_space<vmem>> -> memref<112xi32, #tpu.memory_space<vmem>>
    %dma_start3A_296 = arith.constant 0 : i32
    %dma_start3A_297 = arith.constant 0 : i32
    %dma_start3A_298 = tpu.memref_slice %arg10[%dma_start3A_296, %dma_start3A_297] : memref<10112x128xf32, #tpu.memory_space<vmem_shared>> -> memref<10112x128xf32, #tpu.memory_space<vmem_shared>>
    tpu.enqueue_indirect_dma source(%dma_start3A_292 : memref<112x128xf32, #tpu.memory_space<vmem>>) target(%dma_start3A_298 : memref<10112x128xf32, #tpu.memory_space<vmem_shared>>) offsets(%dma_start3A_295 : memref<112xi32, #tpu.memory_space<vmem>>) semaphore(%arg18 : memref<!tpu.dma_semaphore, #tpu.memory_space<semaphore_mem>>) {add = true}
    %dma_wait3A_299 = arith.constant 1 : i32
    %dma_wait3A_300 = arith.constant 1 : i32
    %dma_wait3A_301 = arith.constant 0 : i32
    %dma_wait3A_302 = arith.constant 0 : i32
    %dma_wait3A_303 = tpu.memref_slice %arg9[%dma_wait3A_299, %dma_wait3A_301, %dma_wait3A_302] : memref<3x112x128xf32, #tpu.memory_space<vmem>> -> memref<1x112x128xf32, #tpu.memory_space<vmem>>
    %dma_wait3A_304 = tpu.memref_squeeze %dma_wait3A_303 : memref<1x112x128xf32, #tpu.memory_space<vmem>> -> memref<112x128xf32, #tpu.memory_space<vmem>>
    %dma_wait3A_305 = arith.constant 0 : i32
    %dma_wait3A_306 = tpu.memref_slice %arg8[%dma_wait3A_300, %dma_wait3A_305] : memref<3x112xi32, #tpu.memory_space<vmem>> -> memref<1x112xi32, #tpu.memory_space<vmem>>
    %dma_wait3A_307 = tpu.memref_squeeze %dma_wait3A_306 : memref<1x112xi32, #tpu.memory_space<vmem>> -> memref<112xi32, #tpu.memory_space<vmem>>
    %dma_wait3A_308 = arith.constant 0 : i32
    %dma_wait3A_309 = arith.constant 0 : i32
    %dma_wait3A_310 = tpu.memref_slice %arg10[%dma_wait3A_308, %dma_wait3A_309] : memref<10112x128xf32, #tpu.memory_space<vmem_shared>> -> memref<10112x128xf32, #tpu.memory_space<vmem_shared>>
    tpu.wait_indirect_dma semaphore(%arg18 : memref<!tpu.dma_semaphore, #tpu.memory_space<semaphore_mem>>) src(%dma_wait3A_304 : memref<112x128xf32, #tpu.memory_space<vmem>>) dst(%dma_wait3A_310 : memref<10112x128xf32, #tpu.memory_space<vmem_shared>>)
    %add3A_311 = arith.constant 19936 : i32
    %add3A_312 = arith.addi %add3A, %add3A_311 : i32
    %add3A_313 = arith.constant 19936 : i32
    %add3A_314 = arith.addi %add3A_7, %add3A_313 : i32
    %dma_start3A_315 = arith.constant 1 : i32
    %dma_start3A_316 = arith.constant 0 : i32
    %dma_start3A_317 = tpu.memref_slice %arg7[%dma_start3A_315, %dma_start3A_316] : memref<3x112xi32, #tpu.memory_space<vmem>> -> memref<1x112xi32, #tpu.memory_space<vmem>>
    %dma_start3A_318 = tpu.memref_squeeze %dma_start3A_317 : memref<1x112xi32, #tpu.memory_space<vmem>> -> memref<112xi32, #tpu.memory_space<vmem>>
    %dma_start3A_319 = tpu.memref_slice %arg3[%add3A_312] : memref<645120xi32, #tpu.memory_space<hbm>> -> memref<112xi32, #tpu.memory_space<hbm>>
    %dma_start3A_320 = arith.constant 0 : i32
    %dma_start3A_321 = tpu.memref_slice %arg7[%dma_start3A_315, %dma_start3A_320] : memref<3x112xi32, #tpu.memory_space<vmem>> -> memref<1x112xi32, #tpu.memory_space<vmem>>
    %dma_start3A_322 = tpu.memref_squeeze %dma_start3A_321 : memref<1x112xi32, #tpu.memory_space<vmem>> -> memref<112xi32, #tpu.memory_space<vmem>>
    %dma_start3A_323 = tpu.memref_slice %arg3[%add3A_312] : memref<645120xi32, #tpu.memory_space<hbm>> -> memref<112xi32, #tpu.memory_space<hbm>>
    tpu.enqueue_dma source(%dma_start3A_323 : memref<112xi32, #tpu.memory_space<hbm>>) target(%dma_start3A_322 : memref<112xi32, #tpu.memory_space<vmem>>) target_semaphore(%arg12 : memref<!tpu.dma_semaphore, #tpu.memory_space<semaphore_mem>>)
    %dma_start3A_324 = arith.constant 1 : i32
    %dma_start3A_325 = arith.constant 0 : i32
    %dma_start3A_326 = tpu.memref_slice %arg8[%dma_start3A_324, %dma_start3A_325] : memref<3x112xi32, #tpu.memory_space<vmem>> -> memref<1x112xi32, #tpu.memory_space<vmem>>
    %dma_start3A_327 = tpu.memref_squeeze %dma_start3A_326 : memref<1x112xi32, #tpu.memory_space<vmem>> -> memref<112xi32, #tpu.memory_space<vmem>>
    %dma_start3A_328 = tpu.memref_slice %arg4[%add3A_314] : memref<322560xi32, #tpu.memory_space<hbm>> -> memref<112xi32, #tpu.memory_space<hbm>>
    %dma_start3A_329 = arith.constant 0 : i32
    %dma_start3A_330 = tpu.memref_slice %arg8[%dma_start3A_324, %dma_start3A_329] : memref<3x112xi32, #tpu.memory_space<vmem>> -> memref<1x112xi32, #tpu.memory_space<vmem>>
    %dma_start3A_331 = tpu.memref_squeeze %dma_start3A_330 : memref<1x112xi32, #tpu.memory_space<vmem>> -> memref<112xi32, #tpu.memory_space<vmem>>
    %dma_start3A_332 = tpu.memref_slice %arg4[%add3A_314] : memref<322560xi32, #tpu.memory_space<hbm>> -> memref<112xi32, #tpu.memory_space<hbm>>
    tpu.enqueue_dma source(%dma_start3A_332 : memref<112xi32, #tpu.memory_space<hbm>>) target(%dma_start3A_331 : memref<112xi32, #tpu.memory_space<vmem>>) target_semaphore(%arg12 : memref<!tpu.dma_semaphore, #tpu.memory_space<semaphore_mem>>)
    %add3A_333 = arith.constant 19936 : i32
    %add3A_334 = arith.addi %add3A, %add3A_333 : i32
    %add3A_335 = arith.constant 19936 : i32
    %add3A_336 = arith.addi %add3A_7, %add3A_335 : i32
    %dma_wait3A_337 = arith.constant 1 : i32
    %dma_wait3A_338 = arith.constant 0 : i32
    %dma_wait3A_339 = tpu.memref_slice %arg7[%dma_wait3A_337, %dma_wait3A_338] : memref<3x112xi32, #tpu.memory_space<vmem>> -> memref<1x112xi32, #tpu.memory_space<vmem>>
    %dma_wait3A_340 = tpu.memref_squeeze %dma_wait3A_339 : memref<1x112xi32, #tpu.memory_space<vmem>> -> memref<112xi32, #tpu.memory_space<vmem>>
    %dma_wait3A_341 = tpu.memref_slice %arg3[%add3A_334] : memref<645120xi32, #tpu.memory_space<hbm>> -> memref<112xi32, #tpu.memory_space<hbm>>
    %dma_wait3A_342 = arith.constant 0 : i32
    %dma_wait3A_343 = tpu.memref_slice %arg7[%dma_wait3A_337, %dma_wait3A_342] : memref<3x112xi32, #tpu.memory_space<vmem>> -> memref<1x112xi32, #tpu.memory_space<vmem>>
    %dma_wait3A_344 = tpu.memref_squeeze %dma_wait3A_343 : memref<1x112xi32, #tpu.memory_space<vmem>> -> memref<112xi32, #tpu.memory_space<vmem>>
    %dma_wait3A_345 = tpu.memref_slice %arg3[%add3A_334] : memref<645120xi32, #tpu.memory_space<hbm>> -> memref<112xi32, #tpu.memory_space<hbm>>
    tpu.wait_dma2 semaphore(%arg12 : memref<!tpu.dma_semaphore, #tpu.memory_space<semaphore_mem>>) src(%dma_wait3A_345 : memref<112xi32, #tpu.memory_space<hbm>>) dst(%dma_wait3A_344 : memref<112xi32, #tpu.memory_space<vmem>>)
    %dma_wait3A_346 = arith.constant 1 : i32
    %dma_wait3A_347 = arith.constant 0 : i32
    %dma_wait3A_348 = tpu.memref_slice %arg8[%dma_wait3A_346, %dma_wait3A_347] : memref<3x112xi32, #tpu.memory_space<vmem>> -> memref<1x112xi32, #tpu.memory_space<vmem>>
    %dma_wait3A_349 = tpu.memref_squeeze %dma_wait3A_348 : memref<1x112xi32, #tpu.memory_space<vmem>> -> memref<112xi32, #tpu.memory_space<vmem>>
    %dma_wait3A_350 = tpu.memref_slice %arg4[%add3A_336] : memref<322560xi32, #tpu.memory_space<hbm>> -> memref<112xi32, #tpu.memory_space<hbm>>
    %dma_wait3A_351 = arith.constant 0 : i32
    %dma_wait3A_352 = tpu.memref_slice %arg8[%dma_wait3A_346, %dma_wait3A_351] : memref<3x112xi32, #tpu.memory_space<vmem>> -> memref<1x112xi32, #tpu.memory_space<vmem>>
    %dma_wait3A_353 = tpu.memref_squeeze %dma_wait3A_352 : memref<1x112xi32, #tpu.memory_space<vmem>> -> memref<112xi32, #tpu.memory_space<vmem>>
    %dma_wait3A_354 = tpu.memref_slice %arg4[%add3A_336] : memref<322560xi32, #tpu.memory_space<hbm>> -> memref<112xi32, #tpu.memory_space<hbm>>
    tpu.wait_dma2 semaphore(%arg12 : memref<!tpu.dma_semaphore, #tpu.memory_space<semaphore_mem>>) src(%dma_wait3A_354 : memref<112xi32, #tpu.memory_space<hbm>>) dst(%dma_wait3A_353 : memref<112xi32, #tpu.memory_space<vmem>>)
    %dma_start3A_355 = arith.constant 1 : i32
    %dma_start3A_356 = arith.constant 1 : i32
    %dma_start3A_357 = arith.constant 0 : i32
    %dma_start3A_358 = arith.constant 0 : i32
    %dma_start3A_359 = tpu.memref_slice %arg9[%dma_start3A_356, %dma_start3A_357, %dma_start3A_358] : memref<3x112x128xf32, #tpu.memory_space<vmem>> -> memref<1x112x128xf32, #tpu.memory_space<vmem>>
    %dma_start3A_360 = tpu.memref_squeeze %dma_start3A_359 : memref<1x112x128xf32, #tpu.memory_space<vmem>> -> memref<112x128xf32, #tpu.memory_space<vmem>>
    %dma_start3A_361 = arith.constant 0 : i32
    %dma_start3A_362 = tpu.memref_slice %arg7[%dma_start3A_355, %dma_start3A_361] : memref<3x112xi32, #tpu.memory_space<vmem>> -> memref<1x112xi32, #tpu.memory_space<vmem>>
    %dma_start3A_363 = tpu.memref_squeeze %dma_start3A_362 : memref<1x112xi32, #tpu.memory_space<vmem>> -> memref<112xi32, #tpu.memory_space<vmem>>
    %dma_start3A_364 = arith.constant 0 : i32
    %dma_start3A_365 = arith.constant 0 : i32
    %dma_start3A_366 = tpu.memref_slice %arg2[%dma_start3A_364, %dma_start3A_365] : memref<20000x128xf32, #tpu.memory_space<hbm>> -> memref<20000x128xf32, #tpu.memory_space<hbm>>
    tpu.enqueue_indirect_dma source(%dma_start3A_366 : memref<20000x128xf32, #tpu.memory_space<hbm>>) target(%dma_start3A_360 : memref<112x128xf32, #tpu.memory_space<vmem>>) offsets(%dma_start3A_363 : memref<112xi32, #tpu.memory_space<vmem>>) semaphore(%arg15 : memref<!tpu.dma_semaphore, #tpu.memory_space<semaphore_mem>>)
    %dma_wait3A_367 = arith.constant 2 : i32
    %dma_wait3A_368 = arith.constant 2 : i32
    %dma_wait3A_369 = arith.constant 0 : i32
    %dma_wait3A_370 = arith.constant 0 : i32
    %dma_wait3A_371 = tpu.memref_slice %arg9[%dma_wait3A_368, %dma_wait3A_369, %dma_wait3A_370] : memref<3x112x128xf32, #tpu.memory_space<vmem>> -> memref<1x112x128xf32, #tpu.memory_space<vmem>>
    %dma_wait3A_372 = tpu.memref_squeeze %dma_wait3A_371 : memref<1x112x128xf32, #tpu.memory_space<vmem>> -> memref<112x128xf32, #tpu.memory_space<vmem>>
    %dma_wait3A_373 = arith.constant 0 : i32
    %dma_wait3A_374 = tpu.memref_slice %arg7[%dma_wait3A_367, %dma_wait3A_373] : memref<3x112xi32, #tpu.memory_space<vmem>> -> memref<1x112xi32, #tpu.memory_space<vmem>>
    %dma_wait3A_375 = tpu.memref_squeeze %dma_wait3A_374 : memref<1x112xi32, #tpu.memory_space<vmem>> -> memref<112xi32, #tpu.memory_space<vmem>>
    %dma_wait3A_376 = arith.constant 0 : i32
    %dma_wait3A_377 = arith.constant 0 : i32
    %dma_wait3A_378 = tpu.memref_slice %arg2[%dma_wait3A_376, %dma_wait3A_377] : memref<20000x128xf32, #tpu.memory_space<hbm>> -> memref<20000x128xf32, #tpu.memory_space<hbm>>
    tpu.wait_indirect_dma semaphore(%arg16 : memref<!tpu.dma_semaphore, #tpu.memory_space<semaphore_mem>>) src(%dma_wait3A_378 : memref<20000x128xf32, #tpu.memory_space<hbm>>) dst(%dma_wait3A_372 : memref<112x128xf32, #tpu.memory_space<vmem>>)
    %dma_start3A_379 = arith.constant 2 : i32
    %dma_start3A_380 = arith.constant 2 : i32
    %dma_start3A_381 = arith.constant 0 : i32
    %dma_start3A_382 = arith.constant 0 : i32
    %dma_start3A_383 = tpu.memref_slice %arg9[%dma_start3A_379, %dma_start3A_381, %dma_start3A_382] : memref<3x112x128xf32, #tpu.memory_space<vmem>> -> memref<1x112x128xf32, #tpu.memory_space<vmem>>
    %dma_start3A_384 = tpu.memref_squeeze %dma_start3A_383 : memref<1x112x128xf32, #tpu.memory_space<vmem>> -> memref<112x128xf32, #tpu.memory_space<vmem>>
    %dma_start3A_385 = arith.constant 0 : i32
    %dma_start3A_386 = tpu.memref_slice %arg8[%dma_start3A_380, %dma_start3A_385] : memref<3x112xi32, #tpu.memory_space<vmem>> -> memref<1x112xi32, #tpu.memory_space<vmem>>
    %dma_start3A_387 = tpu.memref_squeeze %dma_start3A_386 : memref<1x112xi32, #tpu.memory_space<vmem>> -> memref<112xi32, #tpu.memory_space<vmem>>
    %dma_start3A_388 = arith.constant 0 : i32
    %dma_start3A_389 = arith.constant 0 : i32
    %dma_start3A_390 = tpu.memref_slice %arg10[%dma_start3A_388, %dma_start3A_389] : memref<10112x128xf32, #tpu.memory_space<vmem_shared>> -> memref<10112x128xf32, #tpu.memory_space<vmem_shared>>
    tpu.enqueue_indirect_dma source(%dma_start3A_384 : memref<112x128xf32, #tpu.memory_space<vmem>>) target(%dma_start3A_390 : memref<10112x128xf32, #tpu.memory_space<vmem_shared>>) offsets(%dma_start3A_387 : memref<112xi32, #tpu.memory_space<vmem>>) semaphore(%arg19 : memref<!tpu.dma_semaphore, #tpu.memory_space<semaphore_mem>>) {add = true}
    %dma_wait3A_391 = arith.constant 2 : i32
    %dma_wait3A_392 = arith.constant 2 : i32
    %dma_wait3A_393 = arith.constant 0 : i32
    %dma_wait3A_394 = arith.constant 0 : i32
    %dma_wait3A_395 = tpu.memref_slice %arg9[%dma_wait3A_391, %dma_wait3A_393, %dma_wait3A_394] : memref<3x112x128xf32, #tpu.memory_space<vmem>> -> memref<1x112x128xf32, #tpu.memory_space<vmem>>
    %dma_wait3A_396 = tpu.memref_squeeze %dma_wait3A_395 : memref<1x112x128xf32, #tpu.memory_space<vmem>> -> memref<112x128xf32, #tpu.memory_space<vmem>>
    %dma_wait3A_397 = arith.constant 0 : i32
    %dma_wait3A_398 = tpu.memref_slice %arg8[%dma_wait3A_392, %dma_wait3A_397] : memref<3x112xi32, #tpu.memory_space<vmem>> -> memref<1x112xi32, #tpu.memory_space<vmem>>
    %dma_wait3A_399 = tpu.memref_squeeze %dma_wait3A_398 : memref<1x112xi32, #tpu.memory_space<vmem>> -> memref<112xi32, #tpu.memory_space<vmem>>
    %dma_wait3A_400 = arith.constant 0 : i32
    %dma_wait3A_401 = arith.constant 0 : i32
    %dma_wait3A_402 = tpu.memref_slice %arg10[%dma_wait3A_400, %dma_wait3A_401] : memref<10112x128xf32, #tpu.memory_space<vmem_shared>> -> memref<10112x128xf32, #tpu.memory_space<vmem_shared>>
    tpu.wait_indirect_dma semaphore(%arg19 : memref<!tpu.dma_semaphore, #tpu.memory_space<semaphore_mem>>) src(%dma_wait3A_396 : memref<112x128xf32, #tpu.memory_space<vmem>>) dst(%dma_wait3A_402 : memref<10112x128xf32, #tpu.memory_space<vmem_shared>>)
    %add3A_403 = arith.constant 20048 : i32
    %add3A_404 = arith.addi %add3A, %add3A_403 : i32
    %add3A_405 = arith.constant 20048 : i32
    %add3A_406 = arith.addi %add3A_7, %add3A_405 : i32
    %dma_start3A_407 = arith.constant 2 : i32
    %dma_start3A_408 = arith.constant 0 : i32
    %dma_start3A_409 = tpu.memref_slice %arg7[%dma_start3A_407, %dma_start3A_408] : memref<3x112xi32, #tpu.memory_space<vmem>> -> memref<1x112xi32, #tpu.memory_space<vmem>>
    %dma_start3A_410 = tpu.memref_squeeze %dma_start3A_409 : memref<1x112xi32, #tpu.memory_space<vmem>> -> memref<112xi32, #tpu.memory_space<vmem>>
    %dma_start3A_411 = tpu.memref_slice %arg3[%add3A_404] : memref<645120xi32, #tpu.memory_space<hbm>> -> memref<112xi32, #tpu.memory_space<hbm>>
    %dma_start3A_412 = arith.constant 0 : i32
    %dma_start3A_413 = tpu.memref_slice %arg7[%dma_start3A_407, %dma_start3A_412] : memref<3x112xi32, #tpu.memory_space<vmem>> -> memref<1x112xi32, #tpu.memory_space<vmem>>
    %dma_start3A_414 = tpu.memref_squeeze %dma_start3A_413 : memref<1x112xi32, #tpu.memory_space<vmem>> -> memref<112xi32, #tpu.memory_space<vmem>>
    %dma_start3A_415 = tpu.memref_slice %arg3[%add3A_404] : memref<645120xi32, #tpu.memory_space<hbm>> -> memref<112xi32, #tpu.memory_space<hbm>>
    tpu.enqueue_dma source(%dma_start3A_415 : memref<112xi32, #tpu.memory_space<hbm>>) target(%dma_start3A_414 : memref<112xi32, #tpu.memory_space<vmem>>) target_semaphore(%arg13 : memref<!tpu.dma_semaphore, #tpu.memory_space<semaphore_mem>>)
    %dma_start3A_416 = arith.constant 2 : i32
    %dma_start3A_417 = arith.constant 0 : i32
    %dma_start3A_418 = tpu.memref_slice %arg8[%dma_start3A_416, %dma_start3A_417] : memref<3x112xi32, #tpu.memory_space<vmem>> -> memref<1x112xi32, #tpu.memory_space<vmem>>
    %dma_start3A_419 = tpu.memref_squeeze %dma_start3A_418 : memref<1x112xi32, #tpu.memory_space<vmem>> -> memref<112xi32, #tpu.memory_space<vmem>>
    %dma_start3A_420 = tpu.memref_slice %arg4[%add3A_406] : memref<322560xi32, #tpu.memory_space<hbm>> -> memref<112xi32, #tpu.memory_space<hbm>>
    %dma_start3A_421 = arith.constant 0 : i32
    %dma_start3A_422 = tpu.memref_slice %arg8[%dma_start3A_416, %dma_start3A_421] : memref<3x112xi32, #tpu.memory_space<vmem>> -> memref<1x112xi32, #tpu.memory_space<vmem>>
    %dma_start3A_423 = tpu.memref_squeeze %dma_start3A_422 : memref<1x112xi32, #tpu.memory_space<vmem>> -> memref<112xi32, #tpu.memory_space<vmem>>
    %dma_start3A_424 = tpu.memref_slice %arg4[%add3A_406] : memref<322560xi32, #tpu.memory_space<hbm>> -> memref<112xi32, #tpu.memory_space<hbm>>
    tpu.enqueue_dma source(%dma_start3A_424 : memref<112xi32, #tpu.memory_space<hbm>>) target(%dma_start3A_423 : memref<112xi32, #tpu.memory_space<vmem>>) target_semaphore(%arg13 : memref<!tpu.dma_semaphore, #tpu.memory_space<semaphore_mem>>)
    %add3A_425 = arith.constant 20048 : i32
    %add3A_426 = arith.addi %add3A, %add3A_425 : i32
    %add3A_427 = arith.constant 20048 : i32
    %add3A_428 = arith.addi %add3A_7, %add3A_427 : i32
    %dma_wait3A_429 = arith.constant 2 : i32
    %dma_wait3A_430 = arith.constant 0 : i32
    %dma_wait3A_431 = tpu.memref_slice %arg7[%dma_wait3A_429, %dma_wait3A_430] : memref<3x112xi32, #tpu.memory_space<vmem>> -> memref<1x112xi32, #tpu.memory_space<vmem>>
    %dma_wait3A_432 = tpu.memref_squeeze %dma_wait3A_431 : memref<1x112xi32, #tpu.memory_space<vmem>> -> memref<112xi32, #tpu.memory_space<vmem>>
    %dma_wait3A_433 = tpu.memref_slice %arg3[%add3A_426] : memref<645120xi32, #tpu.memory_space<hbm>> -> memref<112xi32, #tpu.memory_space<hbm>>
    %dma_wait3A_434 = arith.constant 0 : i32
    %dma_wait3A_435 = tpu.memref_slice %arg7[%dma_wait3A_429, %dma_wait3A_434] : memref<3x112xi32, #tpu.memory_space<vmem>> -> memref<1x112xi32, #tpu.memory_space<vmem>>
    %dma_wait3A_436 = tpu.memref_squeeze %dma_wait3A_435 : memref<1x112xi32, #tpu.memory_space<vmem>> -> memref<112xi32, #tpu.memory_space<vmem>>
    %dma_wait3A_437 = tpu.memref_slice %arg3[%add3A_426] : memref<645120xi32, #tpu.memory_space<hbm>> -> memref<112xi32, #tpu.memory_space<hbm>>
    tpu.wait_dma2 semaphore(%arg13 : memref<!tpu.dma_semaphore, #tpu.memory_space<semaphore_mem>>) src(%dma_wait3A_437 : memref<112xi32, #tpu.memory_space<hbm>>) dst(%dma_wait3A_436 : memref<112xi32, #tpu.memory_space<vmem>>)
    %dma_wait3A_438 = arith.constant 2 : i32
    %dma_wait3A_439 = arith.constant 0 : i32
    %dma_wait3A_440 = tpu.memref_slice %arg8[%dma_wait3A_438, %dma_wait3A_439] : memref<3x112xi32, #tpu.memory_space<vmem>> -> memref<1x112xi32, #tpu.memory_space<vmem>>
    %dma_wait3A_441 = tpu.memref_squeeze %dma_wait3A_440 : memref<1x112xi32, #tpu.memory_space<vmem>> -> memref<112xi32, #tpu.memory_space<vmem>>
    %dma_wait3A_442 = tpu.memref_slice %arg4[%add3A_428] : memref<322560xi32, #tpu.memory_space<hbm>> -> memref<112xi32, #tpu.memory_space<hbm>>
    %dma_wait3A_443 = arith.constant 0 : i32
    %dma_wait3A_444 = tpu.memref_slice %arg8[%dma_wait3A_438, %dma_wait3A_443] : memref<3x112xi32, #tpu.memory_space<vmem>> -> memref<1x112xi32, #tpu.memory_space<vmem>>
    %dma_wait3A_445 = tpu.memref_squeeze %dma_wait3A_444 : memref<1x112xi32, #tpu.memory_space<vmem>> -> memref<112xi32, #tpu.memory_space<vmem>>
    %dma_wait3A_446 = tpu.memref_slice %arg4[%add3A_428] : memref<322560xi32, #tpu.memory_space<hbm>> -> memref<112xi32, #tpu.memory_space<hbm>>
    tpu.wait_dma2 semaphore(%arg13 : memref<!tpu.dma_semaphore, #tpu.memory_space<semaphore_mem>>) src(%dma_wait3A_446 : memref<112xi32, #tpu.memory_space<hbm>>) dst(%dma_wait3A_445 : memref<112xi32, #tpu.memory_space<vmem>>)
    %dma_start3A_447 = arith.constant 2 : i32
    %dma_start3A_448 = arith.constant 2 : i32
    %dma_start3A_449 = arith.constant 0 : i32
    %dma_start3A_450 = arith.constant 0 : i32
    %dma_start3A_451 = tpu.memref_slice %arg9[%dma_start3A_448, %dma_start3A_449, %dma_start3A_450] : memref<3x112x128xf32, #tpu.memory_space<vmem>> -> memref<1x112x128xf32, #tpu.memory_space<vmem>>
    %dma_start3A_452 = tpu.memref_squeeze %dma_start3A_451 : memref<1x112x128xf32, #tpu.memory_space<vmem>> -> memref<112x128xf32, #tpu.memory_space<vmem>>
    %dma_start3A_453 = arith.constant 0 : i32
    %dma_start3A_454 = tpu.memref_slice %arg7[%dma_start3A_447, %dma_start3A_453] : memref<3x112xi32, #tpu.memory_space<vmem>> -> memref<1x112xi32, #tpu.memory_space<vmem>>
    %dma_start3A_455 = tpu.memref_squeeze %dma_start3A_454 : memref<1x112xi32, #tpu.memory_space<vmem>> -> memref<112xi32, #tpu.memory_space<vmem>>
    %dma_start3A_456 = arith.constant 0 : i32
    %dma_start3A_457 = arith.constant 0 : i32
    %dma_start3A_458 = tpu.memref_slice %arg2[%dma_start3A_456, %dma_start3A_457] : memref<20000x128xf32, #tpu.memory_space<hbm>> -> memref<20000x128xf32, #tpu.memory_space<hbm>>
    tpu.enqueue_indirect_dma source(%dma_start3A_458 : memref<20000x128xf32, #tpu.memory_space<hbm>>) target(%dma_start3A_452 : memref<112x128xf32, #tpu.memory_space<vmem>>) offsets(%dma_start3A_455 : memref<112xi32, #tpu.memory_space<vmem>>) semaphore(%arg16 : memref<!tpu.dma_semaphore, #tpu.memory_space<semaphore_mem>>)
    %dma_wait3A_459 = arith.constant 0 : i32
    %dma_wait3A_460 = arith.constant 0 : i32
    %dma_wait3A_461 = arith.constant 0 : i32
    %dma_wait3A_462 = arith.constant 0 : i32
    %dma_wait3A_463 = tpu.memref_slice %arg9[%dma_wait3A_460, %dma_wait3A_461, %dma_wait3A_462] : memref<3x112x128xf32, #tpu.memory_space<vmem>> -> memref<1x112x128xf32, #tpu.memory_space<vmem>>
    %dma_wait3A_464 = tpu.memref_squeeze %dma_wait3A_463 : memref<1x112x128xf32, #tpu.memory_space<vmem>> -> memref<112x128xf32, #tpu.memory_space<vmem>>
    %dma_wait3A_465 = arith.constant 0 : i32
    %dma_wait3A_466 = tpu.memref_slice %arg7[%dma_wait3A_459, %dma_wait3A_465] : memref<3x112xi32, #tpu.memory_space<vmem>> -> memref<1x112xi32, #tpu.memory_space<vmem>>
    %dma_wait3A_467 = tpu.memref_squeeze %dma_wait3A_466 : memref<1x112xi32, #tpu.memory_space<vmem>> -> memref<112xi32, #tpu.memory_space<vmem>>
    %dma_wait3A_468 = arith.constant 0 : i32
    %dma_wait3A_469 = arith.constant 0 : i32
    %dma_wait3A_470 = tpu.memref_slice %arg2[%dma_wait3A_468, %dma_wait3A_469] : memref<20000x128xf32, #tpu.memory_space<hbm>> -> memref<20000x128xf32, #tpu.memory_space<hbm>>
    tpu.wait_indirect_dma semaphore(%arg14 : memref<!tpu.dma_semaphore, #tpu.memory_space<semaphore_mem>>) src(%dma_wait3A_470 : memref<20000x128xf32, #tpu.memory_space<hbm>>) dst(%dma_wait3A_464 : memref<112x128xf32, #tpu.memory_space<vmem>>)
    %dma_start3A_471 = arith.constant 0 : i32
    %dma_start3A_472 = arith.constant 0 : i32
    %dma_start3A_473 = arith.constant 0 : i32
    %dma_start3A_474 = arith.constant 0 : i32
    %dma_start3A_475 = tpu.memref_slice %arg9[%dma_start3A_471, %dma_start3A_473, %dma_start3A_474] : memref<3x112x128xf32, #tpu.memory_space<vmem>> -> memref<1x112x128xf32, #tpu.memory_space<vmem>>
    %dma_start3A_476 = tpu.memref_squeeze %dma_start3A_475 : memref<1x112x128xf32, #tpu.memory_space<vmem>> -> memref<112x128xf32, #tpu.memory_space<vmem>>
    %dma_start3A_477 = arith.constant 0 : i32
    %dma_start3A_478 = tpu.memref_slice %arg8[%dma_start3A_472, %dma_start3A_477] : memref<3x112xi32, #tpu.memory_space<vmem>> -> memref<1x112xi32, #tpu.memory_space<vmem>>
    %dma_start3A_479 = tpu.memref_squeeze %dma_start3A_478 : memref<1x112xi32, #tpu.memory_space<vmem>> -> memref<112xi32, #tpu.memory_space<vmem>>
    %dma_start3A_480 = arith.constant 0 : i32
    %dma_start3A_481 = arith.constant 0 : i32
    %dma_start3A_482 = tpu.memref_slice %arg10[%dma_start3A_480, %dma_start3A_481] : memref<10112x128xf32, #tpu.memory_space<vmem_shared>> -> memref<10112x128xf32, #tpu.memory_space<vmem_shared>>
    tpu.enqueue_indirect_dma source(%dma_start3A_476 : memref<112x128xf32, #tpu.memory_space<vmem>>) target(%dma_start3A_482 : memref<10112x128xf32, #tpu.memory_space<vmem_shared>>) offsets(%dma_start3A_479 : memref<112xi32, #tpu.memory_space<vmem>>) semaphore(%arg17 : memref<!tpu.dma_semaphore, #tpu.memory_space<semaphore_mem>>) {add = true}
    %dma_wait3A_483 = arith.constant 1 : i32
    %dma_wait3A_484 = arith.constant 1 : i32
    %dma_wait3A_485 = arith.constant 0 : i32
    %dma_wait3A_486 = arith.constant 0 : i32
    %dma_wait3A_487 = tpu.memref_slice %arg9[%dma_wait3A_484, %dma_wait3A_485, %dma_wait3A_486] : memref<3x112x128xf32, #tpu.memory_space<vmem>> -> memref<1x112x128xf32, #tpu.memory_space<vmem>>
    %dma_wait3A_488 = tpu.memref_squeeze %dma_wait3A_487 : memref<1x112x128xf32, #tpu.memory_space<vmem>> -> memref<112x128xf32, #tpu.memory_space<vmem>>
    %dma_wait3A_489 = arith.constant 0 : i32
    %dma_wait3A_490 = tpu.memref_slice %arg7[%dma_wait3A_483, %dma_wait3A_489] : memref<3x112xi32, #tpu.memory_space<vmem>> -> memref<1x112xi32, #tpu.memory_space<vmem>>
    %dma_wait3A_491 = tpu.memref_squeeze %dma_wait3A_490 : memref<1x112xi32, #tpu.memory_space<vmem>> -> memref<112xi32, #tpu.memory_space<vmem>>
    %dma_wait3A_492 = arith.constant 0 : i32
    %dma_wait3A_493 = arith.constant 0 : i32
    %dma_wait3A_494 = tpu.memref_slice %arg2[%dma_wait3A_492, %dma_wait3A_493] : memref<20000x128xf32, #tpu.memory_space<hbm>> -> memref<20000x128xf32, #tpu.memory_space<hbm>>
    tpu.wait_indirect_dma semaphore(%arg15 : memref<!tpu.dma_semaphore, #tpu.memory_space<semaphore_mem>>) src(%dma_wait3A_494 : memref<20000x128xf32, #tpu.memory_space<hbm>>) dst(%dma_wait3A_488 : memref<112x128xf32, #tpu.memory_space<vmem>>)
    %dma_start3A_495 = arith.constant 1 : i32
    %dma_start3A_496 = arith.constant 1 : i32
    %dma_start3A_497 = arith.constant 0 : i32
    %dma_start3A_498 = arith.constant 0 : i32
    %dma_start3A_499 = tpu.memref_slice %arg9[%dma_start3A_495, %dma_start3A_497, %dma_start3A_498] : memref<3x112x128xf32, #tpu.memory_space<vmem>> -> memref<1x112x128xf32, #tpu.memory_space<vmem>>
    %dma_start3A_500 = tpu.memref_squeeze %dma_start3A_499 : memref<1x112x128xf32, #tpu.memory_space<vmem>> -> memref<112x128xf32, #tpu.memory_space<vmem>>
    %dma_start3A_501 = arith.constant 0 : i32
    %dma_start3A_502 = tpu.memref_slice %arg8[%dma_start3A_496, %dma_start3A_501] : memref<3x112xi32, #tpu.memory_space<vmem>> -> memref<1x112xi32, #tpu.memory_space<vmem>>
    %dma_start3A_503 = tpu.memref_squeeze %dma_start3A_502 : memref<1x112xi32, #tpu.memory_space<vmem>> -> memref<112xi32, #tpu.memory_space<vmem>>
    %dma_start3A_504 = arith.constant 0 : i32
    %dma_start3A_505 = arith.constant 0 : i32
    %dma_start3A_506 = tpu.memref_slice %arg10[%dma_start3A_504, %dma_start3A_505] : memref<10112x128xf32, #tpu.memory_space<vmem_shared>> -> memref<10112x128xf32, #tpu.memory_space<vmem_shared>>
    tpu.enqueue_indirect_dma source(%dma_start3A_500 : memref<112x128xf32, #tpu.memory_space<vmem>>) target(%dma_start3A_506 : memref<10112x128xf32, #tpu.memory_space<vmem_shared>>) offsets(%dma_start3A_503 : memref<112xi32, #tpu.memory_space<vmem>>) semaphore(%arg18 : memref<!tpu.dma_semaphore, #tpu.memory_space<semaphore_mem>>) {add = true}
    %dma_wait3A_507 = arith.constant 2 : i32
    %dma_wait3A_508 = arith.constant 2 : i32
    %dma_wait3A_509 = arith.constant 0 : i32
    %dma_wait3A_510 = arith.constant 0 : i32
    %dma_wait3A_511 = tpu.memref_slice %arg9[%dma_wait3A_508, %dma_wait3A_509, %dma_wait3A_510] : memref<3x112x128xf32, #tpu.memory_space<vmem>> -> memref<1x112x128xf32, #tpu.memory_space<vmem>>
    %dma_wait3A_512 = tpu.memref_squeeze %dma_wait3A_511 : memref<1x112x128xf32, #tpu.memory_space<vmem>> -> memref<112x128xf32, #tpu.memory_space<vmem>>
    %dma_wait3A_513 = arith.constant 0 : i32
    %dma_wait3A_514 = tpu.memref_slice %arg7[%dma_wait3A_507, %dma_wait3A_513] : memref<3x112xi32, #tpu.memory_space<vmem>> -> memref<1x112xi32, #tpu.memory_space<vmem>>
    %dma_wait3A_515 = tpu.memref_squeeze %dma_wait3A_514 : memref<1x112xi32, #tpu.memory_space<vmem>> -> memref<112xi32, #tpu.memory_space<vmem>>
    %dma_wait3A_516 = arith.constant 0 : i32
    %dma_wait3A_517 = arith.constant 0 : i32
    %dma_wait3A_518 = tpu.memref_slice %arg2[%dma_wait3A_516, %dma_wait3A_517] : memref<20000x128xf32, #tpu.memory_space<hbm>> -> memref<20000x128xf32, #tpu.memory_space<hbm>>
    tpu.wait_indirect_dma semaphore(%arg16 : memref<!tpu.dma_semaphore, #tpu.memory_space<semaphore_mem>>) src(%dma_wait3A_518 : memref<20000x128xf32, #tpu.memory_space<hbm>>) dst(%dma_wait3A_512 : memref<112x128xf32, #tpu.memory_space<vmem>>)
    %dma_start3A_519 = arith.constant 2 : i32
    %dma_start3A_520 = arith.constant 2 : i32
    %dma_start3A_521 = arith.constant 0 : i32
    %dma_start3A_522 = arith.constant 0 : i32
    %dma_start3A_523 = tpu.memref_slice %arg9[%dma_start3A_519, %dma_start3A_521, %dma_start3A_522] : memref<3x112x128xf32, #tpu.memory_space<vmem>> -> memref<1x112x128xf32, #tpu.memory_space<vmem>>
    %dma_start3A_524 = tpu.memref_squeeze %dma_start3A_523 : memref<1x112x128xf32, #tpu.memory_space<vmem>> -> memref<112x128xf32, #tpu.memory_space<vmem>>
    %dma_start3A_525 = arith.constant 0 : i32
    %dma_start3A_526 = tpu.memref_slice %arg8[%dma_start3A_520, %dma_start3A_525] : memref<3x112xi32, #tpu.memory_space<vmem>> -> memref<1x112xi32, #tpu.memory_space<vmem>>
    %dma_start3A_527 = tpu.memref_squeeze %dma_start3A_526 : memref<1x112xi32, #tpu.memory_space<vmem>> -> memref<112xi32, #tpu.memory_space<vmem>>
    %dma_start3A_528 = arith.constant 0 : i32
    %dma_start3A_529 = arith.constant 0 : i32
    %dma_start3A_530 = tpu.memref_slice %arg10[%dma_start3A_528, %dma_start3A_529] : memref<10112x128xf32, #tpu.memory_space<vmem_shared>> -> memref<10112x128xf32, #tpu.memory_space<vmem_shared>>
    tpu.enqueue_indirect_dma source(%dma_start3A_524 : memref<112x128xf32, #tpu.memory_space<vmem>>) target(%dma_start3A_530 : memref<10112x128xf32, #tpu.memory_space<vmem_shared>>) offsets(%dma_start3A_527 : memref<112xi32, #tpu.memory_space<vmem>>) semaphore(%arg19 : memref<!tpu.dma_semaphore, #tpu.memory_space<semaphore_mem>>) {add = true}
    %dma_wait3A_531 = arith.constant 0 : i32
    %dma_wait3A_532 = arith.constant 0 : i32
    %dma_wait3A_533 = arith.constant 0 : i32
    %dma_wait3A_534 = arith.constant 0 : i32
    %dma_wait3A_535 = tpu.memref_slice %arg9[%dma_wait3A_531, %dma_wait3A_533, %dma_wait3A_534] : memref<3x112x128xf32, #tpu.memory_space<vmem>> -> memref<1x112x128xf32, #tpu.memory_space<vmem>>
    %dma_wait3A_536 = tpu.memref_squeeze %dma_wait3A_535 : memref<1x112x128xf32, #tpu.memory_space<vmem>> -> memref<112x128xf32, #tpu.memory_space<vmem>>
    %dma_wait3A_537 = arith.constant 0 : i32
    %dma_wait3A_538 = tpu.memref_slice %arg8[%dma_wait3A_532, %dma_wait3A_537] : memref<3x112xi32, #tpu.memory_space<vmem>> -> memref<1x112xi32, #tpu.memory_space<vmem>>
    %dma_wait3A_539 = tpu.memref_squeeze %dma_wait3A_538 : memref<1x112xi32, #tpu.memory_space<vmem>> -> memref<112xi32, #tpu.memory_space<vmem>>
    %dma_wait3A_540 = arith.constant 0 : i32
    %dma_wait3A_541 = arith.constant 0 : i32
    %dma_wait3A_542 = tpu.memref_slice %arg10[%dma_wait3A_540, %dma_wait3A_541] : memref<10112x128xf32, #tpu.memory_space<vmem_shared>> -> memref<10112x128xf32, #tpu.memory_space<vmem_shared>>
    tpu.wait_indirect_dma semaphore(%arg17 : memref<!tpu.dma_semaphore, #tpu.memory_space<semaphore_mem>>) src(%dma_wait3A_536 : memref<112x128xf32, #tpu.memory_space<vmem>>) dst(%dma_wait3A_542 : memref<10112x128xf32, #tpu.memory_space<vmem_shared>>)
    %dma_wait3A_543 = arith.constant 1 : i32
    %dma_wait3A_544 = arith.constant 1 : i32
    %dma_wait3A_545 = arith.constant 0 : i32
    %dma_wait3A_546 = arith.constant 0 : i32
    %dma_wait3A_547 = tpu.memref_slice %arg9[%dma_wait3A_543, %dma_wait3A_545, %dma_wait3A_546] : memref<3x112x128xf32, #tpu.memory_space<vmem>> -> memref<1x112x128xf32, #tpu.memory_space<vmem>>
    %dma_wait3A_548 = tpu.memref_squeeze %dma_wait3A_547 : memref<1x112x128xf32, #tpu.memory_space<vmem>> -> memref<112x128xf32, #tpu.memory_space<vmem>>
    %dma_wait3A_549 = arith.constant 0 : i32
    %dma_wait3A_550 = tpu.memref_slice %arg8[%dma_wait3A_544, %dma_wait3A_549] : memref<3x112xi32, #tpu.memory_space<vmem>> -> memref<1x112xi32, #tpu.memory_space<vmem>>
    %dma_wait3A_551 = tpu.memref_squeeze %dma_wait3A_550 : memref<1x112xi32, #tpu.memory_space<vmem>> -> memref<112xi32, #tpu.memory_space<vmem>>
    %dma_wait3A_552 = arith.constant 0 : i32
    %dma_wait3A_553 = arith.constant 0 : i32
    %dma_wait3A_554 = tpu.memref_slice %arg10[%dma_wait3A_552, %dma_wait3A_553] : memref<10112x128xf32, #tpu.memory_space<vmem_shared>> -> memref<10112x128xf32, #tpu.memory_space<vmem_shared>>
    tpu.wait_indirect_dma semaphore(%arg18 : memref<!tpu.dma_semaphore, #tpu.memory_space<semaphore_mem>>) src(%dma_wait3A_548 : memref<112x128xf32, #tpu.memory_space<vmem>>) dst(%dma_wait3A_554 : memref<10112x128xf32, #tpu.memory_space<vmem_shared>>)
    %dma_wait3A_555 = arith.constant 2 : i32
    %dma_wait3A_556 = arith.constant 2 : i32
    %dma_wait3A_557 = arith.constant 0 : i32
    %dma_wait3A_558 = arith.constant 0 : i32
    %dma_wait3A_559 = tpu.memref_slice %arg9[%dma_wait3A_555, %dma_wait3A_557, %dma_wait3A_558] : memref<3x112x128xf32, #tpu.memory_space<vmem>> -> memref<1x112x128xf32, #tpu.memory_space<vmem>>
    %dma_wait3A_560 = tpu.memref_squeeze %dma_wait3A_559 : memref<1x112x128xf32, #tpu.memory_space<vmem>> -> memref<112x128xf32, #tpu.memory_space<vmem>>
    %dma_wait3A_561 = arith.constant 0 : i32
    %dma_wait3A_562 = tpu.memref_slice %arg8[%dma_wait3A_556, %dma_wait3A_561] : memref<3x112xi32, #tpu.memory_space<vmem>> -> memref<1x112xi32, #tpu.memory_space<vmem>>
    %dma_wait3A_563 = tpu.memref_squeeze %dma_wait3A_562 : memref<1x112xi32, #tpu.memory_space<vmem>> -> memref<112xi32, #tpu.memory_space<vmem>>
    %dma_wait3A_564 = arith.constant 0 : i32
    %dma_wait3A_565 = arith.constant 0 : i32
    %dma_wait3A_566 = tpu.memref_slice %arg10[%dma_wait3A_564, %dma_wait3A_565] : memref<10112x128xf32, #tpu.memory_space<vmem_shared>> -> memref<10112x128xf32, #tpu.memory_space<vmem_shared>>
    tpu.wait_indirect_dma semaphore(%arg19 : memref<!tpu.dma_semaphore, #tpu.memory_space<semaphore_mem>>) src(%dma_wait3A_560 : memref<112x128xf32, #tpu.memory_space<vmem>>) dst(%dma_wait3A_566 : memref<10112x128xf32, #tpu.memory_space<vmem_shared>>)
    %barrier3A_567 = arith.constant 0 : index
    tpu.barrier barrier_id(%barrier3A_567)
    %mul3A_568 = arith.constant 632 : i32
    %mul3A_569 = arith.muli %arg1, %mul3A_568 : i32
    %mul3A_570 = arith.constant 632 : i32
    %mul3A_571 = arith.muli %arg1, %mul3A_570 : i32
    "tpu.region"() ({
      %run_scoped3A = tpu.sem_alloc : memref<!tpu.dma_semaphore, #tpu.memory_space<semaphore_mem>>
      %dma_start3A_572 = arith.constant 0 : i32
      %dma_start3A_573 = arith.constant 0 : i32
      %dma_start3A_574 = tpu.memref_slice %arg6[%arg0, %dma_start3A_572, %dma_start3A_573] : memref<2x10112x128xf32, #tpu.memory_space<hbm>> -> memref<1x10112x128xf32, #tpu.memory_space<hbm>>
      %dma_start3A_575 = tpu.memref_squeeze %dma_start3A_574 : memref<1x10112x128xf32, #tpu.memory_space<hbm>> -> memref<10112x128xf32, #tpu.memory_space<hbm>>
      %dma_start3A_576 = arith.constant 0 : i32
      %dma_start3A_577 = tpu.memref_slice %dma_start3A_575[%mul3A_571, %dma_start3A_576] : memref<10112x128xf32, #tpu.memory_space<hbm>> -> memref<632x128xf32, #tpu.memory_space<hbm>>
      %dma_start3A_578 = arith.constant 0 : i32
      %dma_start3A_579 = tpu.memref_slice %arg10[%mul3A_569, %dma_start3A_578] : memref<10112x128xf32, #tpu.memory_space<vmem_shared>> -> memref<632x128xf32, #tpu.memory_space<vmem_shared>>
      tpu.enqueue_dma source(%dma_start3A_579 : memref<632x128xf32, #tpu.memory_space<vmem_shared>>) target(%dma_start3A_577 : memref<632x128xf32, #tpu.memory_space<hbm>>) target_semaphore(%run_scoped3A : memref<!tpu.dma_semaphore, #tpu.memory_space<semaphore_mem>>)
      %dma_wait3A_580 = arith.constant 0 : i32
      %dma_wait3A_581 = arith.constant 0 : i32
      %dma_wait3A_582 = tpu.memref_slice %arg6[%arg0, %dma_wait3A_580, %dma_wait3A_581] : memref<2x10112x128xf32, #tpu.memory_space<hbm>> -> memref<1x10112x128xf32, #tpu.memory_space<hbm>>
      %dma_wait3A_583 = tpu.memref_squeeze %dma_wait3A_582 : memref<1x10112x128xf32, #tpu.memory_space<hbm>> -> memref<10112x128xf32, #tpu.memory_space<hbm>>
      %dma_wait3A_584 = arith.constant 0 : i32
      %dma_wait3A_585 = tpu.memref_slice %dma_wait3A_583[%mul3A_571, %dma_wait3A_584] : memref<10112x128xf32, #tpu.memory_space<hbm>> -> memref<632x128xf32, #tpu.memory_space<hbm>>
      %dma_wait3A_586 = arith.constant 0 : i32
      %dma_wait3A_587 = tpu.memref_slice %arg10[%mul3A_569, %dma_wait3A_586] : memref<10112x128xf32, #tpu.memory_space<vmem_shared>> -> memref<632x128xf32, #tpu.memory_space<vmem_shared>>
      tpu.wait_dma2 semaphore(%run_scoped3A : memref<!tpu.dma_semaphore, #tpu.memory_space<semaphore_mem>>) src(%dma_wait3A_587 : memref<632x128xf32, #tpu.memory_space<vmem_shared>>) dst(%dma_wait3A_585 : memref<632x128xf32, #tpu.memory_space<hbm>>)
      tpu.yield
    }) : () -> ()
    return
  }
}

#map = affine_map<(d0, d1) -> (0)>
#map1 = affine_map<(d0, d1) -> (0, 0)>
#map2 = affine_map<(d0, d1) -> (0, 0, 0)>
module attributes {stable_mosaic.version = 14 : i64} {
  func.func @hist(%arg0: i32, %arg1: i32, %arg2: memref<322560xi32, #tpu.memory_space<hbm>>, %arg3: memref<112x128xf32, #tpu.memory_space<hbm>>, %arg4: memref<10112x128xf32, #tpu.memory_space<hbm>>, %arg5: memref<2x10112x128xf32, #tpu.memory_space<hbm>>, %arg6: memref<3x112xi32, #tpu.memory_space<vmem>>, %arg7: memref<112x128xf32, #tpu.memory_space<vmem>>, %arg8: memref<10112x128xf32, #tpu.memory_space<vmem_shared>>, %arg9: memref<!tpu.dma_semaphore, #tpu.memory_space<semaphore_mem>>, %arg10: memref<!tpu.dma_semaphore, #tpu.memory_space<semaphore_mem>>, %arg11: memref<!tpu.dma_semaphore, #tpu.memory_space<semaphore_mem>>, %arg12: memref<!tpu.dma_semaphore, #tpu.memory_space<semaphore_mem>>, %arg13: memref<!tpu.dma_semaphore, #tpu.memory_space<semaphore_mem>>, %arg14: memref<!tpu.dma_semaphore, #tpu.memory_space<semaphore_mem>>) attributes {dimension_semantics = [#tpu.dimension_semantics<core_parallel>, #tpu.dimension_semantics<subcore_parallel>], iteration_bounds = array<i64: 2, 16>, scalar_prefetch = 0 : i64, scratch_operands = 9 : i64, tpu.core_type = #tpu.core_type<sc_vector_subcore>, window_params = [{transform_indices = #map}, {transform_indices = #map1}, {transform_indices = #map1}, {transform_indices = #map2}]} {
    %mul3A = arith.constant 16 : i32
    %mul3A_0 = arith.muli %arg0, %mul3A : i32
    %add3A = arith.addi %mul3A_0, %arg1 : i32
    %mul3A_1 = arith.constant 10080 : i32
    %mul3A_2 = arith.muli %add3A, %mul3A_1 : i32
    %mul3A_3 = arith.constant 632 : i32
    %mul3A_4 = arith.muli %arg1, %mul3A_3 : i32
    %mul3A_5 = arith.constant 632 : i32
    %mul3A_6 = arith.muli %arg1, %mul3A_5 : i32
    "tpu.region"() ({
      %run_scoped3A = tpu.sem_alloc : memref<!tpu.dma_semaphore, #tpu.memory_space<semaphore_mem>>
      %dma_start3A_231 = arith.constant 0 : i32
      %dma_start3A_232 = tpu.memref_slice %arg8[%mul3A_6, %dma_start3A_231] : memref<10112x128xf32, #tpu.memory_space<vmem_shared>> -> memref<632x128xf32, #tpu.memory_space<vmem_shared>>
      %dma_start3A_233 = arith.constant 0 : i32
      %dma_start3A_234 = tpu.memref_slice %arg4[%mul3A_4, %dma_start3A_233] : memref<10112x128xf32, #tpu.memory_space<hbm>> -> memref<632x128xf32, #tpu.memory_space<hbm>>
      tpu.enqueue_dma source(%dma_start3A_234 : memref<632x128xf32, #tpu.memory_space<hbm>>) target(%dma_start3A_232 : memref<632x128xf32, #tpu.memory_space<vmem_shared>>) target_semaphore(%run_scoped3A : memref<!tpu.dma_semaphore, #tpu.memory_space<semaphore_mem>>)
      %dma_wait3A_235 = arith.constant 0 : i32
      %dma_wait3A_236 = tpu.memref_slice %arg8[%mul3A_6, %dma_wait3A_235] : memref<10112x128xf32, #tpu.memory_space<vmem_shared>> -> memref<632x128xf32, #tpu.memory_space<vmem_shared>>
      %dma_wait3A_237 = arith.constant 0 : i32
      %dma_wait3A_238 = tpu.memref_slice %arg4[%mul3A_4, %dma_wait3A_237] : memref<10112x128xf32, #tpu.memory_space<hbm>> -> memref<632x128xf32, #tpu.memory_space<hbm>>
      tpu.wait_dma2 semaphore(%run_scoped3A : memref<!tpu.dma_semaphore, #tpu.memory_space<semaphore_mem>>) src(%dma_wait3A_238 : memref<632x128xf32, #tpu.memory_space<hbm>>) dst(%dma_wait3A_236 : memref<632x128xf32, #tpu.memory_space<vmem_shared>>)
      tpu.yield
    }) : () -> ()
    "tpu.region"() ({
      %run_scoped3A = tpu.sem_alloc : memref<!tpu.dma_semaphore, #tpu.memory_space<semaphore_mem>>
      tpu.enqueue_dma source(%arg3 : memref<112x128xf32, #tpu.memory_space<hbm>>) target(%arg7 : memref<112x128xf32, #tpu.memory_space<vmem>>) target_semaphore(%run_scoped3A : memref<!tpu.dma_semaphore, #tpu.memory_space<semaphore_mem>>)
      tpu.wait_dma2 semaphore(%run_scoped3A : memref<!tpu.dma_semaphore, #tpu.memory_space<semaphore_mem>>) src(%arg3 : memref<112x128xf32, #tpu.memory_space<hbm>>) dst(%arg7 : memref<112x128xf32, #tpu.memory_space<vmem>>)
      tpu.yield
    }) : () -> ()
    %barrier3A = arith.constant 0 : index
    tpu.barrier barrier_id(%barrier3A)
    %add3A_7 = arith.constant 0 : i32
    %add3A_8 = arith.addi %mul3A_2, %add3A_7 : i32
    %dma_start3A = arith.constant 0 : i32
    %dma_start3A_9 = arith.constant 0 : i32
    %dma_start3A_10 = tpu.memref_slice %arg6[%dma_start3A, %dma_start3A_9] : memref<3x112xi32, #tpu.memory_space<vmem>> -> memref<1x112xi32, #tpu.memory_space<vmem>>
    %dma_start3A_11 = tpu.memref_squeeze %dma_start3A_10 : memref<1x112xi32, #tpu.memory_space<vmem>> -> memref<112xi32, #tpu.memory_space<vmem>>
    %dma_start3A_12 = tpu.memref_slice %arg2[%add3A_8] : memref<322560xi32, #tpu.memory_space<hbm>> -> memref<112xi32, #tpu.memory_space<hbm>>
    %dma_start3A_13 = arith.constant 0 : i32
    %dma_start3A_14 = tpu.memref_slice %arg6[%dma_start3A, %dma_start3A_13] : memref<3x112xi32, #tpu.memory_space<vmem>> -> memref<1x112xi32, #tpu.memory_space<vmem>>
    %dma_start3A_15 = tpu.memref_squeeze %dma_start3A_14 : memref<1x112xi32, #tpu.memory_space<vmem>> -> memref<112xi32, #tpu.memory_space<vmem>>
    %dma_start3A_16 = tpu.memref_slice %arg2[%add3A_8] : memref<322560xi32, #tpu.memory_space<hbm>> -> memref<112xi32, #tpu.memory_space<hbm>>
    tpu.enqueue_dma source(%dma_start3A_16 : memref<112xi32, #tpu.memory_space<hbm>>) target(%dma_start3A_15 : memref<112xi32, #tpu.memory_space<vmem>>) target_semaphore(%arg9 : memref<!tpu.dma_semaphore, #tpu.memory_space<semaphore_mem>>)
    %add3A_17 = arith.constant 112 : i32
    %add3A_18 = arith.addi %mul3A_2, %add3A_17 : i32
    %dma_start3A_19 = arith.constant 1 : i32
    %dma_start3A_20 = arith.constant 0 : i32
    %dma_start3A_21 = tpu.memref_slice %arg6[%dma_start3A_19, %dma_start3A_20] : memref<3x112xi32, #tpu.memory_space<vmem>> -> memref<1x112xi32, #tpu.memory_space<vmem>>
    %dma_start3A_22 = tpu.memref_squeeze %dma_start3A_21 : memref<1x112xi32, #tpu.memory_space<vmem>> -> memref<112xi32, #tpu.memory_space<vmem>>
    %dma_start3A_23 = tpu.memref_slice %arg2[%add3A_18] : memref<322560xi32, #tpu.memory_space<hbm>> -> memref<112xi32, #tpu.memory_space<hbm>>
    %dma_start3A_24 = arith.constant 0 : i32
    %dma_start3A_25 = tpu.memref_slice %arg6[%dma_start3A_19, %dma_start3A_24] : memref<3x112xi32, #tpu.memory_space<vmem>> -> memref<1x112xi32, #tpu.memory_space<vmem>>
    %dma_start3A_26 = tpu.memref_squeeze %dma_start3A_25 : memref<1x112xi32, #tpu.memory_space<vmem>> -> memref<112xi32, #tpu.memory_space<vmem>>
    %dma_start3A_27 = tpu.memref_slice %arg2[%add3A_18] : memref<322560xi32, #tpu.memory_space<hbm>> -> memref<112xi32, #tpu.memory_space<hbm>>
    tpu.enqueue_dma source(%dma_start3A_27 : memref<112xi32, #tpu.memory_space<hbm>>) target(%dma_start3A_26 : memref<112xi32, #tpu.memory_space<vmem>>) target_semaphore(%arg10 : memref<!tpu.dma_semaphore, #tpu.memory_space<semaphore_mem>>)
    %add3A_28 = arith.constant 224 : i32
    %add3A_29 = arith.addi %mul3A_2, %add3A_28 : i32
    %dma_start3A_30 = arith.constant 2 : i32
    %dma_start3A_31 = arith.constant 0 : i32
    %dma_start3A_32 = tpu.memref_slice %arg6[%dma_start3A_30, %dma_start3A_31] : memref<3x112xi32, #tpu.memory_space<vmem>> -> memref<1x112xi32, #tpu.memory_space<vmem>>
    %dma_start3A_33 = tpu.memref_squeeze %dma_start3A_32 : memref<1x112xi32, #tpu.memory_space<vmem>> -> memref<112xi32, #tpu.memory_space<vmem>>
    %dma_start3A_34 = tpu.memref_slice %arg2[%add3A_29] : memref<322560xi32, #tpu.memory_space<hbm>> -> memref<112xi32, #tpu.memory_space<hbm>>
    %dma_start3A_35 = arith.constant 0 : i32
    %dma_start3A_36 = tpu.memref_slice %arg6[%dma_start3A_30, %dma_start3A_35] : memref<3x112xi32, #tpu.memory_space<vmem>> -> memref<1x112xi32, #tpu.memory_space<vmem>>
    %dma_start3A_37 = tpu.memref_squeeze %dma_start3A_36 : memref<1x112xi32, #tpu.memory_space<vmem>> -> memref<112xi32, #tpu.memory_space<vmem>>
    %dma_start3A_38 = tpu.memref_slice %arg2[%add3A_29] : memref<322560xi32, #tpu.memory_space<hbm>> -> memref<112xi32, #tpu.memory_space<hbm>>
    tpu.enqueue_dma source(%dma_start3A_38 : memref<112xi32, #tpu.memory_space<hbm>>) target(%dma_start3A_37 : memref<112xi32, #tpu.memory_space<vmem>>) target_semaphore(%arg11 : memref<!tpu.dma_semaphore, #tpu.memory_space<semaphore_mem>>)
    %add3A_39 = arith.constant 0 : i32
    %add3A_40 = arith.addi %mul3A_2, %add3A_39 : i32
    %dma_wait3A = arith.constant 0 : i32
    %dma_wait3A_41 = arith.constant 0 : i32
    %dma_wait3A_42 = tpu.memref_slice %arg6[%dma_wait3A, %dma_wait3A_41] : memref<3x112xi32, #tpu.memory_space<vmem>> -> memref<1x112xi32, #tpu.memory_space<vmem>>
    %dma_wait3A_43 = tpu.memref_squeeze %dma_wait3A_42 : memref<1x112xi32, #tpu.memory_space<vmem>> -> memref<112xi32, #tpu.memory_space<vmem>>
    %dma_wait3A_44 = tpu.memref_slice %arg2[%add3A_40] : memref<322560xi32, #tpu.memory_space<hbm>> -> memref<112xi32, #tpu.memory_space<hbm>>
    %dma_wait3A_45 = arith.constant 0 : i32
    %dma_wait3A_46 = tpu.memref_slice %arg6[%dma_wait3A, %dma_wait3A_45] : memref<3x112xi32, #tpu.memory_space<vmem>> -> memref<1x112xi32, #tpu.memory_space<vmem>>
    %dma_wait3A_47 = tpu.memref_squeeze %dma_wait3A_46 : memref<1x112xi32, #tpu.memory_space<vmem>> -> memref<112xi32, #tpu.memory_space<vmem>>
    %dma_wait3A_48 = tpu.memref_slice %arg2[%add3A_40] : memref<322560xi32, #tpu.memory_space<hbm>> -> memref<112xi32, #tpu.memory_space<hbm>>
    tpu.wait_dma2 semaphore(%arg9 : memref<!tpu.dma_semaphore, #tpu.memory_space<semaphore_mem>>) src(%dma_wait3A_48 : memref<112xi32, #tpu.memory_space<hbm>>) dst(%dma_wait3A_47 : memref<112xi32, #tpu.memory_space<vmem>>)
    %dma_start3A_49 = arith.constant 0 : i32
    %dma_start3A_50 = arith.constant 0 : i32
    %dma_start3A_51 = tpu.memref_slice %arg6[%dma_start3A_49, %dma_start3A_50] : memref<3x112xi32, #tpu.memory_space<vmem>> -> memref<1x112xi32, #tpu.memory_space<vmem>>
    %dma_start3A_52 = tpu.memref_squeeze %dma_start3A_51 : memref<1x112xi32, #tpu.memory_space<vmem>> -> memref<112xi32, #tpu.memory_space<vmem>>
    %dma_start3A_53 = arith.constant 0 : i32
    %dma_start3A_54 = arith.constant 0 : i32
    %dma_start3A_55 = tpu.memref_slice %arg8[%dma_start3A_53, %dma_start3A_54] : memref<10112x128xf32, #tpu.memory_space<vmem_shared>> -> memref<10112x128xf32, #tpu.memory_space<vmem_shared>>
    tpu.enqueue_indirect_dma source(%arg7 : memref<112x128xf32, #tpu.memory_space<vmem>>) target(%dma_start3A_55 : memref<10112x128xf32, #tpu.memory_space<vmem_shared>>) offsets(%dma_start3A_52 : memref<112xi32, #tpu.memory_space<vmem>>) semaphore(%arg12 : memref<!tpu.dma_semaphore, #tpu.memory_space<semaphore_mem>>) {add = true}
    %add3A_56 = arith.constant 112 : i32
    %add3A_57 = arith.addi %mul3A_2, %add3A_56 : i32
    %dma_wait3A_58 = arith.constant 1 : i32
    %dma_wait3A_59 = arith.constant 0 : i32
    %dma_wait3A_60 = tpu.memref_slice %arg6[%dma_wait3A_58, %dma_wait3A_59] : memref<3x112xi32, #tpu.memory_space<vmem>> -> memref<1x112xi32, #tpu.memory_space<vmem>>
    %dma_wait3A_61 = tpu.memref_squeeze %dma_wait3A_60 : memref<1x112xi32, #tpu.memory_space<vmem>> -> memref<112xi32, #tpu.memory_space<vmem>>
    %dma_wait3A_62 = tpu.memref_slice %arg2[%add3A_57] : memref<322560xi32, #tpu.memory_space<hbm>> -> memref<112xi32, #tpu.memory_space<hbm>>
    %dma_wait3A_63 = arith.constant 0 : i32
    %dma_wait3A_64 = tpu.memref_slice %arg6[%dma_wait3A_58, %dma_wait3A_63] : memref<3x112xi32, #tpu.memory_space<vmem>> -> memref<1x112xi32, #tpu.memory_space<vmem>>
    %dma_wait3A_65 = tpu.memref_squeeze %dma_wait3A_64 : memref<1x112xi32, #tpu.memory_space<vmem>> -> memref<112xi32, #tpu.memory_space<vmem>>
    %dma_wait3A_66 = tpu.memref_slice %arg2[%add3A_57] : memref<322560xi32, #tpu.memory_space<hbm>> -> memref<112xi32, #tpu.memory_space<hbm>>
    tpu.wait_dma2 semaphore(%arg10 : memref<!tpu.dma_semaphore, #tpu.memory_space<semaphore_mem>>) src(%dma_wait3A_66 : memref<112xi32, #tpu.memory_space<hbm>>) dst(%dma_wait3A_65 : memref<112xi32, #tpu.memory_space<vmem>>)
    %dma_start3A_67 = arith.constant 1 : i32
    %dma_start3A_68 = arith.constant 0 : i32
    %dma_start3A_69 = tpu.memref_slice %arg6[%dma_start3A_67, %dma_start3A_68] : memref<3x112xi32, #tpu.memory_space<vmem>> -> memref<1x112xi32, #tpu.memory_space<vmem>>
    %dma_start3A_70 = tpu.memref_squeeze %dma_start3A_69 : memref<1x112xi32, #tpu.memory_space<vmem>> -> memref<112xi32, #tpu.memory_space<vmem>>
    %dma_start3A_71 = arith.constant 0 : i32
    %dma_start3A_72 = arith.constant 0 : i32
    %dma_start3A_73 = tpu.memref_slice %arg8[%dma_start3A_71, %dma_start3A_72] : memref<10112x128xf32, #tpu.memory_space<vmem_shared>> -> memref<10112x128xf32, #tpu.memory_space<vmem_shared>>
    tpu.enqueue_indirect_dma source(%arg7 : memref<112x128xf32, #tpu.memory_space<vmem>>) target(%dma_start3A_73 : memref<10112x128xf32, #tpu.memory_space<vmem_shared>>) offsets(%dma_start3A_70 : memref<112xi32, #tpu.memory_space<vmem>>) semaphore(%arg13 : memref<!tpu.dma_semaphore, #tpu.memory_space<semaphore_mem>>) {add = true}
    %add3A_74 = arith.constant 224 : i32
    %add3A_75 = arith.addi %mul3A_2, %add3A_74 : i32
    %dma_wait3A_76 = arith.constant 2 : i32
    %dma_wait3A_77 = arith.constant 0 : i32
    %dma_wait3A_78 = tpu.memref_slice %arg6[%dma_wait3A_76, %dma_wait3A_77] : memref<3x112xi32, #tpu.memory_space<vmem>> -> memref<1x112xi32, #tpu.memory_space<vmem>>
    %dma_wait3A_79 = tpu.memref_squeeze %dma_wait3A_78 : memref<1x112xi32, #tpu.memory_space<vmem>> -> memref<112xi32, #tpu.memory_space<vmem>>
    %dma_wait3A_80 = tpu.memref_slice %arg2[%add3A_75] : memref<322560xi32, #tpu.memory_space<hbm>> -> memref<112xi32, #tpu.memory_space<hbm>>
    %dma_wait3A_81 = arith.constant 0 : i32
    %dma_wait3A_82 = tpu.memref_slice %arg6[%dma_wait3A_76, %dma_wait3A_81] : memref<3x112xi32, #tpu.memory_space<vmem>> -> memref<1x112xi32, #tpu.memory_space<vmem>>
    %dma_wait3A_83 = tpu.memref_squeeze %dma_wait3A_82 : memref<1x112xi32, #tpu.memory_space<vmem>> -> memref<112xi32, #tpu.memory_space<vmem>>
    %dma_wait3A_84 = tpu.memref_slice %arg2[%add3A_75] : memref<322560xi32, #tpu.memory_space<hbm>> -> memref<112xi32, #tpu.memory_space<hbm>>
    tpu.wait_dma2 semaphore(%arg11 : memref<!tpu.dma_semaphore, #tpu.memory_space<semaphore_mem>>) src(%dma_wait3A_84 : memref<112xi32, #tpu.memory_space<hbm>>) dst(%dma_wait3A_83 : memref<112xi32, #tpu.memory_space<vmem>>)
    %dma_start3A_85 = arith.constant 2 : i32
    %dma_start3A_86 = arith.constant 0 : i32
    %dma_start3A_87 = tpu.memref_slice %arg6[%dma_start3A_85, %dma_start3A_86] : memref<3x112xi32, #tpu.memory_space<vmem>> -> memref<1x112xi32, #tpu.memory_space<vmem>>
    %dma_start3A_88 = tpu.memref_squeeze %dma_start3A_87 : memref<1x112xi32, #tpu.memory_space<vmem>> -> memref<112xi32, #tpu.memory_space<vmem>>
    %dma_start3A_89 = arith.constant 0 : i32
    %dma_start3A_90 = arith.constant 0 : i32
    %dma_start3A_91 = tpu.memref_slice %arg8[%dma_start3A_89, %dma_start3A_90] : memref<10112x128xf32, #tpu.memory_space<vmem_shared>> -> memref<10112x128xf32, #tpu.memory_space<vmem_shared>>
    tpu.enqueue_indirect_dma source(%arg7 : memref<112x128xf32, #tpu.memory_space<vmem>>) target(%dma_start3A_91 : memref<10112x128xf32, #tpu.memory_space<vmem_shared>>) offsets(%dma_start3A_88 : memref<112xi32, #tpu.memory_space<vmem>>) semaphore(%arg14 : memref<!tpu.dma_semaphore, #tpu.memory_space<semaphore_mem>>) {add = true}
    %dma_wait3A_92 = arith.constant 0 : i32
    %dma_wait3A_93 = arith.constant 0 : i32
    %dma_wait3A_94 = tpu.memref_slice %arg6[%dma_wait3A_92, %dma_wait3A_93] : memref<3x112xi32, #tpu.memory_space<vmem>> -> memref<1x112xi32, #tpu.memory_space<vmem>>
    %dma_wait3A_95 = tpu.memref_squeeze %dma_wait3A_94 : memref<1x112xi32, #tpu.memory_space<vmem>> -> memref<112xi32, #tpu.memory_space<vmem>>
    %dma_wait3A_96 = arith.constant 0 : i32
    %dma_wait3A_97 = arith.constant 0 : i32
    %dma_wait3A_98 = tpu.memref_slice %arg8[%dma_wait3A_96, %dma_wait3A_97] : memref<10112x128xf32, #tpu.memory_space<vmem_shared>> -> memref<10112x128xf32, #tpu.memory_space<vmem_shared>>
    tpu.wait_indirect_dma semaphore(%arg12 : memref<!tpu.dma_semaphore, #tpu.memory_space<semaphore_mem>>) src(%arg7 : memref<112x128xf32, #tpu.memory_space<vmem>>) dst(%dma_wait3A_98 : memref<10112x128xf32, #tpu.memory_space<vmem_shared>>)
    %add3A_99 = arith.constant 336 : i32
    %add3A_100 = arith.addi %mul3A_2, %add3A_99 : i32
    %dma_start3A_101 = arith.constant 0 : i32
    %dma_start3A_102 = arith.constant 0 : i32
    %dma_start3A_103 = tpu.memref_slice %arg6[%dma_start3A_101, %dma_start3A_102] : memref<3x112xi32, #tpu.memory_space<vmem>> -> memref<1x112xi32, #tpu.memory_space<vmem>>
    %dma_start3A_104 = tpu.memref_squeeze %dma_start3A_103 : memref<1x112xi32, #tpu.memory_space<vmem>> -> memref<112xi32, #tpu.memory_space<vmem>>
    %dma_start3A_105 = tpu.memref_slice %arg2[%add3A_100] : memref<322560xi32, #tpu.memory_space<hbm>> -> memref<112xi32, #tpu.memory_space<hbm>>
    %dma_start3A_106 = arith.constant 0 : i32
    %dma_start3A_107 = tpu.memref_slice %arg6[%dma_start3A_101, %dma_start3A_106] : memref<3x112xi32, #tpu.memory_space<vmem>> -> memref<1x112xi32, #tpu.memory_space<vmem>>
    %dma_start3A_108 = tpu.memref_squeeze %dma_start3A_107 : memref<1x112xi32, #tpu.memory_space<vmem>> -> memref<112xi32, #tpu.memory_space<vmem>>
    %dma_start3A_109 = tpu.memref_slice %arg2[%add3A_100] : memref<322560xi32, #tpu.memory_space<hbm>> -> memref<112xi32, #tpu.memory_space<hbm>>
    tpu.enqueue_dma source(%dma_start3A_109 : memref<112xi32, #tpu.memory_space<hbm>>) target(%dma_start3A_108 : memref<112xi32, #tpu.memory_space<vmem>>) target_semaphore(%arg9 : memref<!tpu.dma_semaphore, #tpu.memory_space<semaphore_mem>>)
    %scan3A = arith.constant 0 : i32
    %scan3A_110 = arith.constant 1 : i32
    %scan3A_111 = arith.constant 28 : i32
    %scan3A_112 = arith.addi %scan3A_110, %scan3A_111 : i32
    %scan3A_113 = arith.constant 1 : i32
    scf.for %scan3A_231 = %scan3A_110 to %scan3A_112 step %scan3A_113  : i32 {
      %mul3A_232 = arith.constant 3 : i32
      %mul3A_233 = arith.muli %mul3A_232, %scan3A_231 : i32
      %add3A_234 = arith.constant 0 : i32
      %add3A_235 = arith.addi %mul3A_233, %add3A_234 : i32
      %mul3A_236 = arith.constant 112 : i32
      %mul3A_237 = arith.muli %add3A_235, %mul3A_236 : i32
      %add3A_238 = arith.addi %mul3A_2, %mul3A_237 : i32
      %dma_wait3A_239 = arith.constant 0 : i32
      %dma_wait3A_240 = arith.constant 0 : i32
      %dma_wait3A_241 = tpu.memref_slice %arg6[%dma_wait3A_239, %dma_wait3A_240] : memref<3x112xi32, #tpu.memory_space<vmem>> -> memref<1x112xi32, #tpu.memory_space<vmem>>
      %dma_wait3A_242 = tpu.memref_squeeze %dma_wait3A_241 : memref<1x112xi32, #tpu.memory_space<vmem>> -> memref<112xi32, #tpu.memory_space<vmem>>
      %dma_wait3A_243 = tpu.memref_slice %arg2[%add3A_238] : memref<322560xi32, #tpu.memory_space<hbm>> -> memref<112xi32, #tpu.memory_space<hbm>>
      %dma_wait3A_244 = arith.constant 0 : i32
      %dma_wait3A_245 = tpu.memref_slice %arg6[%dma_wait3A_239, %dma_wait3A_244] : memref<3x112xi32, #tpu.memory_space<vmem>> -> memref<1x112xi32, #tpu.memory_space<vmem>>
      %dma_wait3A_246 = tpu.memref_squeeze %dma_wait3A_245 : memref<1x112xi32, #tpu.memory_space<vmem>> -> memref<112xi32, #tpu.memory_space<vmem>>
      %dma_wait3A_247 = tpu.memref_slice %arg2[%add3A_238] : memref<322560xi32, #tpu.memory_space<hbm>> -> memref<112xi32, #tpu.memory_space<hbm>>
      tpu.wait_dma2 semaphore(%arg9 : memref<!tpu.dma_semaphore, #tpu.memory_space<semaphore_mem>>) src(%dma_wait3A_247 : memref<112xi32, #tpu.memory_space<hbm>>) dst(%dma_wait3A_246 : memref<112xi32, #tpu.memory_space<vmem>>)
      %dma_start3A_248 = arith.constant 0 : i32
      %dma_start3A_249 = arith.constant 0 : i32
      %dma_start3A_250 = tpu.memref_slice %arg6[%dma_start3A_248, %dma_start3A_249] : memref<3x112xi32, #tpu.memory_space<vmem>> -> memref<1x112xi32, #tpu.memory_space<vmem>>
      %dma_start3A_251 = tpu.memref_squeeze %dma_start3A_250 : memref<1x112xi32, #tpu.memory_space<vmem>> -> memref<112xi32, #tpu.memory_space<vmem>>
      %dma_start3A_252 = arith.constant 0 : i32
      %dma_start3A_253 = arith.constant 0 : i32
      %dma_start3A_254 = tpu.memref_slice %arg8[%dma_start3A_252, %dma_start3A_253] : memref<10112x128xf32, #tpu.memory_space<vmem_shared>> -> memref<10112x128xf32, #tpu.memory_space<vmem_shared>>
      tpu.enqueue_indirect_dma source(%arg7 : memref<112x128xf32, #tpu.memory_space<vmem>>) target(%dma_start3A_254 : memref<10112x128xf32, #tpu.memory_space<vmem_shared>>) offsets(%dma_start3A_251 : memref<112xi32, #tpu.memory_space<vmem>>) semaphore(%arg12 : memref<!tpu.dma_semaphore, #tpu.memory_space<semaphore_mem>>) {add = true}
      %dma_wait3A_255 = arith.constant 1 : i32
      %dma_wait3A_256 = arith.constant 0 : i32
      %dma_wait3A_257 = tpu.memref_slice %arg6[%dma_wait3A_255, %dma_wait3A_256] : memref<3x112xi32, #tpu.memory_space<vmem>> -> memref<1x112xi32, #tpu.memory_space<vmem>>
      %dma_wait3A_258 = tpu.memref_squeeze %dma_wait3A_257 : memref<1x112xi32, #tpu.memory_space<vmem>> -> memref<112xi32, #tpu.memory_space<vmem>>
      %dma_wait3A_259 = arith.constant 0 : i32
      %dma_wait3A_260 = arith.constant 0 : i32
      %dma_wait3A_261 = tpu.memref_slice %arg8[%dma_wait3A_259, %dma_wait3A_260] : memref<10112x128xf32, #tpu.memory_space<vmem_shared>> -> memref<10112x128xf32, #tpu.memory_space<vmem_shared>>
      tpu.wait_indirect_dma semaphore(%arg13 : memref<!tpu.dma_semaphore, #tpu.memory_space<semaphore_mem>>) src(%arg7 : memref<112x128xf32, #tpu.memory_space<vmem>>) dst(%dma_wait3A_261 : memref<10112x128xf32, #tpu.memory_space<vmem_shared>>)
      %add3A_262 = arith.constant 1 : i32
      %add3A_263 = arith.addi %add3A_235, %add3A_262 : i32
      %mul3A_264 = arith.constant 112 : i32
      %mul3A_265 = arith.muli %add3A_263, %mul3A_264 : i32
      %add3A_266 = arith.addi %mul3A_2, %mul3A_265 : i32
      %dma_start3A_267 = arith.constant 1 : i32
      %dma_start3A_268 = arith.constant 0 : i32
      %dma_start3A_269 = tpu.memref_slice %arg6[%dma_start3A_267, %dma_start3A_268] : memref<3x112xi32, #tpu.memory_space<vmem>> -> memref<1x112xi32, #tpu.memory_space<vmem>>
      %dma_start3A_270 = tpu.memref_squeeze %dma_start3A_269 : memref<1x112xi32, #tpu.memory_space<vmem>> -> memref<112xi32, #tpu.memory_space<vmem>>
      %dma_start3A_271 = tpu.memref_slice %arg2[%add3A_266] : memref<322560xi32, #tpu.memory_space<hbm>> -> memref<112xi32, #tpu.memory_space<hbm>>
      %dma_start3A_272 = arith.constant 0 : i32
      %dma_start3A_273 = tpu.memref_slice %arg6[%dma_start3A_267, %dma_start3A_272] : memref<3x112xi32, #tpu.memory_space<vmem>> -> memref<1x112xi32, #tpu.memory_space<vmem>>
      %dma_start3A_274 = tpu.memref_squeeze %dma_start3A_273 : memref<1x112xi32, #tpu.memory_space<vmem>> -> memref<112xi32, #tpu.memory_space<vmem>>
      %dma_start3A_275 = tpu.memref_slice %arg2[%add3A_266] : memref<322560xi32, #tpu.memory_space<hbm>> -> memref<112xi32, #tpu.memory_space<hbm>>
      tpu.enqueue_dma source(%dma_start3A_275 : memref<112xi32, #tpu.memory_space<hbm>>) target(%dma_start3A_274 : memref<112xi32, #tpu.memory_space<vmem>>) target_semaphore(%arg10 : memref<!tpu.dma_semaphore, #tpu.memory_space<semaphore_mem>>)
      %add3A_276 = arith.constant 1 : i32
      %add3A_277 = arith.addi %mul3A_233, %add3A_276 : i32
      %mul3A_278 = arith.constant 112 : i32
      %mul3A_279 = arith.muli %add3A_277, %mul3A_278 : i32
      %add3A_280 = arith.addi %mul3A_2, %mul3A_279 : i32
      %dma_wait3A_281 = arith.constant 1 : i32
      %dma_wait3A_282 = arith.constant 0 : i32
      %dma_wait3A_283 = tpu.memref_slice %arg6[%dma_wait3A_281, %dma_wait3A_282] : memref<3x112xi32, #tpu.memory_space<vmem>> -> memref<1x112xi32, #tpu.memory_space<vmem>>
      %dma_wait3A_284 = tpu.memref_squeeze %dma_wait3A_283 : memref<1x112xi32, #tpu.memory_space<vmem>> -> memref<112xi32, #tpu.memory_space<vmem>>
      %dma_wait3A_285 = tpu.memref_slice %arg2[%add3A_280] : memref<322560xi32, #tpu.memory_space<hbm>> -> memref<112xi32, #tpu.memory_space<hbm>>
      %dma_wait3A_286 = arith.constant 0 : i32
      %dma_wait3A_287 = tpu.memref_slice %arg6[%dma_wait3A_281, %dma_wait3A_286] : memref<3x112xi32, #tpu.memory_space<vmem>> -> memref<1x112xi32, #tpu.memory_space<vmem>>
      %dma_wait3A_288 = tpu.memref_squeeze %dma_wait3A_287 : memref<1x112xi32, #tpu.memory_space<vmem>> -> memref<112xi32, #tpu.memory_space<vmem>>
      %dma_wait3A_289 = tpu.memref_slice %arg2[%add3A_280] : memref<322560xi32, #tpu.memory_space<hbm>> -> memref<112xi32, #tpu.memory_space<hbm>>
      tpu.wait_dma2 semaphore(%arg10 : memref<!tpu.dma_semaphore, #tpu.memory_space<semaphore_mem>>) src(%dma_wait3A_289 : memref<112xi32, #tpu.memory_space<hbm>>) dst(%dma_wait3A_288 : memref<112xi32, #tpu.memory_space<vmem>>)
      %dma_start3A_290 = arith.constant 1 : i32
      %dma_start3A_291 = arith.constant 0 : i32
      %dma_start3A_292 = tpu.memref_slice %arg6[%dma_start3A_290, %dma_start3A_291] : memref<3x112xi32, #tpu.memory_space<vmem>> -> memref<1x112xi32, #tpu.memory_space<vmem>>
      %dma_start3A_293 = tpu.memref_squeeze %dma_start3A_292 : memref<1x112xi32, #tpu.memory_space<vmem>> -> memref<112xi32, #tpu.memory_space<vmem>>
      %dma_start3A_294 = arith.constant 0 : i32
      %dma_start3A_295 = arith.constant 0 : i32
      %dma_start3A_296 = tpu.memref_slice %arg8[%dma_start3A_294, %dma_start3A_295] : memref<10112x128xf32, #tpu.memory_space<vmem_shared>> -> memref<10112x128xf32, #tpu.memory_space<vmem_shared>>
      tpu.enqueue_indirect_dma source(%arg7 : memref<112x128xf32, #tpu.memory_space<vmem>>) target(%dma_start3A_296 : memref<10112x128xf32, #tpu.memory_space<vmem_shared>>) offsets(%dma_start3A_293 : memref<112xi32, #tpu.memory_space<vmem>>) semaphore(%arg13 : memref<!tpu.dma_semaphore, #tpu.memory_space<semaphore_mem>>) {add = true}
      %dma_wait3A_297 = arith.constant 2 : i32
      %dma_wait3A_298 = arith.constant 0 : i32
      %dma_wait3A_299 = tpu.memref_slice %arg6[%dma_wait3A_297, %dma_wait3A_298] : memref<3x112xi32, #tpu.memory_space<vmem>> -> memref<1x112xi32, #tpu.memory_space<vmem>>
      %dma_wait3A_300 = tpu.memref_squeeze %dma_wait3A_299 : memref<1x112xi32, #tpu.memory_space<vmem>> -> memref<112xi32, #tpu.memory_space<vmem>>
      %dma_wait3A_301 = arith.constant 0 : i32
      %dma_wait3A_302 = arith.constant 0 : i32
      %dma_wait3A_303 = tpu.memref_slice %arg8[%dma_wait3A_301, %dma_wait3A_302] : memref<10112x128xf32, #tpu.memory_space<vmem_shared>> -> memref<10112x128xf32, #tpu.memory_space<vmem_shared>>
      tpu.wait_indirect_dma semaphore(%arg14 : memref<!tpu.dma_semaphore, #tpu.memory_space<semaphore_mem>>) src(%arg7 : memref<112x128xf32, #tpu.memory_space<vmem>>) dst(%dma_wait3A_303 : memref<10112x128xf32, #tpu.memory_space<vmem_shared>>)
      %add3A_304 = arith.constant 1 : i32
      %add3A_305 = arith.addi %add3A_277, %add3A_304 : i32
      %mul3A_306 = arith.constant 112 : i32
      %mul3A_307 = arith.muli %add3A_305, %mul3A_306 : i32
      %add3A_308 = arith.addi %mul3A_2, %mul3A_307 : i32
      %dma_start3A_309 = arith.constant 2 : i32
      %dma_start3A_310 = arith.constant 0 : i32
      %dma_start3A_311 = tpu.memref_slice %arg6[%dma_start3A_309, %dma_start3A_310] : memref<3x112xi32, #tpu.memory_space<vmem>> -> memref<1x112xi32, #tpu.memory_space<vmem>>
      %dma_start3A_312 = tpu.memref_squeeze %dma_start3A_311 : memref<1x112xi32, #tpu.memory_space<vmem>> -> memref<112xi32, #tpu.memory_space<vmem>>
      %dma_start3A_313 = tpu.memref_slice %arg2[%add3A_308] : memref<322560xi32, #tpu.memory_space<hbm>> -> memref<112xi32, #tpu.memory_space<hbm>>
      %dma_start3A_314 = arith.constant 0 : i32
      %dma_start3A_315 = tpu.memref_slice %arg6[%dma_start3A_309, %dma_start3A_314] : memref<3x112xi32, #tpu.memory_space<vmem>> -> memref<1x112xi32, #tpu.memory_space<vmem>>
      %dma_start3A_316 = tpu.memref_squeeze %dma_start3A_315 : memref<1x112xi32, #tpu.memory_space<vmem>> -> memref<112xi32, #tpu.memory_space<vmem>>
      %dma_start3A_317 = tpu.memref_slice %arg2[%add3A_308] : memref<322560xi32, #tpu.memory_space<hbm>> -> memref<112xi32, #tpu.memory_space<hbm>>
      tpu.enqueue_dma source(%dma_start3A_317 : memref<112xi32, #tpu.memory_space<hbm>>) target(%dma_start3A_316 : memref<112xi32, #tpu.memory_space<vmem>>) target_semaphore(%arg11 : memref<!tpu.dma_semaphore, #tpu.memory_space<semaphore_mem>>)
      %add3A_318 = arith.constant 2 : i32
      %add3A_319 = arith.addi %mul3A_233, %add3A_318 : i32
      %mul3A_320 = arith.constant 112 : i32
      %mul3A_321 = arith.muli %add3A_319, %mul3A_320 : i32
      %add3A_322 = arith.addi %mul3A_2, %mul3A_321 : i32
      %dma_wait3A_323 = arith.constant 2 : i32
      %dma_wait3A_324 = arith.constant 0 : i32
      %dma_wait3A_325 = tpu.memref_slice %arg6[%dma_wait3A_323, %dma_wait3A_324] : memref<3x112xi32, #tpu.memory_space<vmem>> -> memref<1x112xi32, #tpu.memory_space<vmem>>
      %dma_wait3A_326 = tpu.memref_squeeze %dma_wait3A_325 : memref<1x112xi32, #tpu.memory_space<vmem>> -> memref<112xi32, #tpu.memory_space<vmem>>
      %dma_wait3A_327 = tpu.memref_slice %arg2[%add3A_322] : memref<322560xi32, #tpu.memory_space<hbm>> -> memref<112xi32, #tpu.memory_space<hbm>>
      %dma_wait3A_328 = arith.constant 0 : i32
      %dma_wait3A_329 = tpu.memref_slice %arg6[%dma_wait3A_323, %dma_wait3A_328] : memref<3x112xi32, #tpu.memory_space<vmem>> -> memref<1x112xi32, #tpu.memory_space<vmem>>
      %dma_wait3A_330 = tpu.memref_squeeze %dma_wait3A_329 : memref<1x112xi32, #tpu.memory_space<vmem>> -> memref<112xi32, #tpu.memory_space<vmem>>
      %dma_wait3A_331 = tpu.memref_slice %arg2[%add3A_322] : memref<322560xi32, #tpu.memory_space<hbm>> -> memref<112xi32, #tpu.memory_space<hbm>>
      tpu.wait_dma2 semaphore(%arg11 : memref<!tpu.dma_semaphore, #tpu.memory_space<semaphore_mem>>) src(%dma_wait3A_331 : memref<112xi32, #tpu.memory_space<hbm>>) dst(%dma_wait3A_330 : memref<112xi32, #tpu.memory_space<vmem>>)
      %dma_start3A_332 = arith.constant 2 : i32
      %dma_start3A_333 = arith.constant 0 : i32
      %dma_start3A_334 = tpu.memref_slice %arg6[%dma_start3A_332, %dma_start3A_333] : memref<3x112xi32, #tpu.memory_space<vmem>> -> memref<1x112xi32, #tpu.memory_space<vmem>>
      %dma_start3A_335 = tpu.memref_squeeze %dma_start3A_334 : memref<1x112xi32, #tpu.memory_space<vmem>> -> memref<112xi32, #tpu.memory_space<vmem>>
      %dma_start3A_336 = arith.constant 0 : i32
      %dma_start3A_337 = arith.constant 0 : i32
      %dma_start3A_338 = tpu.memref_slice %arg8[%dma_start3A_336, %dma_start3A_337] : memref<10112x128xf32, #tpu.memory_space<vmem_shared>> -> memref<10112x128xf32, #tpu.memory_space<vmem_shared>>
      tpu.enqueue_indirect_dma source(%arg7 : memref<112x128xf32, #tpu.memory_space<vmem>>) target(%dma_start3A_338 : memref<10112x128xf32, #tpu.memory_space<vmem_shared>>) offsets(%dma_start3A_335 : memref<112xi32, #tpu.memory_space<vmem>>) semaphore(%arg14 : memref<!tpu.dma_semaphore, #tpu.memory_space<semaphore_mem>>) {add = true}
      %dma_wait3A_339 = arith.constant 0 : i32
      %dma_wait3A_340 = arith.constant 0 : i32
      %dma_wait3A_341 = tpu.memref_slice %arg6[%dma_wait3A_339, %dma_wait3A_340] : memref<3x112xi32, #tpu.memory_space<vmem>> -> memref<1x112xi32, #tpu.memory_space<vmem>>
      %dma_wait3A_342 = tpu.memref_squeeze %dma_wait3A_341 : memref<1x112xi32, #tpu.memory_space<vmem>> -> memref<112xi32, #tpu.memory_space<vmem>>
      %dma_wait3A_343 = arith.constant 0 : i32
      %dma_wait3A_344 = arith.constant 0 : i32
      %dma_wait3A_345 = tpu.memref_slice %arg8[%dma_wait3A_343, %dma_wait3A_344] : memref<10112x128xf32, #tpu.memory_space<vmem_shared>> -> memref<10112x128xf32, #tpu.memory_space<vmem_shared>>
      tpu.wait_indirect_dma semaphore(%arg12 : memref<!tpu.dma_semaphore, #tpu.memory_space<semaphore_mem>>) src(%arg7 : memref<112x128xf32, #tpu.memory_space<vmem>>) dst(%dma_wait3A_345 : memref<10112x128xf32, #tpu.memory_space<vmem_shared>>)
      %add3A_346 = arith.constant 1 : i32
      %add3A_347 = arith.addi %add3A_319, %add3A_346 : i32
      %mul3A_348 = arith.constant 112 : i32
      %mul3A_349 = arith.muli %add3A_347, %mul3A_348 : i32
      %add3A_350 = arith.addi %mul3A_2, %mul3A_349 : i32
      %dma_start3A_351 = arith.constant 0 : i32
      %dma_start3A_352 = arith.constant 0 : i32
      %dma_start3A_353 = tpu.memref_slice %arg6[%dma_start3A_351, %dma_start3A_352] : memref<3x112xi32, #tpu.memory_space<vmem>> -> memref<1x112xi32, #tpu.memory_space<vmem>>
      %dma_start3A_354 = tpu.memref_squeeze %dma_start3A_353 : memref<1x112xi32, #tpu.memory_space<vmem>> -> memref<112xi32, #tpu.memory_space<vmem>>
      %dma_start3A_355 = tpu.memref_slice %arg2[%add3A_350] : memref<322560xi32, #tpu.memory_space<hbm>> -> memref<112xi32, #tpu.memory_space<hbm>>
      %dma_start3A_356 = arith.constant 0 : i32
      %dma_start3A_357 = tpu.memref_slice %arg6[%dma_start3A_351, %dma_start3A_356] : memref<3x112xi32, #tpu.memory_space<vmem>> -> memref<1x112xi32, #tpu.memory_space<vmem>>
      %dma_start3A_358 = tpu.memref_squeeze %dma_start3A_357 : memref<1x112xi32, #tpu.memory_space<vmem>> -> memref<112xi32, #tpu.memory_space<vmem>>
      %dma_start3A_359 = tpu.memref_slice %arg2[%add3A_350] : memref<322560xi32, #tpu.memory_space<hbm>> -> memref<112xi32, #tpu.memory_space<hbm>>
      tpu.enqueue_dma source(%dma_start3A_359 : memref<112xi32, #tpu.memory_space<hbm>>) target(%dma_start3A_358 : memref<112xi32, #tpu.memory_space<vmem>>) target_semaphore(%arg9 : memref<!tpu.dma_semaphore, #tpu.memory_space<semaphore_mem>>)
    }
    %scan3A_114 = arith.constant 28 : i32
    %add3A_115 = arith.constant 9744 : i32
    %add3A_116 = arith.addi %mul3A_2, %add3A_115 : i32
    %dma_wait3A_117 = arith.constant 0 : i32
    %dma_wait3A_118 = arith.constant 0 : i32
    %dma_wait3A_119 = tpu.memref_slice %arg6[%dma_wait3A_117, %dma_wait3A_118] : memref<3x112xi32, #tpu.memory_space<vmem>> -> memref<1x112xi32, #tpu.memory_space<vmem>>
    %dma_wait3A_120 = tpu.memref_squeeze %dma_wait3A_119 : memref<1x112xi32, #tpu.memory_space<vmem>> -> memref<112xi32, #tpu.memory_space<vmem>>
    %dma_wait3A_121 = tpu.memref_slice %arg2[%add3A_116] : memref<322560xi32, #tpu.memory_space<hbm>> -> memref<112xi32, #tpu.memory_space<hbm>>
    %dma_wait3A_122 = arith.constant 0 : i32
    %dma_wait3A_123 = tpu.memref_slice %arg6[%dma_wait3A_117, %dma_wait3A_122] : memref<3x112xi32, #tpu.memory_space<vmem>> -> memref<1x112xi32, #tpu.memory_space<vmem>>
    %dma_wait3A_124 = tpu.memref_squeeze %dma_wait3A_123 : memref<1x112xi32, #tpu.memory_space<vmem>> -> memref<112xi32, #tpu.memory_space<vmem>>
    %dma_wait3A_125 = tpu.memref_slice %arg2[%add3A_116] : memref<322560xi32, #tpu.memory_space<hbm>> -> memref<112xi32, #tpu.memory_space<hbm>>
    tpu.wait_dma2 semaphore(%arg9 : memref<!tpu.dma_semaphore, #tpu.memory_space<semaphore_mem>>) src(%dma_wait3A_125 : memref<112xi32, #tpu.memory_space<hbm>>) dst(%dma_wait3A_124 : memref<112xi32, #tpu.memory_space<vmem>>)
    %dma_start3A_126 = arith.constant 0 : i32
    %dma_start3A_127 = arith.constant 0 : i32
    %dma_start3A_128 = tpu.memref_slice %arg6[%dma_start3A_126, %dma_start3A_127] : memref<3x112xi32, #tpu.memory_space<vmem>> -> memref<1x112xi32, #tpu.memory_space<vmem>>
    %dma_start3A_129 = tpu.memref_squeeze %dma_start3A_128 : memref<1x112xi32, #tpu.memory_space<vmem>> -> memref<112xi32, #tpu.memory_space<vmem>>
    %dma_start3A_130 = arith.constant 0 : i32
    %dma_start3A_131 = arith.constant 0 : i32
    %dma_start3A_132 = tpu.memref_slice %arg8[%dma_start3A_130, %dma_start3A_131] : memref<10112x128xf32, #tpu.memory_space<vmem_shared>> -> memref<10112x128xf32, #tpu.memory_space<vmem_shared>>
    tpu.enqueue_indirect_dma source(%arg7 : memref<112x128xf32, #tpu.memory_space<vmem>>) target(%dma_start3A_132 : memref<10112x128xf32, #tpu.memory_space<vmem_shared>>) offsets(%dma_start3A_129 : memref<112xi32, #tpu.memory_space<vmem>>) semaphore(%arg12 : memref<!tpu.dma_semaphore, #tpu.memory_space<semaphore_mem>>) {add = true}
    %dma_wait3A_133 = arith.constant 1 : i32
    %dma_wait3A_134 = arith.constant 0 : i32
    %dma_wait3A_135 = tpu.memref_slice %arg6[%dma_wait3A_133, %dma_wait3A_134] : memref<3x112xi32, #tpu.memory_space<vmem>> -> memref<1x112xi32, #tpu.memory_space<vmem>>
    %dma_wait3A_136 = tpu.memref_squeeze %dma_wait3A_135 : memref<1x112xi32, #tpu.memory_space<vmem>> -> memref<112xi32, #tpu.memory_space<vmem>>
    %dma_wait3A_137 = arith.constant 0 : i32
    %dma_wait3A_138 = arith.constant 0 : i32
    %dma_wait3A_139 = tpu.memref_slice %arg8[%dma_wait3A_137, %dma_wait3A_138] : memref<10112x128xf32, #tpu.memory_space<vmem_shared>> -> memref<10112x128xf32, #tpu.memory_space<vmem_shared>>
    tpu.wait_indirect_dma semaphore(%arg13 : memref<!tpu.dma_semaphore, #tpu.memory_space<semaphore_mem>>) src(%arg7 : memref<112x128xf32, #tpu.memory_space<vmem>>) dst(%dma_wait3A_139 : memref<10112x128xf32, #tpu.memory_space<vmem_shared>>)
    %add3A_140 = arith.constant 9856 : i32
    %add3A_141 = arith.addi %mul3A_2, %add3A_140 : i32
    %dma_start3A_142 = arith.constant 1 : i32
    %dma_start3A_143 = arith.constant 0 : i32
    %dma_start3A_144 = tpu.memref_slice %arg6[%dma_start3A_142, %dma_start3A_143] : memref<3x112xi32, #tpu.memory_space<vmem>> -> memref<1x112xi32, #tpu.memory_space<vmem>>
    %dma_start3A_145 = tpu.memref_squeeze %dma_start3A_144 : memref<1x112xi32, #tpu.memory_space<vmem>> -> memref<112xi32, #tpu.memory_space<vmem>>
    %dma_start3A_146 = tpu.memref_slice %arg2[%add3A_141] : memref<322560xi32, #tpu.memory_space<hbm>> -> memref<112xi32, #tpu.memory_space<hbm>>
    %dma_start3A_147 = arith.constant 0 : i32
    %dma_start3A_148 = tpu.memref_slice %arg6[%dma_start3A_142, %dma_start3A_147] : memref<3x112xi32, #tpu.memory_space<vmem>> -> memref<1x112xi32, #tpu.memory_space<vmem>>
    %dma_start3A_149 = tpu.memref_squeeze %dma_start3A_148 : memref<1x112xi32, #tpu.memory_space<vmem>> -> memref<112xi32, #tpu.memory_space<vmem>>
    %dma_start3A_150 = tpu.memref_slice %arg2[%add3A_141] : memref<322560xi32, #tpu.memory_space<hbm>> -> memref<112xi32, #tpu.memory_space<hbm>>
    tpu.enqueue_dma source(%dma_start3A_150 : memref<112xi32, #tpu.memory_space<hbm>>) target(%dma_start3A_149 : memref<112xi32, #tpu.memory_space<vmem>>) target_semaphore(%arg10 : memref<!tpu.dma_semaphore, #tpu.memory_space<semaphore_mem>>)
    %add3A_151 = arith.constant 9856 : i32
    %add3A_152 = arith.addi %mul3A_2, %add3A_151 : i32
    %dma_wait3A_153 = arith.constant 1 : i32
    %dma_wait3A_154 = arith.constant 0 : i32
    %dma_wait3A_155 = tpu.memref_slice %arg6[%dma_wait3A_153, %dma_wait3A_154] : memref<3x112xi32, #tpu.memory_space<vmem>> -> memref<1x112xi32, #tpu.memory_space<vmem>>
    %dma_wait3A_156 = tpu.memref_squeeze %dma_wait3A_155 : memref<1x112xi32, #tpu.memory_space<vmem>> -> memref<112xi32, #tpu.memory_space<vmem>>
    %dma_wait3A_157 = tpu.memref_slice %arg2[%add3A_152] : memref<322560xi32, #tpu.memory_space<hbm>> -> memref<112xi32, #tpu.memory_space<hbm>>
    %dma_wait3A_158 = arith.constant 0 : i32
    %dma_wait3A_159 = tpu.memref_slice %arg6[%dma_wait3A_153, %dma_wait3A_158] : memref<3x112xi32, #tpu.memory_space<vmem>> -> memref<1x112xi32, #tpu.memory_space<vmem>>
    %dma_wait3A_160 = tpu.memref_squeeze %dma_wait3A_159 : memref<1x112xi32, #tpu.memory_space<vmem>> -> memref<112xi32, #tpu.memory_space<vmem>>
    %dma_wait3A_161 = tpu.memref_slice %arg2[%add3A_152] : memref<322560xi32, #tpu.memory_space<hbm>> -> memref<112xi32, #tpu.memory_space<hbm>>
    tpu.wait_dma2 semaphore(%arg10 : memref<!tpu.dma_semaphore, #tpu.memory_space<semaphore_mem>>) src(%dma_wait3A_161 : memref<112xi32, #tpu.memory_space<hbm>>) dst(%dma_wait3A_160 : memref<112xi32, #tpu.memory_space<vmem>>)
    %dma_start3A_162 = arith.constant 1 : i32
    %dma_start3A_163 = arith.constant 0 : i32
    %dma_start3A_164 = tpu.memref_slice %arg6[%dma_start3A_162, %dma_start3A_163] : memref<3x112xi32, #tpu.memory_space<vmem>> -> memref<1x112xi32, #tpu.memory_space<vmem>>
    %dma_start3A_165 = tpu.memref_squeeze %dma_start3A_164 : memref<1x112xi32, #tpu.memory_space<vmem>> -> memref<112xi32, #tpu.memory_space<vmem>>
    %dma_start3A_166 = arith.constant 0 : i32
    %dma_start3A_167 = arith.constant 0 : i32
    %dma_start3A_168 = tpu.memref_slice %arg8[%dma_start3A_166, %dma_start3A_167] : memref<10112x128xf32, #tpu.memory_space<vmem_shared>> -> memref<10112x128xf32, #tpu.memory_space<vmem_shared>>
    tpu.enqueue_indirect_dma source(%arg7 : memref<112x128xf32, #tpu.memory_space<vmem>>) target(%dma_start3A_168 : memref<10112x128xf32, #tpu.memory_space<vmem_shared>>) offsets(%dma_start3A_165 : memref<112xi32, #tpu.memory_space<vmem>>) semaphore(%arg13 : memref<!tpu.dma_semaphore, #tpu.memory_space<semaphore_mem>>) {add = true}
    %dma_wait3A_169 = arith.constant 2 : i32
    %dma_wait3A_170 = arith.constant 0 : i32
    %dma_wait3A_171 = tpu.memref_slice %arg6[%dma_wait3A_169, %dma_wait3A_170] : memref<3x112xi32, #tpu.memory_space<vmem>> -> memref<1x112xi32, #tpu.memory_space<vmem>>
    %dma_wait3A_172 = tpu.memref_squeeze %dma_wait3A_171 : memref<1x112xi32, #tpu.memory_space<vmem>> -> memref<112xi32, #tpu.memory_space<vmem>>
    %dma_wait3A_173 = arith.constant 0 : i32
    %dma_wait3A_174 = arith.constant 0 : i32
    %dma_wait3A_175 = tpu.memref_slice %arg8[%dma_wait3A_173, %dma_wait3A_174] : memref<10112x128xf32, #tpu.memory_space<vmem_shared>> -> memref<10112x128xf32, #tpu.memory_space<vmem_shared>>
    tpu.wait_indirect_dma semaphore(%arg14 : memref<!tpu.dma_semaphore, #tpu.memory_space<semaphore_mem>>) src(%arg7 : memref<112x128xf32, #tpu.memory_space<vmem>>) dst(%dma_wait3A_175 : memref<10112x128xf32, #tpu.memory_space<vmem_shared>>)
    %add3A_176 = arith.constant 9968 : i32
    %add3A_177 = arith.addi %mul3A_2, %add3A_176 : i32
    %dma_start3A_178 = arith.constant 2 : i32
    %dma_start3A_179 = arith.constant 0 : i32
    %dma_start3A_180 = tpu.memref_slice %arg6[%dma_start3A_178, %dma_start3A_179] : memref<3x112xi32, #tpu.memory_space<vmem>> -> memref<1x112xi32, #tpu.memory_space<vmem>>
    %dma_start3A_181 = tpu.memref_squeeze %dma_start3A_180 : memref<1x112xi32, #tpu.memory_space<vmem>> -> memref<112xi32, #tpu.memory_space<vmem>>
    %dma_start3A_182 = tpu.memref_slice %arg2[%add3A_177] : memref<322560xi32, #tpu.memory_space<hbm>> -> memref<112xi32, #tpu.memory_space<hbm>>
    %dma_start3A_183 = arith.constant 0 : i32
    %dma_start3A_184 = tpu.memref_slice %arg6[%dma_start3A_178, %dma_start3A_183] : memref<3x112xi32, #tpu.memory_space<vmem>> -> memref<1x112xi32, #tpu.memory_space<vmem>>
    %dma_start3A_185 = tpu.memref_squeeze %dma_start3A_184 : memref<1x112xi32, #tpu.memory_space<vmem>> -> memref<112xi32, #tpu.memory_space<vmem>>
    %dma_start3A_186 = tpu.memref_slice %arg2[%add3A_177] : memref<322560xi32, #tpu.memory_space<hbm>> -> memref<112xi32, #tpu.memory_space<hbm>>
    tpu.enqueue_dma source(%dma_start3A_186 : memref<112xi32, #tpu.memory_space<hbm>>) target(%dma_start3A_185 : memref<112xi32, #tpu.memory_space<vmem>>) target_semaphore(%arg11 : memref<!tpu.dma_semaphore, #tpu.memory_space<semaphore_mem>>)
    %add3A_187 = arith.constant 9968 : i32
    %add3A_188 = arith.addi %mul3A_2, %add3A_187 : i32
    %dma_wait3A_189 = arith.constant 2 : i32
    %dma_wait3A_190 = arith.constant 0 : i32
    %dma_wait3A_191 = tpu.memref_slice %arg6[%dma_wait3A_189, %dma_wait3A_190] : memref<3x112xi32, #tpu.memory_space<vmem>> -> memref<1x112xi32, #tpu.memory_space<vmem>>
    %dma_wait3A_192 = tpu.memref_squeeze %dma_wait3A_191 : memref<1x112xi32, #tpu.memory_space<vmem>> -> memref<112xi32, #tpu.memory_space<vmem>>
    %dma_wait3A_193 = tpu.memref_slice %arg2[%add3A_188] : memref<322560xi32, #tpu.memory_space<hbm>> -> memref<112xi32, #tpu.memory_space<hbm>>
    %dma_wait3A_194 = arith.constant 0 : i32
    %dma_wait3A_195 = tpu.memref_slice %arg6[%dma_wait3A_189, %dma_wait3A_194] : memref<3x112xi32, #tpu.memory_space<vmem>> -> memref<1x112xi32, #tpu.memory_space<vmem>>
    %dma_wait3A_196 = tpu.memref_squeeze %dma_wait3A_195 : memref<1x112xi32, #tpu.memory_space<vmem>> -> memref<112xi32, #tpu.memory_space<vmem>>
    %dma_wait3A_197 = tpu.memref_slice %arg2[%add3A_188] : memref<322560xi32, #tpu.memory_space<hbm>> -> memref<112xi32, #tpu.memory_space<hbm>>
    tpu.wait_dma2 semaphore(%arg11 : memref<!tpu.dma_semaphore, #tpu.memory_space<semaphore_mem>>) src(%dma_wait3A_197 : memref<112xi32, #tpu.memory_space<hbm>>) dst(%dma_wait3A_196 : memref<112xi32, #tpu.memory_space<vmem>>)
    %dma_start3A_198 = arith.constant 2 : i32
    %dma_start3A_199 = arith.constant 0 : i32
    %dma_start3A_200 = tpu.memref_slice %arg6[%dma_start3A_198, %dma_start3A_199] : memref<3x112xi32, #tpu.memory_space<vmem>> -> memref<1x112xi32, #tpu.memory_space<vmem>>
    %dma_start3A_201 = tpu.memref_squeeze %dma_start3A_200 : memref<1x112xi32, #tpu.memory_space<vmem>> -> memref<112xi32, #tpu.memory_space<vmem>>
    %dma_start3A_202 = arith.constant 0 : i32
    %dma_start3A_203 = arith.constant 0 : i32
    %dma_start3A_204 = tpu.memref_slice %arg8[%dma_start3A_202, %dma_start3A_203] : memref<10112x128xf32, #tpu.memory_space<vmem_shared>> -> memref<10112x128xf32, #tpu.memory_space<vmem_shared>>
    tpu.enqueue_indirect_dma source(%arg7 : memref<112x128xf32, #tpu.memory_space<vmem>>) target(%dma_start3A_204 : memref<10112x128xf32, #tpu.memory_space<vmem_shared>>) offsets(%dma_start3A_201 : memref<112xi32, #tpu.memory_space<vmem>>) semaphore(%arg14 : memref<!tpu.dma_semaphore, #tpu.memory_space<semaphore_mem>>) {add = true}
    %dma_wait3A_205 = arith.constant 0 : i32
    %dma_wait3A_206 = arith.constant 0 : i32
    %dma_wait3A_207 = tpu.memref_slice %arg6[%dma_wait3A_205, %dma_wait3A_206] : memref<3x112xi32, #tpu.memory_space<vmem>> -> memref<1x112xi32, #tpu.memory_space<vmem>>
    %dma_wait3A_208 = tpu.memref_squeeze %dma_wait3A_207 : memref<1x112xi32, #tpu.memory_space<vmem>> -> memref<112xi32, #tpu.memory_space<vmem>>
    %dma_wait3A_209 = arith.constant 0 : i32
    %dma_wait3A_210 = arith.constant 0 : i32
    %dma_wait3A_211 = tpu.memref_slice %arg8[%dma_wait3A_209, %dma_wait3A_210] : memref<10112x128xf32, #tpu.memory_space<vmem_shared>> -> memref<10112x128xf32, #tpu.memory_space<vmem_shared>>
    tpu.wait_indirect_dma semaphore(%arg12 : memref<!tpu.dma_semaphore, #tpu.memory_space<semaphore_mem>>) src(%arg7 : memref<112x128xf32, #tpu.memory_space<vmem>>) dst(%dma_wait3A_211 : memref<10112x128xf32, #tpu.memory_space<vmem_shared>>)
    %dma_wait3A_212 = arith.constant 1 : i32
    %dma_wait3A_213 = arith.constant 0 : i32
    %dma_wait3A_214 = tpu.memref_slice %arg6[%dma_wait3A_212, %dma_wait3A_213] : memref<3x112xi32, #tpu.memory_space<vmem>> -> memref<1x112xi32, #tpu.memory_space<vmem>>
    %dma_wait3A_215 = tpu.memref_squeeze %dma_wait3A_214 : memref<1x112xi32, #tpu.memory_space<vmem>> -> memref<112xi32, #tpu.memory_space<vmem>>
    %dma_wait3A_216 = arith.constant 0 : i32
    %dma_wait3A_217 = arith.constant 0 : i32
    %dma_wait3A_218 = tpu.memref_slice %arg8[%dma_wait3A_216, %dma_wait3A_217] : memref<10112x128xf32, #tpu.memory_space<vmem_shared>> -> memref<10112x128xf32, #tpu.memory_space<vmem_shared>>
    tpu.wait_indirect_dma semaphore(%arg13 : memref<!tpu.dma_semaphore, #tpu.memory_space<semaphore_mem>>) src(%arg7 : memref<112x128xf32, #tpu.memory_space<vmem>>) dst(%dma_wait3A_218 : memref<10112x128xf32, #tpu.memory_space<vmem_shared>>)
    %dma_wait3A_219 = arith.constant 2 : i32
    %dma_wait3A_220 = arith.constant 0 : i32
    %dma_wait3A_221 = tpu.memref_slice %arg6[%dma_wait3A_219, %dma_wait3A_220] : memref<3x112xi32, #tpu.memory_space<vmem>> -> memref<1x112xi32, #tpu.memory_space<vmem>>
    %dma_wait3A_222 = tpu.memref_squeeze %dma_wait3A_221 : memref<1x112xi32, #tpu.memory_space<vmem>> -> memref<112xi32, #tpu.memory_space<vmem>>
    %dma_wait3A_223 = arith.constant 0 : i32
    %dma_wait3A_224 = arith.constant 0 : i32
    %dma_wait3A_225 = tpu.memref_slice %arg8[%dma_wait3A_223, %dma_wait3A_224] : memref<10112x128xf32, #tpu.memory_space<vmem_shared>> -> memref<10112x128xf32, #tpu.memory_space<vmem_shared>>
    tpu.wait_indirect_dma semaphore(%arg14 : memref<!tpu.dma_semaphore, #tpu.memory_space<semaphore_mem>>) src(%arg7 : memref<112x128xf32, #tpu.memory_space<vmem>>) dst(%dma_wait3A_225 : memref<10112x128xf32, #tpu.memory_space<vmem_shared>>)
    %barrier3A_226 = arith.constant 0 : index
    tpu.barrier barrier_id(%barrier3A_226)
    %mul3A_227 = arith.constant 632 : i32
    %mul3A_228 = arith.muli %arg1, %mul3A_227 : i32
    %mul3A_229 = arith.constant 632 : i32
    %mul3A_230 = arith.muli %arg1, %mul3A_229 : i32
    "tpu.region"() ({
      %run_scoped3A = tpu.sem_alloc : memref<!tpu.dma_semaphore, #tpu.memory_space<semaphore_mem>>
      %dma_start3A_231 = arith.constant 0 : i32
      %dma_start3A_232 = arith.constant 0 : i32
      %dma_start3A_233 = tpu.memref_slice %arg5[%arg0, %dma_start3A_231, %dma_start3A_232] : memref<2x10112x128xf32, #tpu.memory_space<hbm>> -> memref<1x10112x128xf32, #tpu.memory_space<hbm>>
      %dma_start3A_234 = tpu.memref_squeeze %dma_start3A_233 : memref<1x10112x128xf32, #tpu.memory_space<hbm>> -> memref<10112x128xf32, #tpu.memory_space<hbm>>
      %dma_start3A_235 = arith.constant 0 : i32
      %dma_start3A_236 = tpu.memref_slice %dma_start3A_234[%mul3A_230, %dma_start3A_235] : memref<10112x128xf32, #tpu.memory_space<hbm>> -> memref<632x128xf32, #tpu.memory_space<hbm>>
      %dma_start3A_237 = arith.constant 0 : i32
      %dma_start3A_238 = tpu.memref_slice %arg8[%mul3A_228, %dma_start3A_237] : memref<10112x128xf32, #tpu.memory_space<vmem_shared>> -> memref<632x128xf32, #tpu.memory_space<vmem_shared>>
      tpu.enqueue_dma source(%dma_start3A_238 : memref<632x128xf32, #tpu.memory_space<vmem_shared>>) target(%dma_start3A_236 : memref<632x128xf32, #tpu.memory_space<hbm>>) target_semaphore(%run_scoped3A : memref<!tpu.dma_semaphore, #tpu.memory_space<semaphore_mem>>)
      %dma_wait3A_239 = arith.constant 0 : i32
      %dma_wait3A_240 = arith.constant 0 : i32
      %dma_wait3A_241 = tpu.memref_slice %arg5[%arg0, %dma_wait3A_239, %dma_wait3A_240] : memref<2x10112x128xf32, #tpu.memory_space<hbm>> -> memref<1x10112x128xf32, #tpu.memory_space<hbm>>
      %dma_wait3A_242 = tpu.memref_squeeze %dma_wait3A_241 : memref<1x10112x128xf32, #tpu.memory_space<hbm>> -> memref<10112x128xf32, #tpu.memory_space<hbm>>
      %dma_wait3A_243 = arith.constant 0 : i32
      %dma_wait3A_244 = tpu.memref_slice %dma_wait3A_242[%mul3A_230, %dma_wait3A_243] : memref<10112x128xf32, #tpu.memory_space<hbm>> -> memref<632x128xf32, #tpu.memory_space<hbm>>
      %dma_wait3A_245 = arith.constant 0 : i32
      %dma_wait3A_246 = tpu.memref_slice %arg8[%mul3A_228, %dma_wait3A_245] : memref<10112x128xf32, #tpu.memory_space<vmem_shared>> -> memref<632x128xf32, #tpu.memory_space<vmem_shared>>
      tpu.wait_dma2 semaphore(%run_scoped3A : memref<!tpu.dma_semaphore, #tpu.memory_space<semaphore_mem>>) src(%dma_wait3A_246 : memref<632x128xf32, #tpu.memory_space<vmem_shared>>) dst(%dma_wait3A_244 : memref<632x128xf32, #tpu.memory_space<hbm>>)
      tpu.yield
    }) : () -> ()
    return
  }
}

module attributes {stable_mosaic.version = 14 : i64} {
  func.func @_stage_a(%arg0: i32, %arg1: memref<400x128xf32, #tpu.memory_space<vmem>>, %arg2: memref<128x256xf32, #tpu.memory_space<vmem>>, %arg3: memref<1x256xf32, #tpu.memory_space<vmem>>, %arg4: memref<400x256xi32, #tpu.memory_space<vmem>>, %arg5: memref<256x256xf32, #tpu.memory_space<vmem>>, %arg6: memref<2x400x128xf32, #tpu.memory_space<vmem>>, %arg7: memref<2x400x128xf32, #tpu.memory_space<vmem>>, %arg8: memref<400x1xf32, #tpu.memory_space<vmem>>) attributes {dimension_semantics = [#tpu.dimension_semantics<arbitrary>], iteration_bounds = array<i64: 25>, scalar_prefetch = 0 : i64, scratch_operands = 0 : i64, tpu.core_type = #tpu.core_type<tc>, window_params = [{transform_indices = @transform_0, window_bounds = array<i64: 400, 128>}, {pipeline_mode = #tpu.pipeline_mode<synchronous>, transform_indices = @transform_1, window_bounds = array<i64: 128, 256>}, {pipeline_mode = #tpu.pipeline_mode<synchronous>, transform_indices = @transform_2, window_bounds = array<i64: 1, 256>}, {transform_indices = @transform_3, window_bounds = array<i64: 400, 256>}, {pipeline_mode = #tpu.pipeline_mode<synchronous>, transform_indices = @transform_4, window_bounds = array<i64: 256, 256>}, {transform_indices = @transform_5, window_bounds = array<i64: 2, 400, 128>}, {transform_indices = @transform_6, window_bounds = array<i64: 2, 400, 128>}, {transform_indices = @transform_7, window_bounds = array<i64: 400, 1>}]} {
    %get3A = arith.constant 0 : index
    %get3A_0 = arith.constant 0 : index
    %get3A_1 = vector.load %arg1[%get3A, %get3A_0] : memref<400x128xf32, #tpu.memory_space<vmem>>, vector<400x128xf32>
    %get3A_2 = arith.constant 0 : index
    %get3A_3 = arith.constant 0 : index
    %get3A_4 = vector.load %arg2[%get3A_2, %get3A_3] : memref<128x256xf32, #tpu.memory_space<vmem>>, vector<128x256xf32>
    %dot_general3A = arith.constant dense<0.000000e+00> : vector<400x256xf32>
    %dot_general3A_5 = tpu.matmul %get3A_1, %get3A_4, %dot_general3A {dimension_numbers = #tpu.dot_dimension_numbers<[1], [0], [0], [1], [0, 0, 1, 1], [], []>, transpose_lhs_hint = false} : vector<400x128xf32>, vector<128x256xf32>, vector<400x256xf32> -> vector<400x256xf32>
    %get3A_6 = arith.constant 0 : index
    %get3A_7 = arith.constant 0 : index
    %get3A_8 = vector.load %arg3[%get3A_6, %get3A_7] : memref<1x256xf32, #tpu.memory_space<vmem>>, vector<1x256xf32>
    %add3A = vector.broadcast %get3A_8 : vector<1x256xf32> to vector<400x256xf32>
    %add3A_9 = arith.addf %dot_general3A_5, %add3A : vector<400x256xf32>
    %max3A = arith.constant 0.000000e+00 : f32
    %max3A_10 = vector.broadcast %max3A : f32 to vector<400x256xf32>
    %max3A_11 = arith.maximumf %add3A_9, %max3A_10 : vector<400x256xf32>
    %get3A_12 = arith.constant 0 : index
    %get3A_13 = arith.constant 0 : index
    %get3A_14 = vector.load %arg4[%get3A_12, %get3A_13] : memref<400x256xi32, #tpu.memory_space<vmem>>, vector<400x256xi32>
    %get3A_15 = arith.constant dense<0> : vector<400x256xi32>
    %get3A_16 = arith.cmpi ne, %get3A_14, %get3A_15 : vector<400x256xi32>
    %mul3A = arith.constant 2.000000e+00 : f32
    %mul3A_17 = vector.broadcast %mul3A : f32 to vector<400x256xf32>
    %mul3A_18 = arith.mulf %max3A_11, %mul3A_17 : vector<400x256xf32>
    %jit3A = arith.constant 0.000000e+00 : f32
    %broadcast_in_dim3A = vector.broadcast %jit3A : f32 to vector<400x256xf32>
    %select_n3A = arith.select %get3A_16, %mul3A_18, %broadcast_in_dim3A : vector<400x256xi1>, vector<400x256xf32>
    %get3A_19 = arith.constant 0 : index
    %get3A_20 = arith.constant 0 : index
    %get3A_21 = vector.load %arg5[%get3A_19, %get3A_20] : memref<256x256xf32, #tpu.memory_space<vmem>>, vector<256x256xf32>
    %dot_general3A_22 = arith.constant dense<0.000000e+00> : vector<400x256xf32>
    %dot_general3A_23 = tpu.matmul %select_n3A, %get3A_21, %dot_general3A_22 {dimension_numbers = #tpu.dot_dimension_numbers<[1], [0], [0], [1], [0, 0, 1, 1], [], []>, transpose_lhs_hint = false} : vector<400x256xf32>, vector<256x256xf32>, vector<400x256xf32> -> vector<400x256xf32>
    %get3A_24 = arith.constant 0 : index
    %get3A_25 = arith.constant 0 : index
    %get3A_26 = arith.constant 0 : index
    %get3A_27 = vector.load %arg6[%get3A_24, %get3A_25, %get3A_26] : memref<2x400x128xf32, #tpu.memory_space<vmem>>, vector<2x400x128xf32>
    %slice3A = vector.extract_strided_slice %get3A_27 {offsets = [0, 0, 0], sizes = [1, 400, 1], strides = [1, 1, 1]} : vector<2x400x128xf32> to vector<1x400x1xf32>
    %squeeze3A = vector.shape_cast %slice3A : vector<1x400x1xf32> to vector<400x1xf32>
    %slice3A_28 = vector.extract_strided_slice %get3A_27 {offsets = [1, 0, 0], sizes = [1, 400, 1], strides = [1, 1, 1]} : vector<2x400x128xf32> to vector<1x400x1xf32>
    %squeeze3A_29 = vector.shape_cast %slice3A_28 : vector<1x400x1xf32> to vector<400x1xf32>
    %add3A_30 = arith.addf %squeeze3A, %squeeze3A_29 : vector<400x1xf32>
    %add3A_31 = arith.constant 1.000000e+00 : f32
    %add3A_32 = vector.broadcast %add3A_31 : f32 to vector<400x1xf32>
    %add3A_33 = arith.addf %add3A_30, %add3A_32 : vector<400x1xf32>
    %max3A_34 = arith.constant 1.000000e+00 : f32
    %max3A_35 = vector.broadcast %max3A_34 : f32 to vector<400x1xf32>
    %max3A_36 = arith.maximumf %add3A_33, %max3A_35 : vector<400x1xf32>
    %rsqrt3A = math.rsqrt %max3A_36 : vector<400x1xf32>
    %mul3A_37 = vector.broadcast %rsqrt3A : vector<400x1xf32> to vector<400x256xf32>
    %mul3A_38 = arith.mulf %dot_general3A_23, %mul3A_37 : vector<400x256xf32>
    %slice3A_39 = vector.extract_strided_slice %mul3A_38 {offsets = [0, 0], sizes = [400, 128], strides = [1, 1]} : vector<400x256xf32> to vector<400x128xf32>
    %swap3A = arith.constant 0 : index
    %swap3A_40 = arith.constant 0 : index
    %swap3A_41 = arith.constant 0 : index
    %swap3A_42 = vector.load %arg7[%swap3A, %swap3A_40, %swap3A_41] : memref<2x400x128xf32, #tpu.memory_space<vmem>>, vector<1x400x128xf32>
    %swap3A_43 = vector.shape_cast %swap3A_42 : vector<1x400x128xf32> to vector<400x128xf32>
    %swap3A_44 = vector.shape_cast %slice3A_39 : vector<400x128xf32> to vector<1x400x128xf32>
    tpu.vector_store %arg7[%swap3A, %swap3A_40, %swap3A_41], %swap3A_44 {strides = array<i32>} : memref<2x400x128xf32, #tpu.memory_space<vmem>>, vector<1x400x128xf32>,
    %slice3A_45 = vector.extract_strided_slice %mul3A_38 {offsets = [0, 128], sizes = [400, 128], strides = [1, 1]} : vector<400x256xf32> to vector<400x128xf32>
    %swap3A_46 = arith.constant 1 : index
    %swap3A_47 = arith.constant 0 : index
    %swap3A_48 = arith.constant 0 : index
    %swap3A_49 = vector.load %arg7[%swap3A_46, %swap3A_47, %swap3A_48] : memref<2x400x128xf32, #tpu.memory_space<vmem>>, vector<1x400x128xf32>
    %swap3A_50 = vector.shape_cast %swap3A_49 : vector<1x400x128xf32> to vector<400x128xf32>
    %swap3A_51 = vector.shape_cast %slice3A_45 : vector<400x128xf32> to vector<1x400x128xf32>
    tpu.vector_store %arg7[%swap3A_46, %swap3A_47, %swap3A_48], %swap3A_51 {strides = array<i32>} : memref<2x400x128xf32, #tpu.memory_space<vmem>>, vector<1x400x128xf32>,
    %swap3A_52 = arith.constant 0 : index
    %swap3A_53 = arith.constant 0 : index
    %swap3A_54 = vector.load %arg8[%swap3A_52, %swap3A_53] : memref<400x1xf32, #tpu.memory_space<vmem>>, vector<400x1xf32>
    tpu.vector_store %arg8[%swap3A_52, %swap3A_53], %rsqrt3A {strides = array<i32>} : memref<400x1xf32, #tpu.memory_space<vmem>>, vector<400x1xf32>,
    return
  }
  func.func @transform_0(%arg0: i32) -> (i32, i32) {
    %c0_i32 = arith.constant 0 : i32
    %c0_i32_0 = arith.constant 0 : i32
    return %arg0, %c0_i32 : i32, i32
  }
  func.func @transform_1(%arg0: i32) -> (i32, i32) {
    %c0_i32 = arith.constant 0 : i32
    %c0_i32_0 = arith.constant 0 : i32
    %c0_i32_1 = arith.constant 0 : i32
    return %c0_i32, %c0_i32_0 : i32, i32
  }
  func.func @transform_2(%arg0: i32) -> (i32, i32) {
    %c0_i32 = arith.constant 0 : i32
    %c0_i32_0 = arith.constant 0 : i32
    %c0_i32_1 = arith.constant 0 : i32
    return %c0_i32, %c0_i32_0 : i32, i32
  }
  func.func @transform_3(%arg0: i32) -> (i32, i32) {
    %c0_i32 = arith.constant 0 : i32
    %c0_i32_0 = arith.constant 0 : i32
    return %arg0, %c0_i32 : i32, i32
  }
  func.func @transform_4(%arg0: i32) -> (i32, i32) {
    %c0_i32 = arith.constant 0 : i32
    %c0_i32_0 = arith.constant 0 : i32
    %c0_i32_1 = arith.constant 0 : i32
    return %c0_i32, %c0_i32_0 : i32, i32
  }
  func.func @transform_5(%arg0: i32) -> (i32, i32, i32) {
    %c0_i32 = arith.constant 0 : i32
    %c0_i32_0 = arith.constant 0 : i32
    %c0_i32_1 = arith.constant 0 : i32
    return %c0_i32, %arg0, %c0_i32_0 : i32, i32, i32
  }
  func.func @transform_6(%arg0: i32) -> (i32, i32, i32) {
    %c0_i32 = arith.constant 0 : i32
    %c0_i32_0 = arith.constant 0 : i32
    %c0_i32_1 = arith.constant 0 : i32
    return %c0_i32, %arg0, %c0_i32_0 : i32, i32, i32
  }
  func.func @transform_7(%arg0: i32) -> (i32, i32) {
    %c0_i32 = arith.constant 0 : i32
    %c0_i32_0 = arith.constant 0 : i32
    return %arg0, %c0_i32 : i32, i32
  }
}

module attributes {stable_mosaic.version = 14 : i64} {
  func.func @_stage_b(%arg0: i32, %arg1: memref<2x400x128xf32, #tpu.memory_space<vmem>>, %arg2: memref<2x400x128xf32, #tpu.memory_space<vmem>>, %arg3: memref<400x1xf32, #tpu.memory_space<vmem>>, %arg4: memref<1x256xf32, #tpu.memory_space<vmem>>, %arg5: memref<400x256xi32, #tpu.memory_space<vmem>>, %arg6: memref<256x128xf32, #tpu.memory_space<vmem>>, %arg7: memref<2x400x128xf32, #tpu.memory_space<vmem>>) attributes {dimension_semantics = [#tpu.dimension_semantics<arbitrary>], iteration_bounds = array<i64: 25>, scalar_prefetch = 0 : i64, scratch_operands = 0 : i64, tpu.core_type = #tpu.core_type<tc>, window_params = [{transform_indices = @transform_0, window_bounds = array<i64: 2, 400, 128>}, {transform_indices = @transform_1, window_bounds = array<i64: 2, 400, 128>}, {transform_indices = @transform_2, window_bounds = array<i64: 400, 1>}, {pipeline_mode = #tpu.pipeline_mode<synchronous>, transform_indices = @transform_3, window_bounds = array<i64: 1, 256>}, {transform_indices = @transform_4, window_bounds = array<i64: 400, 256>}, {pipeline_mode = #tpu.pipeline_mode<synchronous>, transform_indices = @transform_5, window_bounds = array<i64: 256, 128>}, {transform_indices = @transform_6, window_bounds = array<i64: 2, 400, 128>}]} {
    %get3A = arith.constant 0 : index
    %get3A_0 = arith.constant 0 : index
    %get3A_1 = arith.constant 0 : index
    %get3A_2 = vector.load %arg1[%get3A, %get3A_0, %get3A_1] : memref<2x400x128xf32, #tpu.memory_space<vmem>>, vector<2x400x128xf32>
    %get3A_3 = arith.constant 0 : index
    %get3A_4 = arith.constant 0 : index
    %get3A_5 = arith.constant 0 : index
    %get3A_6 = vector.load %arg2[%get3A_3, %get3A_4, %get3A_5] : memref<2x400x128xf32, #tpu.memory_space<vmem>>, vector<2x400x128xf32>
    %add3A = arith.addf %get3A_2, %get3A_6 : vector<2x400x128xf32>
    %slice3A = vector.extract_strided_slice %add3A {offsets = [0, 0, 0], sizes = [1, 400, 128], strides = [1, 1, 1]} : vector<2x400x128xf32> to vector<1x400x128xf32>
    %squeeze3A = vector.shape_cast %slice3A : vector<1x400x128xf32> to vector<400x128xf32>
    %slice3A_7 = vector.extract_strided_slice %add3A {offsets = [1, 0, 0], sizes = [1, 400, 128], strides = [1, 1, 1]} : vector<2x400x128xf32> to vector<1x400x128xf32>
    %squeeze3A_8 = vector.shape_cast %slice3A_7 : vector<1x400x128xf32> to vector<400x128xf32>
    %concatenate3A = tpu.concatenate %squeeze3A, %squeeze3A_8 in 1 : vector<400x128xf32>, vector<400x128xf32> -> vector<400x256xf32>
    %get3A_9 = arith.constant 0 : index
    %get3A_10 = arith.constant 0 : index
    %get3A_11 = vector.load %arg3[%get3A_9, %get3A_10] : memref<400x1xf32, #tpu.memory_space<vmem>>, vector<400x1xf32>
    %mul3A = vector.broadcast %get3A_11 : vector<400x1xf32> to vector<400x256xf32>
    %mul3A_12 = arith.mulf %concatenate3A, %mul3A : vector<400x256xf32>
    %get3A_13 = arith.constant 0 : index
    %get3A_14 = arith.constant 0 : index
    %get3A_15 = vector.load %arg4[%get3A_13, %get3A_14] : memref<1x256xf32, #tpu.memory_space<vmem>>, vector<1x256xf32>
    %add3A_16 = vector.broadcast %get3A_15 : vector<1x256xf32> to vector<400x256xf32>
    %add3A_17 = arith.addf %mul3A_12, %add3A_16 : vector<400x256xf32>
    %get3A_18 = arith.constant 0 : index
    %get3A_19 = arith.constant 0 : index
    %get3A_20 = vector.load %arg5[%get3A_18, %get3A_19] : memref<400x256xi32, #tpu.memory_space<vmem>>, vector<400x256xi32>
    %get3A_21 = arith.constant dense<0> : vector<400x256xi32>
    %get3A_22 = arith.cmpi ne, %get3A_20, %get3A_21 : vector<400x256xi32>
    %max3A = arith.constant 0.000000e+00 : f32
    %max3A_23 = vector.broadcast %max3A : f32 to vector<400x256xf32>
    %max3A_24 = arith.maximumf %add3A_17, %max3A_23 : vector<400x256xf32>
    %mul3A_25 = arith.constant 2.000000e+00 : f32
    %mul3A_26 = vector.broadcast %mul3A_25 : f32 to vector<400x256xf32>
    %mul3A_27 = arith.mulf %max3A_24, %mul3A_26 : vector<400x256xf32>
    %jit3A = arith.constant 0.000000e+00 : f32
    %broadcast_in_dim3A = vector.broadcast %jit3A : f32 to vector<400x256xf32>
    %select_n3A = arith.select %get3A_22, %mul3A_27, %broadcast_in_dim3A : vector<400x256xi1>, vector<400x256xf32>
    %get3A_28 = arith.constant 0 : index
    %get3A_29 = arith.constant 0 : index
    %get3A_30 = vector.load %arg6[%get3A_28, %get3A_29] : memref<256x128xf32, #tpu.memory_space<vmem>>, vector<256x128xf32>
    %dot_general3A = arith.constant dense<0.000000e+00> : vector<400x128xf32>
    %dot_general3A_31 = tpu.matmul %select_n3A, %get3A_30, %dot_general3A {dimension_numbers = #tpu.dot_dimension_numbers<[1], [0], [0], [1], [0, 0, 1, 1], [], []>, transpose_lhs_hint = false} : vector<400x256xf32>, vector<256x128xf32>, vector<400x128xf32> -> vector<400x128xf32>
    %mul3A_32 = vector.broadcast %get3A_11 : vector<400x1xf32> to vector<400x128xf32>
    %mul3A_33 = arith.mulf %dot_general3A_31, %mul3A_32 : vector<400x128xf32>
    %swap3A = arith.constant 0 : index
    %swap3A_34 = arith.constant 0 : index
    %swap3A_35 = arith.constant 0 : index
    %swap3A_36 = vector.load %arg7[%swap3A, %swap3A_34, %swap3A_35] : memref<2x400x128xf32, #tpu.memory_space<vmem>>, vector<1x400x128xf32>
    %swap3A_37 = vector.shape_cast %swap3A_36 : vector<1x400x128xf32> to vector<400x128xf32>
    %swap3A_38 = vector.shape_cast %mul3A_33 : vector<400x128xf32> to vector<1x400x128xf32>
    tpu.vector_store %arg7[%swap3A, %swap3A_34, %swap3A_35], %swap3A_38 {strides = array<i32>} : memref<2x400x128xf32, #tpu.memory_space<vmem>>, vector<1x400x128xf32>,
    %swap3A_39 = arith.constant 1 : index
    %swap3A_40 = arith.constant 0 : index
    %swap3A_41 = arith.constant 0 : index
    %swap3A_42 = vector.load %arg7[%swap3A_39, %swap3A_40, %swap3A_41] : memref<2x400x128xf32, #tpu.memory_space<vmem>>, vector<1x400x128xf32>
    %swap3A_43 = vector.shape_cast %swap3A_42 : vector<1x400x128xf32> to vector<400x128xf32>
    %swap3A_44 = vector.shape_cast %mul3A_33 : vector<400x128xf32> to vector<1x400x128xf32>
    tpu.vector_store %arg7[%swap3A_39, %swap3A_40, %swap3A_41], %swap3A_44 {strides = array<i32>} : memref<2x400x128xf32, #tpu.memory_space<vmem>>, vector<1x400x128xf32>,
    return
  }
  func.func @transform_0(%arg0: i32) -> (i32, i32, i32) {
    %c0_i32 = arith.constant 0 : i32
    %c0_i32_0 = arith.constant 0 : i32
    %c0_i32_1 = arith.constant 0 : i32
    return %c0_i32, %arg0, %c0_i32_0 : i32, i32, i32
  }
  func.func @transform_1(%arg0: i32) -> (i32, i32, i32) {
    %c0_i32 = arith.constant 0 : i32
    %c0_i32_0 = arith.constant 0 : i32
    %c0_i32_1 = arith.constant 0 : i32
    return %c0_i32, %arg0, %c0_i32_0 : i32, i32, i32
  }
  func.func @transform_2(%arg0: i32) -> (i32, i32) {
    %c0_i32 = arith.constant 0 : i32
    %c0_i32_0 = arith.constant 0 : i32
    return %arg0, %c0_i32 : i32, i32
  }
  func.func @transform_3(%arg0: i32) -> (i32, i32) {
    %c0_i32 = arith.constant 0 : i32
    %c0_i32_0 = arith.constant 0 : i32
    %c0_i32_1 = arith.constant 0 : i32
    return %c0_i32, %c0_i32_0 : i32, i32
  }
  func.func @transform_4(%arg0: i32) -> (i32, i32) {
    %c0_i32 = arith.constant 0 : i32
    %c0_i32_0 = arith.constant 0 : i32
    return %arg0, %c0_i32 : i32, i32
  }
  func.func @transform_5(%arg0: i32) -> (i32, i32) {
    %c0_i32 = arith.constant 0 : i32
    %c0_i32_0 = arith.constant 0 : i32
    %c0_i32_1 = arith.constant 0 : i32
    return %c0_i32, %c0_i32_0 : i32, i32
  }
  func.func @transform_6(%arg0: i32) -> (i32, i32, i32) {
    %c0_i32 = arith.constant 0 : i32
    %c0_i32_0 = arith.constant 0 : i32
    %c0_i32_1 = arith.constant 0 : i32
    return %c0_i32, %arg0, %c0_i32_0 : i32, i32, i32
  }
}

module attributes {stable_mosaic.version = 14 : i64} {
  func.func @_stage_c(%arg0: i32, %arg1: memref<2x400x128xf32, #tpu.memory_space<vmem>>, %arg2: memref<2x400x128xf32, #tpu.memory_space<vmem>>, %arg3: memref<400x1xf32, #tpu.memory_space<vmem>>, %arg4: memref<1x128xf32, #tpu.memory_space<vmem>>, %arg5: memref<400x128xf32, #tpu.memory_space<vmem>>, %arg6: memref<400x128xf32, #tpu.memory_space<vmem>>) attributes {dimension_semantics = [#tpu.dimension_semantics<arbitrary>], iteration_bounds = array<i64: 25>, scalar_prefetch = 0 : i64, scratch_operands = 0 : i64, tpu.core_type = #tpu.core_type<tc>, window_params = [{transform_indices = @transform_0, window_bounds = array<i64: 2, 400, 128>}, {transform_indices = @transform_1, window_bounds = array<i64: 2, 400, 128>}, {transform_indices = @transform_2, window_bounds = array<i64: 400, 1>}, {pipeline_mode = #tpu.pipeline_mode<synchronous>, transform_indices = @transform_3, window_bounds = array<i64: 1, 128>}, {transform_indices = @transform_4, window_bounds = array<i64: 400, 128>}, {transform_indices = @transform_5, window_bounds = array<i64: 400, 128>}]} {
    %get3A = arith.constant 0 : index
    %get3A_0 = arith.constant 0 : index
    %get3A_1 = arith.constant 0 : index
    %get3A_2 = vector.load %arg1[%get3A, %get3A_0, %get3A_1] : memref<2x400x128xf32, #tpu.memory_space<vmem>>, vector<2x400x128xf32>
    %slice3A = vector.extract_strided_slice %get3A_2 {offsets = [0, 0, 0], sizes = [1, 400, 128], strides = [1, 1, 1]} : vector<2x400x128xf32> to vector<1x400x128xf32>
    %squeeze3A = vector.shape_cast %slice3A : vector<1x400x128xf32> to vector<400x128xf32>
    %slice3A_3 = vector.extract_strided_slice %get3A_2 {offsets = [1, 0, 0], sizes = [1, 400, 128], strides = [1, 1, 1]} : vector<2x400x128xf32> to vector<1x400x128xf32>
    %squeeze3A_4 = vector.shape_cast %slice3A_3 : vector<1x400x128xf32> to vector<400x128xf32>
    %add3A = arith.addf %squeeze3A, %squeeze3A_4 : vector<400x128xf32>
    %get3A_5 = arith.constant 0 : index
    %get3A_6 = arith.constant 0 : index
    %get3A_7 = arith.constant 0 : index
    %get3A_8 = vector.load %arg2[%get3A_5, %get3A_6, %get3A_7] : memref<2x400x128xf32, #tpu.memory_space<vmem>>, vector<1x400x128xf32>
    %get3A_9 = vector.shape_cast %get3A_8 : vector<1x400x128xf32> to vector<400x128xf32>
    %add3A_10 = arith.addf %add3A, %get3A_9 : vector<400x128xf32>
    %get3A_11 = arith.constant 0 : index
    %get3A_12 = arith.constant 0 : index
    %get3A_13 = vector.load %arg5[%get3A_11, %get3A_12] : memref<400x128xf32, #tpu.memory_space<vmem>>, vector<400x128xf32>
    %get3A_14 = arith.constant 0 : index
    %get3A_15 = arith.constant 0 : index
    %get3A_16 = vector.load %arg3[%get3A_14, %get3A_15] : memref<400x1xf32, #tpu.memory_space<vmem>>, vector<400x1xf32>
    %mul3A = vector.broadcast %get3A_16 : vector<400x1xf32> to vector<400x128xf32>
    %mul3A_17 = arith.mulf %add3A_10, %mul3A : vector<400x128xf32>
    %get3A_18 = arith.constant 0 : index
    %get3A_19 = arith.constant 0 : index
    %get3A_20 = vector.load %arg4[%get3A_18, %get3A_19] : memref<1x128xf32, #tpu.memory_space<vmem>>, vector<1x128xf32>
    %add3A_21 = vector.broadcast %get3A_20 : vector<1x128xf32> to vector<400x128xf32>
    %add3A_22 = arith.addf %mul3A_17, %add3A_21 : vector<400x128xf32>
    %mul3A_23 = arith.mulf %get3A_13, %add3A_22 : vector<400x128xf32>
    %swap3A = arith.constant 0 : index
    %swap3A_24 = arith.constant 0 : index
    %swap3A_25 = vector.load %arg6[%swap3A, %swap3A_24] : memref<400x128xf32, #tpu.memory_space<vmem>>, vector<400x128xf32>
    tpu.vector_store %arg6[%swap3A, %swap3A_24], %mul3A_23 {strides = array<i32>} : memref<400x128xf32, #tpu.memory_space<vmem>>, vector<400x128xf32>,
    return
  }
  func.func @transform_0(%arg0: i32) -> (i32, i32, i32) {
    %c0_i32 = arith.constant 0 : i32
    %c0_i32_0 = arith.constant 0 : i32
    %c0_i32_1 = arith.constant 0 : i32
    return %c0_i32, %arg0, %c0_i32_0 : i32, i32, i32
  }
  func.func @transform_1(%arg0: i32) -> (i32, i32, i32) {
    %c0_i32 = arith.constant 0 : i32
    %c0_i32_0 = arith.constant 0 : i32
    %c0_i32_1 = arith.constant 0 : i32
    return %c0_i32, %arg0, %c0_i32_0 : i32, i32, i32
  }
  func.func @transform_2(%arg0: i32) -> (i32, i32) {
    %c0_i32 = arith.constant 0 : i32
    %c0_i32_0 = arith.constant 0 : i32
    return %arg0, %c0_i32 : i32, i32
  }
  func.func @transform_3(%arg0: i32) -> (i32, i32) {
    %c0_i32 = arith.constant 0 : i32
    %c0_i32_0 = arith.constant 0 : i32
    %c0_i32_1 = arith.constant 0 : i32
    return %c0_i32, %c0_i32_0 : i32, i32
  }
  func.func @transform_4(%arg0: i32) -> (i32, i32) {
    %c0_i32 = arith.constant 0 : i32
    %c0_i32_0 = arith.constant 0 : i32
    return %arg0, %c0_i32 : i32, i32
  }
  func.func @transform_5(%arg0: i32) -> (i32, i32) {
    %c0_i32 = arith.constant 0 : i32
    %c0_i32_0 = arith.constant 0 : i32
    return %arg0, %c0_i32 : i32, i32
  }
}

</mosaic_0001>

<sc_bundles>
// kernel: kernel.11.cloned.1.call-start
scs
__scs_entry_jumppad:
0x0: {  	(pc) =	sbr.rel $0x88, $3  }
0x1: {  	(tag) =	ssettag $0x0;
	lr =	simm.s32 $0x1  }
0x2: {  	[smem:$0x3F98] =	sst lr;
	_ =	strace $0xD0000000  }
0x3: {  	_ = 	snop  }
0x4: {  	_ = 	snop  }
0x5: {  	_ = 	snop  }
0x6: {  	_ = 	snop  }
0x7: {  	_ = 	snop  }
__scs_overlays_trampoline_lowered:
0x8: {  	[smem:$0x3FA7] =	sst s0  }
0x9: {  	[smem:$0x3FA8] =	sst s1  }
0xa: {  	[smem:$0x3FA9] =	sst s2  }
0xb: {  	[smem:$0x3FAA] =	sst s3  }
0xc: {  	[smem:$0x3FAB] =	sst s4  }
0xd: {  	[smem:$0x3FAC] =	sst s5  }
0xe: {  	[smem:$0x3FAD] =	sst s6  }
0xf: {  	[smem:$0x3FAE] =	sst s7  }
0x10: {  	[smem:$0x3FAF] =	sst s8  }
0x11: {  	[smem:$0x3FB0] =	sst s9;
	s0 =	simm.s32 @!p0 $0x0  }
0x12: {  	s1 =	sld [smem:$0x3F96];
	s0 =	simm.s32 @p0 $0x1  }
0x13: {  	[smem:$0x3FB1] =	sst s0;
	s0 =	simm.s32 @!p1 $0x0  }
0x14: {  	s2 =	sld [smem:$0x3F95];
	s0 =	simm.s32 @p1 $0x1  }
0x15: {  	[smem:$0x3FB2] =	sst s0;
	s0 =	simm.s32 @!p2 $0x0  }
0x16: {  	s3 =	sld [smem:$0x3FDB];
	s0 =	simm.s32 @p2 $0x1  }
0x17: {  	s4 =	simm.s32 $0x1BF5;
	[smem:$0x3FB4] =	sst s0  }
0x18: {  	s0 =	sld [smem:$0x3F97];
	_ =	swait.ge [sflag:s4], $0x0  }
0x19: {  	s7 =	sld [smem:$0x3F98]  }
0x1a: {  	s8 =	sadd.s32 $0xFFFFE003, lr  }
0x1b: {  	s9 =	sadd.s32 $0xFFFFFEF7, lr;
	s5 =	simm.s32 $0xFFFFFFFF;
	p2 =	slt.u32 s8, $0xFFFFF086  }
0x1c: {  	p1 =	slt.u32 s9, $0xF7A;
	s5 =	simm.s32 @!p2 $0x0  }
0x1d: {  	s5 =	simm.s32 @p1 $0x1;
	p0 =	seq.s32 s7, s2  }
0x1e: {  	s7 =	smul.u32 @!p0 $0xF7A, s2;
	p2 =	seq.s32 @!p0 s5, $0x0  }
0x1f: {  	s9 =	smul.u32 $0xF7A, s1;
	s8 =	simm.s32 @!p0 $0x1BF5;
	p2 =	por !p2, p0  }
0x20: {  	[sflag:s8] =	ssyncset.s32 @!p0 $0xFFFFF086;
	s6 =	sadd.s32 @!p0 s3, s7;
	s7 =	simm.s32 @!p0 $0x108  }
0x21: {  	s3 =	sadd.s32 s3, s9;
	s6 =	sadd.s32 @!p0 $0x88, s6;
	s7 =	simm.s32 @p2 $0x1082  }
0x22: {  	[simem:s7], [sflag:s8] =	dma.local @!p0 [hbm:s6], $0xF7A  }
0x23: {  	s9 =	sor.u32 $0xD0000000, s2;
	s6 =	simm.s32 $0x108;
	_ =	swait.ge @!p0 [sflag:s8], $0x0  }
0x24: {  	s3 =	sadd.s32 $0x88, s3;
	s6 =	simm.s32 @!p1 $0x1082;
	[sflag:s4] =	ssyncset.s32 $0xFFFFF086  }
0x25: {  	[simem:s6], [sflag:s4] =	dma.local [hbm:s3], $0xF7A  }
0x26: {  	[smem:$0x3F98] =	sst s1;
	(tag) =	ssettag s2;
	_ =	strace s9  }
0x27: {  	s1 =	sld [smem:$0x3FA8]  }
0x28: {  	s2 =	sld [smem:$0x3FA9]  }
0x29: {  	s4 =	sld [smem:$0x3FAB]  }
0x2a: {  	p0 =	seq.s32 s5, $0x0;
	s5 =	sld [smem:$0x3FAC]  }
0x2b: {  	s6 =	sld [smem:$0x3FAD]  }
0x2c: {  	s7 =	sld [smem:$0x3FAE]  }
0x2d: {  	s3 =	simm.s32 $0x108;
	s8 =	sld [smem:$0x3FAF]  }
0x2e: {  	s3 =	simm.s32 @!p0 $0x1082;
	s9 =	sld [smem:$0x3FB0]  }
0x2f: {  	lr =	sadd.s32 s0, s3;
	s0 =	sld [smem:$0x3FA7]  }
0x30: {  	s3 =	sld [smem:$0x3FAA]  }
0x31: {  	[smem:$0x3FB3] =	sst s10  }
0x32: {  	s10 =	sld [smem:$0x3FB1];
	_ =	sdelay $0x3  }
0x33: {  	p0 =	seq.s32 s10, $0x1;
	s10 =	sld [smem:$0x3FB3];
	_ =	sdelay $0x3  }
0x34: {  	[smem:$0x3FB3] =	sst s10  }
0x35: {  	s10 =	sld [smem:$0x3FB2];
	_ =	sdelay $0x3  }
0x36: {  	p1 =	seq.s32 s10, $0x1;
	s10 =	sld [smem:$0x3FB3];
	_ =	sdelay $0x3  }
0x37: {  	[smem:$0x3FB3] =	sst s10  }
0x38: {  	s10 =	sld [smem:$0x3FB4]  }
0x39: {  	_ = 	snop;
	(pc) =	sbr.ind lr, $3  }
0x3a: {  	_ = 	snop  }
0x3b: {  	_ = 	snop  }
0x3c: {  	p2 =	seq.s32 s10, $0x1;
	s10 =	sld [smem:$0x3FB3]  }
0x3d: {  	_ =	shalt  }
0x3e: {  	_ =	shalt  }
0x3f: {  	_ =	shalt  }
0x40: {  	_ =	shalt  }
0x41: {  	_ =	shalt  }
0x42: {  	_ =	shalt  }
0x43: {  	_ =	shalt  }
0x44: {  	_ =	shalt  }
0x45: {  	_ =	shalt  }
0x46: {  	_ =	shalt  }
0x47: {  	_ =	shalt  }
0x48: {  	_ =	shalt  }
0x49: {  	_ =	shalt  }
0x4a: {  	_ =	shalt  }
0x4b: {  	_ =	shalt  }
0x4c: {  	_ =	shalt  }
0x4d: {  	_ =	shalt  }
0x4e: {  	_ =	shalt  }
0x4f: {  	_ =	shalt  }
0x50: {  	_ =	shalt  }
0x51: {  	_ =	shalt  }
0x52: {  	_ =	shalt  }
0x53: {  	_ =	shalt  }
0x54: {  	_ =	shalt  }
0x55: {  	_ =	shalt  }
0x56: {  	_ =	shalt  }
0x57: {  	_ =	shalt  }
0x58: {  	_ =	shalt  }
0x59: {  	_ =	shalt  }
0x5a: {  	_ =	shalt  }
0x5b: {  	_ =	shalt  }
0x5c: {  	_ =	shalt  }
0x5d: {  	_ =	shalt  }
0x5e: {  	_ =	shalt  }
0x5f: {  	_ =	shalt  }
0x60: {  	_ =	shalt  }
0x61: {  	_ =	shalt  }
0x62: {  	_ =	shalt  }
0x63: {  	_ =	shalt  }
0x64: {  	_ =	shalt  }
0x65: {  	_ =	shalt  }
0x66: {  	_ =	shalt  }
0x67: {  	_ =	shalt  }
0x68: {  	_ =	shalt  }
0x69: {  	_ =	shalt  }
0x6a: {  	_ =	shalt  }
0x6b: {  	_ =	shalt  }
0x6c: {  	_ =	shalt  }
0x6d: {  	_ =	shalt  }
0x6e: {  	_ =	shalt  }
0x6f: {  	_ =	shalt  }
0x70: {  	_ =	shalt  }
0x71: {  	_ =	shalt  }
0x72: {  	_ =	shalt  }
0x73: {  	_ =	shalt  }
0x74: {  	_ =	shalt  }
0x75: {  	_ =	shalt  }
0x76: {  	_ =	shalt  }
0x77: {  	_ =	shalt  }
0x78: {  	_ =	shalt  }
0x79: {  	_ =	shalt  }
0x7a: {  	_ =	shalt  }
0x7b: {  	_ =	shalt  }
0x7c: {  	_ =	shalt  }
0x7d: {  	_ =	shalt  }
0x7e: {  	_ =	shalt  }
0x7f: {  	_ =	shalt  }
0x80: {  	_ =	shalt  }
0x81: {  	_ =	shalt  }
0x82: {  	_ =	shalt  }
0x83: {  	_ =	shalt  }
0x84: {  	_ =	shalt  }
0x85: {  	_ =	shalt  }
0x86: {  	_ =	shalt  }
0x87: {  	_ =	shalt  }
.Lfunc_end0:
.L_simem_size_0:
called_computation.1_lowered:
.L_overlay_start_0:
0x88: {  	s2 =	sld [smem:$0x3FD9]  }
0x89: {  	s3 =	sld [smem:$0x3FFE];
	_ =	sdelay $0x1  }
0x8a: {  	s1 =	srdreg.scid  }
0x8b: {  	s0 =	sand.u32 $0x1, s1  }
0x8c: {  	s17 =	sshll.u32 s0, $0xA;
	s2 =	sadd.s32 s3, s2  }
0x8d: {  	s2 =	sadd.s32 s2, s17  }
0x8e: {  	[smem:$0x3FBF] =	sst s2  }
0x8f: {  	_ = 	snop  }
0x90: {  	s2 =	sld [smem:$0x3FD0];
	(tm) =	ssettm $0x1  }
0x91: {  	s18 =	sld [smem:$0x3FFB];
	_ =	sdelay $0x3  }
0x92: {  	_ =	strace s18  }
0x93: {  	s3 =	sld [smem:$0x3FFC];
	_ =	sdelay $0x3  }
0x94: {  	_ =	strace s3  }
0x95: {  	s3 =	sld [smem:$0x3FFD];
	_ =	sdelay $0x3  }
0x96: {  	_ =	strace s3  }
0x97: {  	_ =	strace $0x8FFFFFFF  }
0x98: {  	s19 =	sld [smem:$0x3FDB];
	_ =	sdelay $0x1  }
0x99: {  	s4 =	simm.s32 $_scs_section_size  }
0x9a: {  	s5 =	simm.s32 $_size__tile_overlayer_lowered;
	s6 =	simm.s32 $_tile_overlayer_lowered  }
0x9b: {  	s22 =	simm.s32 $0x1BFF;
	s21 =	sshll.u32 s6, $0x1;
	s3 =	sadd.s32 s4, s19  }
0x9c: {  	s7 =	simm.s32 $0x0;
	s20 =	sshll.u32 s5, $0x1;
	s5 =	sadd.s32 s21, s3  }
0x9d: {  	[timem:s7], [sflag:s22] =	dma.local [hbm:s5], s20  }
0x9e: {  	_ =	swait.ge [sflag:s22], s20  }
0x9f: {  	s4 =	ssub.s32 $0x0, s20;
	[sflag:s22] =	ssyncset.done $0x0  }
0xa0: {  	[sflag:s22] =	ssyncadd.s32 s4;
	_ =	sdelay $0x1  }
0xa1: {  	s23 =	simm.s32 $0x1B8B  }
0xa2: {  	_ =	swait.ge [sflag:s23], $0x1  }
0xa3: {  	[sflag:s23] =	ssyncset.done $0x0  }
0xa4: {  	s25 =	simm.s32 $0x1B8E;
	s24 =	sld [smem:$0x3FFE];
	[sflag:s23] =	ssyncadd.s32 $0xFFFFFFFF  }
0xa5: {  	s26 =	simm.s32 $execute0_lowered;
	[smem:$0x3FD2] =	sst s25  }
0xa6: {  	s5 =	sshll.u32 s26, $0x1;
	_ =	strace $0x80000049;
	[dreg:$0x1] =	wrdreg $0xFFFFFFFF  }
0xa7: {  	s28 =	simm.s32 $_size_execute0_lowered;
	s3 =	sadd.s32 s3, s5;
	[dreg:$0x0] =	wrdreg $0x0  }
0xa8: {  	s5 =	sshll.u32 s28, $0x1;
	[dreg:$0x2] =	wrdreg s3  }
0xa9: {  	[dreg:$0x3] =	wrdreg s5  }
0xaa: {  	[dreg:$0x4] =	wrdreg $0xC0  }
0xab: {  	_ =	task [dreg:s7], $0x5FFFF  }
0xac: {  	[dreg:$0x1] =	wrdreg $0xFFFFFFFF  }
0xad: {  	[dreg:$0x0] =	wrdreg $0x60  }
0xae: {  	[dreg:$0x2] =	wrdreg s24  }
0xaf: {  	[dreg:$0x3] =	wrdreg s2  }
0xb0: {  	[dreg:$0x4] =	wrdreg $0xAC000  }
0xb1: {  	[dreg:$0x5] =	wrdreg $0x9  }
0xb2: {  	_ =	task.clear_ibuf [dreg:s7], $0x6FFFF;
	_ =	strace $0x90000049  }
0xb3: {  	s29 =	simm.s32 $0x9;
	_ =	strace $0x8000004B  }
0xb4: {  	_ =	swait.ge [sflag:s29], $0x1  }
0xb5: {  	[sflag:s29] =	ssyncadd.s32 $0xFFFFFFFF  }
0xb6: {  	_ =	strace $0x9000004B  }
0xb7: {  	_ =	sfence  }
0xb8: {  	s30 =	sld [smem:$0x0];
	_ =	sdelay $0x2  }
0xb9: {  	s31 =	sshll.u32 s1, $0xD;
	s1 =	sshrl.u32 s1, $0x2  }
0xba: {  	s3 =	sand.u32 $0x4000, s31;
	s1 =	sadd.s32 s1, s30  }
0xbb: {  	s0 =	sor.u32 s3, s0;
	s1 =	sshll.u32 s1, $0x11  }
0xbc: {  	s0 =	sor.u32 s1, s0  }
0xbd: {  	s0 =	sadd.s32 $0x8F2B, s0  }
0xbe: {  	[sflag:s0] =	ssyncadd.remote.s32 $0x1  }
0xbf: {  	_ =	sfence.sel $0xFFFF  }
0xc0: {  	[dreg:$0x0] =	wrdreg $0xFFFFFFFF;
	(pc) =	sbr.abs _section_cstart, $3  }
0xc1: {  	[dreg:$0x1] =	wrdreg $0xFFFFFFFF  }
0xc2: {  	_ =	task.clear_ibuf [dreg:s7], $0x2FFFF;
	_ =	strace $0x9FFFFFFF  }
0xc3: {  	(tm) =	ssettm $0x7FFFFFFF  }
tec
execute0_lowered:
.L_overlay_start_1:
0x0: {  	(tag) =	ssettag $0x1  }
0x1: {  	s0 =	rddreg [dreg:$0x0]  }
0x2: {  	s1 =	rddreg [dreg:$0x1]  }
0x3: {  	s13 =	stileid.u32;
	s3 =	srdreg.scid  }
0x4: {  	s2 =	rddreg [dreg:$0x2];
	s28 =	simm.s32 $0x280;
	s5 =	smul.u32 $0x2780, s13  }
0x5: {  	s29 =	simm.s32 $0x100;
	s30 =	simm.s32 $0x300;
	s9 =	smul.u32 $0x4EC0, s13  }
0x6: {  	s31 =	simm.s32 $0x1;
	s6 =	sand.u32 $0x1, s3;
	s11 =	smul.u32 $0x4F000, s13  }
0x7: {  	s3 =	simm.s32 $0x0;
	s4 =	sadd.s32 $0x8EA00, s0;
	s22 =	smul.u32 $0x9D8, s13  }
0x8: {  	s10 =	sadd.s32 $0x84C00, s0;
	s7 =	smul.u32 $0x27800, s6;
	[smem:$0x7FF] =	sst s3  }
0x9: {  	s8 =	smul.u32 $0x4EC00, s6;
	s6 =	ssub.s32 $0x2, s6;
	_ =	strace $0x8000004A  }
0xa: {  	s12 =	sadd.s32 s5, s0;
	s24 =	sshrl.u32 s6, $0x1;
	s25 =	sshrl.u32 s11, $0x2  }
0xb: {  	s0 =	sadd.s32 s7, s0;
	s6 =	ssub.s32 s6, s24;
	s7 =	sadd.s32 s9, s8  }
0xc: {  	s8 =	sadd.s32 s25, s2;
	s26 =	sadd.s32 $0xD400, s12;
	s12 =	sshll.u32 s13, $0x6  }
0xd: {  	s9 =	sshrl.u32 s9, $0x3;
	s13 =	simm.s32 $0x7;
	[dreg:$0x6] =	wrdreg s8  }
0xe: {  	[dreg:$0x7] =	wrdreg s26;
	s11 =	sshrl.u32 s7, $0x3;
	s20 =	sor.u32 $0x1C0A, s12  }
0xf: {  	s9 =	sadd.s32 s10, s9;
	s17 =	sadd.s32 $0x2A0, s7;
	s10 =	sadd.s32 s22, s10  }
0x10: {  	s26 =	sadd.s32 $0x230, s7;
	s7 =	sadd.s32 $0x1C0, s7;
	[dreg:$0xa] =	wrdreg s9  }
0x11: {  	s0 =	sadd.s32 $0x34C00, s0;
	s6 =	smax.u32 s6, $0x1;
	[dreg:$0x5] =	wrdreg s10  }
0x12: {  	s12 =	simm.s32 $0x4;
	s8 =	sadd.s32 s1, s11;
	[dreg:$0x15] =	wrdreg s6  }
0x13: {  	s15 =	sadd.s32 $0xE, s9;
	s18 =	sadd.s32 $0x1C, s9;
	[dreg:$0x9] =	wrdreg s20  }
0x14: {  	s11 =	sshrl.u32 s17, $0x3;
	s21 =	sadd.s32 $0x2A, s9;
	[dreg:$0xc] =	wrdreg s15  }
0x15: {  	s24 =	sadd.s32 $0x9BC, s9;
	s25 =	sadd.s32 $0x9CA, s9;
	[dreg:$0xe] =	wrdreg s18  }
0x16: {  	s10 =	sshrl.u32 s26, $0x3;
	s7 =	sshrl.u32 s7, $0x3;
	[dreg:$0x10] =	wrdreg s21  }
0x17: {  	s0 =	sadd.s32 s5, s0;
	s26 =	simm.s32 $0x80;
	[dreg:$0x12] =	wrdreg s24  }
0x18: {  	s5 =	simm.s32 $0x2;
	s6 =	simm.s32 $0x3C00;
	[dreg:$0x8] =	wrdreg s8  }
0x19: {  	s17 =	simm.s32 $0x9;
	s14 =	sadd.s32 $0xE, s8;
	[dreg:$0x14] =	wrdreg s25  }
0x1a: {  	s16 =	sadd.s32 $0x1C, s8;
	s19 =	sadd.s32 $0x2A, s8;
	[dreg:$0x16] =	wrdreg s0  }
0x1b: {  	s11 =	sadd.s32 s11, s1;
	s23 =	sadd.s32 $0x9BC, s8;
	[dreg:$0xb] =	wrdreg s14  }
0x1c: {  	s8 =	sadd.s32 $0x9CA, s8;
	s21 =	sadd.s32 s10, s1;
	[dreg:$0xd] =	wrdreg s16  }
0x1d: {  	s22 =	sadd.s32 s7, s1;
	s25 =	simm.s32 $0x200;
	[dreg:$0xf] =	wrdreg s19  }
0x1e: {  	s1 =	simm.s32 $0x70;
	s0 =	simm.s32 $0x400;
	[dreg:$0x11] =	wrdreg s23  }
0x1f: {  	s10 =	simm.s32 $0x3;
	s15 =	simm.s32 $0x8;
	[dreg:$0x4] =	wrdreg s11  }
0x20: {  	s18 =	simm.s32 $0x0;
	[dreg:$0x13] =	wrdreg s8;
	s23 =	simm.s32 $0xA  }
0x21: {  	s11 =	simm.s32 $0x7400;
	s14 =	simm.s32 $0x5;
	s16 =	simm.s32 $0x6  }
.LBB2_1:
0x22: {  	s7 =	rddreg [dreg:$0x6]  }
0x23: {  	s24 =	rddreg [dreg:$0x7];
	s19 =	sshrl.u32 s7, $0x3  }
0x24: {  	[spmem:s19], [sflag:s20] =	dma.local [hbm:s24], $0x2780  }
0x25: {  	_ =	swait.ge [sflag:s23], $0x2780  }
0x26: {  	[sflag:s23] =	ssyncset.done $0x0  }
0x27: {  	[sflag:s23] =	ssyncadd.s32 $0xFFFFD880  }
0x28: {  	[bflag:$0x0] =	sbarrier.arrive $0xFFFF  }
0x29: {  	s8 =	rddreg [dreg:$0x8]  }
0x2a: {  	[tilespmem:s3], [sflag:$0x1] =	stream.linear.gather [hbm4b:s8+s3], $0x70, $0x38;
	[tilespmem:$0x1E800] =	vst v63  }
0x2b: {  	s9 =	rddreg [dreg:$0xa]  }
0x2c: {  	[tilespmem:s25], [sflag:$0x1] =	stream.linear.gather [hbm4b:s9+s3], $0x70, $0x38;
	[tilespmem:$0x1E800] =	vst v63  }
0x2d: {  	s20 =	rddreg [dreg:$0xb]  }
0x2e: {  	[tilespmem:s26], [sflag:$0x2] =	stream.linear.gather [hbm4b:s20+s3], $0x70, $0x38;
	[tilespmem:$0x1E800] =	vst v63  }
0x2f: {  	s24 =	rddreg [dreg:$0xc]  }
0x30: {  	[tilespmem:s28], [sflag:$0x2] =	stream.linear.gather [hbm4b:s24+s3], $0x70, $0x38;
	[tilespmem:$0x1E800] =	vst v63  }
0x31: {  	s8 =	rddreg [dreg:$0xd]  }
0x32: {  	[tilespmem:s29], [sflag:$0x3] =	stream.linear.gather [hbm4b:s8+s3], $0x70, $0x38;
	[tilespmem:$0x1E800] =	vst v63  }
0x33: {  	s9 =	rddreg [dreg:$0xe]  }
0x34: {  	[tilespmem:s30], [sflag:$0x3] =	stream.linear.gather [hbm4b:s9+s3], $0x70, $0x38;
	[tilespmem:$0x1E800] =	vst v63  }
0x35: {  	_ =	swait.ge [sflag:s31], $0x70  }
0x36: {  	[sflag:s31] =	ssyncset.done $0x0  }
0x37: {  	[sflag:s31] =	ssyncadd.s32 $0xFFFFFF90  }
0x38: {  	_ =	swait.ge [sflag:s31], $0x70  }
0x39: {  	[sflag:s31] =	ssyncset.done $0x0  }
0x3a: {  	[sflag:s31] =	ssyncadd.s32 $0xFFFFFF90  }
0x3b: {  	[tilespmem:s0], [sflag:$0x4] =	stream.indirect.gather [hbm4b:s4+s1], $0x80, s3, s1, $0xb8;
	[tilespmem:$0x1E800] =	vst v63  }
0x3c: {  	_ =	swait.ge [sflag:s5], $0x70  }
0x3d: {  	[sflag:s5] =	ssyncset.done $0x0  }
0x3e: {  	[sflag:s5] =	ssyncadd.s32 $0xFFFFFF90  }
0x3f: {  	_ =	swait.ge [sflag:s5], $0x70  }
0x40: {  	[sflag:s5] =	ssyncset.done $0x0  }
0x41: {  	[sflag:s5] =	ssyncadd.s32 $0xFFFFFF90  }
0x42: {  	[tilespmem:s6], [sflag:$0x5] =	stream.indirect.gather [hbm4b:s4+s1], $0x80, s26, s1, $0xb8;
	[tilespmem:$0x1E800] =	vst v63  }
0x43: {  	_ =	swait.ge [sflag:s10], $0x70  }
0x44: {  	[sflag:s10] =	ssyncset.done $0x0  }
0x45: {  	[sflag:s10] =	ssyncadd.s32 $0xFFFFFF90  }
0x46: {  	_ =	swait.ge [sflag:s10], $0x70  }
0x47: {  	[sflag:s10] =	ssyncset.done $0x0  }
0x48: {  	[sflag:s10] =	ssyncadd.s32 $0xFFFFFF90  }
0x49: {  	[tilespmem:s11], [sflag:$0x6] =	stream.indirect.gather [hbm4b:s4+s1], $0x80, s29, s1, $0xb8;
	[tilespmem:$0x1E800] =	vst v63  }
0x4a: {  	_ =	swait.ge [sflag:s12], $0x3800  }
0x4b: {  	[sflag:s12] =	ssyncset.done $0x0  }
0x4c: {  	[sflag:s12] =	ssyncadd.s32 $0xFFFFC800  }
0x4d: {  	[spmem:s2] =	stream.indirect.scatter.add.f32 [tilespmem:s0], [sflag:$0x7], $0x80, s25, s1, $0xb8;
	[tilespmem:$0x1E800] =	vst v63  }
0x4e: {  	_ =	swait.ge [sflag:s13], $0x3800  }
0x4f: {  	[sflag:s13] =	ssyncset.done $0x0  }
0x50: {  	s20 =	rddreg [dreg:$0xf];
	[sflag:s13] =	ssyncadd.s32 $0xFFFFC800  }
0x51: {  	[tilespmem:s3], [sflag:$0x1] =	stream.linear.gather [hbm4b:s20+s3], $0x70, $0x38;
	[tilespmem:$0x1E800] =	vst v63  }
0x52: {  	s24 =	rddreg [dreg:$0x10]  }
0x53: {  	[tilespmem:s25], [sflag:$0x1] =	stream.linear.gather [hbm4b:s24+s3], $0x70, $0x38;
	[tilespmem:$0x1E800] =	vst v63  }
0x54: {  	_ =	swait.ge [sflag:s31], $0x70  }
0x55: {  	[sflag:s31] =	ssyncset.done $0x0  }
0x56: {  	[sflag:s31] =	ssyncadd.s32 $0xFFFFFF90  }
0x57: {  	_ =	swait.ge [sflag:s31], $0x70  }
0x58: {  	[sflag:s31] =	ssyncset.done $0x0  }
0x59: {  	[sflag:s31] =	ssyncadd.s32 $0xFFFFFF90  }
0x5a: {  	[tilespmem:s0], [sflag:$0x4] =	stream.indirect.gather [hbm4b:s4+s1], $0x80, s3, s1, $0xb8;
	[tilespmem:$0x1E800] =	vst v63  }
0x5b: {  	_ =	swait.ge [sflag:s14], $0x3800  }
0x5c: {  	[sflag:s14] =	ssyncset.done $0x0  }
0x5d: {  	[sflag:s14] =	ssyncadd.s32 $0xFFFFC800  }
0x5e: {  	[spmem:s2] =	stream.indirect.scatter.add.f32 [tilespmem:s6], [sflag:$0x8], $0x80, s28, s1, $0xb8;
	[tilespmem:$0x1E800] =	vst v63  }
0x5f: {  	_ =	swait.ge [sflag:s15], $0x3800  }
0x60: {  	[sflag:s15] =	ssyncset.done $0x0;
	s8 =	rddreg [dreg:$0x5]  }
0x61: {  	s9 =	sadd.s32 $0x0, s22;
	[sflag:s15] =	ssyncadd.s32 $0xFFFFC800;
	s7 =	sadd.s32 $0x0, s8  }
0x62: {  	[tilespmem:s26], [sflag:$0x2] =	stream.linear.gather [hbm4b:s9+s3], $0x70, $0x38;
	[tilespmem:$0x1E800] =	vst v63  }
0x63: {  	s24 =	sadd.s32 $0x38, s7  }
0x64: {  	[tilespmem:s28], [sflag:$0x2] =	stream.linear.gather [hbm4b:s24+s3], $0x70, $0x38;
	[tilespmem:$0x1E800] =	vst v63  }
0x65: {  	_ =	swait.ge [sflag:s5], $0x70  }
0x66: {  	[sflag:s5] =	ssyncset.done $0x0  }
0x67: {  	[sflag:s5] =	ssyncadd.s32 $0xFFFFFF90  }
0x68: {  	_ =	swait.ge [sflag:s5], $0x70  }
0x69: {  	[sflag:s5] =	ssyncset.done $0x0  }
0x6a: {  	[sflag:s5] =	ssyncadd.s32 $0xFFFFFF90  }
0x6b: {  	[tilespmem:s6], [sflag:$0x5] =	stream.indirect.gather [hbm4b:s4+s1], $0x80, s26, s1, $0xb8;
	[tilespmem:$0x1E800] =	vst v63  }
0x6c: {  	_ =	swait.ge [sflag:s16], $0x3800  }
0x6d: {  	[sflag:s16] =	ssyncset.done $0x0  }
0x6e: {  	[sflag:s16] =	ssyncadd.s32 $0xFFFFC800  }
0x6f: {  	[spmem:s2] =	stream.indirect.scatter.add.f32 [tilespmem:s11], [sflag:$0x9], $0x80, s30, s1, $0xb8;
	[tilespmem:$0x1E800] =	vst v63  }
0x70: {  	_ =	swait.ge [sflag:s17], $0x3800  }
0x71: {  	[sflag:s17] =	ssyncset.done $0x0  }
0x72: {  	s8 =	sadd.s32 $0x0, s21;
	[sflag:s17] =	ssyncadd.s32 $0xFFFFC800  }
0x73: {  	[tilespmem:s29], [sflag:$0x3] =	stream.linear.gather [hbm4b:s8+s3], $0x70, $0x38;
	[tilespmem:$0x1E800] =	vst v63  }
0x74: {  	s9 =	sadd.s32 $0x46, s7  }
0x75: {  	[tilespmem:s30], [sflag:$0x3] =	stream.linear.gather [hbm4b:s9+s3], $0x70, $0x38;
	[tilespmem:$0x1E800] =	vst v63  }
0x76: {  	_ =	swait.ge [sflag:s10], $0x70  }
0x77: {  	[sflag:s10] =	ssyncset.done $0x0  }
0x78: {  	[sflag:s10] =	ssyncadd.s32 $0xFFFFFF90  }
0x79: {  	_ =	swait.ge [sflag:s10], $0x70  }
0x7a: {  	[sflag:s10] =	ssyncset.done $0x0  }
0x7b: {  	[sflag:s10] =	ssyncadd.s32 $0xFFFFFF90  }
0x7c: {  	[tilespmem:s11], [sflag:$0x6] =	stream.indirect.gather [hbm4b:s4+s1], $0x80, s29, s1, $0xb8;
	[tilespmem:$0x1E800] =	vst v63  }
0x7d: {  	_ =	swait.ge [sflag:s12], $0x3800  }
0x7e: {  	[sflag:s12] =	ssyncset.done $0x0  }
0x7f: {  	[sflag:s12] =	ssyncadd.s32 $0xFFFFC800  }
0x80: {  	[spmem:s2] =	stream.indirect.scatter.add.f32 [tilespmem:s0], [sflag:$0x7], $0x80, s25, s1, $0xb8;
	[tilespmem:$0x1E800] =	vst v63  }
0x81: {  	_ =	swait.ge [sflag:s13], $0x3800  }
0x82: {  	s24 =	rddreg [dreg:$0x4];
	[sflag:s13] =	ssyncset.done $0x0  }
0x83: {  	[sflag:s13] =	ssyncadd.s32 $0xFFFFC800;
	s20 =	sadd.s32 $0x0, s24  }
0x84: {  	[tilespmem:s3], [sflag:$0x1] =	stream.linear.gather [hbm4b:s20+s3], $0x70, $0x38;
	[tilespmem:$0x1E800] =	vst v63  }
0x85: {  	s7 =	sadd.s32 $0x54, s7;
	s20 =	simm.s32 $0x2A  }
.LBB2_2:
0x86: {  	[tilespmem:s25], [sflag:$0x1] =	stream.linear.gather [hbm4b:s7+s3], $0x70, $0x38;
	[tilespmem:$0x1E800] =	vst v63  }
0x87: {  	_ =	swait.ge [sflag:s31], $0x70  }
0x88: {  	[sflag:s31] =	ssyncset.done $0x0  }
0x89: {  	[sflag:s31] =	ssyncadd.s32 $0xFFFFFF90  }
0x8a: {  	_ =	swait.ge [sflag:s31], $0x70  }
0x8b: {  	[sflag:s31] =	ssyncset.done $0x0  }
0x8c: {  	[sflag:s31] =	ssyncadd.s32 $0xFFFFFF90  }
0x8d: {  	[tilespmem:s0], [sflag:$0x4] =	stream.indirect.gather [hbm4b:s4+s1], $0x80, s3, s1, $0xb8;
	[tilespmem:$0x1E800] =	vst v63  }
0x8e: {  	_ =	swait.ge [sflag:s14], $0x3800  }
0x8f: {  	[sflag:s14] =	ssyncset.done $0x0  }
0x90: {  	[sflag:s14] =	ssyncadd.s32 $0xFFFFC800  }
0x91: {  	[spmem:s2] =	stream.indirect.scatter.add.f32 [tilespmem:s6], [sflag:$0x8], $0x80, s28, s1, $0xb8;
	[tilespmem:$0x1E800] =	vst v63  }
0x92: {  	_ =	swait.ge [sflag:s15], $0x3800  }
0x93: {  	s24 =	smov.u32 s20;
	[sflag:s15] =	ssyncset.done $0x0;
	s8 =	rddreg [dreg:$0x5]  }
0x94: {  	s9 =	sadd.s32 s24, s22;
	[sflag:s15] =	ssyncadd.s32 $0xFFFFC800;
	s7 =	sadd.s32 s24, s8  }
0x95: {  	[tilespmem:s26], [sflag:$0x2] =	stream.linear.gather [hbm4b:s9+s3], $0x70, $0x38;
	[tilespmem:$0x1E800] =	vst v63  }
0x96: {  	s8 =	sadd.s32 $0x38, s7  }
0x97: {  	[tilespmem:s28], [sflag:$0x2] =	stream.linear.gather [hbm4b:s8+s3], $0x70, $0x38;
	[tilespmem:$0x1E800] =	vst v63  }
0x98: {  	_ =	swait.ge [sflag:s5], $0x70  }
0x99: {  	[sflag:s5] =	ssyncset.done $0x0  }
0x9a: {  	[sflag:s5] =	ssyncadd.s32 $0xFFFFFF90  }
0x9b: {  	_ =	swait.ge [sflag:s5], $0x70  }
0x9c: {  	[sflag:s5] =	ssyncset.done $0x0  }
0x9d: {  	[sflag:s5] =	ssyncadd.s32 $0xFFFFFF90  }
0x9e: {  	[tilespmem:s6], [sflag:$0x5] =	stream.indirect.gather [hbm4b:s4+s1], $0x80, s26, s1, $0xb8;
	[tilespmem:$0x1E800] =	vst v63  }
0x9f: {  	_ =	swait.ge [sflag:s16], $0x3800  }
0xa0: {  	[sflag:s16] =	ssyncset.done $0x0  }
0xa1: {  	[sflag:s16] =	ssyncadd.s32 $0xFFFFC800  }
0xa2: {  	[spmem:s2] =	stream.indirect.scatter.add.f32 [tilespmem:s11], [sflag:$0x9], $0x80, s30, s1, $0xb8;
	[tilespmem:$0x1E800] =	vst v63  }
0xa3: {  	_ =	swait.ge [sflag:s17], $0x3800  }
0xa4: {  	[sflag:s17] =	ssyncset.done $0x0  }
0xa5: {  	s9 =	sadd.s32 s24, s21;
	[sflag:s17] =	ssyncadd.s32 $0xFFFFC800  }
0xa6: {  	[tilespmem:s29], [sflag:$0x3] =	stream.linear.gather [hbm4b:s9+s3], $0x70, $0x38;
	[tilespmem:$0x1E800] =	vst v63  }
0xa7: {  	s8 =	sadd.s32 $0x46, s7  }
0xa8: {  	[tilespmem:s30], [sflag:$0x3] =	stream.linear.gather [hbm4b:s8+s3], $0x70, $0x38;
	[tilespmem:$0x1E800] =	vst v63  }
0xa9: {  	_ =	swait.ge [sflag:s10], $0x70  }
0xaa: {  	[sflag:s10] =	ssyncset.done $0x0  }
0xab: {  	[sflag:s10] =	ssyncadd.s32 $0xFFFFFF90  }
0xac: {  	_ =	swait.ge [sflag:s10], $0x70  }
0xad: {  	[sflag:s10] =	ssyncset.done $0x0  }
0xae: {  	[sflag:s10] =	ssyncadd.s32 $0xFFFFFF90  }
0xaf: {  	[tilespmem:s11], [sflag:$0x6] =	stream.indirect.gather [hbm4b:s4+s1], $0x80, s29, s1, $0xb8;
	[tilespmem:$0x1E800] =	vst v63  }
0xb0: {  	_ =	swait.ge [sflag:s12], $0x3800  }
0xb1: {  	[sflag:s12] =	ssyncset.done $0x0  }
0xb2: {  	p0 =	sne.s32 s20, $0x95A;
	[sflag:s12] =	ssyncadd.s32 $0xFFFFC800  }
0xb3: {  	[spmem:s2] =	stream.indirect.scatter.add.f32 [tilespmem:s0], [sflag:$0x7], $0x80, s25, s1, $0xb8;
	[tilespmem:$0x1E800] =	vst v63  }
.Ltmp0:
0xb4: {  	_ = 	snop;
	(pc) =	sbr.rel @p0 .LBB2_2-.Ltmp0, $4  }
0xb5: {  	_ =	swait.ge [sflag:s13], $0x3800  }
0xb6: {  	s20 =	sadd.s32 $0x2A, s20;
	s9 =	rddreg [dreg:$0x4];
	[sflag:s13] =	ssyncset.done $0x0  }
0xb7: {  	s7 =	sadd.s32 $0x54, s7;
	[sflag:s13] =	ssyncadd.s32 $0xFFFFC800;
	s8 =	sadd.s32 s24, s9  }
0xb8: {  	[tilespmem:s3], [sflag:$0x1] =	stream.linear.gather [hbm4b:s8+s3], $0x70, $0x38;
	[tilespmem:$0x1E800] =	vst v63  }
0xb9: {  	[tilespmem:s25], [sflag:$0x1] =	stream.linear.gather [hbm4b:s7+s3], $0x70, $0x38;
	[tilespmem:$0x1E800] =	vst v63  }
0xba: {  	_ =	swait.ge [sflag:s31], $0x70  }
0xbb: {  	[sflag:s31] =	ssyncset.done $0x0  }
0xbc: {  	[sflag:s31] =	ssyncadd.s32 $0xFFFFFF90  }
0xbd: {  	_ =	swait.ge [sflag:s31], $0x70  }
0xbe: {  	[sflag:s31] =	ssyncset.done $0x0  }
0xbf: {  	[sflag:s31] =	ssyncadd.s32 $0xFFFFFF90  }
0xc0: {  	[tilespmem:s0], [sflag:$0x4] =	stream.indirect.gather [hbm4b:s4+s1], $0x80, s3, s1, $0xb8;
	[tilespmem:$0x1E800] =	vst v63  }
0xc1: {  	_ =	swait.ge [sflag:s14], $0x3800  }
0xc2: {  	[sflag:s14] =	ssyncset.done $0x0  }
0xc3: {  	[sflag:s14] =	ssyncadd.s32 $0xFFFFC800  }
0xc4: {  	[spmem:s2] =	stream.indirect.scatter.add.f32 [tilespmem:s6], [sflag:$0x8], $0x80, s28, s1, $0xb8;
	[tilespmem:$0x1E800] =	vst v63  }
0xc5: {  	_ =	swait.ge [sflag:s15], $0x3800  }
0xc6: {  	[sflag:s15] =	ssyncset.done $0x0  }
0xc7: {  	s9 =	rddreg [dreg:$0x11];
	[sflag:s15] =	ssyncadd.s32 $0xFFFFC800  }
0xc8: {  	[tilespmem:s26], [sflag:$0x2] =	stream.linear.gather [hbm4b:s9+s3], $0x70, $0x38;
	[tilespmem:$0x1E800] =	vst v63  }
0xc9: {  	s20 =	rddreg [dreg:$0x12]  }
0xca: {  	[tilespmem:s28], [sflag:$0x2] =	stream.linear.gather [hbm4b:s20+s3], $0x70, $0x38;
	[tilespmem:$0x1E800] =	vst v63  }
0xcb: {  	_ =	swait.ge [sflag:s5], $0x70  }
0xcc: {  	[sflag:s5] =	ssyncset.done $0x0  }
0xcd: {  	[sflag:s5] =	ssyncadd.s32 $0xFFFFFF90  }
0xce: {  	_ =	swait.ge [sflag:s5], $0x70  }
0xcf: {  	[sflag:s5] =	ssyncset.done $0x0  }
0xd0: {  	[sflag:s5] =	ssyncadd.s32 $0xFFFFFF90  }
0xd1: {  	[tilespmem:s6], [sflag:$0x5] =	stream.indirect.gather [hbm4b:s4+s1], $0x80, s26, s1, $0xb8;
	[tilespmem:$0x1E800] =	vst v63  }
0xd2: {  	_ =	swait.ge [sflag:s16], $0x3800  }
0xd3: {  	[sflag:s16] =	ssyncset.done $0x0  }
0xd4: {  	[sflag:s16] =	ssyncadd.s32 $0xFFFFC800  }
0xd5: {  	[spmem:s2] =	stream.indirect.scatter.add.f32 [tilespmem:s11], [sflag:$0x9], $0x80, s30, s1, $0xb8;
	[tilespmem:$0x1E800] =	vst v63  }
0xd6: {  	_ =	swait.ge [sflag:s17], $0x3800  }
0xd7: {  	[sflag:s17] =	ssyncset.done $0x0  }
0xd8: {  	s24 =	rddreg [dreg:$0x13];
	[sflag:s17] =	ssyncadd.s32 $0xFFFFC800  }
0xd9: {  	[tilespmem:s29], [sflag:$0x3] =	stream.linear.gather [hbm4b:s24+s3], $0x70, $0x38;
	[tilespmem:$0x1E800] =	vst v63  }
0xda: {  	s8 =	rddreg [dreg:$0x14]  }
0xdb: {  	[tilespmem:s30], [sflag:$0x3] =	stream.linear.gather [hbm4b:s8+s3], $0x70, $0x38;
	[tilespmem:$0x1E800] =	vst v63  }
0xdc: {  	_ =	swait.ge [sflag:s10], $0x70  }
0xdd: {  	[sflag:s10] =	ssyncset.done $0x0  }
0xde: {  	[sflag:s10] =	ssyncadd.s32 $0xFFFFFF90  }
0xdf: {  	_ =	swait.ge [sflag:s10], $0x70  }
0xe0: {  	[sflag:s10] =	ssyncset.done $0x0  }
0xe1: {  	[sflag:s10] =	ssyncadd.s32 $0xFFFFFF90  }
0xe2: {  	[tilespmem:s11], [sflag:$0x6] =	stream.indirect.gather [hbm4b:s4+s1], $0x80, s29, s1, $0xb8;
	[tilespmem:$0x1E800] =	vst v63  }
0xe3: {  	_ =	swait.ge [sflag:s12], $0x3800  }
0xe4: {  	[sflag:s12] =	ssyncset.done $0x0  }
0xe5: {  	[sflag:s12] =	ssyncadd.s32 $0xFFFFC800  }
0xe6: {  	[spmem:s2] =	stream.indirect.scatter.add.f32 [tilespmem:s0], [sflag:$0x7], $0x80, s25, s1, $0xb8;
	[tilespmem:$0x1E800] =	vst v63  }
0xe7: {  	_ =	swait.ge [sflag:s14], $0x3800  }
0xe8: {  	[sflag:s14] =	ssyncset.done $0x0  }
0xe9: {  	[sflag:s14] =	ssyncadd.s32 $0xFFFFC800  }
0xea: {  	[spmem:s2] =	stream.indirect.scatter.add.f32 [tilespmem:s6], [sflag:$0x8], $0x80, s28, s1, $0xb8;
	[tilespmem:$0x1E800] =	vst v63  }
0xeb: {  	_ =	swait.ge [sflag:s16], $0x3800  }
0xec: {  	[sflag:s16] =	ssyncset.done $0x0  }
0xed: {  	[sflag:s16] =	ssyncadd.s32 $0xFFFFC800  }
0xee: {  	[spmem:s2] =	stream.indirect.scatter.add.f32 [tilespmem:s11], [sflag:$0x9], $0x80, s30, s1, $0xb8;
	[tilespmem:$0x1E800] =	vst v63  }
0xef: {  	_ =	swait.ge [sflag:s13], $0x3800  }
0xf0: {  	[sflag:s13] =	ssyncset.done $0x0  }
0xf1: {  	[sflag:s13] =	ssyncadd.s32 $0xFFFFC800  }
0xf2: {  	_ =	swait.ge [sflag:s15], $0x3800  }
0xf3: {  	[sflag:s15] =	ssyncset.done $0x0  }
0xf4: {  	[sflag:s15] =	ssyncadd.s32 $0xFFFFC800  }
0xf5: {  	_ =	swait.ge [sflag:s17], $0x3800  }
0xf6: {  	[sflag:s17] =	ssyncset.done $0x0  }
0xf7: {  	[sflag:s17] =	ssyncadd.s32 $0xFFFFC800  }
0xf8: {  	[bflag:$0x0] =	sbarrier.arrive $0xFFFF  }
0xf9: {  	s20 =	rddreg [dreg:$0x9]  }
0xfa: {  	s9 =	rddreg [dreg:$0x16]  }
0xfb: {  	[hbm:s9], [sflag:s20] =	dma.local [spmem:s19], $0x2780  }
0xfc: {  	_ =	swait.ge [sflag:s23], $0x2780  }
0xfd: {  	s18 =	sadd.s32 $0x1, s18;
	s24 =	rddreg [dreg:$0x15]  }
0xfe: {  	p0 =	sne.s32 s18, s24  }
.Ltmp1:
0xff: {  	_ = 	snop;
	(pc) =	sbr.rel @p0 .LBB2_1-.Ltmp1, $3  }
0x100: {  	_ =	sdelay $0x1  }
0x101: {  	[sflag:s23] =	ssyncset.done $0x0  }
0x102: {  	[sflag:s23] =	ssyncadd.s32 $0xFFFFD880  }
0x103: {  	_ =	sfence.sel $0x180000  }
0x104: {  	[bflag:$0x0] =	sbarrier.arrive $0xFFFF  }
0x105: {  	_ =	strace $0x9000004A  }
0x106: {  	s0 =	stileid.u32;
	[bflag:$0x2] =	sbarrier.arrive $0xFFFF  }
0x107: {  	p0 =	sne.s32 s0, $0x0;
	s0 =	rddreg [dreg:$0x3]  }
0x108: {  	s0 =	sadd.s32 @!p0 $0x100000, s0  }
0x109: {  	[sflag:s0] =	ssyncadd.tile.s32 @!p0 $0x1;
	_ =	shalt  }
.Lfunc_end2:
_tile_overlayer_lowered:
.L_overlay_start_2:
0x10a: {  	(tag) =	ssettag $0x2  }
0x10b: {  	s0 =	rddreg [dreg:$0x0];
	s2 =	stileid.u32  }
0x10c: {  	s1 =	rddreg [dreg:$0x1];
	p0 =	sne.s32 s2, $0x0  }
0x10d: {  	s3 =	rddreg [dreg:$0x2];
	[bflag:$0x3] =	sbarrier.arrive $0xFFFF;
	s2 =	simm.s32 @!p0 $0x1C0A  }
0x10e: {  	[timem:s3], [sflag:s2] =	dma.local @!p0 [hbm:s0], s1  }
0x10f: {  	s0 =	simm.s32 @!p0 $0xA  }
0x110: {  	_ =	swait.ge @!p0 [sflag:s0], s1  }
0x111: {  	s1 =	ssub.s32 @!p0 $0x0, s1;
	[sflag:s0] =	ssyncset.done @!p0 $0x0  }
0x112: {  	[sflag:s0] =	ssyncadd.s32 @!p0 s1  }
0x113: {  	[bflag:$0x3] =	sbarrier.arrive $0xFFFF  }
0x114: {  	_ =	shalt  }

// kernel: kernel.16.cloned.1.call-start
scs
__scs_entry_jumppad:
0x0: {  	(pc) =	sbr.rel $0x88, $3  }
0x1: {  	(tag) =	ssettag $0x0;
	lr =	simm.s32 $0x1  }
0x2: {  	[smem:$0x3F98] =	sst lr;
	_ =	strace $0xD0000000  }
0x3: {  	_ = 	snop  }
0x4: {  	_ = 	snop  }
0x5: {  	_ = 	snop  }
0x6: {  	_ = 	snop  }
0x7: {  	_ = 	snop  }
__scs_overlays_trampoline_lowered:
0x8: {  	[smem:$0x3FA7] =	sst s0  }
0x9: {  	[smem:$0x3FA8] =	sst s1  }
0xa: {  	[smem:$0x3FA9] =	sst s2  }
0xb: {  	[smem:$0x3FAA] =	sst s3  }
0xc: {  	[smem:$0x3FAB] =	sst s4  }
0xd: {  	[smem:$0x3FAC] =	sst s5  }
0xe: {  	[smem:$0x3FAD] =	sst s6  }
0xf: {  	[smem:$0x3FAE] =	sst s7  }
0x10: {  	[smem:$0x3FAF] =	sst s8  }
0x11: {  	[smem:$0x3FB0] =	sst s9;
	s0 =	simm.s32 @!p0 $0x0  }
0x12: {  	s1 =	sld [smem:$0x3F96];
	s0 =	simm.s32 @p0 $0x1  }
0x13: {  	[smem:$0x3FB1] =	sst s0;
	s0 =	simm.s32 @!p1 $0x0  }
0x14: {  	s2 =	sld [smem:$0x3F95];
	s0 =	simm.s32 @p1 $0x1  }
0x15: {  	[smem:$0x3FB2] =	sst s0;
	s0 =	simm.s32 @!p2 $0x0  }
0x16: {  	s3 =	sld [smem:$0x3FDB];
	s0 =	simm.s32 @p2 $0x1  }
0x17: {  	s4 =	simm.s32 $0x1BF5;
	[smem:$0x3FB4] =	sst s0  }
0x18: {  	s0 =	sld [smem:$0x3F97];
	_ =	swait.ge [sflag:s4], $0x0  }
0x19: {  	s7 =	sld [smem:$0x3F98]  }
0x1a: {  	s8 =	sadd.s32 $0xFFFFE003, lr  }
0x1b: {  	s9 =	sadd.s32 $0xFFFFFEF7, lr;
	s5 =	simm.s32 $0xFFFFFFFF;
	p2 =	slt.u32 s8, $0xFFFFF086  }
0x1c: {  	p1 =	slt.u32 s9, $0xF7A;
	s5 =	simm.s32 @!p2 $0x0  }
0x1d: {  	s5 =	simm.s32 @p1 $0x1;
	p0 =	seq.s32 s7, s2  }
0x1e: {  	s7 =	smul.u32 @!p0 $0xF7A, s2;
	p2 =	seq.s32 @!p0 s5, $0x0  }
0x1f: {  	s9 =	smul.u32 $0xF7A, s1;
	s8 =	simm.s32 @!p0 $0x1BF5;
	p2 =	por !p2, p0  }
0x20: {  	[sflag:s8] =	ssyncset.s32 @!p0 $0xFFFFF086;
	s6 =	sadd.s32 @!p0 s3, s7;
	s7 =	simm.s32 @!p0 $0x108  }
0x21: {  	s3 =	sadd.s32 s3, s9;
	s6 =	sadd.s32 @!p0 $0x88, s6;
	s7 =	simm.s32 @p2 $0x1082  }
0x22: {  	[simem:s7], [sflag:s8] =	dma.local @!p0 [hbm:s6], $0xF7A  }
0x23: {  	s9 =	sor.u32 $0xD0000000, s2;
	s6 =	simm.s32 $0x108;
	_ =	swait.ge @!p0 [sflag:s8], $0x0  }
0x24: {  	s3 =	sadd.s32 $0x88, s3;
	s6 =	simm.s32 @!p1 $0x1082;
	[sflag:s4] =	ssyncset.s32 $0xFFFFF086  }
0x25: {  	[simem:s6], [sflag:s4] =	dma.local [hbm:s3], $0xF7A  }
0x26: {  	[smem:$0x3F98] =	sst s1;
	(tag) =	ssettag s2;
	_ =	strace s9  }
0x27: {  	s1 =	sld [smem:$0x3FA8]  }
0x28: {  	s2 =	sld [smem:$0x3FA9]  }
0x29: {  	s4 =	sld [smem:$0x3FAB]  }
0x2a: {  	p0 =	seq.s32 s5, $0x0;
	s5 =	sld [smem:$0x3FAC]  }
0x2b: {  	s6 =	sld [smem:$0x3FAD]  }
0x2c: {  	s7 =	sld [smem:$0x3FAE]  }
0x2d: {  	s3 =	simm.s32 $0x108;
	s8 =	sld [smem:$0x3FAF]  }
0x2e: {  	s3 =	simm.s32 @!p0 $0x1082;
	s9 =	sld [smem:$0x3FB0]  }
0x2f: {  	lr =	sadd.s32 s0, s3;
	s0 =	sld [smem:$0x3FA7]  }
0x30: {  	s3 =	sld [smem:$0x3FAA]  }
0x31: {  	[smem:$0x3FB3] =	sst s10  }
0x32: {  	s10 =	sld [smem:$0x3FB1];
	_ =	sdelay $0x3  }
0x33: {  	p0 =	seq.s32 s10, $0x1;
	s10 =	sld [smem:$0x3FB3];
	_ =	sdelay $0x3  }
0x34: {  	[smem:$0x3FB3] =	sst s10  }
0x35: {  	s10 =	sld [smem:$0x3FB2];
	_ =	sdelay $0x3  }
0x36: {  	p1 =	seq.s32 s10, $0x1;
	s10 =	sld [smem:$0x3FB3];
	_ =	sdelay $0x3  }
0x37: {  	[smem:$0x3FB3] =	sst s10  }
0x38: {  	s10 =	sld [smem:$0x3FB4]  }
0x39: {  	_ = 	snop;
	(pc) =	sbr.ind lr, $3  }
0x3a: {  	_ = 	snop  }
0x3b: {  	_ = 	snop  }
0x3c: {  	p2 =	seq.s32 s10, $0x1;
	s10 =	sld [smem:$0x3FB3]  }
0x3d: {  	_ =	shalt  }
0x3e: {  	_ =	shalt  }
0x3f: {  	_ =	shalt  }
0x40: {  	_ =	shalt  }
0x41: {  	_ =	shalt  }
0x42: {  	_ =	shalt  }
0x43: {  	_ =	shalt  }
0x44: {  	_ =	shalt  }
0x45: {  	_ =	shalt  }
0x46: {  	_ =	shalt  }
0x47: {  	_ =	shalt  }
0x48: {  	_ =	shalt  }
0x49: {  	_ =	shalt  }
0x4a: {  	_ =	shalt  }
0x4b: {  	_ =	shalt  }
0x4c: {  	_ =	shalt  }
0x4d: {  	_ =	shalt  }
0x4e: {  	_ =	shalt  }
0x4f: {  	_ =	shalt  }
0x50: {  	_ =	shalt  }
0x51: {  	_ =	shalt  }
0x52: {  	_ =	shalt  }
0x53: {  	_ =	shalt  }
0x54: {  	_ =	shalt  }
0x55: {  	_ =	shalt  }
0x56: {  	_ =	shalt  }
0x57: {  	_ =	shalt  }
0x58: {  	_ =	shalt  }
0x59: {  	_ =	shalt  }
0x5a: {  	_ =	shalt  }
0x5b: {  	_ =	shalt  }
0x5c: {  	_ =	shalt  }
0x5d: {  	_ =	shalt  }
0x5e: {  	_ =	shalt  }
0x5f: {  	_ =	shalt  }
0x60: {  	_ =	shalt  }
0x61: {  	_ =	shalt  }
0x62: {  	_ =	shalt  }
0x63: {  	_ =	shalt  }
0x64: {  	_ =	shalt  }
0x65: {  	_ =	shalt  }
0x66: {  	_ =	shalt  }
0x67: {  	_ =	shalt  }
0x68: {  	_ =	shalt  }
0x69: {  	_ =	shalt  }
0x6a: {  	_ =	shalt  }
0x6b: {  	_ =	shalt  }
0x6c: {  	_ =	shalt  }
0x6d: {  	_ =	shalt  }
0x6e: {  	_ =	shalt  }
0x6f: {  	_ =	shalt  }
0x70: {  	_ =	shalt  }
0x71: {  	_ =	shalt  }
0x72: {  	_ =	shalt  }
0x73: {  	_ =	shalt  }
0x74: {  	_ =	shalt  }
0x75: {  	_ =	shalt  }
0x76: {  	_ =	shalt  }
0x77: {  	_ =	shalt  }
0x78: {  	_ =	shalt  }
0x79: {  	_ =	shalt  }
0x7a: {  	_ =	shalt  }
0x7b: {  	_ =	shalt  }
0x7c: {  	_ =	shalt  }
0x7d: {  	_ =	shalt  }
0x7e: {  	_ =	shalt  }
0x7f: {  	_ =	shalt  }
0x80: {  	_ =	shalt  }
0x81: {  	_ =	shalt  }
0x82: {  	_ =	shalt  }
0x83: {  	_ =	shalt  }
0x84: {  	_ =	shalt  }
0x85: {  	_ =	shalt  }
0x86: {  	_ =	shalt  }
0x87: {  	_ =	shalt  }
.Lfunc_end0:
.L_simem_size_0:
called_computation.2_lowered:
.L_overlay_start_0:
0x88: {  	s2 =	sld [smem:$0x3FD9]  }
0x89: {  	s3 =	sld [smem:$0x3FFE];
	_ =	sdelay $0x1  }
0x8a: {  	s1 =	srdreg.scid  }
0x8b: {  	s0 =	sand.u32 $0x1, s1  }
0x8c: {  	s16 =	sshll.u32 s0, $0xA;
	s2 =	sadd.s32 s3, s2  }
0x8d: {  	s2 =	sadd.s32 s2, s16  }
0x8e: {  	[smem:$0x3FBF] =	sst s2  }
0x8f: {  	_ = 	snop  }
0x90: {  	(tm) =	ssettm $0x1  }
0x91: {  	s17 =	sld [smem:$0x3FFB];
	_ =	sdelay $0x3  }
0x92: {  	_ =	strace s17  }
0x93: {  	s2 =	sld [smem:$0x3FFC];
	_ =	sdelay $0x3  }
0x94: {  	_ =	strace s2  }
0x95: {  	s2 =	sld [smem:$0x3FFD];
	_ =	sdelay $0x3  }
0x96: {  	_ =	strace s2  }
0x97: {  	_ =	strace $0x8FFFFFFF  }
0x98: {  	s18 =	sld [smem:$0x3FDB];
	_ =	sdelay $0x1  }
0x99: {  	s19 =	simm.s32 $_scs_section_size  }
0x9a: {  	s4 =	simm.s32 $_size__tile_overlayer_lowered;
	s5 =	simm.s32 $_tile_overlayer_lowered  }
0x9b: {  	s22 =	simm.s32 $0x1BFF;
	s21 =	sshll.u32 s5, $0x1;
	s2 =	sadd.s32 s19, s18  }
0x9c: {  	s6 =	simm.s32 $0x0;
	s20 =	sshll.u32 s4, $0x1;
	s4 =	sadd.s32 s21, s2  }
0x9d: {  	[timem:s6], [sflag:s22] =	dma.local [hbm:s4], s20  }
0x9e: {  	_ =	swait.ge [sflag:s22], s20  }
0x9f: {  	s3 =	ssub.s32 $0x0, s20;
	[sflag:s22] =	ssyncset.done $0x0  }
0xa0: {  	[sflag:s22] =	ssyncadd.s32 s3;
	_ =	sdelay $0x1  }
0xa1: {  	s23 =	simm.s32 $0x1B8B  }
0xa2: {  	_ =	swait.ge [sflag:s23], $0x1  }
0xa3: {  	[sflag:s23] =	ssyncset.done $0x0  }
0xa4: {  	s25 =	simm.s32 $0x1B8E;
	s24 =	sld [smem:$0x3FFE];
	[sflag:s23] =	ssyncadd.s32 $0xFFFFFFFF  }
0xa5: {  	s26 =	simm.s32 $execute0_lowered;
	[smem:$0x3FD2] =	sst s25  }
0xa6: {  	s4 =	sshll.u32 s26, $0x1;
	_ =	strace $0x8000004C;
	[dreg:$0x1] =	wrdreg $0xFFFFFFFF  }
0xa7: {  	s28 =	simm.s32 $_size_execute0_lowered;
	s2 =	sadd.s32 s2, s4;
	[dreg:$0x0] =	wrdreg $0x0  }
0xa8: {  	s4 =	sshll.u32 s28, $0x1;
	[dreg:$0x2] =	wrdreg s2  }
0xa9: {  	[dreg:$0x3] =	wrdreg s4  }
0xaa: {  	[dreg:$0x4] =	wrdreg $0xC0  }
0xab: {  	_ =	task [dreg:s6], $0x5FFFF  }
0xac: {  	[dreg:$0x1] =	wrdreg $0xFFFFFFFF  }
0xad: {  	[dreg:$0x0] =	wrdreg $0x60  }
0xae: {  	[dreg:$0x2] =	wrdreg s24  }
0xaf: {  	[dreg:$0x3] =	wrdreg $0xAC000  }
0xb0: {  	[dreg:$0x4] =	wrdreg $0x9  }
0xb1: {  	_ =	task.clear_ibuf [dreg:s6], $0x5FFFF;
	_ =	strace $0x9000004C  }
0xb2: {  	s29 =	simm.s32 $0x9;
	_ =	strace $0x8000004E  }
0xb3: {  	_ =	swait.ge [sflag:s29], $0x1  }
0xb4: {  	[sflag:s29] =	ssyncadd.s32 $0xFFFFFFFF  }
0xb5: {  	_ =	strace $0x9000004E  }
0xb6: {  	_ =	sfence  }
0xb7: {  	s30 =	sld [smem:$0x0];
	_ =	sdelay $0x2  }
0xb8: {  	s31 =	sshll.u32 s1, $0xD;
	s1 =	sshrl.u32 s1, $0x2  }
0xb9: {  	s3 =	sand.u32 $0x4000, s31;
	s1 =	sadd.s32 s1, s30  }
0xba: {  	s0 =	sor.u32 s3, s0;
	s1 =	sshll.u32 s1, $0x11  }
0xbb: {  	s0 =	sor.u32 s1, s0  }
0xbc: {  	s0 =	sadd.s32 $0x8F2B, s0  }
0xbd: {  	[sflag:s0] =	ssyncadd.remote.s32 $0x1  }
0xbe: {  	_ =	sfence.sel $0xFFFF  }
0xbf: {  	[dreg:$0x0] =	wrdreg $0xFFFFFFFF;
	(pc) =	sbr.abs _section_cstart, $3  }
0xc0: {  	[dreg:$0x1] =	wrdreg $0xFFFFFFFF  }
0xc1: {  	_ =	task.clear_ibuf [dreg:s6], $0x2FFFF;
	_ =	strace $0x9FFFFFFF  }
0xc2: {  	(tm) =	ssettm $0x7FFFFFFF  }
0xc3: {  	_ =	shalt  }
tec
execute0_lowered:
.L_overlay_start_1:
0x0: {  	(tag) =	ssettag $0x1  }
0x1: {  	s0 =	rddreg [dreg:$0x0]  }
0x2: {  	s2 =	rddreg [dreg:$0x1]  }
0x3: {  	s13 =	stileid.u32;
	s1 =	srdreg.scid  }
0x4: {  	s3 =	simm.s32 $0x0;
	s29 =	simm.s32 $0x200;
	s30 =	simm.s32 $0x80  }
0x5: {  	s31 =	simm.s32 $0x280;
	s7 =	smul.u32 $0x2780, s13;
	s1 =	sand.u32 $0x1, s1  }
0x6: {  	[smem:$0x7FF] =	sst s3;
	s4 =	sadd.s32 $0x34C00, s0;
	s10 =	smul.u32 $0x2760, s13  }
0x7: {  	s5 =	sadd.s32 $0x12AE00, s0;
	s6 =	sadd.s32 $0x3600, s0;
	s11 =	smul.u32 $0x4F000, s13  }
0x8: {  	s25 =	sshll.u32 s13, $0x6;
	s8 =	smul.u32 $0x27800, s1;
	_ =	strace $0x8000004D  }
0x9: {  	s9 =	smul.u32 $0x27600, s1;
	s1 =	ssub.s32 $0x2, s1;
	s22 =	sor.u32 $0x1C0A, s25  }
0xa: {  	s12 =	sadd.s32 s7, s0;
	s23 =	sshrl.u32 s1, $0x1;
	s24 =	sshrl.u32 s11, $0x2  }
0xb: {  	s11 =	simm.s32 $0x2;
	[dreg:$0x5] =	wrdreg s22;
	s0 =	sadd.s32 s8, s0  }
0xc: {  	s1 =	ssub.s32 s1, s23;
	s8 =	sadd.s32 s10, s9;
	s9 =	sadd.s32 s24, s2  }
0xd: {  	s26 =	sadd.s32 $0xD400, s12;
	[dreg:$0x3] =	wrdreg s9;
	s10 =	sshrl.u32 s8, $0x3  }
0xe: {  	[dreg:$0x4] =	wrdreg s26;
	s0 =	sadd.s32 $0x82E00, s0;
	s1 =	smax.u32 s1, $0x1  }
0xf: {  	s25 =	sadd.s32 $0x2A0, s8;
	s26 =	sadd.s32 $0x230, s8;
	s28 =	sadd.s32 $0xE, s10  }
0x10: {  	s12 =	sadd.s32 s5, s10;
	s13 =	sadd.s32 s6, s10;
	s15 =	sadd.s32 $0x1C, s10  }
0x11: {  	s16 =	sadd.s32 $0x2A, s10;
	s20 =	sadd.s32 $0x4D0, s10;
	[dreg:$0x12] =	wrdreg s1  }
0x12: {  	s10 =	sadd.s32 $0x4DE, s10;
	s0 =	sadd.s32 s7, s0;
	[dreg:$0x6] =	wrdreg s12  }
0x13: {  	s1 =	simm.s32 $0x300;
	s7 =	simm.s32 $0x1;
	[dreg:$0x7] =	wrdreg s13  }
0x14: {  	s14 =	sadd.s32 s5, s28;
	s9 =	sadd.s32 s6, s28;
	[dreg:$0x13] =	wrdreg s0  }
0x15: {  	s17 =	sadd.s32 s5, s15;
	s18 =	sadd.s32 s5, s16;
	[dreg:$0x8] =	wrdreg s14  }
0x16: {  	s19 =	sadd.s32 s6, s16;
	s21 =	sadd.s32 s5, s20;
	[dreg:$0x9] =	wrdreg s9  }
0x17: {  	s23 =	sadd.s32 s5, s10;
	s24 =	sadd.s32 s6, s10;
	[dreg:$0xa] =	wrdreg s17  }
0x18: {  	s28 =	sadd.s32 $0x1C0, s8;
	s0 =	simm.s32 $0x100;
	[dreg:$0xc] =	wrdreg s18  }
0x19: {  	s8 =	simm.s32 $0x70;
	s10 =	simm.s32 $0x400;
	[dreg:$0xd] =	wrdreg s19  }
0x1a: {  	s12 =	simm.s32 $0x3C00;
	s13 =	simm.s32 $0x3;
	[dreg:$0xe] =	wrdreg s21  }
0x1b: {  	s16 =	simm.s32 $0x7;
	s9 =	sadd.s32 s6, s15;
	[dreg:$0x10] =	wrdreg s23  }
0x1c: {  	[dreg:$0x11] =	wrdreg s24;
	s24 =	sshrl.u32 s25, $0x3;
	s25 =	sshrl.u32 s26, $0x3  }
0x1d: {  	s26 =	sshrl.u32 s28, $0x3;
	s23 =	simm.s32 $0xA;
	s14 =	simm.s32 $0x7400  }
0x1e: {  	s15 =	simm.s32 $0x4;
	s17 =	simm.s32 $0x5;
	s18 =	simm.s32 $0x8  }
0x1f: {  	s19 =	simm.s32 $0x6;
	[dreg:$0xb] =	wrdreg s9;
	s9 =	sadd.s32 s6, s20  }
0x20: {  	s21 =	simm.s32 $0x0;
	s20 =	simm.s32 $0x9;
	[dreg:$0xf] =	wrdreg s9  }
.LBB2_1:
0x21: {  	s9 =	rddreg [dreg:$0x3]  }
0x22: {  	s28 =	sshrl.u32 s9, $0x3;
	s9 =	rddreg [dreg:$0x4]  }
0x23: {  	[dreg:$0x14] =	wrdreg s28  }
0x24: {  	[spmem:s28], [sflag:s22] =	dma.local [hbm:s9], $0x2780  }
0x25: {  	_ =	swait.ge [sflag:s23], $0x2780  }
0x26: {  	[sflag:s23] =	ssyncset.done $0x0  }
0x27: {  	[sflag:s23] =	ssyncadd.s32 $0xFFFFD880  }
0x28: {  	[bflag:$0x0] =	sbarrier.arrive $0xFFFF  }
0x29: {  	s23 =	rddreg [dreg:$0x6]  }
0x2a: {  	[tilespmem:s3], [sflag:$0x1] =	stream.linear.gather [hbm4b:s23+s3], $0x70, $0x38;
	[tilespmem:$0x1E800] =	vst v63  }
0x2b: {  	s22 =	rddreg [dreg:$0x7]  }
0x2c: {  	[tilespmem:s29], [sflag:$0x1] =	stream.linear.gather [hbm4b:s22+s3], $0x70, $0x38;
	[tilespmem:$0x1E800] =	vst v63  }
0x2d: {  	s23 =	rddreg [dreg:$0x8]  }
0x2e: {  	[tilespmem:s30], [sflag:$0x2] =	stream.linear.gather [hbm4b:s23+s3], $0x70, $0x38;
	[tilespmem:$0x1E800] =	vst v63  }
0x2f: {  	s22 =	rddreg [dreg:$0x9]  }
0x30: {  	[tilespmem:s31], [sflag:$0x2] =	stream.linear.gather [hbm4b:s22+s3], $0x70, $0x38;
	[tilespmem:$0x1E800] =	vst v63  }
0x31: {  	s23 =	rddreg [dreg:$0xa]  }
0x32: {  	[tilespmem:s0], [sflag:$0x3] =	stream.linear.gather [hbm4b:s23+s3], $0x70, $0x38;
	[tilespmem:$0x1E800] =	vst v63  }
0x33: {  	s22 =	rddreg [dreg:$0xb]  }
0x34: {  	[tilespmem:s1], [sflag:$0x3] =	stream.linear.gather [hbm4b:s22+s3], $0x70, $0x38;
	[tilespmem:$0x1E800] =	vst v63  }
0x35: {  	_ =	swait.ge [sflag:s7], $0x70  }
0x36: {  	[sflag:s7] =	ssyncset.done $0x0  }
0x37: {  	[sflag:s7] =	ssyncadd.s32 $0xFFFFFF90  }
0x38: {  	_ =	swait.ge [sflag:s7], $0x70  }
0x39: {  	[sflag:s7] =	ssyncset.done $0x0  }
0x3a: {  	[sflag:s7] =	ssyncadd.s32 $0xFFFFFF90  }
0x3b: {  	[tilespmem:s10], [sflag:$0x4] =	stream.indirect.gather [hbm4b:s4+s8], $0x80, s3, s8, $0xb8;
	[tilespmem:$0x1E800] =	vst v63  }
0x3c: {  	_ =	swait.ge [sflag:s11], $0x70  }
0x3d: {  	[sflag:s11] =	ssyncset.done $0x0  }
0x3e: {  	[sflag:s11] =	ssyncadd.s32 $0xFFFFFF90  }
0x3f: {  	_ =	swait.ge [sflag:s11], $0x70  }
0x40: {  	[sflag:s11] =	ssyncset.done $0x0  }
0x41: {  	[sflag:s11] =	ssyncadd.s32 $0xFFFFFF90  }
0x42: {  	[tilespmem:s12], [sflag:$0x5] =	stream.indirect.gather [hbm4b:s4+s8], $0x80, s30, s8, $0xb8;
	[tilespmem:$0x1E800] =	vst v63  }
0x43: {  	_ =	swait.ge [sflag:s13], $0x70  }
0x44: {  	[sflag:s13] =	ssyncset.done $0x0  }
0x45: {  	[sflag:s13] =	ssyncadd.s32 $0xFFFFFF90  }
0x46: {  	_ =	swait.ge [sflag:s13], $0x70  }
0x47: {  	[sflag:s13] =	ssyncset.done $0x0  }
0x48: {  	[sflag:s13] =	ssyncadd.s32 $0xFFFFFF90  }
0x49: {  	[tilespmem:s14], [sflag:$0x6] =	stream.indirect.gather [hbm4b:s4+s8], $0x80, s0, s8, $0xb8;
	[tilespmem:$0x1E800] =	vst v63  }
0x4a: {  	_ =	swait.ge [sflag:s15], $0x3800  }
0x4b: {  	[sflag:s15] =	ssyncset.done $0x0  }
0x4c: {  	[sflag:s15] =	ssyncadd.s32 $0xFFFFC800  }
0x4d: {  	[spmem:s2] =	stream.indirect.scatter.add.f32 [tilespmem:s10], [sflag:$0x7], $0x80, s29, s8, $0xb8;
	[tilespmem:$0x1E800] =	vst v63  }
0x4e: {  	_ =	swait.ge [sflag:s16], $0x3800  }
0x4f: {  	[sflag:s16] =	ssyncset.done $0x0  }
0x50: {  	s23 =	rddreg [dreg:$0xc];
	[sflag:s16] =	ssyncadd.s32 $0xFFFFC800  }
0x51: {  	[tilespmem:s3], [sflag:$0x1] =	stream.linear.gather [hbm4b:s23+s3], $0x70, $0x38;
	[tilespmem:$0x1E800] =	vst v63  }
0x52: {  	s22 =	rddreg [dreg:$0xd]  }
0x53: {  	[tilespmem:s29], [sflag:$0x1] =	stream.linear.gather [hbm4b:s22+s3], $0x70, $0x38;
	[tilespmem:$0x1E800] =	vst v63  }
0x54: {  	_ =	swait.ge [sflag:s7], $0x70  }
0x55: {  	[sflag:s7] =	ssyncset.done $0x0  }
0x56: {  	[sflag:s7] =	ssyncadd.s32 $0xFFFFFF90  }
0x57: {  	_ =	swait.ge [sflag:s7], $0x70  }
0x58: {  	[sflag:s7] =	ssyncset.done $0x0  }
0x59: {  	[sflag:s7] =	ssyncadd.s32 $0xFFFFFF90  }
0x5a: {  	[tilespmem:s10], [sflag:$0x4] =	stream.indirect.gather [hbm4b:s4+s8], $0x80, s3, s8, $0xb8;
	[tilespmem:$0x1E800] =	vst v63  }
0x5b: {  	_ =	swait.ge [sflag:s17], $0x3800  }
0x5c: {  	[sflag:s17] =	ssyncset.done $0x0  }
0x5d: {  	[sflag:s17] =	ssyncadd.s32 $0xFFFFC800  }
0x5e: {  	[spmem:s2] =	stream.indirect.scatter.add.f32 [tilespmem:s12], [sflag:$0x8], $0x80, s31, s8, $0xb8;
	[tilespmem:$0x1E800] =	vst v63  }
0x5f: {  	_ =	swait.ge [sflag:s18], $0x3800  }
0x60: {  	[sflag:s18] =	ssyncset.done $0x0  }
0x61: {  	s23 =	sadd.s32 s5, s26;
	[sflag:s18] =	ssyncadd.s32 $0xFFFFC800  }
0x62: {  	[tilespmem:s30], [sflag:$0x2] =	stream.linear.gather [hbm4b:s23+s3], $0x70, $0x38;
	[tilespmem:$0x1E800] =	vst v63  }
0x63: {  	s22 =	sadd.s32 s6, s26  }
0x64: {  	[tilespmem:s31], [sflag:$0x2] =	stream.linear.gather [hbm4b:s22+s3], $0x70, $0x38;
	[tilespmem:$0x1E800] =	vst v63  }
0x65: {  	_ =	swait.ge [sflag:s11], $0x70  }
0x66: {  	[sflag:s11] =	ssyncset.done $0x0  }
0x67: {  	[sflag:s11] =	ssyncadd.s32 $0xFFFFFF90  }
0x68: {  	_ =	swait.ge [sflag:s11], $0x70  }
0x69: {  	[sflag:s11] =	ssyncset.done $0x0  }
0x6a: {  	[sflag:s11] =	ssyncadd.s32 $0xFFFFFF90  }
0x6b: {  	[tilespmem:s12], [sflag:$0x5] =	stream.indirect.gather [hbm4b:s4+s8], $0x80, s30, s8, $0xb8;
	[tilespmem:$0x1E800] =	vst v63  }
0x6c: {  	_ =	swait.ge [sflag:s19], $0x3800  }
0x6d: {  	[sflag:s19] =	ssyncset.done $0x0  }
0x6e: {  	[sflag:s19] =	ssyncadd.s32 $0xFFFFC800  }
0x6f: {  	[spmem:s2] =	stream.indirect.scatter.add.f32 [tilespmem:s14], [sflag:$0x9], $0x80, s1, s8, $0xb8;
	[tilespmem:$0x1E800] =	vst v63  }
0x70: {  	_ =	swait.ge [sflag:s20], $0x3800  }
0x71: {  	[sflag:s20] =	ssyncset.done $0x0  }
0x72: {  	s23 =	sadd.s32 s5, s25;
	[sflag:s20] =	ssyncadd.s32 $0xFFFFC800  }
0x73: {  	[tilespmem:s0], [sflag:$0x3] =	stream.linear.gather [hbm4b:s23+s3], $0x70, $0x38;
	[tilespmem:$0x1E800] =	vst v63  }
0x74: {  	s22 =	sadd.s32 s6, s25  }
0x75: {  	[tilespmem:s1], [sflag:$0x3] =	stream.linear.gather [hbm4b:s22+s3], $0x70, $0x38;
	[tilespmem:$0x1E800] =	vst v63  }
0x76: {  	_ =	swait.ge [sflag:s13], $0x70  }
0x77: {  	[sflag:s13] =	ssyncset.done $0x0  }
0x78: {  	[sflag:s13] =	ssyncadd.s32 $0xFFFFFF90  }
0x79: {  	_ =	swait.ge [sflag:s13], $0x70  }
0x7a: {  	[sflag:s13] =	ssyncset.done $0x0  }
0x7b: {  	[sflag:s13] =	ssyncadd.s32 $0xFFFFFF90  }
0x7c: {  	[tilespmem:s14], [sflag:$0x6] =	stream.indirect.gather [hbm4b:s4+s8], $0x80, s0, s8, $0xb8;
	[tilespmem:$0x1E800] =	vst v63  }
0x7d: {  	_ =	swait.ge [sflag:s15], $0x3800  }
0x7e: {  	[sflag:s15] =	ssyncset.done $0x0  }
0x7f: {  	[sflag:s15] =	ssyncadd.s32 $0xFFFFC800  }
0x80: {  	[spmem:s2] =	stream.indirect.scatter.add.f32 [tilespmem:s10], [sflag:$0x7], $0x80, s29, s8, $0xb8;
	[tilespmem:$0x1E800] =	vst v63  }
0x81: {  	_ =	swait.ge [sflag:s16], $0x3800  }
0x82: {  	[sflag:s16] =	ssyncset.done $0x0  }
0x83: {  	s9 =	sadd.s32 $0x2A, s6;
	s23 =	sadd.s32 s5, s24;
	[sflag:s16] =	ssyncadd.s32 $0xFFFFC800  }
0x84: {  	[tilespmem:s3], [sflag:$0x1] =	stream.linear.gather [hbm4b:s23+s3], $0x70, $0x38;
	[tilespmem:$0x1E800] =	vst v63  }
0x85: {  	s28 =	sadd.s32 $0x2A, s5;
	s22 =	sadd.s32 s6, s24;
	s23 =	simm.s32 $0x1B  }
.LBB2_2:
0x86: {  	[tilespmem:s29], [sflag:$0x1] =	stream.linear.gather [hbm4b:s22+s3], $0x70, $0x38;
	[tilespmem:$0x1E800] =	vst v63  }
0x87: {  	p0 =	sne.s32 s23, $0x1;
	s23 =	sadd.s32 $0xFFFFFFFF, s23;
	_ =	swait.ge [sflag:s7], $0x70  }
0x88: {  	[sflag:s7] =	ssyncset.done $0x0  }
0x89: {  	[sflag:s7] =	ssyncadd.s32 $0xFFFFFF90  }
0x8a: {  	_ =	swait.ge [sflag:s7], $0x70  }
0x8b: {  	[sflag:s7] =	ssyncset.done $0x0  }
0x8c: {  	[sflag:s7] =	ssyncadd.s32 $0xFFFFFF90  }
0x8d: {  	[tilespmem:s10], [sflag:$0x4] =	stream.indirect.gather [hbm4b:s4+s8], $0x80, s3, s8, $0xb8;
	[tilespmem:$0x1E800] =	vst v63  }
0x8e: {  	_ =	swait.ge [sflag:s17], $0x3800  }
0x8f: {  	[sflag:s17] =	ssyncset.done $0x0  }
0x90: {  	[sflag:s17] =	ssyncadd.s32 $0xFFFFC800  }
0x91: {  	[spmem:s2] =	stream.indirect.scatter.add.f32 [tilespmem:s12], [sflag:$0x8], $0x80, s31, s8, $0xb8;
	[tilespmem:$0x1E800] =	vst v63  }
0x92: {  	_ =	swait.ge [sflag:s18], $0x3800  }
0x93: {  	[sflag:s18] =	ssyncset.done $0x0  }
0x94: {  	s22 =	sadd.s32 s28, s26;
	[sflag:s18] =	ssyncadd.s32 $0xFFFFC800  }
0x95: {  	[tilespmem:s30], [sflag:$0x2] =	stream.linear.gather [hbm4b:s22+s3], $0x70, $0x38;
	[tilespmem:$0x1E800] =	vst v63  }
0x96: {  	s22 =	sadd.s32 s9, s26  }
0x97: {  	[tilespmem:s31], [sflag:$0x2] =	stream.linear.gather [hbm4b:s22+s3], $0x70, $0x38;
	[tilespmem:$0x1E800] =	vst v63  }
0x98: {  	_ =	swait.ge [sflag:s11], $0x70  }
0x99: {  	[sflag:s11] =	ssyncset.done $0x0  }
0x9a: {  	[sflag:s11] =	ssyncadd.s32 $0xFFFFFF90  }
0x9b: {  	_ =	swait.ge [sflag:s11], $0x70  }
0x9c: {  	[sflag:s11] =	ssyncset.done $0x0  }
0x9d: {  	[sflag:s11] =	ssyncadd.s32 $0xFFFFFF90  }
0x9e: {  	[tilespmem:s12], [sflag:$0x5] =	stream.indirect.gather [hbm4b:s4+s8], $0x80, s30, s8, $0xb8;
	[tilespmem:$0x1E800] =	vst v63  }
0x9f: {  	_ =	swait.ge [sflag:s19], $0x3800  }
0xa0: {  	[sflag:s19] =	ssyncset.done $0x0  }
0xa1: {  	[sflag:s19] =	ssyncadd.s32 $0xFFFFC800  }
0xa2: {  	[spmem:s2] =	stream.indirect.scatter.add.f32 [tilespmem:s14], [sflag:$0x9], $0x80, s1, s8, $0xb8;
	[tilespmem:$0x1E800] =	vst v63  }
0xa3: {  	_ =	swait.ge [sflag:s20], $0x3800  }
0xa4: {  	[sflag:s20] =	ssyncset.done $0x0  }
0xa5: {  	s22 =	sadd.s32 s28, s25;
	[sflag:s20] =	ssyncadd.s32 $0xFFFFC800  }
0xa6: {  	[tilespmem:s0], [sflag:$0x3] =	stream.linear.gather [hbm4b:s22+s3], $0x70, $0x38;
	[tilespmem:$0x1E800] =	vst v63  }
0xa7: {  	s22 =	sadd.s32 s9, s25  }
0xa8: {  	[tilespmem:s1], [sflag:$0x3] =	stream.linear.gather [hbm4b:s22+s3], $0x70, $0x38;
	[tilespmem:$0x1E800] =	vst v63  }
0xa9: {  	_ =	swait.ge [sflag:s13], $0x70  }
0xaa: {  	[sflag:s13] =	ssyncset.done $0x0  }
0xab: {  	[sflag:s13] =	ssyncadd.s32 $0xFFFFFF90  }
0xac: {  	_ =	swait.ge [sflag:s13], $0x70  }
0xad: {  	[sflag:s13] =	ssyncset.done $0x0  }
0xae: {  	[sflag:s13] =	ssyncadd.s32 $0xFFFFFF90  }
0xaf: {  	[tilespmem:s14], [sflag:$0x6] =	stream.indirect.gather [hbm4b:s4+s8], $0x80, s0, s8, $0xb8;
	[tilespmem:$0x1E800] =	vst v63  }
0xb0: {  	_ =	swait.ge [sflag:s15], $0x3800  }
0xb1: {  	[sflag:s15] =	ssyncset.done $0x0  }
0xb2: {  	[sflag:s15] =	ssyncadd.s32 $0xFFFFC800  }
0xb3: {  	[spmem:s2] =	stream.indirect.scatter.add.f32 [tilespmem:s10], [sflag:$0x7], $0x80, s29, s8, $0xb8;
	[tilespmem:$0x1E800] =	vst v63  }
.Ltmp0:
0xb4: {  	_ =	swait.ge [sflag:s16], $0x3800;
	(pc) =	sbr.rel @p0 .LBB2_2-.Ltmp0, $4  }
0xb5: {  	[sflag:s16] =	ssyncset.done $0x0  }
0xb6: {  	s22 =	sadd.s32 s28, s24;
	[sflag:s16] =	ssyncadd.s32 $0xFFFFC800  }
0xb7: {  	[tilespmem:s3], [sflag:$0x1] =	stream.linear.gather [hbm4b:s22+s3], $0x70, $0x38;
	[tilespmem:$0x1E800] =	vst v63  }
0xb8: {  	s28 =	sadd.s32 $0x2A, s28;
	s22 =	sadd.s32 s9, s24;
	s9 =	sadd.s32 $0x2A, s9  }
0xb9: {  	[tilespmem:s29], [sflag:$0x1] =	stream.linear.gather [hbm4b:s22+s3], $0x70, $0x38;
	[tilespmem:$0x1E800] =	vst v63  }
0xba: {  	_ =	swait.ge [sflag:s7], $0x70  }
0xbb: {  	[sflag:s7] =	ssyncset.done $0x0  }
0xbc: {  	[sflag:s7] =	ssyncadd.s32 $0xFFFFFF90  }
0xbd: {  	_ =	swait.ge [sflag:s7], $0x70  }
0xbe: {  	[sflag:s7] =	ssyncset.done $0x0  }
0xbf: {  	[sflag:s7] =	ssyncadd.s32 $0xFFFFFF90  }
0xc0: {  	[tilespmem:s10], [sflag:$0x4] =	stream.indirect.gather [hbm4b:s4+s8], $0x80, s3, s8, $0xb8;
	[tilespmem:$0x1E800] =	vst v63  }
0xc1: {  	_ =	swait.ge [sflag:s17], $0x3800  }
0xc2: {  	[sflag:s17] =	ssyncset.done $0x0  }
0xc3: {  	[sflag:s17] =	ssyncadd.s32 $0xFFFFC800  }
0xc4: {  	[spmem:s2] =	stream.indirect.scatter.add.f32 [tilespmem:s12], [sflag:$0x8], $0x80, s31, s8, $0xb8;
	[tilespmem:$0x1E800] =	vst v63  }
0xc5: {  	_ =	swait.ge [sflag:s18], $0x3800  }
0xc6: {  	[sflag:s18] =	ssyncset.done $0x0  }
0xc7: {  	s9 =	rddreg [dreg:$0xe];
	[sflag:s18] =	ssyncadd.s32 $0xFFFFC800  }
0xc8: {  	[tilespmem:s30], [sflag:$0x2] =	stream.linear.gather [hbm4b:s9+s3], $0x70, $0x38;
	[tilespmem:$0x1E800] =	vst v63  }
0xc9: {  	s28 =	rddreg [dreg:$0xf]  }
0xca: {  	[tilespmem:s31], [sflag:$0x2] =	stream.linear.gather [hbm4b:s28+s3], $0x70, $0x38;
	[tilespmem:$0x1E800] =	vst v63  }
0xcb: {  	_ =	swait.ge [sflag:s11], $0x70  }
0xcc: {  	[sflag:s11] =	ssyncset.done $0x0  }
0xcd: {  	[sflag:s11] =	ssyncadd.s32 $0xFFFFFF90  }
0xce: {  	_ =	swait.ge [sflag:s11], $0x70  }
0xcf: {  	[sflag:s11] =	ssyncset.done $0x0  }
0xd0: {  	[sflag:s11] =	ssyncadd.s32 $0xFFFFFF90  }
0xd1: {  	[tilespmem:s12], [sflag:$0x5] =	stream.indirect.gather [hbm4b:s4+s8], $0x80, s30, s8, $0xb8;
	[tilespmem:$0x1E800] =	vst v63  }
0xd2: {  	_ =	swait.ge [sflag:s19], $0x3800  }
0xd3: {  	[sflag:s19] =	ssyncset.done $0x0  }
0xd4: {  	[sflag:s19] =	ssyncadd.s32 $0xFFFFC800  }
0xd5: {  	[spmem:s2] =	stream.indirect.scatter.add.f32 [tilespmem:s14], [sflag:$0x9], $0x80, s1, s8, $0xb8;
	[tilespmem:$0x1E800] =	vst v63  }
0xd6: {  	_ =	swait.ge [sflag:s20], $0x3800  }
0xd7: {  	[sflag:s20] =	ssyncset.done $0x0  }
0xd8: {  	s22 =	rddreg [dreg:$0x10];
	[sflag:s20] =	ssyncadd.s32 $0xFFFFC800  }
0xd9: {  	[tilespmem:s0], [sflag:$0x3] =	stream.linear.gather [hbm4b:s22+s3], $0x70, $0x38;
	[tilespmem:$0x1E800] =	vst v63  }
0xda: {  	s23 =	rddreg [dreg:$0x11]  }
0xdb: {  	[tilespmem:s1], [sflag:$0x3] =	stream.linear.gather [hbm4b:s23+s3], $0x70, $0x38;
	[tilespmem:$0x1E800] =	vst v63  }
0xdc: {  	_ =	swait.ge [sflag:s13], $0x70  }
0xdd: {  	[sflag:s13] =	ssyncset.done $0x0  }
0xde: {  	[sflag:s13] =	ssyncadd.s32 $0xFFFFFF90  }
0xdf: {  	_ =	swait.ge [sflag:s13], $0x70  }
0xe0: {  	[sflag:s13] =	ssyncset.done $0x0  }
0xe1: {  	[sflag:s13] =	ssyncadd.s32 $0xFFFFFF90  }
0xe2: {  	[tilespmem:s14], [sflag:$0x6] =	stream.indirect.gather [hbm4b:s4+s8], $0x80, s0, s8, $0xb8;
	[tilespmem:$0x1E800] =	vst v63  }
0xe3: {  	_ =	swait.ge [sflag:s15], $0x3800  }
0xe4: {  	[sflag:s15] =	ssyncset.done $0x0  }
0xe5: {  	[sflag:s15] =	ssyncadd.s32 $0xFFFFC800  }
0xe6: {  	[spmem:s2] =	stream.indirect.scatter.add.f32 [tilespmem:s10], [sflag:$0x7], $0x80, s29, s8, $0xb8;
	[tilespmem:$0x1E800] =	vst v63  }
0xe7: {  	_ =	swait.ge [sflag:s17], $0x3800  }
0xe8: {  	[sflag:s17] =	ssyncset.done $0x0  }
0xe9: {  	[sflag:s17] =	ssyncadd.s32 $0xFFFFC800  }
0xea: {  	[spmem:s2] =	stream.indirect.scatter.add.f32 [tilespmem:s12], [sflag:$0x8], $0x80, s31, s8, $0xb8;
	[tilespmem:$0x1E800] =	vst v63  }
0xeb: {  	_ =	swait.ge [sflag:s19], $0x3800  }
0xec: {  	[sflag:s19] =	ssyncset.done $0x0  }
0xed: {  	[sflag:s19] =	ssyncadd.s32 $0xFFFFC800  }
0xee: {  	[spmem:s2] =	stream.indirect.scatter.add.f32 [tilespmem:s14], [sflag:$0x9], $0x80, s1, s8, $0xb8;
	[tilespmem:$0x1E800] =	vst v63  }
0xef: {  	_ =	swait.ge [sflag:s16], $0x3800  }
0xf0: {  	[sflag:s16] =	ssyncset.done $0x0  }
0xf1: {  	[sflag:s16] =	ssyncadd.s32 $0xFFFFC800  }
0xf2: {  	_ =	swait.ge [sflag:s18], $0x3800  }
0xf3: {  	[sflag:s18] =	ssyncset.done $0x0  }
0xf4: {  	[sflag:s18] =	ssyncadd.s32 $0xFFFFC800  }
0xf5: {  	_ =	swait.ge [sflag:s20], $0x3800  }
0xf6: {  	[sflag:s20] =	ssyncset.done $0x0  }
0xf7: {  	[sflag:s20] =	ssyncadd.s32 $0xFFFFC800  }
0xf8: {  	[bflag:$0x0] =	sbarrier.arrive $0xFFFF  }
0xf9: {  	s22 =	rddreg [dreg:$0x5]  }
0xfa: {  	s28 =	rddreg [dreg:$0x13]  }
0xfb: {  	s23 =	rddreg [dreg:$0x14]  }
0xfc: {  	[hbm:s28], [sflag:s22] =	dma.local [spmem:s23], $0x2780  }
0xfd: {  	s23 =	simm.s32 $0xA  }
0xfe: {  	_ =	swait.ge [sflag:s23], $0x2780  }
0xff: {  	s21 =	sadd.s32 $0x1, s21;
	s28 =	rddreg [dreg:$0x12]  }
0x100: {  	p0 =	sne.s32 s21, s28  }
.Ltmp1:
0x101: {  	_ = 	snop;
	(pc) =	sbr.rel @p0 .LBB2_1-.Ltmp1, $3  }
0x102: {  	_ =	sdelay $0x1  }
0x103: {  	[sflag:s23] =	ssyncset.done $0x0  }
0x104: {  	[sflag:s23] =	ssyncadd.s32 $0xFFFFD880  }
0x105: {  	_ =	sfence.sel $0x180000  }
0x106: {  	[bflag:$0x0] =	sbarrier.arrive $0xFFFF  }
0x107: {  	_ =	strace $0x9000004D  }
0x108: {  	s0 =	stileid.u32;
	[bflag:$0x2] =	sbarrier.arrive $0xFFFF  }
0x109: {  	p0 =	sne.s32 s0, $0x0;
	s0 =	rddreg [dreg:$0x2]  }
0x10a: {  	s0 =	sadd.s32 @!p0 $0x100000, s0  }
0x10b: {  	[sflag:s0] =	ssyncadd.tile.s32 @!p0 $0x1;
	_ =	shalt  }
.Lfunc_end2:
_tile_overlayer_lowered:
.L_overlay_start_2:
0x10c: {  	(tag) =	ssettag $0x2  }
0x10d: {  	s0 =	rddreg [dreg:$0x0];
	s2 =	stileid.u32  }
0x10e: {  	s1 =	rddreg [dreg:$0x1];
	p0 =	sne.s32 s2, $0x0  }
0x10f: {  	s3 =	rddreg [dreg:$0x2];
	[bflag:$0x3] =	sbarrier.arrive $0xFFFF;
	s2 =	simm.s32 @!p0 $0x1C0A  }
0x110: {  	[timem:s3], [sflag:s2] =	dma.local @!p0 [hbm:s0], s1  }
0x111: {  	s0 =	simm.s32 @!p0 $0xA  }
0x112: {  	_ =	swait.ge @!p0 [sflag:s0], s1  }
0x113: {  	s1 =	ssub.s32 @!p0 $0x0, s1;
	[sflag:s0] =	ssyncset.done @!p0 $0x0  }
0x114: {  	[sflag:s0] =	ssyncadd.s32 @!p0 s1  }
0x115: {  	[bflag:$0x3] =	sbarrier.arrive $0xFFFF  }
0x116: {  	_ =	shalt  }

// kernel: kernel.8.cloned.1.call-start
scs
__scs_entry_jumppad:
0x0: {  	(pc) =	sbr.rel $0x88, $3  }
0x1: {  	(tag) =	ssettag $0x0;
	lr =	simm.s32 $0x1  }
0x2: {  	[smem:$0x3F98] =	sst lr;
	_ =	strace $0xD0000000  }
0x3: {  	_ = 	snop  }
0x4: {  	_ = 	snop  }
0x5: {  	_ = 	snop  }
0x6: {  	_ = 	snop  }
0x7: {  	_ = 	snop  }
__scs_overlays_trampoline_lowered:
0x8: {  	[smem:$0x3FA7] =	sst s0  }
0x9: {  	[smem:$0x3FA8] =	sst s1  }
0xa: {  	[smem:$0x3FA9] =	sst s2  }
0xb: {  	[smem:$0x3FAA] =	sst s3  }
0xc: {  	[smem:$0x3FAB] =	sst s4  }
0xd: {  	[smem:$0x3FAC] =	sst s5  }
0xe: {  	[smem:$0x3FAD] =	sst s6  }
0xf: {  	[smem:$0x3FAE] =	sst s7  }
0x10: {  	[smem:$0x3FAF] =	sst s8  }
0x11: {  	[smem:$0x3FB0] =	sst s9;
	s0 =	simm.s32 @!p0 $0x0  }
0x12: {  	s1 =	sld [smem:$0x3F96];
	s0 =	simm.s32 @p0 $0x1  }
0x13: {  	[smem:$0x3FB1] =	sst s0;
	s0 =	simm.s32 @!p1 $0x0  }
0x14: {  	s2 =	sld [smem:$0x3F95];
	s0 =	simm.s32 @p1 $0x1  }
0x15: {  	[smem:$0x3FB2] =	sst s0;
	s0 =	simm.s32 @!p2 $0x0  }
0x16: {  	s3 =	sld [smem:$0x3FDB];
	s0 =	simm.s32 @p2 $0x1  }
0x17: {  	s4 =	simm.s32 $0x1BF5;
	[smem:$0x3FB4] =	sst s0  }
0x18: {  	s0 =	sld [smem:$0x3F97];
	_ =	swait.ge [sflag:s4], $0x0  }
0x19: {  	s7 =	sld [smem:$0x3F98]  }
0x1a: {  	s8 =	sadd.s32 $0xFFFFE003, lr  }
0x1b: {  	s9 =	sadd.s32 $0xFFFFFEF7, lr;
	s5 =	simm.s32 $0xFFFFFFFF;
	p2 =	slt.u32 s8, $0xFFFFF086  }
0x1c: {  	p1 =	slt.u32 s9, $0xF7A;
	s5 =	simm.s32 @!p2 $0x0  }
0x1d: {  	s5 =	simm.s32 @p1 $0x1;
	p0 =	seq.s32 s7, s2  }
0x1e: {  	s7 =	smul.u32 @!p0 $0xF7A, s2;
	p2 =	seq.s32 @!p0 s5, $0x0  }
0x1f: {  	s9 =	smul.u32 $0xF7A, s1;
	s8 =	simm.s32 @!p0 $0x1BF5;
	p2 =	por !p2, p0  }
0x20: {  	[sflag:s8] =	ssyncset.s32 @!p0 $0xFFFFF086;
	s6 =	sadd.s32 @!p0 s3, s7;
	s7 =	simm.s32 @!p0 $0x108  }
0x21: {  	s3 =	sadd.s32 s3, s9;
	s6 =	sadd.s32 @!p0 $0x88, s6;
	s7 =	simm.s32 @p2 $0x1082  }
0x22: {  	[simem:s7], [sflag:s8] =	dma.local @!p0 [hbm:s6], $0xF7A  }
0x23: {  	s9 =	sor.u32 $0xD0000000, s2;
	s6 =	simm.s32 $0x108;
	_ =	swait.ge @!p0 [sflag:s8], $0x0  }
0x24: {  	s3 =	sadd.s32 $0x88, s3;
	s6 =	simm.s32 @!p1 $0x1082;
	[sflag:s4] =	ssyncset.s32 $0xFFFFF086  }
0x25: {  	[simem:s6], [sflag:s4] =	dma.local [hbm:s3], $0xF7A  }
0x26: {  	[smem:$0x3F98] =	sst s1;
	(tag) =	ssettag s2;
	_ =	strace s9  }
0x27: {  	s1 =	sld [smem:$0x3FA8]  }
0x28: {  	s2 =	sld [smem:$0x3FA9]  }
0x29: {  	s4 =	sld [smem:$0x3FAB]  }
0x2a: {  	p0 =	seq.s32 s5, $0x0;
	s5 =	sld [smem:$0x3FAC]  }
0x2b: {  	s6 =	sld [smem:$0x3FAD]  }
0x2c: {  	s7 =	sld [smem:$0x3FAE]  }
0x2d: {  	s3 =	simm.s32 $0x108;
	s8 =	sld [smem:$0x3FAF]  }
0x2e: {  	s3 =	simm.s32 @!p0 $0x1082;
	s9 =	sld [smem:$0x3FB0]  }
0x2f: {  	lr =	sadd.s32 s0, s3;
	s0 =	sld [smem:$0x3FA7]  }
0x30: {  	s3 =	sld [smem:$0x3FAA]  }
0x31: {  	[smem:$0x3FB3] =	sst s10  }
0x32: {  	s10 =	sld [smem:$0x3FB1];
	_ =	sdelay $0x3  }
0x33: {  	p0 =	seq.s32 s10, $0x1;
	s10 =	sld [smem:$0x3FB3];
	_ =	sdelay $0x3  }
0x34: {  	[smem:$0x3FB3] =	sst s10  }
0x35: {  	s10 =	sld [smem:$0x3FB2];
	_ =	sdelay $0x3  }
0x36: {  	p1 =	seq.s32 s10, $0x1;
	s10 =	sld [smem:$0x3FB3];
	_ =	sdelay $0x3  }
0x37: {  	[smem:$0x3FB3] =	sst s10  }
0x38: {  	s10 =	sld [smem:$0x3FB4]  }
0x39: {  	_ = 	snop;
	(pc) =	sbr.ind lr, $3  }
0x3a: {  	_ = 	snop  }
0x3b: {  	_ = 	snop  }
0x3c: {  	p2 =	seq.s32 s10, $0x1;
	s10 =	sld [smem:$0x3FB3]  }
0x3d: {  	_ =	shalt  }
0x3e: {  	_ =	shalt  }
0x3f: {  	_ =	shalt  }
0x40: {  	_ =	shalt  }
0x41: {  	_ =	shalt  }
0x42: {  	_ =	shalt  }
0x43: {  	_ =	shalt  }
0x44: {  	_ =	shalt  }
0x45: {  	_ =	shalt  }
0x46: {  	_ =	shalt  }
0x47: {  	_ =	shalt  }
0x48: {  	_ =	shalt  }
0x49: {  	_ =	shalt  }
0x4a: {  	_ =	shalt  }
0x4b: {  	_ =	shalt  }
0x4c: {  	_ =	shalt  }
0x4d: {  	_ =	shalt  }
0x4e: {  	_ =	shalt  }
0x4f: {  	_ =	shalt  }
0x50: {  	_ =	shalt  }
0x51: {  	_ =	shalt  }
0x52: {  	_ =	shalt  }
0x53: {  	_ =	shalt  }
0x54: {  	_ =	shalt  }
0x55: {  	_ =	shalt  }
0x56: {  	_ =	shalt  }
0x57: {  	_ =	shalt  }
0x58: {  	_ =	shalt  }
0x59: {  	_ =	shalt  }
0x5a: {  	_ =	shalt  }
0x5b: {  	_ =	shalt  }
0x5c: {  	_ =	shalt  }
0x5d: {  	_ =	shalt  }
0x5e: {  	_ =	shalt  }
0x5f: {  	_ =	shalt  }
0x60: {  	_ =	shalt  }
0x61: {  	_ =	shalt  }
0x62: {  	_ =	shalt  }
0x63: {  	_ =	shalt  }
0x64: {  	_ =	shalt  }
0x65: {  	_ =	shalt  }
0x66: {  	_ =	shalt  }
0x67: {  	_ =	shalt  }
0x68: {  	_ =	shalt  }
0x69: {  	_ =	shalt  }
0x6a: {  	_ =	shalt  }
0x6b: {  	_ =	shalt  }
0x6c: {  	_ =	shalt  }
0x6d: {  	_ =	shalt  }
0x6e: {  	_ =	shalt  }
0x6f: {  	_ =	shalt  }
0x70: {  	_ =	shalt  }
0x71: {  	_ =	shalt  }
0x72: {  	_ =	shalt  }
0x73: {  	_ =	shalt  }
0x74: {  	_ =	shalt  }
0x75: {  	_ =	shalt  }
0x76: {  	_ =	shalt  }
0x77: {  	_ =	shalt  }
0x78: {  	_ =	shalt  }
0x79: {  	_ =	shalt  }
0x7a: {  	_ =	shalt  }
0x7b: {  	_ =	shalt  }
0x7c: {  	_ =	shalt  }
0x7d: {  	_ =	shalt  }
0x7e: {  	_ =	shalt  }
0x7f: {  	_ =	shalt  }
0x80: {  	_ =	shalt  }
0x81: {  	_ =	shalt  }
0x82: {  	_ =	shalt  }
0x83: {  	_ =	shalt  }
0x84: {  	_ =	shalt  }
0x85: {  	_ =	shalt  }
0x86: {  	_ =	shalt  }
0x87: {  	_ =	shalt  }
.Lfunc_end0:
.L_simem_size_0:
called_computation_lowered:
.L_overlay_start_0:
0x88: {  	s2 =	sld [smem:$0x3FD9]  }
0x89: {  	s3 =	sld [smem:$0x3FFE];
	_ =	sdelay $0x1  }
0x8a: {  	s1 =	srdreg.scid  }
0x8b: {  	s0 =	sand.u32 $0x1, s1  }
0x8c: {  	s16 =	sshll.u32 s0, $0xA;
	s2 =	sadd.s32 s3, s2  }
0x8d: {  	s2 =	sadd.s32 s2, s16  }
0x8e: {  	[smem:$0x3FBF] =	sst s2  }
0x8f: {  	_ = 	snop  }
0x90: {  	(tm) =	ssettm $0x1  }
0x91: {  	s17 =	sld [smem:$0x3FFB];
	_ =	sdelay $0x3  }
0x92: {  	_ =	strace s17  }
0x93: {  	s2 =	sld [smem:$0x3FFC];
	_ =	sdelay $0x3  }
0x94: {  	_ =	strace s2  }
0x95: {  	s2 =	sld [smem:$0x3FFD];
	_ =	sdelay $0x3  }
0x96: {  	_ =	strace s2  }
0x97: {  	_ =	strace $0x8FFFFFFF  }
0x98: {  	s18 =	sld [smem:$0x3FDB];
	_ =	sdelay $0x1  }
0x99: {  	s19 =	simm.s32 $_scs_section_size  }
0x9a: {  	s4 =	simm.s32 $_size__tile_overlayer_lowered;
	s5 =	simm.s32 $_tile_overlayer_lowered  }
0x9b: {  	s22 =	simm.s32 $0x1BFF;
	s21 =	sshll.u32 s5, $0x1;
	s2 =	sadd.s32 s19, s18  }
0x9c: {  	s6 =	simm.s32 $0x0;
	s20 =	sshll.u32 s4, $0x1;
	s4 =	sadd.s32 s21, s2  }
0x9d: {  	[timem:s6], [sflag:s22] =	dma.local [hbm:s4], s20  }
0x9e: {  	_ =	swait.ge [sflag:s22], s20  }
0x9f: {  	s3 =	ssub.s32 $0x0, s20;
	[sflag:s22] =	ssyncset.done $0x0  }
0xa0: {  	[sflag:s22] =	ssyncadd.s32 s3;
	_ =	sdelay $0x1  }
0xa1: {  	s23 =	simm.s32 $0x1B8B  }
0xa2: {  	_ =	swait.ge [sflag:s23], $0x1  }
0xa3: {  	[sflag:s23] =	ssyncset.done $0x0  }
0xa4: {  	s25 =	simm.s32 $0x1B8E;
	s24 =	sld [smem:$0x3FFE];
	[sflag:s23] =	ssyncadd.s32 $0xFFFFFFFF  }
0xa5: {  	s26 =	simm.s32 $execute0_lowered;
	[smem:$0x3FD2] =	sst s25  }
0xa6: {  	s4 =	sshll.u32 s26, $0x1;
	_ =	strace $0x80000046;
	[dreg:$0x1] =	wrdreg $0xFFFFFFFF  }
0xa7: {  	s28 =	simm.s32 $_size_execute0_lowered;
	s2 =	sadd.s32 s2, s4;
	[dreg:$0x0] =	wrdreg $0x0  }
0xa8: {  	s4 =	sshll.u32 s28, $0x1;
	[dreg:$0x2] =	wrdreg s2  }
0xa9: {  	[dreg:$0x3] =	wrdreg s4  }
0xaa: {  	[dreg:$0x4] =	wrdreg $0xC0  }
0xab: {  	_ =	task [dreg:s6], $0x5FFFF  }
0xac: {  	[dreg:$0x1] =	wrdreg $0xFFFFFFFF  }
0xad: {  	[dreg:$0x0] =	wrdreg $0x60  }
0xae: {  	[dreg:$0x2] =	wrdreg s24  }
0xaf: {  	[dreg:$0x3] =	wrdreg $0x3A000  }
0xb0: {  	[dreg:$0x4] =	wrdreg $0x9  }
0xb1: {  	_ =	task.clear_ibuf [dreg:s6], $0x5FFFF;
	_ =	strace $0x90000046  }
0xb2: {  	s29 =	simm.s32 $0x9;
	_ =	strace $0x80000048  }
0xb3: {  	_ =	swait.ge [sflag:s29], $0x1  }
0xb4: {  	[sflag:s29] =	ssyncadd.s32 $0xFFFFFFFF  }
0xb5: {  	_ =	strace $0x90000048  }
0xb6: {  	_ =	sfence  }
0xb7: {  	s30 =	sld [smem:$0x0];
	_ =	sdelay $0x2  }
0xb8: {  	s31 =	sshll.u32 s1, $0xD;
	s1 =	sshrl.u32 s1, $0x2  }
0xb9: {  	s3 =	sand.u32 $0x4000, s31;
	s1 =	sadd.s32 s1, s30  }
0xba: {  	s0 =	sor.u32 s3, s0;
	s1 =	sshll.u32 s1, $0x11  }
0xbb: {  	s0 =	sor.u32 s1, s0  }
0xbc: {  	s0 =	sadd.s32 $0x8F2B, s0  }
0xbd: {  	[sflag:s0] =	ssyncadd.remote.s32 $0x1  }
0xbe: {  	_ =	sfence.sel $0xFFFF  }
0xbf: {  	[dreg:$0x0] =	wrdreg $0xFFFFFFFF;
	(pc) =	sbr.abs _section_cstart, $3  }
0xc0: {  	[dreg:$0x1] =	wrdreg $0xFFFFFFFF  }
0xc1: {  	_ =	task.clear_ibuf [dreg:s6], $0x2FFFF;
	_ =	strace $0x9FFFFFFF  }
0xc2: {  	(tm) =	ssettm $0x7FFFFFFF  }
0xc3: {  	_ =	shalt  }
tec
execute0_lowered:
.L_overlay_start_1:
0x0: {  	(tag) =	ssettag $0x1  }
0x1: {  	s0 =	rddreg [dreg:$0x0]  }
0x2: {  	s1 =	rddreg [dreg:$0x1]  }
0x3: {  	s3 =	simm.s32 $0x0;
	s4 =	stileid.u32;
	s2 =	srdreg.scid  }
0x4: {  	s18 =	simm.s32 $0x7;
	s19 =	simm.s32 $0x200;
	s20 =	simm.s32 $0x80  }
0x5: {  	s21 =	simm.s32 $0x100;
	s22 =	simm.s32 $0x1;
	s28 =	simm.s32 $0x4  }
0x6: {  	s29 =	simm.s32 $0x5;
	s30 =	simm.s32 $0x6;
	s31 =	simm.s32 $0x0  }
0x7: {  	[smem:$0x7FF] =	sst s3;
	s16 =	sadd.s32 $0x3600, s0;
	s24 =	smul.u32 $0x2780, s4  }
0x8: {  	s2 =	sand.u32 $0x1, s2;
	s5 =	sadd.s32 $0x34C00, s0;
	s8 =	smul.u32 $0x4F000, s4  }
0x9: {  	s26 =	sshll.u32 s4, $0x6;
	s14 =	smul.u32 $0x2760, s4;
	_ =	strace $0x80000047  }
0xa: {  	[dreg:$0x3] =	wrdreg s5;
	s23 =	smul.u32 $0x27800, s2;
	s6 =	sshll.u32 s2, $0x4  }
0xb: {  	s7 =	ssub.s32 $0x2, s2;
	s2 =	smul.u32 $0x27600, s2;
	s6 =	sor.u32 s4, s6  }
0xc: {  	s9 =	sadd.s32 s24, s0;
	s10 =	sshrl.u32 s7, $0x1;
	s25 =	sshrl.u32 s8, $0x2  }
0xd: {  	s6 =	smul.u32 $0x2760, s6;
	s0 =	sadd.s32 s23, s0;
	s13 =	ssub.s32 s7, s10  }
0xe: {  	s17 =	sadd.s32 s25, s1;
	s5 =	sadd.s32 $0xD400, s9;
	s7 =	sor.u32 $0x1C07, s26  }
0xf: {  	s2 =	sadd.s32 s14, s2;
	s23 =	simm.s32 $0x70;
	s25 =	simm.s32 $0x2  }
0x10: {  	s26 =	simm.s32 $0x3;
	s0 =	sadd.s32 $0x35400, s0;
	s13 =	smax.u32 s13, $0x1  }
0x11: {  	s14 =	sadd.s32 $0x2A0, s2;
	s15 =	sadd.s32 $0x230, s2;
	s2 =	sadd.s32 $0x1C0, s2  }
0x12: {  	s17 =	sshrl.u32 s17, $0x3;
	s6 =	sshrl.u32 s6, $0x3;
	s14 =	sshrl.u32 s14, $0x3  }
0x13: {  	s15 =	sshrl.u32 s15, $0x3;
	s2 =	sshrl.u32 s2, $0x3;
	s24 =	sadd.s32 s24, s0  }
0x14: {  	s6 =	sadd.s32 s16, s6;
	s14 =	sadd.s32 s14, s16;
	s15 =	sadd.s32 s15, s16  }
0x15: {  	s16 =	sadd.s32 s2, s16;
	s8 =	sadd.s32 $0xE, s6;
	s9 =	sadd.s32 $0x1C, s6  }
0x16: {  	s10 =	sadd.s32 $0x2A, s6;
	s11 =	sadd.s32 $0x4D0, s6;
	s12 =	sadd.s32 $0x4DE, s6  }
.LBB2_1:
0x17: {  	[spmem:s17], [sflag:s7] =	dma.local [hbm:s5], $0x2780  }
0x18: {  	_ =	swait.ge [sflag:s18], $0x2780  }
0x19: {  	[sflag:s18] =	ssyncset.done $0x0  }
0x1a: {  	s0 =	rddreg [dreg:$0x3];
	[sflag:s18] =	ssyncadd.s32 $0xFFFFD880  }
0x1b: {  	[tilespmem:s19], [sflag:$0x7] =	stream.linear.gather [hbm4b:s0+s3], $0x3800, $0x38;
	[tilespmem:$0x17600] =	vst v63  }
0x1c: {  	_ =	swait.ge [sflag:s18], $0x3800  }
0x1d: {  	[sflag:s18] =	ssyncset.done $0x0  }
0x1e: {  	[sflag:s18] =	ssyncadd.s32 $0xFFFFC800  }
0x1f: {  	[bflag:$0x0] =	sbarrier.arrive $0xFFFF  }
0x20: {  	[tilespmem:s3], [sflag:$0x1] =	stream.linear.gather [hbm4b:s6+s3], $0x70, $0x38;
	[tilespmem:$0x17600] =	vst v63  }
0x21: {  	_ = 	snop  }
0x22: {  	[tilespmem:s20], [sflag:$0x2] =	stream.linear.gather [hbm4b:s8+s3], $0x70, $0x38;
	[tilespmem:$0x17600] =	vst v63  }
0x23: {  	_ = 	snop  }
0x24: {  	[tilespmem:s21], [sflag:$0x3] =	stream.linear.gather [hbm4b:s9+s3], $0x70, $0x38;
	[tilespmem:$0x17600] =	vst v63  }
0x25: {  	_ =	swait.ge [sflag:s22], $0x70  }
0x26: {  	[sflag:s22] =	ssyncset.done $0x0  }
0x27: {  	[sflag:s22] =	ssyncadd.s32 $0xFFFFFF90  }
0x28: {  	[spmem:s1] =	stream.indirect.scatter.add.f32 [tilespmem:s19], [sflag:$0x4], $0x80, s3, s23, $0xb8;
	[tilespmem:$0x17600] =	vst v63  }
0x29: {  	_ =	swait.ge [sflag:s25], $0x70  }
0x2a: {  	[sflag:s25] =	ssyncset.done $0x0  }
0x2b: {  	[sflag:s25] =	ssyncadd.s32 $0xFFFFFF90  }
0x2c: {  	[spmem:s1] =	stream.indirect.scatter.add.f32 [tilespmem:s19], [sflag:$0x5], $0x80, s20, s23, $0xb8;
	[tilespmem:$0x17600] =	vst v63  }
0x2d: {  	_ =	swait.ge [sflag:s26], $0x70  }
0x2e: {  	[sflag:s26] =	ssyncset.done $0x0  }
0x2f: {  	[sflag:s26] =	ssyncadd.s32 $0xFFFFFF90  }
0x30: {  	[spmem:s1] =	stream.indirect.scatter.add.f32 [tilespmem:s19], [sflag:$0x6], $0x80, s21, s23, $0xb8;
	[tilespmem:$0x17600] =	vst v63  }
0x31: {  	_ =	swait.ge [sflag:s28], $0x3800  }
0x32: {  	[sflag:s28] =	ssyncset.done $0x0  }
0x33: {  	[sflag:s28] =	ssyncadd.s32 $0xFFFFC800  }
0x34: {  	[tilespmem:s3], [sflag:$0x1] =	stream.linear.gather [hbm4b:s10+s3], $0x70, $0x38;
	[tilespmem:$0x17600] =	vst v63  }
0x35: {  	_ =	swait.ge [sflag:s22], $0x70  }
0x36: {  	[sflag:s22] =	ssyncset.done $0x0  }
0x37: {  	[sflag:s22] =	ssyncadd.s32 $0xFFFFFF90  }
0x38: {  	[spmem:s1] =	stream.indirect.scatter.add.f32 [tilespmem:s19], [sflag:$0x4], $0x80, s3, s23, $0xb8;
	[tilespmem:$0x17600] =	vst v63  }
0x39: {  	_ =	swait.ge [sflag:s29], $0x3800  }
0x3a: {  	[sflag:s29] =	ssyncset.done $0x0  }
0x3b: {  	s2 =	sadd.s32 $0x0, s16;
	[sflag:s29] =	ssyncadd.s32 $0xFFFFC800  }
0x3c: {  	[tilespmem:s20], [sflag:$0x2] =	stream.linear.gather [hbm4b:s2+s3], $0x70, $0x38;
	[tilespmem:$0x17600] =	vst v63  }
0x3d: {  	_ =	swait.ge [sflag:s25], $0x70  }
0x3e: {  	[sflag:s25] =	ssyncset.done $0x0  }
0x3f: {  	[sflag:s25] =	ssyncadd.s32 $0xFFFFFF90  }
0x40: {  	[spmem:s1] =	stream.indirect.scatter.add.f32 [tilespmem:s19], [sflag:$0x5], $0x80, s20, s23, $0xb8;
	[tilespmem:$0x17600] =	vst v63  }
0x41: {  	_ =	swait.ge [sflag:s30], $0x3800  }
0x42: {  	[sflag:s30] =	ssyncset.done $0x0  }
0x43: {  	s4 =	sadd.s32 $0x0, s15;
	[sflag:s30] =	ssyncadd.s32 $0xFFFFC800  }
0x44: {  	[tilespmem:s21], [sflag:$0x3] =	stream.linear.gather [hbm4b:s4+s3], $0x70, $0x38;
	[tilespmem:$0x17600] =	vst v63  }
0x45: {  	_ =	swait.ge [sflag:s26], $0x70  }
0x46: {  	[sflag:s26] =	ssyncset.done $0x0  }
0x47: {  	[sflag:s26] =	ssyncadd.s32 $0xFFFFFF90  }
0x48: {  	[spmem:s1] =	stream.indirect.scatter.add.f32 [tilespmem:s19], [sflag:$0x6], $0x80, s21, s23, $0xb8;
	[tilespmem:$0x17600] =	vst v63  }
0x49: {  	_ =	swait.ge [sflag:s28], $0x3800  }
0x4a: {  	[sflag:s28] =	ssyncset.done $0x0  }
0x4b: {  	s0 =	simm.s32 $0x2A;
	s2 =	sadd.s32 $0x0, s14;
	[sflag:s28] =	ssyncadd.s32 $0xFFFFC800  }
.LBB2_2:
0x4c: {  	[tilespmem:s3], [sflag:$0x1] =	stream.linear.gather [hbm4b:s2+s3], $0x70, $0x38;
	[tilespmem:$0x17600] =	vst v63  }
0x4d: {  	s2 =	smov.u32 s0  }
0x4e: {  	p0 =	sne.s32 s0, $0x46E;
	s0 =	sadd.s32 $0x2A, s0;
	_ =	swait.ge [sflag:s22], $0x70  }
0x4f: {  	[sflag:s22] =	ssyncset.done $0x0  }
0x50: {  	[sflag:s22] =	ssyncadd.s32 $0xFFFFFF90  }
0x51: {  	[spmem:s1] =	stream.indirect.scatter.add.f32 [tilespmem:s19], [sflag:$0x4], $0x80, s3, s23, $0xb8;
	[tilespmem:$0x17600] =	vst v63  }
0x52: {  	_ =	swait.ge [sflag:s29], $0x3800  }
0x53: {  	[sflag:s29] =	ssyncset.done $0x0  }
0x54: {  	s4 =	sadd.s32 s2, s16;
	[sflag:s29] =	ssyncadd.s32 $0xFFFFC800  }
0x55: {  	[tilespmem:s20], [sflag:$0x2] =	stream.linear.gather [hbm4b:s4+s3], $0x70, $0x38;
	[tilespmem:$0x17600] =	vst v63  }
0x56: {  	_ =	swait.ge [sflag:s25], $0x70  }
0x57: {  	[sflag:s25] =	ssyncset.done $0x0  }
0x58: {  	[sflag:s25] =	ssyncadd.s32 $0xFFFFFF90  }
0x59: {  	[spmem:s1] =	stream.indirect.scatter.add.f32 [tilespmem:s19], [sflag:$0x5], $0x80, s20, s23, $0xb8;
	[tilespmem:$0x17600] =	vst v63  }
0x5a: {  	_ =	swait.ge [sflag:s30], $0x3800  }
0x5b: {  	[sflag:s30] =	ssyncset.done $0x0  }
0x5c: {  	s4 =	sadd.s32 s2, s15;
	[sflag:s30] =	ssyncadd.s32 $0xFFFFC800  }
0x5d: {  	[tilespmem:s21], [sflag:$0x3] =	stream.linear.gather [hbm4b:s4+s3], $0x70, $0x38;
	[tilespmem:$0x17600] =	vst v63  }
0x5e: {  	_ =	swait.ge [sflag:s26], $0x70  }
0x5f: {  	[sflag:s26] =	ssyncset.done $0x0  }
.Ltmp0:
0x60: {  	[sflag:s26] =	ssyncadd.s32 $0xFFFFFF90;
	(pc) =	sbr.rel @p0 .LBB2_2-.Ltmp0, $4  }
0x61: {  	[spmem:s1] =	stream.indirect.scatter.add.f32 [tilespmem:s19], [sflag:$0x6], $0x80, s21, s23, $0xb8;
	[tilespmem:$0x17600] =	vst v63  }
0x62: {  	_ =	swait.ge [sflag:s28], $0x3800  }
0x63: {  	[sflag:s28] =	ssyncset.done $0x0  }
0x64: {  	s2 =	sadd.s32 s2, s14;
	[sflag:s28] =	ssyncadd.s32 $0xFFFFC800  }
0x65: {  	[tilespmem:s3], [sflag:$0x1] =	stream.linear.gather [hbm4b:s2+s3], $0x70, $0x38;
	[tilespmem:$0x17600] =	vst v63  }
0x66: {  	_ =	swait.ge [sflag:s22], $0x70  }
0x67: {  	[sflag:s22] =	ssyncset.done $0x0  }
0x68: {  	[sflag:s22] =	ssyncadd.s32 $0xFFFFFF90  }
0x69: {  	[spmem:s1] =	stream.indirect.scatter.add.f32 [tilespmem:s19], [sflag:$0x4], $0x80, s3, s23, $0xb8;
	[tilespmem:$0x17600] =	vst v63  }
0x6a: {  	_ =	swait.ge [sflag:s29], $0x3800  }
0x6b: {  	[sflag:s29] =	ssyncset.done $0x0  }
0x6c: {  	[sflag:s29] =	ssyncadd.s32 $0xFFFFC800  }
0x6d: {  	[tilespmem:s20], [sflag:$0x2] =	stream.linear.gather [hbm4b:s11+s3], $0x70, $0x38;
	[tilespmem:$0x17600] =	vst v63  }
0x6e: {  	_ =	swait.ge [sflag:s25], $0x70  }
0x6f: {  	[sflag:s25] =	ssyncset.done $0x0  }
0x70: {  	[sflag:s25] =	ssyncadd.s32 $0xFFFFFF90  }
0x71: {  	[spmem:s1] =	stream.indirect.scatter.add.f32 [tilespmem:s19], [sflag:$0x5], $0x80, s20, s23, $0xb8;
	[tilespmem:$0x17600] =	vst v63  }
0x72: {  	_ =	swait.ge [sflag:s30], $0x3800  }
0x73: {  	[sflag:s30] =	ssyncset.done $0x0  }
0x74: {  	[sflag:s30] =	ssyncadd.s32 $0xFFFFC800  }
0x75: {  	[tilespmem:s21], [sflag:$0x3] =	stream.linear.gather [hbm4b:s12+s3], $0x70, $0x38;
	[tilespmem:$0x17600] =	vst v63  }
0x76: {  	_ =	swait.ge [sflag:s26], $0x70  }
0x77: {  	[sflag:s26] =	ssyncset.done $0x0  }
0x78: {  	[sflag:s26] =	ssyncadd.s32 $0xFFFFFF90  }
0x79: {  	[spmem:s1] =	stream.indirect.scatter.add.f32 [tilespmem:s19], [sflag:$0x6], $0x80, s21, s23, $0xb8;
	[tilespmem:$0x17600] =	vst v63  }
0x7a: {  	_ =	swait.ge [sflag:s28], $0x3800  }
0x7b: {  	[sflag:s28] =	ssyncset.done $0x0  }
0x7c: {  	[sflag:s28] =	ssyncadd.s32 $0xFFFFC800  }
0x7d: {  	_ =	swait.ge [sflag:s29], $0x3800  }
0x7e: {  	[sflag:s29] =	ssyncset.done $0x0  }
0x7f: {  	[sflag:s29] =	ssyncadd.s32 $0xFFFFC800  }
0x80: {  	_ =	swait.ge [sflag:s30], $0x3800  }
0x81: {  	s31 =	sadd.s32 $0x1, s31;
	[sflag:s30] =	ssyncset.done $0x0  }
0x82: {  	p0 =	sne.s32 s31, s13;
	[sflag:s30] =	ssyncadd.s32 $0xFFFFC800  }
.Ltmp1:
0x83: {  	[bflag:$0x0] =	sbarrier.arrive $0xFFFF;
	(pc) =	sbr.rel @p0 .LBB2_1-.Ltmp1, $4  }
0x84: {  	[hbm:s24], [sflag:s7] =	dma.local [spmem:s17], $0x2780  }
0x85: {  	_ =	swait.ge [sflag:s18], $0x2780  }
0x86: {  	[sflag:s18] =	ssyncset.done $0x0  }
0x87: {  	[sflag:s18] =	ssyncadd.s32 $0xFFFFD880  }
0x88: {  	_ =	sfence.sel $0x180000  }
0x89: {  	[bflag:$0x0] =	sbarrier.arrive $0xFFFF  }
0x8a: {  	_ =	strace $0x90000047  }
0x8b: {  	s0 =	stileid.u32;
	[bflag:$0x2] =	sbarrier.arrive $0xFFFF  }
0x8c: {  	p0 =	sne.s32 s0, $0x0;
	s0 =	rddreg [dreg:$0x2]  }
0x8d: {  	s0 =	sadd.s32 @!p0 $0x100000, s0  }
0x8e: {  	[sflag:s0] =	ssyncadd.tile.s32 @!p0 $0x1;
	_ =	shalt  }
.Lfunc_end2:
_tile_overlayer_lowered:
.L_overlay_start_2:
0x8f: {  	(tag) =	ssettag $0x2  }
0x90: {  	s0 =	rddreg [dreg:$0x0];
	s2 =	stileid.u32  }
0x91: {  	s1 =	rddreg [dreg:$0x1];
	p0 =	sne.s32 s2, $0x0  }
0x92: {  	s3 =	rddreg [dreg:$0x2];
	[bflag:$0x3] =	sbarrier.arrive $0xFFFF;
	s2 =	simm.s32 @!p0 $0x1C07  }
0x93: {  	[timem:s3], [sflag:s2] =	dma.local @!p0 [hbm:s0], s1  }
0x94: {  	s0 =	simm.s32 @!p0 $0x7  }
0x95: {  	_ =	swait.ge @!p0 [sflag:s0], s1  }
0x96: {  	s1 =	ssub.s32 @!p0 $0x0, s1;
	[sflag:s0] =	ssyncset.done @!p0 $0x0  }
0x97: {  	[sflag:s0] =	ssyncadd.s32 @!p0 s1  }
0x98: {  	[bflag:$0x3] =	sbarrier.arrive $0xFFFF  }
0x99: {  	_ =	shalt  }

</sc_bundles>
